<compile_context>
chip_gen: v7x
topology: tpu7x:2x2x1
jax: 0.10.2.dev20260603
libtpu: 0.0.44.dev20260713+nightly
codegen_flags: <defaults>
</compile_context>

<pallas_src>
import functools

import jax
import jax.numpy as jnp
from jax import lax
from jax.experimental import pallas as pl
from jax.experimental.pallas import tpu as pltpu
from jax.experimental.pallas import tpu_sc as plsc

N = 10000
E = 40000
G = 256

NC, NS = 2, 16
NW = NC * NS
EPW = 1280
E_PAD = NW * EPW
CHUNK = 128
NCH = EPW // CHUNK
N_PAD = 10240
ROWS_PT = N_PAD // NS
TE = 512
TN = 512
NGRID_N = N_PAD // TN

def _sc_mesh():
  return plsc.VectorSubcoreMesh(core_axis_name="c", subcore_axis_name="s",
                                num_cores=NC, num_subcores=NS)


def _sc_gather(x_pad, src2d, d):

  @functools.partial(
      pl.kernel,
      out_type=jax.ShapeDtypeStruct((E_PAD, d), jnp.float32),
      mesh=_sc_mesh(),
      compiler_params=pltpu.CompilerParams(use_tc_tiling_on_sc=False),
      scratch_types=[
          pltpu.VMEM((NCH, CHUNK), jnp.int32),
          pltpu.VMEM((EPW, d), jnp.float32),
          pltpu.SemaphoreType.DMA,
      ],
  )
  def k(x_hbm, src_hbm, out_hbm, idx_v, rows_v, sem):
    wid = lax.axis_index("c") * NS + lax.axis_index("s")
    pltpu.sync_copy(src_hbm.at[wid], idx_v)
    descs = [
        pltpu.async_copy(x_hbm.at[idx_v.at[j]],
                         rows_v.at[pl.ds(j * CHUNK, CHUNK)], sem)
        for j in range(NCH)
    ]
    for de in descs:
      de.wait()
    pltpu.sync_copy(rows_v, out_hbm.at[pl.ds(wid * EPW, EPW)])

  return k(x_pad, src2d)


def _sc_scatter(msg, dst2d, zeros_nd, d):

  @functools.partial(
      pl.kernel,
      out_type=jax.ShapeDtypeStruct((2 * N_PAD, d), jnp.float32),
      mesh=_sc_mesh(),
      compiler_params=pltpu.CompilerParams(use_tc_tiling_on_sc=False),
      scratch_types=[
          pltpu.VMEM((NCH, CHUNK), jnp.int32),
          pltpu.VMEM((EPW, d), jnp.float32),
          pltpu.VMEM_SHARED((N_PAD, d), jnp.float32),
          pltpu.SemaphoreType.DMA,
      ],
  )
  def k(msg_hbm, dst_hbm, z_hbm, out_hbm, idx_v, msg_v, agg_sh, sem):
    cid = lax.axis_index("c")
    sid = lax.axis_index("s")
    wid = cid * NS + sid
    pltpu.sync_copy(z_hbm.at[pl.ds(sid * ROWS_PT, ROWS_PT)],
                    agg_sh.at[pl.ds(sid * ROWS_PT, ROWS_PT)])
    plsc.subcore_barrier()
    pltpu.sync_copy(dst_hbm.at[wid], idx_v)
    pltpu.sync_copy(msg_hbm.at[pl.ds(wid * EPW, EPW)], msg_v)
    for j in range(NCH):
      pltpu.sync_copy(msg_v.at[pl.ds(j * CHUNK, CHUNK)],
                      agg_sh.at[idx_v.at[j]], add=True)
    plsc.subcore_barrier()
    pltpu.sync_copy(agg_sh.at[pl.ds(sid * ROWS_PT, ROWS_PT)],
                    out_hbm.at[pl.ds(cid * N_PAD + sid * ROWS_PT, ROWS_PT)])

  return k(msg, dst2d, zeros_nd)


def _tc_message(eattr8, xsrc, w1p, b1r, w2p, b2p, dp, mo):
  grid = E_PAD // TE

  r = 128 // mo
  nblk = dp // r

  def body(ea_ref, xs_ref, w1_ref, b1_ref, w2_ref, b2_ref, out_ref):
    bf = jnp.bfloat16
    h = jnp.maximum(
        jnp.dot(ea_ref[...].astype(bf), w1_ref[...].astype(bf),
                preferred_element_type=jnp.float32) + b1_ref[...], 0.0)
    hbf = h.astype(bf)
    xs = xs_ref[...]
    w2 = w2_ref[...]
    b2 = b2_ref[...]
    acc = None
    for c in range(nblk):
      ewc = jnp.dot(hbf, w2[:, c * 128:(c + 1) * 128].astype(bf),
                    preferred_element_type=jnp.float32) + b2[:, c * 128:(c + 1) * 128]
      xrep = jnp.concatenate(
          [jnp.broadcast_to(xs[:, c * r + t:c * r + t + 1], (TE, mo))
           for t in range(r)], axis=1)
      term = xrep * ewc
      fold = term[:, :mo]
      for t in range(1, r):
        fold = fold + term[:, t * mo:(t + 1) * mo]
      acc = fold if acc is None else acc + fold
    out_ref[...] = acc

  return pl.pallas_call(
      body,
      grid=(grid,),
      in_specs=[
          pl.BlockSpec((TE, 8), lambda i: (i, 0)),
          pl.BlockSpec((TE, dp), lambda i: (i, 0)),
          pl.BlockSpec((8, 128), lambda i: (0, 0)),
          pl.BlockSpec((1, 128), lambda i: (0, 0)),
          pl.BlockSpec((128, dp * mo), lambda i: (0, 0)),
          pl.BlockSpec((1, dp * mo), lambda i: (0, 0)),
      ],
      out_specs=pl.BlockSpec((TE, mo), lambda i: (i, 0)),
      out_shape=jax.ShapeDtypeStruct((E_PAD, mo), jnp.float32),
  )(eattr8, xsrc, w1p, b1r, w2p, b2p)


def _tc_update(x_pad, agg, root_p, bias_r, dp_in, mo):

  def body(x_ref, a0_ref, a1_ref, r_ref, b_ref, out_ref):
    i = pl.program_id(0)
    v = (jnp.dot(x_ref[...].astype(jnp.bfloat16), r_ref[...].astype(jnp.bfloat16),
                 preferred_element_type=jnp.float32)
         + b_ref[...] + a0_ref[...] + a1_ref[...])
    act = jnp.where(v > 0, v, jnp.exp(jnp.minimum(v, 0.0)) - 1.0)
    rows = i * TN + lax.broadcasted_iota(jnp.int32, (TN, 1), 0)
    out_ref[...] = jnp.where(rows < N, act, 0.0)

  return pl.pallas_call(
      body,
      grid=(NGRID_N,),
      in_specs=[
          pl.BlockSpec((TN, dp_in), lambda i: (i, 0)),
          pl.BlockSpec((TN, mo), lambda i: (i, 0)),
          pl.BlockSpec((TN, mo), lambda i: (i + NGRID_N, 0)),
          pl.BlockSpec((dp_in, mo), lambda i: (0, 0)),
          pl.BlockSpec((1, mo), lambda i: (0, 0)),
      ],
      out_specs=pl.BlockSpec((TN, mo), lambda i: (i, 0)),
      out_shape=jax.ShapeDtypeStruct((N_PAD, mo), jnp.float32),
  )(x_pad, agg, agg, root_p, bias_r)


def _tc_pool_head(xprev, agg, root_p, bias_r, batch2d,
                  fc1_w, fc1_b, fc2_w, fc2_b, fc3_w, fc3_b):

  def body(xp_ref, a0_ref, a1_ref, r_ref, rb_ref, b_ref,
           w1_ref, b1_ref, w2_ref, b2_ref, w3_ref, b3_ref,
           out_ref, sums, cnt):
    i = pl.program_id(0)

    @pl.when(i == 0)
    def _():
      sums[...] = jnp.zeros_like(sums)
      cnt[...] = jnp.zeros_like(cnt)

    v = (jnp.dot(xp_ref[...].astype(jnp.bfloat16), r_ref[...].astype(jnp.bfloat16),
                 preferred_element_type=jnp.float32)
         + rb_ref[...] + a0_ref[...] + a1_ref[...])
    x3 = jnp.where(v > 0, v, jnp.exp(jnp.minimum(v, 0.0)) - 1.0)

    oh = (b_ref[...] == lax.broadcasted_iota(jnp.int32, (TN, G), 1)
          ).astype(jnp.float32)
    sums[...] += lax.dot_general(oh, x3, (((0,), (0,)), ((), ())),
                                 precision=lax.Precision.HIGHEST,
                                 preferred_element_type=jnp.float32)
    cnt[...] += lax.dot_general(oh, jnp.ones((TN, 1), jnp.float32),
                                (((0,), (0,)), ((), ())),
                                precision=lax.Precision.HIGHEST,
                                preferred_element_type=jnp.float32)

    @pl.when(i == NGRID_N - 1)
    def _():
      bf = jnp.bfloat16
      mean = sums[...] / jnp.maximum(cnt[...], 1.0)
      h1 = jnp.dot(mean.astype(bf), w1_ref[...].astype(bf),
                   preferred_element_type=jnp.float32) + b1_ref[...]
      h1 = jnp.where(h1 > 0, h1, jnp.exp(jnp.minimum(h1, 0.0)) - 1.0)
      h2 = jnp.dot(h1.astype(bf), w2_ref[...].astype(bf),
                   preferred_element_type=jnp.float32) + b2_ref[...]
      h2 = jnp.where(h2 > 0, h2, jnp.exp(jnp.minimum(h2, 0.0)) - 1.0)
      out_ref[...] = jnp.dot(h2.astype(bf), w3_ref[...].astype(bf),
                             preferred_element_type=jnp.float32) + b3_ref[...]

  return pl.pallas_call(
      body,
      grid=(NGRID_N,),
      in_specs=[
          pl.BlockSpec((TN, 64), lambda i: (i, 0)),
          pl.BlockSpec((TN, 64), lambda i: (i, 0)),
          pl.BlockSpec((TN, 64), lambda i: (i + NGRID_N, 0)),
          pl.BlockSpec((64, 64), lambda i: (0, 0)),
          pl.BlockSpec((1, 64), lambda i: (0, 0)),
          pl.BlockSpec((TN, 1), lambda i: (i, 0)),
          pl.BlockSpec((64, 32), lambda i: (0, 0)),
          pl.BlockSpec((1, 32), lambda i: (0, 0)),
          pl.BlockSpec((32, 16), lambda i: (0, 0)),
          pl.BlockSpec((1, 16), lambda i: (0, 0)),
          pl.BlockSpec((16, 1), lambda i: (0, 0)),
          pl.BlockSpec((1, 1), lambda i: (0, 0)),
      ],
      out_specs=pl.BlockSpec((G, 1), lambda i: (0, 0)),
      out_shape=jax.ShapeDtypeStruct((G, 1), jnp.float32),
      scratch_shapes=[
          pltpu.VMEM((G, 64), jnp.float32),
          pltpu.VMEM((G, 1), jnp.float32),
      ],
  )(xprev, agg, agg, root_p, bias_r, batch2d,
    fc1_w, fc1_b, fc2_w, fc2_b, fc3_w, fc3_b)


def _prep_edge_mlp(w1, b1, w2, b2, m_in, dp, mo):
  w1p = jnp.pad(w1, ((0, 8 - w1.shape[0]), (0, 0)))
  b1r = b1.reshape(1, 128)
  w2p = jnp.pad(w2.reshape(128, m_in, mo), ((0, 0), (0, dp - m_in), (0, 0)))
  w2p = w2p.reshape(128, dp * mo)
  b2p = jnp.pad(b2.reshape(m_in, mo), ((0, dp - m_in), (0, 0)))
  b2p = b2p.reshape(1, dp * mo)
  return w1p, b1r, w2p, b2p


def kernel(x, edge_index, edge_attr, batch,
           nn1_w1, nn1_b1, nn1_w2, nn1_b2, root1, bias1,
           nn2_w1, nn2_b1, nn2_w2, nn2_b2, root2, bias2,
           nn3_w1, nn3_b1, nn3_w2, nn3_b2, root3, bias3,
           fc1_w, fc1_b, fc2_w, fc2_b, fc3_w, fc3_b):
  src = jnp.pad(edge_index[0], (0, E_PAD - E)).reshape(NW, NCH, CHUNK)
  dst = jnp.pad(edge_index[1], (0, E_PAD - E), constant_values=N).reshape(NW, NCH, CHUNK)
  eattr8 = jnp.pad(edge_attr, ((0, E_PAD - E), (0, 8 - edge_attr.shape[1])))
  batch2d = jnp.pad(batch, (0, N_PAD - N), constant_values=G).reshape(N_PAD, 1)

  layers = [
      (13, 16, 32, nn1_w1, nn1_b1, nn1_w2, nn1_b2, root1, bias1),
      (32, 32, 64, nn2_w1, nn2_b1, nn2_w2, nn2_b2, root2, bias2),
      (64, 64, 64, nn3_w1, nn3_b1, nn3_w2, nn3_b2, root3, bias3),
  ]

  xp = jnp.pad(x, ((0, N_PAD - N), (0, 3)))
  agg = None
  last_root = last_bias = None
  for li, (m_in, dp, mo, w1, b1, w2, b2, root, bias) in enumerate(layers):
    w1p, b1r, w2p, b2p = _prep_edge_mlp(w1, b1, w2, b2, m_in, dp, mo)
    root_p = jnp.pad(root, ((0, dp - m_in), (0, 0)))
    xs = _sc_gather(xp, src, dp)
    msg = _tc_message(eattr8, xs, w1p, b1r, w2p, b2p, dp, mo)
    agg = _sc_scatter(msg, dst, jnp.zeros((N_PAD, mo), jnp.float32), mo)
    if li < 2:
      xp = _tc_update(xp, agg, root_p, bias.reshape(1, mo), dp, mo)
    else:
      last_root, last_bias = root_p, bias.reshape(1, mo)

  out = _tc_pool_head(xp, agg, last_root, last_bias, batch2d,
                      fc1_w, fc1_b.reshape(1, 32),
                      fc2_w, fc2_b.reshape(1, 16),
                      fc3_w, fc3_b.reshape(1, 1))
  return out.reshape(-1)

# --- scband reference (transcript-rebuilt; emitter-appended) ---
"""Pipeline reference for scband-net-1477468750488 (READ-ONLY COPY).

The authoritative reference and input builder live on the scoring server;
editing this copy changes nothing except your own understanding.
"""

import jax, jax.numpy as jnp
import numpy as np

N = 10000
E = 40000
F_IN = 13
D_EDGE = 5
G = 256


def _init(key, shape):
    scale = 1.0 / np.sqrt(shape[0])
    return (scale * jax.random.normal(key, shape)).astype(jnp.float32)


def setup_inputs(seed: int = 0) -> dict:
    key = jax.random.key(seed)
    ks = jax.random.split(key, 24)
    inp = {}
    inp['x'] = jax.random.normal(ks[0], (N, F_IN), dtype=jnp.float32)
    inp['edge_index'] = jax.random.randint(ks[1], (2, E), 0, N, dtype=jnp.int32)
    inp['edge_attr'] = jax.random.uniform(ks[2], (E, D_EDGE), dtype=jnp.float32)
    inp['batch'] = jnp.sort(jax.random.randint(ks[3], (N,), 0, G, dtype=jnp.int32))
    # conv1: NNConv(13 -> 32), edge MLP 5->128->13*32
    inp['nn1_w1'] = _init(ks[4], (5, 128)); inp['nn1_b1'] = jnp.zeros((128,), jnp.float32)
    inp['nn1_w2'] = _init(ks[5], (128, F_IN * 32)); inp['nn1_b2'] = jnp.zeros((F_IN * 32,), jnp.float32)
    inp['root1'] = _init(ks[6], (F_IN, 32)); inp['bias1'] = jnp.zeros((32,), jnp.float32)
    # conv2: NNConv(32 -> 64), edge MLP 5->128->32*64
    inp['nn2_w1'] = _init(ks[7], (5, 128)); inp['nn2_b1'] = jnp.zeros((128,), jnp.float32)
    inp['nn2_w2'] = _init(ks[8], (128, 32 * 64)); inp['nn2_b2'] = jnp.zeros((32 * 64,), jnp.float32)
    inp['root2'] = _init(ks[9], (32, 64)); inp['bias2'] = jnp.zeros((64,), jnp.float32)
    # conv3: NNConv(64 -> 64), edge MLP 5->128->64*64
    inp['nn3_w1'] = _init(ks[10], (5, 128)); inp['nn3_b1'] = jnp.zeros((128,), jnp.float32)
    inp['nn3_w2'] = _init(ks[11], (128, 64 * 64)); inp['nn3_b2'] = jnp.zeros((64 * 64,), jnp.float32)
    inp['root3'] = _init(ks[12], (64, 64)); inp['bias3'] = jnp.zeros((64,), jnp.float32)
    # fc head
    inp['fc1_w'] = _init(ks[13], (64, 32)); inp['fc1_b'] = jnp.zeros((32,), jnp.float32)
    inp['fc2_w'] = _init(ks[14], (32, 16)); inp['fc2_b'] = jnp.zeros((16,), jnp.float32)
    inp['fc3_w'] = _init(ks[15], (16, 1)); inp['fc3_b'] = jnp.zeros((1,), jnp.float32)
    return inp


def _nnconv(x, src, dst, eattr, w1, b1, w2, b2, root, bias, m_in, m_out):
    h = jax.nn.relu(eattr @ w1 + b1)
    ew = (h @ w2 + b2).reshape(-1, m_in, m_out)
    msg = jnp.einsum('ei,eio->eo', x[src], ew)
    agg = jnp.zeros((x.shape[0], m_out), dtype=x.dtype).at[dst].add(msg)
    return x @ root + bias + agg


def _forward(x, edge_index, edge_attr, batch,
             nn1_w1, nn1_b1, nn1_w2, nn1_b2, root1, bias1,
             nn2_w1, nn2_b1, nn2_w2, nn2_b2, root2, bias2,
             nn3_w1, nn3_b1, nn3_w2, nn3_b2, root3, bias3,
             fc1_w, fc1_b, fc2_w, fc2_b, fc3_w, fc3_b):
    src, dst = edge_index[0], edge_index[1]
    x = jax.nn.elu(_nnconv(x, src, dst, edge_attr, nn1_w1, nn1_b1, nn1_w2, nn1_b2, root1, bias1, F_IN, 32))
    x = jax.nn.elu(_nnconv(x, src, dst, edge_attr, nn2_w1, nn2_b1, nn2_w2, nn2_b2, root2, bias2, 32, 64))
    x = jax.nn.elu(_nnconv(x, src, dst, edge_attr, nn3_w1, nn3_b1, nn3_w2, nn3_b2, root3, bias3, 64, 64))
    sums = jnp.zeros((G, 64), dtype=x.dtype).at[batch].add(x)
    cnt = jnp.zeros((G,), dtype=x.dtype).at[batch].add(1.0)
    x = sums / jnp.clip(cnt, 1.0)[:, None]
    x = jax.nn.elu(x @ fc1_w + fc1_b)
    x = jax.nn.elu(x @ fc2_w + fc2_b)
    x = x @ fc3_w + fc3_b
    return x.reshape(-1)


def reference(x, edge_index, edge_attr, batch,
              nn1_w1, nn1_b1, nn1_w2, nn1_b2, root1, bias1,
              nn2_w1, nn2_b1, nn2_w2, nn2_b2, root2, bias2,
              nn3_w1, nn3_b1, nn3_w2, nn3_b2, root3, bias3,
              fc1_w, fc1_b, fc2_w, fc2_b, fc3_w, fc3_b):
    return _forward(x, edge_index, edge_attr, batch,
                    nn1_w1, nn1_b1, nn1_w2, nn1_b2, root1, bias1,
                    nn2_w1, nn2_b1, nn2_w2, nn2_b2, root2, bias2,
                    nn3_w1, nn3_b1, nn3_w2, nn3_b2, root3, bias3,
                    fc1_w, fc1_b, fc2_w, fc2_b, fc3_w, fc3_b)

if __name__ == "__main__":
    import jax
    _d = setup_inputs()
    print(jax.jit(kernel)(*tuple(_d.values())))

</pallas_src>

<mosaic_0001>
#map = affine_map<(d0, d1) -> (0, 0)>
#map1 = affine_map<(d0, d1) -> (0, 0, 0)>
module attributes {stable_mosaic.version = 14 : i64} {
  func.func @k(%arg0: i32, %arg1: i32, %arg2: memref<40960x32xf32, #tpu.memory_space<hbm>>, %arg3: memref<32x10x128xi32, #tpu.memory_space<hbm>>, %arg4: memref<10240x32xf32, #tpu.memory_space<hbm>>, %arg5: memref<20480x32xf32, #tpu.memory_space<hbm>>, %arg6: memref<10x128xi32, #tpu.memory_space<vmem>>, %arg7: memref<1280x32xf32, #tpu.memory_space<vmem>>, %arg8: memref<10240x32xf32, #tpu.memory_space<vmem_shared>>, %arg9: memref<!tpu.dma_semaphore, #tpu.memory_space<semaphore_mem>>) attributes {dimension_semantics = [#tpu.dimension_semantics<core_parallel>, #tpu.dimension_semantics<subcore_parallel>], iteration_bounds = array<i64: 2, 16>, scalar_prefetch = 0 : i64, scratch_operands = 4 : i64, tpu.core_type = #tpu.core_type<sc_vector_subcore>, window_params = [{transform_indices = #map}, {transform_indices = #map1}, {transform_indices = #map}, {transform_indices = #map}]} {
    %mul3A = arith.constant 16 : i32
    %mul3A_0 = arith.muli %arg0, %mul3A : i32
    %add3A = arith.addi %mul3A_0, %arg1 : i32
    %mul3A_1 = arith.constant 640 : i32
    %mul3A_2 = arith.muli %arg1, %mul3A_1 : i32
    %mul3A_3 = arith.constant 640 : i32
    %mul3A_4 = arith.muli %arg1, %mul3A_3 : i32
    "tpu.region"() ({
      %run_scoped3A_24 = tpu.sem_alloc : memref<!tpu.dma_semaphore, #tpu.memory_space<semaphore_mem>>
      %dma_start3A = arith.constant 0 : i32
      %dma_start3A_25 = tpu.memref_slice %arg8[%mul3A_4, %dma_start3A] : memref<10240x32xf32, #tpu.memory_space<vmem_shared>> -> memref<640x32xf32, #tpu.memory_space<vmem_shared>>
      %dma_start3A_26 = arith.constant 0 : i32
      %dma_start3A_27 = tpu.memref_slice %arg4[%mul3A_2, %dma_start3A_26] : memref<10240x32xf32, #tpu.memory_space<hbm>> -> memref<640x32xf32, #tpu.memory_space<hbm>>
      tpu.enqueue_dma source(%dma_start3A_27 : memref<640x32xf32, #tpu.memory_space<hbm>>) target(%dma_start3A_25 : memref<640x32xf32, #tpu.memory_space<vmem_shared>>) target_semaphore(%run_scoped3A_24 : memref<!tpu.dma_semaphore, #tpu.memory_space<semaphore_mem>>)
      %dma_wait3A = arith.constant 0 : i32
      %dma_wait3A_28 = tpu.memref_slice %arg8[%mul3A_4, %dma_wait3A] : memref<10240x32xf32, #tpu.memory_space<vmem_shared>> -> memref<640x32xf32, #tpu.memory_space<vmem_shared>>
      %dma_wait3A_29 = arith.constant 0 : i32
      %dma_wait3A_30 = tpu.memref_slice %arg4[%mul3A_2, %dma_wait3A_29] : memref<10240x32xf32, #tpu.memory_space<hbm>> -> memref<640x32xf32, #tpu.memory_space<hbm>>
      tpu.wait_dma2 semaphore(%run_scoped3A_24 : memref<!tpu.dma_semaphore, #tpu.memory_space<semaphore_mem>>) src(%dma_wait3A_30 : memref<640x32xf32, #tpu.memory_space<hbm>>) dst(%dma_wait3A_28 : memref<640x32xf32, #tpu.memory_space<vmem_shared>>)
      tpu.yield
    }) : () -> ()
    %barrier3A = arith.constant 0 : index
    tpu.barrier barrier_id(%barrier3A)
    "tpu.region"() ({
      %run_scoped3A_24 = tpu.sem_alloc : memref<!tpu.dma_semaphore, #tpu.memory_space<semaphore_mem>>
      %dma_start3A = arith.constant 0 : i32
      %dma_start3A_25 = arith.constant 0 : i32
      %dma_start3A_26 = tpu.memref_slice %arg3[%add3A, %dma_start3A, %dma_start3A_25] : memref<32x10x128xi32, #tpu.memory_space<hbm>> -> memref<1x10x128xi32, #tpu.memory_space<hbm>>
      %dma_start3A_27 = tpu.memref_squeeze %dma_start3A_26 : memref<1x10x128xi32, #tpu.memory_space<hbm>> -> memref<10x128xi32, #tpu.memory_space<hbm>>
      %dma_start3A_28 = arith.constant 0 : i32
      %dma_start3A_29 = arith.constant 0 : i32
      %dma_start3A_30 = tpu.memref_slice %arg3[%add3A, %dma_start3A_28, %dma_start3A_29] : memref<32x10x128xi32, #tpu.memory_space<hbm>> -> memref<1x10x128xi32, #tpu.memory_space<hbm>>
      %dma_start3A_31 = tpu.memref_squeeze %dma_start3A_30 : memref<1x10x128xi32, #tpu.memory_space<hbm>> -> memref<10x128xi32, #tpu.memory_space<hbm>>
      tpu.enqueue_dma source(%dma_start3A_31 : memref<10x128xi32, #tpu.memory_space<hbm>>) target(%arg6 : memref<10x128xi32, #tpu.memory_space<vmem>>) target_semaphore(%run_scoped3A_24 : memref<!tpu.dma_semaphore, #tpu.memory_space<semaphore_mem>>)
      %dma_wait3A = arith.constant 0 : i32
      %dma_wait3A_32 = arith.constant 0 : i32
      %dma_wait3A_33 = tpu.memref_slice %arg3[%add3A, %dma_wait3A, %dma_wait3A_32] : memref<32x10x128xi32, #tpu.memory_space<hbm>> -> memref<1x10x128xi32, #tpu.memory_space<hbm>>
      %dma_wait3A_34 = tpu.memref_squeeze %dma_wait3A_33 : memref<1x10x128xi32, #tpu.memory_space<hbm>> -> memref<10x128xi32, #tpu.memory_space<hbm>>
      %dma_wait3A_35 = arith.constant 0 : i32
      %dma_wait3A_36 = arith.constant 0 : i32
      %dma_wait3A_37 = tpu.memref_slice %arg3[%add3A, %dma_wait3A_35, %dma_wait3A_36] : memref<32x10x128xi32, #tpu.memory_space<hbm>> -> memref<1x10x128xi32, #tpu.memory_space<hbm>>
      %dma_wait3A_38 = tpu.memref_squeeze %dma_wait3A_37 : memref<1x10x128xi32, #tpu.memory_space<hbm>> -> memref<10x128xi32, #tpu.memory_space<hbm>>
      tpu.wait_dma2 semaphore(%run_scoped3A_24 : memref<!tpu.dma_semaphore, #tpu.memory_space<semaphore_mem>>) src(%dma_wait3A_38 : memref<10x128xi32, #tpu.memory_space<hbm>>) dst(%arg6 : memref<10x128xi32, #tpu.memory_space<vmem>>)
      tpu.yield
    }) : () -> ()
    %mul3A_5 = arith.constant 1280 : i32
    %mul3A_6 = arith.muli %add3A, %mul3A_5 : i32
    "tpu.region"() ({
      %run_scoped3A_24 = tpu.sem_alloc : memref<!tpu.dma_semaphore, #tpu.memory_space<semaphore_mem>>
      %dma_start3A = arith.constant 0 : i32
      %dma_start3A_25 = tpu.memref_slice %arg2[%mul3A_6, %dma_start3A] : memref<40960x32xf32, #tpu.memory_space<hbm>> -> memref<1280x32xf32, #tpu.memory_space<hbm>>
      %dma_start3A_26 = arith.constant 0 : i32
      %dma_start3A_27 = tpu.memref_slice %arg2[%mul3A_6, %dma_start3A_26] : memref<40960x32xf32, #tpu.memory_space<hbm>> -> memref<1280x32xf32, #tpu.memory_space<hbm>>
      tpu.enqueue_dma source(%dma_start3A_27 : memref<1280x32xf32, #tpu.memory_space<hbm>>) target(%arg7 : memref<1280x32xf32, #tpu.memory_space<vmem>>) target_semaphore(%run_scoped3A_24 : memref<!tpu.dma_semaphore, #tpu.memory_space<semaphore_mem>>)
      %dma_wait3A = arith.constant 0 : i32
      %dma_wait3A_28 = tpu.memref_slice %arg2[%mul3A_6, %dma_wait3A] : memref<40960x32xf32, #tpu.memory_space<hbm>> -> memref<1280x32xf32, #tpu.memory_space<hbm>>
      %dma_wait3A_29 = arith.constant 0 : i32
      %dma_wait3A_30 = tpu.memref_slice %arg2[%mul3A_6, %dma_wait3A_29] : memref<40960x32xf32, #tpu.memory_space<hbm>> -> memref<1280x32xf32, #tpu.memory_space<hbm>>
      tpu.wait_dma2 semaphore(%run_scoped3A_24 : memref<!tpu.dma_semaphore, #tpu.memory_space<semaphore_mem>>) src(%dma_wait3A_30 : memref<1280x32xf32, #tpu.memory_space<hbm>>) dst(%arg7 : memref<1280x32xf32, #tpu.memory_space<vmem>>)
      tpu.yield
    }) : () -> ()
    %run_scoped3A = arith.constant 0 : i32
    "tpu.region"() ({
      %run_scoped3A_24 = tpu.sem_alloc : memref<!tpu.dma_semaphore, #tpu.memory_space<semaphore_mem>>
      %dma_start3A = arith.constant 0 : i32
      %dma_start3A_25 = arith.constant 0 : i32
      %dma_start3A_26 = tpu.memref_slice %arg7[%dma_start3A, %dma_start3A_25] : memref<1280x32xf32, #tpu.memory_space<vmem>> -> memref<128x32xf32, #tpu.memory_space<vmem>>
      %dma_start3A_27 = arith.constant 0 : i32
      %dma_start3A_28 = tpu.memref_slice %arg6[%run_scoped3A, %dma_start3A_27] : memref<10x128xi32, #tpu.memory_space<vmem>> -> memref<1x128xi32, #tpu.memory_space<vmem>>
      %dma_start3A_29 = tpu.memref_squeeze %dma_start3A_28 : memref<1x128xi32, #tpu.memory_space<vmem>> -> memref<128xi32, #tpu.memory_space<vmem>>
      %dma_start3A_30 = arith.constant 0 : i32
      %dma_start3A_31 = arith.constant 0 : i32
      %dma_start3A_32 = tpu.memref_slice %arg8[%dma_start3A_30, %dma_start3A_31] : memref<10240x32xf32, #tpu.memory_space<vmem_shared>> -> memref<10240x32xf32, #tpu.memory_space<vmem_shared>>
      tpu.enqueue_indirect_dma source(%dma_start3A_26 : memref<128x32xf32, #tpu.memory_space<vmem>>) target(%dma_start3A_32 : memref<10240x32xf32, #tpu.memory_space<vmem_shared>>) offsets(%dma_start3A_29 : memref<128xi32, #tpu.memory_space<vmem>>) semaphore(%run_scoped3A_24 : memref<!tpu.dma_semaphore, #tpu.memory_space<semaphore_mem>>) {add = true}
      %dma_wait3A = arith.constant 0 : i32
      %dma_wait3A_33 = arith.constant 0 : i32
      %dma_wait3A_34 = tpu.memref_slice %arg7[%dma_wait3A, %dma_wait3A_33] : memref<1280x32xf32, #tpu.memory_space<vmem>> -> memref<128x32xf32, #tpu.memory_space<vmem>>
      %dma_wait3A_35 = arith.constant 0 : i32
      %dma_wait3A_36 = tpu.memref_slice %arg6[%run_scoped3A, %dma_wait3A_35] : memref<10x128xi32, #tpu.memory_space<vmem>> -> memref<1x128xi32, #tpu.memory_space<vmem>>
      %dma_wait3A_37 = tpu.memref_squeeze %dma_wait3A_36 : memref<1x128xi32, #tpu.memory_space<vmem>> -> memref<128xi32, #tpu.memory_space<vmem>>
      %dma_wait3A_38 = arith.constant 0 : i32
      %dma_wait3A_39 = arith.constant 0 : i32
      %dma_wait3A_40 = tpu.memref_slice %arg8[%dma_wait3A_38, %dma_wait3A_39] : memref<10240x32xf32, #tpu.memory_space<vmem_shared>> -> memref<10240x32xf32, #tpu.memory_space<vmem_shared>>
      tpu.wait_indirect_dma semaphore(%run_scoped3A_24 : memref<!tpu.dma_semaphore, #tpu.memory_space<semaphore_mem>>) src(%dma_wait3A_34 : memref<128x32xf32, #tpu.memory_space<vmem>>) dst(%dma_wait3A_40 : memref<10240x32xf32, #tpu.memory_space<vmem_shared>>)
      tpu.yield
    }) : () -> ()
    %run_scoped3A_7 = arith.constant 1 : i32
    "tpu.region"() ({
      %run_scoped3A_24 = tpu.sem_alloc : memref<!tpu.dma_semaphore, #tpu.memory_space<semaphore_mem>>
      %dma_start3A = arith.constant 128 : i32
      %dma_start3A_25 = arith.constant 0 : i32
      %dma_start3A_26 = tpu.memref_slice %arg7[%dma_start3A, %dma_start3A_25] : memref<1280x32xf32, #tpu.memory_space<vmem>> -> memref<128x32xf32, #tpu.memory_space<vmem>>
      %dma_start3A_27 = arith.constant 0 : i32
      %dma_start3A_28 = tpu.memref_slice %arg6[%run_scoped3A_7, %dma_start3A_27] : memref<10x128xi32, #tpu.memory_space<vmem>> -> memref<1x128xi32, #tpu.memory_space<vmem>>
      %dma_start3A_29 = tpu.memref_squeeze %dma_start3A_28 : memref<1x128xi32, #tpu.memory_space<vmem>> -> memref<128xi32, #tpu.memory_space<vmem>>
      %dma_start3A_30 = arith.constant 0 : i32
      %dma_start3A_31 = arith.constant 0 : i32
      %dma_start3A_32 = tpu.memref_slice %arg8[%dma_start3A_30, %dma_start3A_31] : memref<10240x32xf32, #tpu.memory_space<vmem_shared>> -> memref<10240x32xf32, #tpu.memory_space<vmem_shared>>
      tpu.enqueue_indirect_dma source(%dma_start3A_26 : memref<128x32xf32, #tpu.memory_space<vmem>>) target(%dma_start3A_32 : memref<10240x32xf32, #tpu.memory_space<vmem_shared>>) offsets(%dma_start3A_29 : memref<128xi32, #tpu.memory_space<vmem>>) semaphore(%run_scoped3A_24 : memref<!tpu.dma_semaphore, #tpu.memory_space<semaphore_mem>>) {add = true}
      %dma_wait3A = arith.constant 128 : i32
      %dma_wait3A_33 = arith.constant 0 : i32
      %dma_wait3A_34 = tpu.memref_slice %arg7[%dma_wait3A, %dma_wait3A_33] : memref<1280x32xf32, #tpu.memory_space<vmem>> -> memref<128x32xf32, #tpu.memory_space<vmem>>
      %dma_wait3A_35 = arith.constant 0 : i32
      %dma_wait3A_36 = tpu.memref_slice %arg6[%run_scoped3A_7, %dma_wait3A_35] : memref<10x128xi32, #tpu.memory_space<vmem>> -> memref<1x128xi32, #tpu.memory_space<vmem>>
      %dma_wait3A_37 = tpu.memref_squeeze %dma_wait3A_36 : memref<1x128xi32, #tpu.memory_space<vmem>> -> memref<128xi32, #tpu.memory_space<vmem>>
      %dma_wait3A_38 = arith.constant 0 : i32
      %dma_wait3A_39 = arith.constant 0 : i32
      %dma_wait3A_40 = tpu.memref_slice %arg8[%dma_wait3A_38, %dma_wait3A_39] : memref<10240x32xf32, #tpu.memory_space<vmem_shared>> -> memref<10240x32xf32, #tpu.memory_space<vmem_shared>>
      tpu.wait_indirect_dma semaphore(%run_scoped3A_24 : memref<!tpu.dma_semaphore, #tpu.memory_space<semaphore_mem>>) src(%dma_wait3A_34 : memref<128x32xf32, #tpu.memory_space<vmem>>) dst(%dma_wait3A_40 : memref<10240x32xf32, #tpu.memory_space<vmem_shared>>)
      tpu.yield
    }) : () -> ()
    %run_scoped3A_8 = arith.constant 2 : i32
    "tpu.region"() ({
      %run_scoped3A_24 = tpu.sem_alloc : memref<!tpu.dma_semaphore, #tpu.memory_space<semaphore_mem>>
      %dma_start3A = arith.constant 256 : i32
      %dma_start3A_25 = arith.constant 0 : i32
      %dma_start3A_26 = tpu.memref_slice %arg7[%dma_start3A, %dma_start3A_25] : memref<1280x32xf32, #tpu.memory_space<vmem>> -> memref<128x32xf32, #tpu.memory_space<vmem>>
      %dma_start3A_27 = arith.constant 0 : i32
      %dma_start3A_28 = tpu.memref_slice %arg6[%run_scoped3A_8, %dma_start3A_27] : memref<10x128xi32, #tpu.memory_space<vmem>> -> memref<1x128xi32, #tpu.memory_space<vmem>>
      %dma_start3A_29 = tpu.memref_squeeze %dma_start3A_28 : memref<1x128xi32, #tpu.memory_space<vmem>> -> memref<128xi32, #tpu.memory_space<vmem>>
      %dma_start3A_30 = arith.constant 0 : i32
      %dma_start3A_31 = arith.constant 0 : i32
      %dma_start3A_32 = tpu.memref_slice %arg8[%dma_start3A_30, %dma_start3A_31] : memref<10240x32xf32, #tpu.memory_space<vmem_shared>> -> memref<10240x32xf32, #tpu.memory_space<vmem_shared>>
      tpu.enqueue_indirect_dma source(%dma_start3A_26 : memref<128x32xf32, #tpu.memory_space<vmem>>) target(%dma_start3A_32 : memref<10240x32xf32, #tpu.memory_space<vmem_shared>>) offsets(%dma_start3A_29 : memref<128xi32, #tpu.memory_space<vmem>>) semaphore(%run_scoped3A_24 : memref<!tpu.dma_semaphore, #tpu.memory_space<semaphore_mem>>) {add = true}
      %dma_wait3A = arith.constant 256 : i32
      %dma_wait3A_33 = arith.constant 0 : i32
      %dma_wait3A_34 = tpu.memref_slice %arg7[%dma_wait3A, %dma_wait3A_33] : memref<1280x32xf32, #tpu.memory_space<vmem>> -> memref<128x32xf32, #tpu.memory_space<vmem>>
      %dma_wait3A_35 = arith.constant 0 : i32
      %dma_wait3A_36 = tpu.memref_slice %arg6[%run_scoped3A_8, %dma_wait3A_35] : memref<10x128xi32, #tpu.memory_space<vmem>> -> memref<1x128xi32, #tpu.memory_space<vmem>>
      %dma_wait3A_37 = tpu.memref_squeeze %dma_wait3A_36 : memref<1x128xi32, #tpu.memory_space<vmem>> -> memref<128xi32, #tpu.memory_space<vmem>>
      %dma_wait3A_38 = arith.constant 0 : i32
      %dma_wait3A_39 = arith.constant 0 : i32
      %dma_wait3A_40 = tpu.memref_slice %arg8[%dma_wait3A_38, %dma_wait3A_39] : memref<10240x32xf32, #tpu.memory_space<vmem_shared>> -> memref<10240x32xf32, #tpu.memory_space<vmem_shared>>
      tpu.wait_indirect_dma semaphore(%run_scoped3A_24 : memref<!tpu.dma_semaphore, #tpu.memory_space<semaphore_mem>>) src(%dma_wait3A_34 : memref<128x32xf32, #tpu.memory_space<vmem>>) dst(%dma_wait3A_40 : memref<10240x32xf32, #tpu.memory_space<vmem_shared>>)
      tpu.yield
    }) : () -> ()
    %run_scoped3A_9 = arith.constant 3 : i32
    "tpu.region"() ({
      %run_scoped3A_24 = tpu.sem_alloc : memref<!tpu.dma_semaphore, #tpu.memory_space<semaphore_mem>>
      %dma_start3A = arith.constant 384 : i32
      %dma_start3A_25 = arith.constant 0 : i32
      %dma_start3A_26 = tpu.memref_slice %arg7[%dma_start3A, %dma_start3A_25] : memref<1280x32xf32, #tpu.memory_space<vmem>> -> memref<128x32xf32, #tpu.memory_space<vmem>>
      %dma_start3A_27 = arith.constant 0 : i32
      %dma_start3A_28 = tpu.memref_slice %arg6[%run_scoped3A_9, %dma_start3A_27] : memref<10x128xi32, #tpu.memory_space<vmem>> -> memref<1x128xi32, #tpu.memory_space<vmem>>
      %dma_start3A_29 = tpu.memref_squeeze %dma_start3A_28 : memref<1x128xi32, #tpu.memory_space<vmem>> -> memref<128xi32, #tpu.memory_space<vmem>>
      %dma_start3A_30 = arith.constant 0 : i32
      %dma_start3A_31 = arith.constant 0 : i32
      %dma_start3A_32 = tpu.memref_slice %arg8[%dma_start3A_30, %dma_start3A_31] : memref<10240x32xf32, #tpu.memory_space<vmem_shared>> -> memref<10240x32xf32, #tpu.memory_space<vmem_shared>>
      tpu.enqueue_indirect_dma source(%dma_start3A_26 : memref<128x32xf32, #tpu.memory_space<vmem>>) target(%dma_start3A_32 : memref<10240x32xf32, #tpu.memory_space<vmem_shared>>) offsets(%dma_start3A_29 : memref<128xi32, #tpu.memory_space<vmem>>) semaphore(%run_scoped3A_24 : memref<!tpu.dma_semaphore, #tpu.memory_space<semaphore_mem>>) {add = true}
      %dma_wait3A = arith.constant 384 : i32
      %dma_wait3A_33 = arith.constant 0 : i32
      %dma_wait3A_34 = tpu.memref_slice %arg7[%dma_wait3A, %dma_wait3A_33] : memref<1280x32xf32, #tpu.memory_space<vmem>> -> memref<128x32xf32, #tpu.memory_space<vmem>>
      %dma_wait3A_35 = arith.constant 0 : i32
      %dma_wait3A_36 = tpu.memref_slice %arg6[%run_scoped3A_9, %dma_wait3A_35] : memref<10x128xi32, #tpu.memory_space<vmem>> -> memref<1x128xi32, #tpu.memory_space<vmem>>
      %dma_wait3A_37 = tpu.memref_squeeze %dma_wait3A_36 : memref<1x128xi32, #tpu.memory_space<vmem>> -> memref<128xi32, #tpu.memory_space<vmem>>
      %dma_wait3A_38 = arith.constant 0 : i32
      %dma_wait3A_39 = arith.constant 0 : i32
      %dma_wait3A_40 = tpu.memref_slice %arg8[%dma_wait3A_38, %dma_wait3A_39] : memref<10240x32xf32, #tpu.memory_space<vmem_shared>> -> memref<10240x32xf32, #tpu.memory_space<vmem_shared>>
      tpu.wait_indirect_dma semaphore(%run_scoped3A_24 : memref<!tpu.dma_semaphore, #tpu.memory_space<semaphore_mem>>) src(%dma_wait3A_34 : memref<128x32xf32, #tpu.memory_space<vmem>>) dst(%dma_wait3A_40 : memref<10240x32xf32, #tpu.memory_space<vmem_shared>>)
      tpu.yield
    }) : () -> ()
    %run_scoped3A_10 = arith.constant 4 : i32
    "tpu.region"() ({
      %run_scoped3A_24 = tpu.sem_alloc : memref<!tpu.dma_semaphore, #tpu.memory_space<semaphore_mem>>
      %dma_start3A = arith.constant 512 : i32
      %dma_start3A_25 = arith.constant 0 : i32
      %dma_start3A_26 = tpu.memref_slice %arg7[%dma_start3A, %dma_start3A_25] : memref<1280x32xf32, #tpu.memory_space<vmem>> -> memref<128x32xf32, #tpu.memory_space<vmem>>
      %dma_start3A_27 = arith.constant 0 : i32
      %dma_start3A_28 = tpu.memref_slice %arg6[%run_scoped3A_10, %dma_start3A_27] : memref<10x128xi32, #tpu.memory_space<vmem>> -> memref<1x128xi32, #tpu.memory_space<vmem>>
      %dma_start3A_29 = tpu.memref_squeeze %dma_start3A_28 : memref<1x128xi32, #tpu.memory_space<vmem>> -> memref<128xi32, #tpu.memory_space<vmem>>
      %dma_start3A_30 = arith.constant 0 : i32
      %dma_start3A_31 = arith.constant 0 : i32
      %dma_start3A_32 = tpu.memref_slice %arg8[%dma_start3A_30, %dma_start3A_31] : memref<10240x32xf32, #tpu.memory_space<vmem_shared>> -> memref<10240x32xf32, #tpu.memory_space<vmem_shared>>
      tpu.enqueue_indirect_dma source(%dma_start3A_26 : memref<128x32xf32, #tpu.memory_space<vmem>>) target(%dma_start3A_32 : memref<10240x32xf32, #tpu.memory_space<vmem_shared>>) offsets(%dma_start3A_29 : memref<128xi32, #tpu.memory_space<vmem>>) semaphore(%run_scoped3A_24 : memref<!tpu.dma_semaphore, #tpu.memory_space<semaphore_mem>>) {add = true}
      %dma_wait3A = arith.constant 512 : i32
      %dma_wait3A_33 = arith.constant 0 : i32
      %dma_wait3A_34 = tpu.memref_slice %arg7[%dma_wait3A, %dma_wait3A_33] : memref<1280x32xf32, #tpu.memory_space<vmem>> -> memref<128x32xf32, #tpu.memory_space<vmem>>
      %dma_wait3A_35 = arith.constant 0 : i32
      %dma_wait3A_36 = tpu.memref_slice %arg6[%run_scoped3A_10, %dma_wait3A_35] : memref<10x128xi32, #tpu.memory_space<vmem>> -> memref<1x128xi32, #tpu.memory_space<vmem>>
      %dma_wait3A_37 = tpu.memref_squeeze %dma_wait3A_36 : memref<1x128xi32, #tpu.memory_space<vmem>> -> memref<128xi32, #tpu.memory_space<vmem>>
      %dma_wait3A_38 = arith.constant 0 : i32
      %dma_wait3A_39 = arith.constant 0 : i32
      %dma_wait3A_40 = tpu.memref_slice %arg8[%dma_wait3A_38, %dma_wait3A_39] : memref<10240x32xf32, #tpu.memory_space<vmem_shared>> -> memref<10240x32xf32, #tpu.memory_space<vmem_shared>>
      tpu.wait_indirect_dma semaphore(%run_scoped3A_24 : memref<!tpu.dma_semaphore, #tpu.memory_space<semaphore_mem>>) src(%dma_wait3A_34 : memref<128x32xf32, #tpu.memory_space<vmem>>) dst(%dma_wait3A_40 : memref<10240x32xf32, #tpu.memory_space<vmem_shared>>)
      tpu.yield
    }) : () -> ()
    %run_scoped3A_11 = arith.constant 5 : i32
    "tpu.region"() ({
      %run_scoped3A_24 = tpu.sem_alloc : memref<!tpu.dma_semaphore, #tpu.memory_space<semaphore_mem>>
      %dma_start3A = arith.constant 640 : i32
      %dma_start3A_25 = arith.constant 0 : i32
      %dma_start3A_26 = tpu.memref_slice %arg7[%dma_start3A, %dma_start3A_25] : memref<1280x32xf32, #tpu.memory_space<vmem>> -> memref<128x32xf32, #tpu.memory_space<vmem>>
      %dma_start3A_27 = arith.constant 0 : i32
      %dma_start3A_28 = tpu.memref_slice %arg6[%run_scoped3A_11, %dma_start3A_27] : memref<10x128xi32, #tpu.memory_space<vmem>> -> memref<1x128xi32, #tpu.memory_space<vmem>>
      %dma_start3A_29 = tpu.memref_squeeze %dma_start3A_28 : memref<1x128xi32, #tpu.memory_space<vmem>> -> memref<128xi32, #tpu.memory_space<vmem>>
      %dma_start3A_30 = arith.constant 0 : i32
      %dma_start3A_31 = arith.constant 0 : i32
      %dma_start3A_32 = tpu.memref_slice %arg8[%dma_start3A_30, %dma_start3A_31] : memref<10240x32xf32, #tpu.memory_space<vmem_shared>> -> memref<10240x32xf32, #tpu.memory_space<vmem_shared>>
      tpu.enqueue_indirect_dma source(%dma_start3A_26 : memref<128x32xf32, #tpu.memory_space<vmem>>) target(%dma_start3A_32 : memref<10240x32xf32, #tpu.memory_space<vmem_shared>>) offsets(%dma_start3A_29 : memref<128xi32, #tpu.memory_space<vmem>>) semaphore(%run_scoped3A_24 : memref<!tpu.dma_semaphore, #tpu.memory_space<semaphore_mem>>) {add = true}
      %dma_wait3A = arith.constant 640 : i32
      %dma_wait3A_33 = arith.constant 0 : i32
      %dma_wait3A_34 = tpu.memref_slice %arg7[%dma_wait3A, %dma_wait3A_33] : memref<1280x32xf32, #tpu.memory_space<vmem>> -> memref<128x32xf32, #tpu.memory_space<vmem>>
      %dma_wait3A_35 = arith.constant 0 : i32
      %dma_wait3A_36 = tpu.memref_slice %arg6[%run_scoped3A_11, %dma_wait3A_35] : memref<10x128xi32, #tpu.memory_space<vmem>> -> memref<1x128xi32, #tpu.memory_space<vmem>>
      %dma_wait3A_37 = tpu.memref_squeeze %dma_wait3A_36 : memref<1x128xi32, #tpu.memory_space<vmem>> -> memref<128xi32, #tpu.memory_space<vmem>>
      %dma_wait3A_38 = arith.constant 0 : i32
      %dma_wait3A_39 = arith.constant 0 : i32
      %dma_wait3A_40 = tpu.memref_slice %arg8[%dma_wait3A_38, %dma_wait3A_39] : memref<10240x32xf32, #tpu.memory_space<vmem_shared>> -> memref<10240x32xf32, #tpu.memory_space<vmem_shared>>
      tpu.wait_indirect_dma semaphore(%run_scoped3A_24 : memref<!tpu.dma_semaphore, #tpu.memory_space<semaphore_mem>>) src(%dma_wait3A_34 : memref<128x32xf32, #tpu.memory_space<vmem>>) dst(%dma_wait3A_40 : memref<10240x32xf32, #tpu.memory_space<vmem_shared>>)
      tpu.yield
    }) : () -> ()
    %run_scoped3A_12 = arith.constant 6 : i32
    "tpu.region"() ({
      %run_scoped3A_24 = tpu.sem_alloc : memref<!tpu.dma_semaphore, #tpu.memory_space<semaphore_mem>>
      %dma_start3A = arith.constant 768 : i32
      %dma_start3A_25 = arith.constant 0 : i32
      %dma_start3A_26 = tpu.memref_slice %arg7[%dma_start3A, %dma_start3A_25] : memref<1280x32xf32, #tpu.memory_space<vmem>> -> memref<128x32xf32, #tpu.memory_space<vmem>>
      %dma_start3A_27 = arith.constant 0 : i32
      %dma_start3A_28 = tpu.memref_slice %arg6[%run_scoped3A_12, %dma_start3A_27] : memref<10x128xi32, #tpu.memory_space<vmem>> -> memref<1x128xi32, #tpu.memory_space<vmem>>
      %dma_start3A_29 = tpu.memref_squeeze %dma_start3A_28 : memref<1x128xi32, #tpu.memory_space<vmem>> -> memref<128xi32, #tpu.memory_space<vmem>>
      %dma_start3A_30 = arith.constant 0 : i32
      %dma_start3A_31 = arith.constant 0 : i32
      %dma_start3A_32 = tpu.memref_slice %arg8[%dma_start3A_30, %dma_start3A_31] : memref<10240x32xf32, #tpu.memory_space<vmem_shared>> -> memref<10240x32xf32, #tpu.memory_space<vmem_shared>>
      tpu.enqueue_indirect_dma source(%dma_start3A_26 : memref<128x32xf32, #tpu.memory_space<vmem>>) target(%dma_start3A_32 : memref<10240x32xf32, #tpu.memory_space<vmem_shared>>) offsets(%dma_start3A_29 : memref<128xi32, #tpu.memory_space<vmem>>) semaphore(%run_scoped3A_24 : memref<!tpu.dma_semaphore, #tpu.memory_space<semaphore_mem>>) {add = true}
      %dma_wait3A = arith.constant 768 : i32
      %dma_wait3A_33 = arith.constant 0 : i32
      %dma_wait3A_34 = tpu.memref_slice %arg7[%dma_wait3A, %dma_wait3A_33] : memref<1280x32xf32, #tpu.memory_space<vmem>> -> memref<128x32xf32, #tpu.memory_space<vmem>>
      %dma_wait3A_35 = arith.constant 0 : i32
      %dma_wait3A_36 = tpu.memref_slice %arg6[%run_scoped3A_12, %dma_wait3A_35] : memref<10x128xi32, #tpu.memory_space<vmem>> -> memref<1x128xi32, #tpu.memory_space<vmem>>
      %dma_wait3A_37 = tpu.memref_squeeze %dma_wait3A_36 : memref<1x128xi32, #tpu.memory_space<vmem>> -> memref<128xi32, #tpu.memory_space<vmem>>
      %dma_wait3A_38 = arith.constant 0 : i32
      %dma_wait3A_39 = arith.constant 0 : i32
      %dma_wait3A_40 = tpu.memref_slice %arg8[%dma_wait3A_38, %dma_wait3A_39] : memref<10240x32xf32, #tpu.memory_space<vmem_shared>> -> memref<10240x32xf32, #tpu.memory_space<vmem_shared>>
      tpu.wait_indirect_dma semaphore(%run_scoped3A_24 : memref<!tpu.dma_semaphore, #tpu.memory_space<semaphore_mem>>) src(%dma_wait3A_34 : memref<128x32xf32, #tpu.memory_space<vmem>>) dst(%dma_wait3A_40 : memref<10240x32xf32, #tpu.memory_space<vmem_shared>>)
      tpu.yield
    }) : () -> ()
    %run_scoped3A_13 = arith.constant 7 : i32
    "tpu.region"() ({
      %run_scoped3A_24 = tpu.sem_alloc : memref<!tpu.dma_semaphore, #tpu.memory_space<semaphore_mem>>
      %dma_start3A = arith.constant 896 : i32
      %dma_start3A_25 = arith.constant 0 : i32
      %dma_start3A_26 = tpu.memref_slice %arg7[%dma_start3A, %dma_start3A_25] : memref<1280x32xf32, #tpu.memory_space<vmem>> -> memref<128x32xf32, #tpu.memory_space<vmem>>
      %dma_start3A_27 = arith.constant 0 : i32
      %dma_start3A_28 = tpu.memref_slice %arg6[%run_scoped3A_13, %dma_start3A_27] : memref<10x128xi32, #tpu.memory_space<vmem>> -> memref<1x128xi32, #tpu.memory_space<vmem>>
      %dma_start3A_29 = tpu.memref_squeeze %dma_start3A_28 : memref<1x128xi32, #tpu.memory_space<vmem>> -> memref<128xi32, #tpu.memory_space<vmem>>
      %dma_start3A_30 = arith.constant 0 : i32
      %dma_start3A_31 = arith.constant 0 : i32
      %dma_start3A_32 = tpu.memref_slice %arg8[%dma_start3A_30, %dma_start3A_31] : memref<10240x32xf32, #tpu.memory_space<vmem_shared>> -> memref<10240x32xf32, #tpu.memory_space<vmem_shared>>
      tpu.enqueue_indirect_dma source(%dma_start3A_26 : memref<128x32xf32, #tpu.memory_space<vmem>>) target(%dma_start3A_32 : memref<10240x32xf32, #tpu.memory_space<vmem_shared>>) offsets(%dma_start3A_29 : memref<128xi32, #tpu.memory_space<vmem>>) semaphore(%run_scoped3A_24 : memref<!tpu.dma_semaphore, #tpu.memory_space<semaphore_mem>>) {add = true}
      %dma_wait3A = arith.constant 896 : i32
      %dma_wait3A_33 = arith.constant 0 : i32
      %dma_wait3A_34 = tpu.memref_slice %arg7[%dma_wait3A, %dma_wait3A_33] : memref<1280x32xf32, #tpu.memory_space<vmem>> -> memref<128x32xf32, #tpu.memory_space<vmem>>
      %dma_wait3A_35 = arith.constant 0 : i32
      %dma_wait3A_36 = tpu.memref_slice %arg6[%run_scoped3A_13, %dma_wait3A_35] : memref<10x128xi32, #tpu.memory_space<vmem>> -> memref<1x128xi32, #tpu.memory_space<vmem>>
      %dma_wait3A_37 = tpu.memref_squeeze %dma_wait3A_36 : memref<1x128xi32, #tpu.memory_space<vmem>> -> memref<128xi32, #tpu.memory_space<vmem>>
      %dma_wait3A_38 = arith.constant 0 : i32
      %dma_wait3A_39 = arith.constant 0 : i32
      %dma_wait3A_40 = tpu.memref_slice %arg8[%dma_wait3A_38, %dma_wait3A_39] : memref<10240x32xf32, #tpu.memory_space<vmem_shared>> -> memref<10240x32xf32, #tpu.memory_space<vmem_shared>>
      tpu.wait_indirect_dma semaphore(%run_scoped3A_24 : memref<!tpu.dma_semaphore, #tpu.memory_space<semaphore_mem>>) src(%dma_wait3A_34 : memref<128x32xf32, #tpu.memory_space<vmem>>) dst(%dma_wait3A_40 : memref<10240x32xf32, #tpu.memory_space<vmem_shared>>)
      tpu.yield
    }) : () -> ()
    %run_scoped3A_14 = arith.constant 8 : i32
    "tpu.region"() ({
      %run_scoped3A_24 = tpu.sem_alloc : memref<!tpu.dma_semaphore, #tpu.memory_space<semaphore_mem>>
      %dma_start3A = arith.constant 1024 : i32
      %dma_start3A_25 = arith.constant 0 : i32
      %dma_start3A_26 = tpu.memref_slice %arg7[%dma_start3A, %dma_start3A_25] : memref<1280x32xf32, #tpu.memory_space<vmem>> -> memref<128x32xf32, #tpu.memory_space<vmem>>
      %dma_start3A_27 = arith.constant 0 : i32
      %dma_start3A_28 = tpu.memref_slice %arg6[%run_scoped3A_14, %dma_start3A_27] : memref<10x128xi32, #tpu.memory_space<vmem>> -> memref<1x128xi32, #tpu.memory_space<vmem>>
      %dma_start3A_29 = tpu.memref_squeeze %dma_start3A_28 : memref<1x128xi32, #tpu.memory_space<vmem>> -> memref<128xi32, #tpu.memory_space<vmem>>
      %dma_start3A_30 = arith.constant 0 : i32
      %dma_start3A_31 = arith.constant 0 : i32
      %dma_start3A_32 = tpu.memref_slice %arg8[%dma_start3A_30, %dma_start3A_31] : memref<10240x32xf32, #tpu.memory_space<vmem_shared>> -> memref<10240x32xf32, #tpu.memory_space<vmem_shared>>
      tpu.enqueue_indirect_dma source(%dma_start3A_26 : memref<128x32xf32, #tpu.memory_space<vmem>>) target(%dma_start3A_32 : memref<10240x32xf32, #tpu.memory_space<vmem_shared>>) offsets(%dma_start3A_29 : memref<128xi32, #tpu.memory_space<vmem>>) semaphore(%run_scoped3A_24 : memref<!tpu.dma_semaphore, #tpu.memory_space<semaphore_mem>>) {add = true}
      %dma_wait3A = arith.constant 1024 : i32
      %dma_wait3A_33 = arith.constant 0 : i32
      %dma_wait3A_34 = tpu.memref_slice %arg7[%dma_wait3A, %dma_wait3A_33] : memref<1280x32xf32, #tpu.memory_space<vmem>> -> memref<128x32xf32, #tpu.memory_space<vmem>>
      %dma_wait3A_35 = arith.constant 0 : i32
      %dma_wait3A_36 = tpu.memref_slice %arg6[%run_scoped3A_14, %dma_wait3A_35] : memref<10x128xi32, #tpu.memory_space<vmem>> -> memref<1x128xi32, #tpu.memory_space<vmem>>
      %dma_wait3A_37 = tpu.memref_squeeze %dma_wait3A_36 : memref<1x128xi32, #tpu.memory_space<vmem>> -> memref<128xi32, #tpu.memory_space<vmem>>
      %dma_wait3A_38 = arith.constant 0 : i32
      %dma_wait3A_39 = arith.constant 0 : i32
      %dma_wait3A_40 = tpu.memref_slice %arg8[%dma_wait3A_38, %dma_wait3A_39] : memref<10240x32xf32, #tpu.memory_space<vmem_shared>> -> memref<10240x32xf32, #tpu.memory_space<vmem_shared>>
      tpu.wait_indirect_dma semaphore(%run_scoped3A_24 : memref<!tpu.dma_semaphore, #tpu.memory_space<semaphore_mem>>) src(%dma_wait3A_34 : memref<128x32xf32, #tpu.memory_space<vmem>>) dst(%dma_wait3A_40 : memref<10240x32xf32, #tpu.memory_space<vmem_shared>>)
      tpu.yield
    }) : () -> ()
    %run_scoped3A_15 = arith.constant 9 : i32
    "tpu.region"() ({
      %run_scoped3A_24 = tpu.sem_alloc : memref<!tpu.dma_semaphore, #tpu.memory_space<semaphore_mem>>
      %dma_start3A = arith.constant 1152 : i32
      %dma_start3A_25 = arith.constant 0 : i32
      %dma_start3A_26 = tpu.memref_slice %arg7[%dma_start3A, %dma_start3A_25] : memref<1280x32xf32, #tpu.memory_space<vmem>> -> memref<128x32xf32, #tpu.memory_space<vmem>>
      %dma_start3A_27 = arith.constant 0 : i32
      %dma_start3A_28 = tpu.memref_slice %arg6[%run_scoped3A_15, %dma_start3A_27] : memref<10x128xi32, #tpu.memory_space<vmem>> -> memref<1x128xi32, #tpu.memory_space<vmem>>
      %dma_start3A_29 = tpu.memref_squeeze %dma_start3A_28 : memref<1x128xi32, #tpu.memory_space<vmem>> -> memref<128xi32, #tpu.memory_space<vmem>>
      %dma_start3A_30 = arith.constant 0 : i32
      %dma_start3A_31 = arith.constant 0 : i32
      %dma_start3A_32 = tpu.memref_slice %arg8[%dma_start3A_30, %dma_start3A_31] : memref<10240x32xf32, #tpu.memory_space<vmem_shared>> -> memref<10240x32xf32, #tpu.memory_space<vmem_shared>>
      tpu.enqueue_indirect_dma source(%dma_start3A_26 : memref<128x32xf32, #tpu.memory_space<vmem>>) target(%dma_start3A_32 : memref<10240x32xf32, #tpu.memory_space<vmem_shared>>) offsets(%dma_start3A_29 : memref<128xi32, #tpu.memory_space<vmem>>) semaphore(%run_scoped3A_24 : memref<!tpu.dma_semaphore, #tpu.memory_space<semaphore_mem>>) {add = true}
      %dma_wait3A = arith.constant 1152 : i32
      %dma_wait3A_33 = arith.constant 0 : i32
      %dma_wait3A_34 = tpu.memref_slice %arg7[%dma_wait3A, %dma_wait3A_33] : memref<1280x32xf32, #tpu.memory_space<vmem>> -> memref<128x32xf32, #tpu.memory_space<vmem>>
      %dma_wait3A_35 = arith.constant 0 : i32
      %dma_wait3A_36 = tpu.memref_slice %arg6[%run_scoped3A_15, %dma_wait3A_35] : memref<10x128xi32, #tpu.memory_space<vmem>> -> memref<1x128xi32, #tpu.memory_space<vmem>>
      %dma_wait3A_37 = tpu.memref_squeeze %dma_wait3A_36 : memref<1x128xi32, #tpu.memory_space<vmem>> -> memref<128xi32, #tpu.memory_space<vmem>>
      %dma_wait3A_38 = arith.constant 0 : i32
      %dma_wait3A_39 = arith.constant 0 : i32
      %dma_wait3A_40 = tpu.memref_slice %arg8[%dma_wait3A_38, %dma_wait3A_39] : memref<10240x32xf32, #tpu.memory_space<vmem_shared>> -> memref<10240x32xf32, #tpu.memory_space<vmem_shared>>
      tpu.wait_indirect_dma semaphore(%run_scoped3A_24 : memref<!tpu.dma_semaphore, #tpu.memory_space<semaphore_mem>>) src(%dma_wait3A_34 : memref<128x32xf32, #tpu.memory_space<vmem>>) dst(%dma_wait3A_40 : memref<10240x32xf32, #tpu.memory_space<vmem_shared>>)
      tpu.yield
    }) : () -> ()
    %barrier3A_16 = arith.constant 0 : index
    tpu.barrier barrier_id(%barrier3A_16)
    %mul3A_17 = arith.constant 640 : i32
    %mul3A_18 = arith.muli %arg1, %mul3A_17 : i32
    %mul3A_19 = arith.constant 10240 : i32
    %mul3A_20 = arith.muli %arg0, %mul3A_19 : i32
    %mul3A_21 = arith.constant 640 : i32
    %mul3A_22 = arith.muli %arg1, %mul3A_21 : i32
    %add3A_23 = arith.addi %mul3A_20, %mul3A_22 : i32
    "tpu.region"() ({
      %run_scoped3A_24 = tpu.sem_alloc : memref<!tpu.dma_semaphore, #tpu.memory_space<semaphore_mem>>
      %dma_start3A = arith.constant 0 : i32
      %dma_start3A_25 = tpu.memref_slice %arg5[%add3A_23, %dma_start3A] : memref<20480x32xf32, #tpu.memory_space<hbm>> -> memref<640x32xf32, #tpu.memory_space<hbm>>
      %dma_start3A_26 = arith.constant 0 : i32
      %dma_start3A_27 = tpu.memref_slice %arg8[%mul3A_18, %dma_start3A_26] : memref<10240x32xf32, #tpu.memory_space<vmem_shared>> -> memref<640x32xf32, #tpu.memory_space<vmem_shared>>
      tpu.enqueue_dma source(%dma_start3A_27 : memref<640x32xf32, #tpu.memory_space<vmem_shared>>) target(%dma_start3A_25 : memref<640x32xf32, #tpu.memory_space<hbm>>) target_semaphore(%run_scoped3A_24 : memref<!tpu.dma_semaphore, #tpu.memory_space<semaphore_mem>>)
      %dma_wait3A = arith.constant 0 : i32
      %dma_wait3A_28 = tpu.memref_slice %arg5[%add3A_23, %dma_wait3A] : memref<20480x32xf32, #tpu.memory_space<hbm>> -> memref<640x32xf32, #tpu.memory_space<hbm>>
      %dma_wait3A_29 = arith.constant 0 : i32
      %dma_wait3A_30 = tpu.memref_slice %arg8[%mul3A_18, %dma_wait3A_29] : memref<10240x32xf32, #tpu.memory_space<vmem_shared>> -> memref<640x32xf32, #tpu.memory_space<vmem_shared>>
      tpu.wait_dma2 semaphore(%run_scoped3A_24 : memref<!tpu.dma_semaphore, #tpu.memory_space<semaphore_mem>>) src(%dma_wait3A_30 : memref<640x32xf32, #tpu.memory_space<vmem_shared>>) dst(%dma_wait3A_28 : memref<640x32xf32, #tpu.memory_space<hbm>>)
      tpu.yield
    }) : () -> ()
    return
  }
}

#map = affine_map<(d0, d1) -> (0, 0)>
#map1 = affine_map<(d0, d1) -> (0, 0, 0)>
module attributes {stable_mosaic.version = 14 : i64} {
  func.func @k(%arg0: i32, %arg1: i32, %arg2: memref<10240x16xf32, #tpu.memory_space<hbm>>, %arg3: memref<32x10x128xi32, #tpu.memory_space<hbm>>, %arg4: memref<40960x16xf32, #tpu.memory_space<hbm>>, %arg5: memref<10x128xi32, #tpu.memory_space<vmem>>, %arg6: memref<1280x16xf32, #tpu.memory_space<vmem>>, %arg7: memref<!tpu.dma_semaphore, #tpu.memory_space<semaphore_mem>>) attributes {dimension_semantics = [#tpu.dimension_semantics<core_parallel>, #tpu.dimension_semantics<subcore_parallel>], iteration_bounds = array<i64: 2, 16>, scalar_prefetch = 0 : i64, scratch_operands = 3 : i64, tpu.core_type = #tpu.core_type<sc_vector_subcore>, window_params = [{transform_indices = #map}, {transform_indices = #map1}, {transform_indices = #map}]} {
    %mul3A = arith.constant 16 : i32
    %mul3A_0 = arith.muli %arg0, %mul3A : i32
    %add3A = arith.addi %mul3A_0, %arg1 : i32
    "tpu.region"() ({
      %run_scoped3A = tpu.sem_alloc : memref<!tpu.dma_semaphore, #tpu.memory_space<semaphore_mem>>
      %dma_start3A_201 = arith.constant 0 : i32
      %dma_start3A_202 = arith.constant 0 : i32
      %dma_start3A_203 = tpu.memref_slice %arg3[%add3A, %dma_start3A_201, %dma_start3A_202] : memref<32x10x128xi32, #tpu.memory_space<hbm>> -> memref<1x10x128xi32, #tpu.memory_space<hbm>>
      %dma_start3A_204 = tpu.memref_squeeze %dma_start3A_203 : memref<1x10x128xi32, #tpu.memory_space<hbm>> -> memref<10x128xi32, #tpu.memory_space<hbm>>
      %dma_start3A_205 = arith.constant 0 : i32
      %dma_start3A_206 = arith.constant 0 : i32
      %dma_start3A_207 = tpu.memref_slice %arg3[%add3A, %dma_start3A_205, %dma_start3A_206] : memref<32x10x128xi32, #tpu.memory_space<hbm>> -> memref<1x10x128xi32, #tpu.memory_space<hbm>>
      %dma_start3A_208 = tpu.memref_squeeze %dma_start3A_207 : memref<1x10x128xi32, #tpu.memory_space<hbm>> -> memref<10x128xi32, #tpu.memory_space<hbm>>
      tpu.enqueue_dma source(%dma_start3A_208 : memref<10x128xi32, #tpu.memory_space<hbm>>) target(%arg5 : memref<10x128xi32, #tpu.memory_space<vmem>>) target_semaphore(%run_scoped3A : memref<!tpu.dma_semaphore, #tpu.memory_space<semaphore_mem>>)
      %dma_wait3A_209 = arith.constant 0 : i32
      %dma_wait3A_210 = arith.constant 0 : i32
      %dma_wait3A_211 = tpu.memref_slice %arg3[%add3A, %dma_wait3A_209, %dma_wait3A_210] : memref<32x10x128xi32, #tpu.memory_space<hbm>> -> memref<1x10x128xi32, #tpu.memory_space<hbm>>
      %dma_wait3A_212 = tpu.memref_squeeze %dma_wait3A_211 : memref<1x10x128xi32, #tpu.memory_space<hbm>> -> memref<10x128xi32, #tpu.memory_space<hbm>>
      %dma_wait3A_213 = arith.constant 0 : i32
      %dma_wait3A_214 = arith.constant 0 : i32
      %dma_wait3A_215 = tpu.memref_slice %arg3[%add3A, %dma_wait3A_213, %dma_wait3A_214] : memref<32x10x128xi32, #tpu.memory_space<hbm>> -> memref<1x10x128xi32, #tpu.memory_space<hbm>>
      %dma_wait3A_216 = tpu.memref_squeeze %dma_wait3A_215 : memref<1x10x128xi32, #tpu.memory_space<hbm>> -> memref<10x128xi32, #tpu.memory_space<hbm>>
      tpu.wait_dma2 semaphore(%run_scoped3A : memref<!tpu.dma_semaphore, #tpu.memory_space<semaphore_mem>>) src(%dma_wait3A_216 : memref<10x128xi32, #tpu.memory_space<hbm>>) dst(%arg5 : memref<10x128xi32, #tpu.memory_space<vmem>>)
      tpu.yield
    }) : () -> ()
    %dma_start3A = arith.constant 0 : i32
    %dma_start3A_1 = arith.constant 0 : i32
    %dma_start3A_2 = arith.constant 0 : i32
    %dma_start3A_3 = tpu.memref_slice %arg6[%dma_start3A_1, %dma_start3A_2] : memref<1280x16xf32, #tpu.memory_space<vmem>> -> memref<128x16xf32, #tpu.memory_space<vmem>>
    %dma_start3A_4 = arith.constant 0 : i32
    %dma_start3A_5 = tpu.memref_slice %arg5[%dma_start3A, %dma_start3A_4] : memref<10x128xi32, #tpu.memory_space<vmem>> -> memref<1x128xi32, #tpu.memory_space<vmem>>
    %dma_start3A_6 = tpu.memref_squeeze %dma_start3A_5 : memref<1x128xi32, #tpu.memory_space<vmem>> -> memref<128xi32, #tpu.memory_space<vmem>>
    %dma_start3A_7 = arith.constant 0 : i32
    %dma_start3A_8 = arith.constant 0 : i32
    %dma_start3A_9 = tpu.memref_slice %arg2[%dma_start3A_7, %dma_start3A_8] : memref<10240x16xf32, #tpu.memory_space<hbm>> -> memref<10240x16xf32, #tpu.memory_space<hbm>>
    tpu.enqueue_indirect_dma source(%dma_start3A_9 : memref<10240x16xf32, #tpu.memory_space<hbm>>) target(%dma_start3A_3 : memref<128x16xf32, #tpu.memory_space<vmem>>) offsets(%dma_start3A_6 : memref<128xi32, #tpu.memory_space<vmem>>) semaphore(%arg7 : memref<!tpu.dma_semaphore, #tpu.memory_space<semaphore_mem>>)
    %dma_start3A_10 = arith.constant 1 : i32
    %dma_start3A_11 = arith.constant 128 : i32
    %dma_start3A_12 = arith.constant 0 : i32
    %dma_start3A_13 = tpu.memref_slice %arg6[%dma_start3A_11, %dma_start3A_12] : memref<1280x16xf32, #tpu.memory_space<vmem>> -> memref<128x16xf32, #tpu.memory_space<vmem>>
    %dma_start3A_14 = arith.constant 0 : i32
    %dma_start3A_15 = tpu.memref_slice %arg5[%dma_start3A_10, %dma_start3A_14] : memref<10x128xi32, #tpu.memory_space<vmem>> -> memref<1x128xi32, #tpu.memory_space<vmem>>
    %dma_start3A_16 = tpu.memref_squeeze %dma_start3A_15 : memref<1x128xi32, #tpu.memory_space<vmem>> -> memref<128xi32, #tpu.memory_space<vmem>>
    %dma_start3A_17 = arith.constant 0 : i32
    %dma_start3A_18 = arith.constant 0 : i32
    %dma_start3A_19 = tpu.memref_slice %arg2[%dma_start3A_17, %dma_start3A_18] : memref<10240x16xf32, #tpu.memory_space<hbm>> -> memref<10240x16xf32, #tpu.memory_space<hbm>>
    tpu.enqueue_indirect_dma source(%dma_start3A_19 : memref<10240x16xf32, #tpu.memory_space<hbm>>) target(%dma_start3A_13 : memref<128x16xf32, #tpu.memory_space<vmem>>) offsets(%dma_start3A_16 : memref<128xi32, #tpu.memory_space<vmem>>) semaphore(%arg7 : memref<!tpu.dma_semaphore, #tpu.memory_space<semaphore_mem>>)
    %dma_start3A_20 = arith.constant 2 : i32
    %dma_start3A_21 = arith.constant 256 : i32
    %dma_start3A_22 = arith.constant 0 : i32
    %dma_start3A_23 = tpu.memref_slice %arg6[%dma_start3A_21, %dma_start3A_22] : memref<1280x16xf32, #tpu.memory_space<vmem>> -> memref<128x16xf32, #tpu.memory_space<vmem>>
    %dma_start3A_24 = arith.constant 0 : i32
    %dma_start3A_25 = tpu.memref_slice %arg5[%dma_start3A_20, %dma_start3A_24] : memref<10x128xi32, #tpu.memory_space<vmem>> -> memref<1x128xi32, #tpu.memory_space<vmem>>
    %dma_start3A_26 = tpu.memref_squeeze %dma_start3A_25 : memref<1x128xi32, #tpu.memory_space<vmem>> -> memref<128xi32, #tpu.memory_space<vmem>>
    %dma_start3A_27 = arith.constant 0 : i32
    %dma_start3A_28 = arith.constant 0 : i32
    %dma_start3A_29 = tpu.memref_slice %arg2[%dma_start3A_27, %dma_start3A_28] : memref<10240x16xf32, #tpu.memory_space<hbm>> -> memref<10240x16xf32, #tpu.memory_space<hbm>>
    tpu.enqueue_indirect_dma source(%dma_start3A_29 : memref<10240x16xf32, #tpu.memory_space<hbm>>) target(%dma_start3A_23 : memref<128x16xf32, #tpu.memory_space<vmem>>) offsets(%dma_start3A_26 : memref<128xi32, #tpu.memory_space<vmem>>) semaphore(%arg7 : memref<!tpu.dma_semaphore, #tpu.memory_space<semaphore_mem>>)
    %dma_start3A_30 = arith.constant 3 : i32
    %dma_start3A_31 = arith.constant 384 : i32
    %dma_start3A_32 = arith.constant 0 : i32
    %dma_start3A_33 = tpu.memref_slice %arg6[%dma_start3A_31, %dma_start3A_32] : memref<1280x16xf32, #tpu.memory_space<vmem>> -> memref<128x16xf32, #tpu.memory_space<vmem>>
    %dma_start3A_34 = arith.constant 0 : i32
    %dma_start3A_35 = tpu.memref_slice %arg5[%dma_start3A_30, %dma_start3A_34] : memref<10x128xi32, #tpu.memory_space<vmem>> -> memref<1x128xi32, #tpu.memory_space<vmem>>
    %dma_start3A_36 = tpu.memref_squeeze %dma_start3A_35 : memref<1x128xi32, #tpu.memory_space<vmem>> -> memref<128xi32, #tpu.memory_space<vmem>>
    %dma_start3A_37 = arith.constant 0 : i32
    %dma_start3A_38 = arith.constant 0 : i32
    %dma_start3A_39 = tpu.memref_slice %arg2[%dma_start3A_37, %dma_start3A_38] : memref<10240x16xf32, #tpu.memory_space<hbm>> -> memref<10240x16xf32, #tpu.memory_space<hbm>>
    tpu.enqueue_indirect_dma source(%dma_start3A_39 : memref<10240x16xf32, #tpu.memory_space<hbm>>) target(%dma_start3A_33 : memref<128x16xf32, #tpu.memory_space<vmem>>) offsets(%dma_start3A_36 : memref<128xi32, #tpu.memory_space<vmem>>) semaphore(%arg7 : memref<!tpu.dma_semaphore, #tpu.memory_space<semaphore_mem>>)
    %dma_start3A_40 = arith.constant 4 : i32
    %dma_start3A_41 = arith.constant 512 : i32
    %dma_start3A_42 = arith.constant 0 : i32
    %dma_start3A_43 = tpu.memref_slice %arg6[%dma_start3A_41, %dma_start3A_42] : memref<1280x16xf32, #tpu.memory_space<vmem>> -> memref<128x16xf32, #tpu.memory_space<vmem>>
    %dma_start3A_44 = arith.constant 0 : i32
    %dma_start3A_45 = tpu.memref_slice %arg5[%dma_start3A_40, %dma_start3A_44] : memref<10x128xi32, #tpu.memory_space<vmem>> -> memref<1x128xi32, #tpu.memory_space<vmem>>
    %dma_start3A_46 = tpu.memref_squeeze %dma_start3A_45 : memref<1x128xi32, #tpu.memory_space<vmem>> -> memref<128xi32, #tpu.memory_space<vmem>>
    %dma_start3A_47 = arith.constant 0 : i32
    %dma_start3A_48 = arith.constant 0 : i32
    %dma_start3A_49 = tpu.memref_slice %arg2[%dma_start3A_47, %dma_start3A_48] : memref<10240x16xf32, #tpu.memory_space<hbm>> -> memref<10240x16xf32, #tpu.memory_space<hbm>>
    tpu.enqueue_indirect_dma source(%dma_start3A_49 : memref<10240x16xf32, #tpu.memory_space<hbm>>) target(%dma_start3A_43 : memref<128x16xf32, #tpu.memory_space<vmem>>) offsets(%dma_start3A_46 : memref<128xi32, #tpu.memory_space<vmem>>) semaphore(%arg7 : memref<!tpu.dma_semaphore, #tpu.memory_space<semaphore_mem>>)
    %dma_start3A_50 = arith.constant 5 : i32
    %dma_start3A_51 = arith.constant 640 : i32
    %dma_start3A_52 = arith.constant 0 : i32
    %dma_start3A_53 = tpu.memref_slice %arg6[%dma_start3A_51, %dma_start3A_52] : memref<1280x16xf32, #tpu.memory_space<vmem>> -> memref<128x16xf32, #tpu.memory_space<vmem>>
    %dma_start3A_54 = arith.constant 0 : i32
    %dma_start3A_55 = tpu.memref_slice %arg5[%dma_start3A_50, %dma_start3A_54] : memref<10x128xi32, #tpu.memory_space<vmem>> -> memref<1x128xi32, #tpu.memory_space<vmem>>
    %dma_start3A_56 = tpu.memref_squeeze %dma_start3A_55 : memref<1x128xi32, #tpu.memory_space<vmem>> -> memref<128xi32, #tpu.memory_space<vmem>>
    %dma_start3A_57 = arith.constant 0 : i32
    %dma_start3A_58 = arith.constant 0 : i32
    %dma_start3A_59 = tpu.memref_slice %arg2[%dma_start3A_57, %dma_start3A_58] : memref<10240x16xf32, #tpu.memory_space<hbm>> -> memref<10240x16xf32, #tpu.memory_space<hbm>>
    tpu.enqueue_indirect_dma source(%dma_start3A_59 : memref<10240x16xf32, #tpu.memory_space<hbm>>) target(%dma_start3A_53 : memref<128x16xf32, #tpu.memory_space<vmem>>) offsets(%dma_start3A_56 : memref<128xi32, #tpu.memory_space<vmem>>) semaphore(%arg7 : memref<!tpu.dma_semaphore, #tpu.memory_space<semaphore_mem>>)
    %dma_start3A_60 = arith.constant 6 : i32
    %dma_start3A_61 = arith.constant 768 : i32
    %dma_start3A_62 = arith.constant 0 : i32
    %dma_start3A_63 = tpu.memref_slice %arg6[%dma_start3A_61, %dma_start3A_62] : memref<1280x16xf32, #tpu.memory_space<vmem>> -> memref<128x16xf32, #tpu.memory_space<vmem>>
    %dma_start3A_64 = arith.constant 0 : i32
    %dma_start3A_65 = tpu.memref_slice %arg5[%dma_start3A_60, %dma_start3A_64] : memref<10x128xi32, #tpu.memory_space<vmem>> -> memref<1x128xi32, #tpu.memory_space<vmem>>
    %dma_start3A_66 = tpu.memref_squeeze %dma_start3A_65 : memref<1x128xi32, #tpu.memory_space<vmem>> -> memref<128xi32, #tpu.memory_space<vmem>>
    %dma_start3A_67 = arith.constant 0 : i32
    %dma_start3A_68 = arith.constant 0 : i32
    %dma_start3A_69 = tpu.memref_slice %arg2[%dma_start3A_67, %dma_start3A_68] : memref<10240x16xf32, #tpu.memory_space<hbm>> -> memref<10240x16xf32, #tpu.memory_space<hbm>>
    tpu.enqueue_indirect_dma source(%dma_start3A_69 : memref<10240x16xf32, #tpu.memory_space<hbm>>) target(%dma_start3A_63 : memref<128x16xf32, #tpu.memory_space<vmem>>) offsets(%dma_start3A_66 : memref<128xi32, #tpu.memory_space<vmem>>) semaphore(%arg7 : memref<!tpu.dma_semaphore, #tpu.memory_space<semaphore_mem>>)
    %dma_start3A_70 = arith.constant 7 : i32
    %dma_start3A_71 = arith.constant 896 : i32
    %dma_start3A_72 = arith.constant 0 : i32
    %dma_start3A_73 = tpu.memref_slice %arg6[%dma_start3A_71, %dma_start3A_72] : memref<1280x16xf32, #tpu.memory_space<vmem>> -> memref<128x16xf32, #tpu.memory_space<vmem>>
    %dma_start3A_74 = arith.constant 0 : i32
    %dma_start3A_75 = tpu.memref_slice %arg5[%dma_start3A_70, %dma_start3A_74] : memref<10x128xi32, #tpu.memory_space<vmem>> -> memref<1x128xi32, #tpu.memory_space<vmem>>
    %dma_start3A_76 = tpu.memref_squeeze %dma_start3A_75 : memref<1x128xi32, #tpu.memory_space<vmem>> -> memref<128xi32, #tpu.memory_space<vmem>>
    %dma_start3A_77 = arith.constant 0 : i32
    %dma_start3A_78 = arith.constant 0 : i32
    %dma_start3A_79 = tpu.memref_slice %arg2[%dma_start3A_77, %dma_start3A_78] : memref<10240x16xf32, #tpu.memory_space<hbm>> -> memref<10240x16xf32, #tpu.memory_space<hbm>>
    tpu.enqueue_indirect_dma source(%dma_start3A_79 : memref<10240x16xf32, #tpu.memory_space<hbm>>) target(%dma_start3A_73 : memref<128x16xf32, #tpu.memory_space<vmem>>) offsets(%dma_start3A_76 : memref<128xi32, #tpu.memory_space<vmem>>) semaphore(%arg7 : memref<!tpu.dma_semaphore, #tpu.memory_space<semaphore_mem>>)
    %dma_start3A_80 = arith.constant 8 : i32
    %dma_start3A_81 = arith.constant 1024 : i32
    %dma_start3A_82 = arith.constant 0 : i32
    %dma_start3A_83 = tpu.memref_slice %arg6[%dma_start3A_81, %dma_start3A_82] : memref<1280x16xf32, #tpu.memory_space<vmem>> -> memref<128x16xf32, #tpu.memory_space<vmem>>
    %dma_start3A_84 = arith.constant 0 : i32
    %dma_start3A_85 = tpu.memref_slice %arg5[%dma_start3A_80, %dma_start3A_84] : memref<10x128xi32, #tpu.memory_space<vmem>> -> memref<1x128xi32, #tpu.memory_space<vmem>>
    %dma_start3A_86 = tpu.memref_squeeze %dma_start3A_85 : memref<1x128xi32, #tpu.memory_space<vmem>> -> memref<128xi32, #tpu.memory_space<vmem>>
    %dma_start3A_87 = arith.constant 0 : i32
    %dma_start3A_88 = arith.constant 0 : i32
    %dma_start3A_89 = tpu.memref_slice %arg2[%dma_start3A_87, %dma_start3A_88] : memref<10240x16xf32, #tpu.memory_space<hbm>> -> memref<10240x16xf32, #tpu.memory_space<hbm>>
    tpu.enqueue_indirect_dma source(%dma_start3A_89 : memref<10240x16xf32, #tpu.memory_space<hbm>>) target(%dma_start3A_83 : memref<128x16xf32, #tpu.memory_space<vmem>>) offsets(%dma_start3A_86 : memref<128xi32, #tpu.memory_space<vmem>>) semaphore(%arg7 : memref<!tpu.dma_semaphore, #tpu.memory_space<semaphore_mem>>)
    %dma_start3A_90 = arith.constant 9 : i32
    %dma_start3A_91 = arith.constant 1152 : i32
    %dma_start3A_92 = arith.constant 0 : i32
    %dma_start3A_93 = tpu.memref_slice %arg6[%dma_start3A_91, %dma_start3A_92] : memref<1280x16xf32, #tpu.memory_space<vmem>> -> memref<128x16xf32, #tpu.memory_space<vmem>>
    %dma_start3A_94 = arith.constant 0 : i32
    %dma_start3A_95 = tpu.memref_slice %arg5[%dma_start3A_90, %dma_start3A_94] : memref<10x128xi32, #tpu.memory_space<vmem>> -> memref<1x128xi32, #tpu.memory_space<vmem>>
    %dma_start3A_96 = tpu.memref_squeeze %dma_start3A_95 : memref<1x128xi32, #tpu.memory_space<vmem>> -> memref<128xi32, #tpu.memory_space<vmem>>
    %dma_start3A_97 = arith.constant 0 : i32
    %dma_start3A_98 = arith.constant 0 : i32
    %dma_start3A_99 = tpu.memref_slice %arg2[%dma_start3A_97, %dma_start3A_98] : memref<10240x16xf32, #tpu.memory_space<hbm>> -> memref<10240x16xf32, #tpu.memory_space<hbm>>
    tpu.enqueue_indirect_dma source(%dma_start3A_99 : memref<10240x16xf32, #tpu.memory_space<hbm>>) target(%dma_start3A_93 : memref<128x16xf32, #tpu.memory_space<vmem>>) offsets(%dma_start3A_96 : memref<128xi32, #tpu.memory_space<vmem>>) semaphore(%arg7 : memref<!tpu.dma_semaphore, #tpu.memory_space<semaphore_mem>>)
    %dma_wait3A = arith.constant 0 : i32
    %dma_wait3A_100 = arith.constant 0 : i32
    %dma_wait3A_101 = arith.constant 0 : i32
    %dma_wait3A_102 = tpu.memref_slice %arg6[%dma_wait3A_100, %dma_wait3A_101] : memref<1280x16xf32, #tpu.memory_space<vmem>> -> memref<128x16xf32, #tpu.memory_space<vmem>>
    %dma_wait3A_103 = arith.constant 0 : i32
    %dma_wait3A_104 = tpu.memref_slice %arg5[%dma_wait3A, %dma_wait3A_103] : memref<10x128xi32, #tpu.memory_space<vmem>> -> memref<1x128xi32, #tpu.memory_space<vmem>>
    %dma_wait3A_105 = tpu.memref_squeeze %dma_wait3A_104 : memref<1x128xi32, #tpu.memory_space<vmem>> -> memref<128xi32, #tpu.memory_space<vmem>>
    %dma_wait3A_106 = arith.constant 0 : i32
    %dma_wait3A_107 = arith.constant 0 : i32
    %dma_wait3A_108 = tpu.memref_slice %arg2[%dma_wait3A_106, %dma_wait3A_107] : memref<10240x16xf32, #tpu.memory_space<hbm>> -> memref<10240x16xf32, #tpu.memory_space<hbm>>
    tpu.wait_indirect_dma semaphore(%arg7 : memref<!tpu.dma_semaphore, #tpu.memory_space<semaphore_mem>>) src(%dma_wait3A_108 : memref<10240x16xf32, #tpu.memory_space<hbm>>) dst(%dma_wait3A_102 : memref<128x16xf32, #tpu.memory_space<vmem>>)
    %dma_wait3A_109 = arith.constant 1 : i32
    %dma_wait3A_110 = arith.constant 128 : i32
    %dma_wait3A_111 = arith.constant 0 : i32
    %dma_wait3A_112 = tpu.memref_slice %arg6[%dma_wait3A_110, %dma_wait3A_111] : memref<1280x16xf32, #tpu.memory_space<vmem>> -> memref<128x16xf32, #tpu.memory_space<vmem>>
    %dma_wait3A_113 = arith.constant 0 : i32
    %dma_wait3A_114 = tpu.memref_slice %arg5[%dma_wait3A_109, %dma_wait3A_113] : memref<10x128xi32, #tpu.memory_space<vmem>> -> memref<1x128xi32, #tpu.memory_space<vmem>>
    %dma_wait3A_115 = tpu.memref_squeeze %dma_wait3A_114 : memref<1x128xi32, #tpu.memory_space<vmem>> -> memref<128xi32, #tpu.memory_space<vmem>>
    %dma_wait3A_116 = arith.constant 0 : i32
    %dma_wait3A_117 = arith.constant 0 : i32
    %dma_wait3A_118 = tpu.memref_slice %arg2[%dma_wait3A_116, %dma_wait3A_117] : memref<10240x16xf32, #tpu.memory_space<hbm>> -> memref<10240x16xf32, #tpu.memory_space<hbm>>
    tpu.wait_indirect_dma semaphore(%arg7 : memref<!tpu.dma_semaphore, #tpu.memory_space<semaphore_mem>>) src(%dma_wait3A_118 : memref<10240x16xf32, #tpu.memory_space<hbm>>) dst(%dma_wait3A_112 : memref<128x16xf32, #tpu.memory_space<vmem>>)
    %dma_wait3A_119 = arith.constant 2 : i32
    %dma_wait3A_120 = arith.constant 256 : i32
    %dma_wait3A_121 = arith.constant 0 : i32
    %dma_wait3A_122 = tpu.memref_slice %arg6[%dma_wait3A_120, %dma_wait3A_121] : memref<1280x16xf32, #tpu.memory_space<vmem>> -> memref<128x16xf32, #tpu.memory_space<vmem>>
    %dma_wait3A_123 = arith.constant 0 : i32
    %dma_wait3A_124 = tpu.memref_slice %arg5[%dma_wait3A_119, %dma_wait3A_123] : memref<10x128xi32, #tpu.memory_space<vmem>> -> memref<1x128xi32, #tpu.memory_space<vmem>>
    %dma_wait3A_125 = tpu.memref_squeeze %dma_wait3A_124 : memref<1x128xi32, #tpu.memory_space<vmem>> -> memref<128xi32, #tpu.memory_space<vmem>>
    %dma_wait3A_126 = arith.constant 0 : i32
    %dma_wait3A_127 = arith.constant 0 : i32
    %dma_wait3A_128 = tpu.memref_slice %arg2[%dma_wait3A_126, %dma_wait3A_127] : memref<10240x16xf32, #tpu.memory_space<hbm>> -> memref<10240x16xf32, #tpu.memory_space<hbm>>
    tpu.wait_indirect_dma semaphore(%arg7 : memref<!tpu.dma_semaphore, #tpu.memory_space<semaphore_mem>>) src(%dma_wait3A_128 : memref<10240x16xf32, #tpu.memory_space<hbm>>) dst(%dma_wait3A_122 : memref<128x16xf32, #tpu.memory_space<vmem>>)
    %dma_wait3A_129 = arith.constant 3 : i32
    %dma_wait3A_130 = arith.constant 384 : i32
    %dma_wait3A_131 = arith.constant 0 : i32
    %dma_wait3A_132 = tpu.memref_slice %arg6[%dma_wait3A_130, %dma_wait3A_131] : memref<1280x16xf32, #tpu.memory_space<vmem>> -> memref<128x16xf32, #tpu.memory_space<vmem>>
    %dma_wait3A_133 = arith.constant 0 : i32
    %dma_wait3A_134 = tpu.memref_slice %arg5[%dma_wait3A_129, %dma_wait3A_133] : memref<10x128xi32, #tpu.memory_space<vmem>> -> memref<1x128xi32, #tpu.memory_space<vmem>>
    %dma_wait3A_135 = tpu.memref_squeeze %dma_wait3A_134 : memref<1x128xi32, #tpu.memory_space<vmem>> -> memref<128xi32, #tpu.memory_space<vmem>>
    %dma_wait3A_136 = arith.constant 0 : i32
    %dma_wait3A_137 = arith.constant 0 : i32
    %dma_wait3A_138 = tpu.memref_slice %arg2[%dma_wait3A_136, %dma_wait3A_137] : memref<10240x16xf32, #tpu.memory_space<hbm>> -> memref<10240x16xf32, #tpu.memory_space<hbm>>
    tpu.wait_indirect_dma semaphore(%arg7 : memref<!tpu.dma_semaphore, #tpu.memory_space<semaphore_mem>>) src(%dma_wait3A_138 : memref<10240x16xf32, #tpu.memory_space<hbm>>) dst(%dma_wait3A_132 : memref<128x16xf32, #tpu.memory_space<vmem>>)
    %dma_wait3A_139 = arith.constant 4 : i32
    %dma_wait3A_140 = arith.constant 512 : i32
    %dma_wait3A_141 = arith.constant 0 : i32
    %dma_wait3A_142 = tpu.memref_slice %arg6[%dma_wait3A_140, %dma_wait3A_141] : memref<1280x16xf32, #tpu.memory_space<vmem>> -> memref<128x16xf32, #tpu.memory_space<vmem>>
    %dma_wait3A_143 = arith.constant 0 : i32
    %dma_wait3A_144 = tpu.memref_slice %arg5[%dma_wait3A_139, %dma_wait3A_143] : memref<10x128xi32, #tpu.memory_space<vmem>> -> memref<1x128xi32, #tpu.memory_space<vmem>>
    %dma_wait3A_145 = tpu.memref_squeeze %dma_wait3A_144 : memref<1x128xi32, #tpu.memory_space<vmem>> -> memref<128xi32, #tpu.memory_space<vmem>>
    %dma_wait3A_146 = arith.constant 0 : i32
    %dma_wait3A_147 = arith.constant 0 : i32
    %dma_wait3A_148 = tpu.memref_slice %arg2[%dma_wait3A_146, %dma_wait3A_147] : memref<10240x16xf32, #tpu.memory_space<hbm>> -> memref<10240x16xf32, #tpu.memory_space<hbm>>
    tpu.wait_indirect_dma semaphore(%arg7 : memref<!tpu.dma_semaphore, #tpu.memory_space<semaphore_mem>>) src(%dma_wait3A_148 : memref<10240x16xf32, #tpu.memory_space<hbm>>) dst(%dma_wait3A_142 : memref<128x16xf32, #tpu.memory_space<vmem>>)
    %dma_wait3A_149 = arith.constant 5 : i32
    %dma_wait3A_150 = arith.constant 640 : i32
    %dma_wait3A_151 = arith.constant 0 : i32
    %dma_wait3A_152 = tpu.memref_slice %arg6[%dma_wait3A_150, %dma_wait3A_151] : memref<1280x16xf32, #tpu.memory_space<vmem>> -> memref<128x16xf32, #tpu.memory_space<vmem>>
    %dma_wait3A_153 = arith.constant 0 : i32
    %dma_wait3A_154 = tpu.memref_slice %arg5[%dma_wait3A_149, %dma_wait3A_153] : memref<10x128xi32, #tpu.memory_space<vmem>> -> memref<1x128xi32, #tpu.memory_space<vmem>>
    %dma_wait3A_155 = tpu.memref_squeeze %dma_wait3A_154 : memref<1x128xi32, #tpu.memory_space<vmem>> -> memref<128xi32, #tpu.memory_space<vmem>>
    %dma_wait3A_156 = arith.constant 0 : i32
    %dma_wait3A_157 = arith.constant 0 : i32
    %dma_wait3A_158 = tpu.memref_slice %arg2[%dma_wait3A_156, %dma_wait3A_157] : memref<10240x16xf32, #tpu.memory_space<hbm>> -> memref<10240x16xf32, #tpu.memory_space<hbm>>
    tpu.wait_indirect_dma semaphore(%arg7 : memref<!tpu.dma_semaphore, #tpu.memory_space<semaphore_mem>>) src(%dma_wait3A_158 : memref<10240x16xf32, #tpu.memory_space<hbm>>) dst(%dma_wait3A_152 : memref<128x16xf32, #tpu.memory_space<vmem>>)
    %dma_wait3A_159 = arith.constant 6 : i32
    %dma_wait3A_160 = arith.constant 768 : i32
    %dma_wait3A_161 = arith.constant 0 : i32
    %dma_wait3A_162 = tpu.memref_slice %arg6[%dma_wait3A_160, %dma_wait3A_161] : memref<1280x16xf32, #tpu.memory_space<vmem>> -> memref<128x16xf32, #tpu.memory_space<vmem>>
    %dma_wait3A_163 = arith.constant 0 : i32
    %dma_wait3A_164 = tpu.memref_slice %arg5[%dma_wait3A_159, %dma_wait3A_163] : memref<10x128xi32, #tpu.memory_space<vmem>> -> memref<1x128xi32, #tpu.memory_space<vmem>>
    %dma_wait3A_165 = tpu.memref_squeeze %dma_wait3A_164 : memref<1x128xi32, #tpu.memory_space<vmem>> -> memref<128xi32, #tpu.memory_space<vmem>>
    %dma_wait3A_166 = arith.constant 0 : i32
    %dma_wait3A_167 = arith.constant 0 : i32
    %dma_wait3A_168 = tpu.memref_slice %arg2[%dma_wait3A_166, %dma_wait3A_167] : memref<10240x16xf32, #tpu.memory_space<hbm>> -> memref<10240x16xf32, #tpu.memory_space<hbm>>
    tpu.wait_indirect_dma semaphore(%arg7 : memref<!tpu.dma_semaphore, #tpu.memory_space<semaphore_mem>>) src(%dma_wait3A_168 : memref<10240x16xf32, #tpu.memory_space<hbm>>) dst(%dma_wait3A_162 : memref<128x16xf32, #tpu.memory_space<vmem>>)
    %dma_wait3A_169 = arith.constant 7 : i32
    %dma_wait3A_170 = arith.constant 896 : i32
    %dma_wait3A_171 = arith.constant 0 : i32
    %dma_wait3A_172 = tpu.memref_slice %arg6[%dma_wait3A_170, %dma_wait3A_171] : memref<1280x16xf32, #tpu.memory_space<vmem>> -> memref<128x16xf32, #tpu.memory_space<vmem>>
    %dma_wait3A_173 = arith.constant 0 : i32
    %dma_wait3A_174 = tpu.memref_slice %arg5[%dma_wait3A_169, %dma_wait3A_173] : memref<10x128xi32, #tpu.memory_space<vmem>> -> memref<1x128xi32, #tpu.memory_space<vmem>>
    %dma_wait3A_175 = tpu.memref_squeeze %dma_wait3A_174 : memref<1x128xi32, #tpu.memory_space<vmem>> -> memref<128xi32, #tpu.memory_space<vmem>>
    %dma_wait3A_176 = arith.constant 0 : i32
    %dma_wait3A_177 = arith.constant 0 : i32
    %dma_wait3A_178 = tpu.memref_slice %arg2[%dma_wait3A_176, %dma_wait3A_177] : memref<10240x16xf32, #tpu.memory_space<hbm>> -> memref<10240x16xf32, #tpu.memory_space<hbm>>
    tpu.wait_indirect_dma semaphore(%arg7 : memref<!tpu.dma_semaphore, #tpu.memory_space<semaphore_mem>>) src(%dma_wait3A_178 : memref<10240x16xf32, #tpu.memory_space<hbm>>) dst(%dma_wait3A_172 : memref<128x16xf32, #tpu.memory_space<vmem>>)
    %dma_wait3A_179 = arith.constant 8 : i32
    %dma_wait3A_180 = arith.constant 1024 : i32
    %dma_wait3A_181 = arith.constant 0 : i32
    %dma_wait3A_182 = tpu.memref_slice %arg6[%dma_wait3A_180, %dma_wait3A_181] : memref<1280x16xf32, #tpu.memory_space<vmem>> -> memref<128x16xf32, #tpu.memory_space<vmem>>
    %dma_wait3A_183 = arith.constant 0 : i32
    %dma_wait3A_184 = tpu.memref_slice %arg5[%dma_wait3A_179, %dma_wait3A_183] : memref<10x128xi32, #tpu.memory_space<vmem>> -> memref<1x128xi32, #tpu.memory_space<vmem>>
    %dma_wait3A_185 = tpu.memref_squeeze %dma_wait3A_184 : memref<1x128xi32, #tpu.memory_space<vmem>> -> memref<128xi32, #tpu.memory_space<vmem>>
    %dma_wait3A_186 = arith.constant 0 : i32
    %dma_wait3A_187 = arith.constant 0 : i32
    %dma_wait3A_188 = tpu.memref_slice %arg2[%dma_wait3A_186, %dma_wait3A_187] : memref<10240x16xf32, #tpu.memory_space<hbm>> -> memref<10240x16xf32, #tpu.memory_space<hbm>>
    tpu.wait_indirect_dma semaphore(%arg7 : memref<!tpu.dma_semaphore, #tpu.memory_space<semaphore_mem>>) src(%dma_wait3A_188 : memref<10240x16xf32, #tpu.memory_space<hbm>>) dst(%dma_wait3A_182 : memref<128x16xf32, #tpu.memory_space<vmem>>)
    %dma_wait3A_189 = arith.constant 9 : i32
    %dma_wait3A_190 = arith.constant 1152 : i32
    %dma_wait3A_191 = arith.constant 0 : i32
    %dma_wait3A_192 = tpu.memref_slice %arg6[%dma_wait3A_190, %dma_wait3A_191] : memref<1280x16xf32, #tpu.memory_space<vmem>> -> memref<128x16xf32, #tpu.memory_space<vmem>>
    %dma_wait3A_193 = arith.constant 0 : i32
    %dma_wait3A_194 = tpu.memref_slice %arg5[%dma_wait3A_189, %dma_wait3A_193] : memref<10x128xi32, #tpu.memory_space<vmem>> -> memref<1x128xi32, #tpu.memory_space<vmem>>
    %dma_wait3A_195 = tpu.memref_squeeze %dma_wait3A_194 : memref<1x128xi32, #tpu.memory_space<vmem>> -> memref<128xi32, #tpu.memory_space<vmem>>
    %dma_wait3A_196 = arith.constant 0 : i32
    %dma_wait3A_197 = arith.constant 0 : i32
    %dma_wait3A_198 = tpu.memref_slice %arg2[%dma_wait3A_196, %dma_wait3A_197] : memref<10240x16xf32, #tpu.memory_space<hbm>> -> memref<10240x16xf32, #tpu.memory_space<hbm>>
    tpu.wait_indirect_dma semaphore(%arg7 : memref<!tpu.dma_semaphore, #tpu.memory_space<semaphore_mem>>) src(%dma_wait3A_198 : memref<10240x16xf32, #tpu.memory_space<hbm>>) dst(%dma_wait3A_192 : memref<128x16xf32, #tpu.memory_space<vmem>>)
    %mul3A_199 = arith.constant 1280 : i32
    %mul3A_200 = arith.muli %add3A, %mul3A_199 : i32
    "tpu.region"() ({
      %run_scoped3A = tpu.sem_alloc : memref<!tpu.dma_semaphore, #tpu.memory_space<semaphore_mem>>
      %dma_start3A_201 = arith.constant 0 : i32
      %dma_start3A_202 = tpu.memref_slice %arg4[%mul3A_200, %dma_start3A_201] : memref<40960x16xf32, #tpu.memory_space<hbm>> -> memref<1280x16xf32, #tpu.memory_space<hbm>>
      %dma_start3A_203 = arith.constant 0 : i32
      %dma_start3A_204 = tpu.memref_slice %arg4[%mul3A_200, %dma_start3A_203] : memref<40960x16xf32, #tpu.memory_space<hbm>> -> memref<1280x16xf32, #tpu.memory_space<hbm>>
      tpu.enqueue_dma source(%arg6 : memref<1280x16xf32, #tpu.memory_space<vmem>>) target(%dma_start3A_204 : memref<1280x16xf32, #tpu.memory_space<hbm>>) target_semaphore(%run_scoped3A : memref<!tpu.dma_semaphore, #tpu.memory_space<semaphore_mem>>)
      %dma_wait3A_205 = arith.constant 0 : i32
      %dma_wait3A_206 = tpu.memref_slice %arg4[%mul3A_200, %dma_wait3A_205] : memref<40960x16xf32, #tpu.memory_space<hbm>> -> memref<1280x16xf32, #tpu.memory_space<hbm>>
      %dma_wait3A_207 = arith.constant 0 : i32
      %dma_wait3A_208 = tpu.memref_slice %arg4[%mul3A_200, %dma_wait3A_207] : memref<40960x16xf32, #tpu.memory_space<hbm>> -> memref<1280x16xf32, #tpu.memory_space<hbm>>
      tpu.wait_dma2 semaphore(%run_scoped3A : memref<!tpu.dma_semaphore, #tpu.memory_space<semaphore_mem>>) src(%arg6 : memref<1280x16xf32, #tpu.memory_space<vmem>>) dst(%dma_wait3A_208 : memref<1280x16xf32, #tpu.memory_space<hbm>>)
      tpu.yield
    }) : () -> ()
    return
  }
}

#map = affine_map<(d0, d1) -> (0, 0)>
#map1 = affine_map<(d0, d1) -> (0, 0, 0)>
module attributes {stable_mosaic.version = 14 : i64} {
  func.func @k(%arg0: i32, %arg1: i32, %arg2: memref<10240x32xf32, #tpu.memory_space<hbm>>, %arg3: memref<32x10x128xi32, #tpu.memory_space<hbm>>, %arg4: memref<40960x32xf32, #tpu.memory_space<hbm>>, %arg5: memref<10x128xi32, #tpu.memory_space<vmem>>, %arg6: memref<1280x32xf32, #tpu.memory_space<vmem>>, %arg7: memref<!tpu.dma_semaphore, #tpu.memory_space<semaphore_mem>>) attributes {dimension_semantics = [#tpu.dimension_semantics<core_parallel>, #tpu.dimension_semantics<subcore_parallel>], iteration_bounds = array<i64: 2, 16>, scalar_prefetch = 0 : i64, scratch_operands = 3 : i64, tpu.core_type = #tpu.core_type<sc_vector_subcore>, window_params = [{transform_indices = #map}, {transform_indices = #map1}, {transform_indices = #map}]} {
    %mul3A = arith.constant 16 : i32
    %mul3A_0 = arith.muli %arg0, %mul3A : i32
    %add3A = arith.addi %mul3A_0, %arg1 : i32
    "tpu.region"() ({
      %run_scoped3A = tpu.sem_alloc : memref<!tpu.dma_semaphore, #tpu.memory_space<semaphore_mem>>
      %dma_start3A_201 = arith.constant 0 : i32
      %dma_start3A_202 = arith.constant 0 : i32
      %dma_start3A_203 = tpu.memref_slice %arg3[%add3A, %dma_start3A_201, %dma_start3A_202] : memref<32x10x128xi32, #tpu.memory_space<hbm>> -> memref<1x10x128xi32, #tpu.memory_space<hbm>>
      %dma_start3A_204 = tpu.memref_squeeze %dma_start3A_203 : memref<1x10x128xi32, #tpu.memory_space<hbm>> -> memref<10x128xi32, #tpu.memory_space<hbm>>
      %dma_start3A_205 = arith.constant 0 : i32
      %dma_start3A_206 = arith.constant 0 : i32
      %dma_start3A_207 = tpu.memref_slice %arg3[%add3A, %dma_start3A_205, %dma_start3A_206] : memref<32x10x128xi32, #tpu.memory_space<hbm>> -> memref<1x10x128xi32, #tpu.memory_space<hbm>>
      %dma_start3A_208 = tpu.memref_squeeze %dma_start3A_207 : memref<1x10x128xi32, #tpu.memory_space<hbm>> -> memref<10x128xi32, #tpu.memory_space<hbm>>
      tpu.enqueue_dma source(%dma_start3A_208 : memref<10x128xi32, #tpu.memory_space<hbm>>) target(%arg5 : memref<10x128xi32, #tpu.memory_space<vmem>>) target_semaphore(%run_scoped3A : memref<!tpu.dma_semaphore, #tpu.memory_space<semaphore_mem>>)
      %dma_wait3A_209 = arith.constant 0 : i32
      %dma_wait3A_210 = arith.constant 0 : i32
      %dma_wait3A_211 = tpu.memref_slice %arg3[%add3A, %dma_wait3A_209, %dma_wait3A_210] : memref<32x10x128xi32, #tpu.memory_space<hbm>> -> memref<1x10x128xi32, #tpu.memory_space<hbm>>
      %dma_wait3A_212 = tpu.memref_squeeze %dma_wait3A_211 : memref<1x10x128xi32, #tpu.memory_space<hbm>> -> memref<10x128xi32, #tpu.memory_space<hbm>>
      %dma_wait3A_213 = arith.constant 0 : i32
      %dma_wait3A_214 = arith.constant 0 : i32
      %dma_wait3A_215 = tpu.memref_slice %arg3[%add3A, %dma_wait3A_213, %dma_wait3A_214] : memref<32x10x128xi32, #tpu.memory_space<hbm>> -> memref<1x10x128xi32, #tpu.memory_space<hbm>>
      %dma_wait3A_216 = tpu.memref_squeeze %dma_wait3A_215 : memref<1x10x128xi32, #tpu.memory_space<hbm>> -> memref<10x128xi32, #tpu.memory_space<hbm>>
      tpu.wait_dma2 semaphore(%run_scoped3A : memref<!tpu.dma_semaphore, #tpu.memory_space<semaphore_mem>>) src(%dma_wait3A_216 : memref<10x128xi32, #tpu.memory_space<hbm>>) dst(%arg5 : memref<10x128xi32, #tpu.memory_space<vmem>>)
      tpu.yield
    }) : () -> ()
    %dma_start3A = arith.constant 0 : i32
    %dma_start3A_1 = arith.constant 0 : i32
    %dma_start3A_2 = arith.constant 0 : i32
    %dma_start3A_3 = tpu.memref_slice %arg6[%dma_start3A_1, %dma_start3A_2] : memref<1280x32xf32, #tpu.memory_space<vmem>> -> memref<128x32xf32, #tpu.memory_space<vmem>>
    %dma_start3A_4 = arith.constant 0 : i32
    %dma_start3A_5 = tpu.memref_slice %arg5[%dma_start3A, %dma_start3A_4] : memref<10x128xi32, #tpu.memory_space<vmem>> -> memref<1x128xi32, #tpu.memory_space<vmem>>
    %dma_start3A_6 = tpu.memref_squeeze %dma_start3A_5 : memref<1x128xi32, #tpu.memory_space<vmem>> -> memref<128xi32, #tpu.memory_space<vmem>>
    %dma_start3A_7 = arith.constant 0 : i32
    %dma_start3A_8 = arith.constant 0 : i32
    %dma_start3A_9 = tpu.memref_slice %arg2[%dma_start3A_7, %dma_start3A_8] : memref<10240x32xf32, #tpu.memory_space<hbm>> -> memref<10240x32xf32, #tpu.memory_space<hbm>>
    tpu.enqueue_indirect_dma source(%dma_start3A_9 : memref<10240x32xf32, #tpu.memory_space<hbm>>) target(%dma_start3A_3 : memref<128x32xf32, #tpu.memory_space<vmem>>) offsets(%dma_start3A_6 : memref<128xi32, #tpu.memory_space<vmem>>) semaphore(%arg7 : memref<!tpu.dma_semaphore, #tpu.memory_space<semaphore_mem>>)
    %dma_start3A_10 = arith.constant 1 : i32
    %dma_start3A_11 = arith.constant 128 : i32
    %dma_start3A_12 = arith.constant 0 : i32
    %dma_start3A_13 = tpu.memref_slice %arg6[%dma_start3A_11, %dma_start3A_12] : memref<1280x32xf32, #tpu.memory_space<vmem>> -> memref<128x32xf32, #tpu.memory_space<vmem>>
    %dma_start3A_14 = arith.constant 0 : i32
    %dma_start3A_15 = tpu.memref_slice %arg5[%dma_start3A_10, %dma_start3A_14] : memref<10x128xi32, #tpu.memory_space<vmem>> -> memref<1x128xi32, #tpu.memory_space<vmem>>
    %dma_start3A_16 = tpu.memref_squeeze %dma_start3A_15 : memref<1x128xi32, #tpu.memory_space<vmem>> -> memref<128xi32, #tpu.memory_space<vmem>>
    %dma_start3A_17 = arith.constant 0 : i32
    %dma_start3A_18 = arith.constant 0 : i32
    %dma_start3A_19 = tpu.memref_slice %arg2[%dma_start3A_17, %dma_start3A_18] : memref<10240x32xf32, #tpu.memory_space<hbm>> -> memref<10240x32xf32, #tpu.memory_space<hbm>>
    tpu.enqueue_indirect_dma source(%dma_start3A_19 : memref<10240x32xf32, #tpu.memory_space<hbm>>) target(%dma_start3A_13 : memref<128x32xf32, #tpu.memory_space<vmem>>) offsets(%dma_start3A_16 : memref<128xi32, #tpu.memory_space<vmem>>) semaphore(%arg7 : memref<!tpu.dma_semaphore, #tpu.memory_space<semaphore_mem>>)
    %dma_start3A_20 = arith.constant 2 : i32
    %dma_start3A_21 = arith.constant 256 : i32
    %dma_start3A_22 = arith.constant 0 : i32
    %dma_start3A_23 = tpu.memref_slice %arg6[%dma_start3A_21, %dma_start3A_22] : memref<1280x32xf32, #tpu.memory_space<vmem>> -> memref<128x32xf32, #tpu.memory_space<vmem>>
    %dma_start3A_24 = arith.constant 0 : i32
    %dma_start3A_25 = tpu.memref_slice %arg5[%dma_start3A_20, %dma_start3A_24] : memref<10x128xi32, #tpu.memory_space<vmem>> -> memref<1x128xi32, #tpu.memory_space<vmem>>
    %dma_start3A_26 = tpu.memref_squeeze %dma_start3A_25 : memref<1x128xi32, #tpu.memory_space<vmem>> -> memref<128xi32, #tpu.memory_space<vmem>>
    %dma_start3A_27 = arith.constant 0 : i32
    %dma_start3A_28 = arith.constant 0 : i32
    %dma_start3A_29 = tpu.memref_slice %arg2[%dma_start3A_27, %dma_start3A_28] : memref<10240x32xf32, #tpu.memory_space<hbm>> -> memref<10240x32xf32, #tpu.memory_space<hbm>>
    tpu.enqueue_indirect_dma source(%dma_start3A_29 : memref<10240x32xf32, #tpu.memory_space<hbm>>) target(%dma_start3A_23 : memref<128x32xf32, #tpu.memory_space<vmem>>) offsets(%dma_start3A_26 : memref<128xi32, #tpu.memory_space<vmem>>) semaphore(%arg7 : memref<!tpu.dma_semaphore, #tpu.memory_space<semaphore_mem>>)
    %dma_start3A_30 = arith.constant 3 : i32
    %dma_start3A_31 = arith.constant 384 : i32
    %dma_start3A_32 = arith.constant 0 : i32
    %dma_start3A_33 = tpu.memref_slice %arg6[%dma_start3A_31, %dma_start3A_32] : memref<1280x32xf32, #tpu.memory_space<vmem>> -> memref<128x32xf32, #tpu.memory_space<vmem>>
    %dma_start3A_34 = arith.constant 0 : i32
    %dma_start3A_35 = tpu.memref_slice %arg5[%dma_start3A_30, %dma_start3A_34] : memref<10x128xi32, #tpu.memory_space<vmem>> -> memref<1x128xi32, #tpu.memory_space<vmem>>
    %dma_start3A_36 = tpu.memref_squeeze %dma_start3A_35 : memref<1x128xi32, #tpu.memory_space<vmem>> -> memref<128xi32, #tpu.memory_space<vmem>>
    %dma_start3A_37 = arith.constant 0 : i32
    %dma_start3A_38 = arith.constant 0 : i32
    %dma_start3A_39 = tpu.memref_slice %arg2[%dma_start3A_37, %dma_start3A_38] : memref<10240x32xf32, #tpu.memory_space<hbm>> -> memref<10240x32xf32, #tpu.memory_space<hbm>>
    tpu.enqueue_indirect_dma source(%dma_start3A_39 : memref<10240x32xf32, #tpu.memory_space<hbm>>) target(%dma_start3A_33 : memref<128x32xf32, #tpu.memory_space<vmem>>) offsets(%dma_start3A_36 : memref<128xi32, #tpu.memory_space<vmem>>) semaphore(%arg7 : memref<!tpu.dma_semaphore, #tpu.memory_space<semaphore_mem>>)
    %dma_start3A_40 = arith.constant 4 : i32
    %dma_start3A_41 = arith.constant 512 : i32
    %dma_start3A_42 = arith.constant 0 : i32
    %dma_start3A_43 = tpu.memref_slice %arg6[%dma_start3A_41, %dma_start3A_42] : memref<1280x32xf32, #tpu.memory_space<vmem>> -> memref<128x32xf32, #tpu.memory_space<vmem>>
    %dma_start3A_44 = arith.constant 0 : i32
    %dma_start3A_45 = tpu.memref_slice %arg5[%dma_start3A_40, %dma_start3A_44] : memref<10x128xi32, #tpu.memory_space<vmem>> -> memref<1x128xi32, #tpu.memory_space<vmem>>
    %dma_start3A_46 = tpu.memref_squeeze %dma_start3A_45 : memref<1x128xi32, #tpu.memory_space<vmem>> -> memref<128xi32, #tpu.memory_space<vmem>>
    %dma_start3A_47 = arith.constant 0 : i32
    %dma_start3A_48 = arith.constant 0 : i32
    %dma_start3A_49 = tpu.memref_slice %arg2[%dma_start3A_47, %dma_start3A_48] : memref<10240x32xf32, #tpu.memory_space<hbm>> -> memref<10240x32xf32, #tpu.memory_space<hbm>>
    tpu.enqueue_indirect_dma source(%dma_start3A_49 : memref<10240x32xf32, #tpu.memory_space<hbm>>) target(%dma_start3A_43 : memref<128x32xf32, #tpu.memory_space<vmem>>) offsets(%dma_start3A_46 : memref<128xi32, #tpu.memory_space<vmem>>) semaphore(%arg7 : memref<!tpu.dma_semaphore, #tpu.memory_space<semaphore_mem>>)
    %dma_start3A_50 = arith.constant 5 : i32
    %dma_start3A_51 = arith.constant 640 : i32
    %dma_start3A_52 = arith.constant 0 : i32
    %dma_start3A_53 = tpu.memref_slice %arg6[%dma_start3A_51, %dma_start3A_52] : memref<1280x32xf32, #tpu.memory_space<vmem>> -> memref<128x32xf32, #tpu.memory_space<vmem>>
    %dma_start3A_54 = arith.constant 0 : i32
    %dma_start3A_55 = tpu.memref_slice %arg5[%dma_start3A_50, %dma_start3A_54] : memref<10x128xi32, #tpu.memory_space<vmem>> -> memref<1x128xi32, #tpu.memory_space<vmem>>
    %dma_start3A_56 = tpu.memref_squeeze %dma_start3A_55 : memref<1x128xi32, #tpu.memory_space<vmem>> -> memref<128xi32, #tpu.memory_space<vmem>>
    %dma_start3A_57 = arith.constant 0 : i32
    %dma_start3A_58 = arith.constant 0 : i32
    %dma_start3A_59 = tpu.memref_slice %arg2[%dma_start3A_57, %dma_start3A_58] : memref<10240x32xf32, #tpu.memory_space<hbm>> -> memref<10240x32xf32, #tpu.memory_space<hbm>>
    tpu.enqueue_indirect_dma source(%dma_start3A_59 : memref<10240x32xf32, #tpu.memory_space<hbm>>) target(%dma_start3A_53 : memref<128x32xf32, #tpu.memory_space<vmem>>) offsets(%dma_start3A_56 : memref<128xi32, #tpu.memory_space<vmem>>) semaphore(%arg7 : memref<!tpu.dma_semaphore, #tpu.memory_space<semaphore_mem>>)
    %dma_start3A_60 = arith.constant 6 : i32
    %dma_start3A_61 = arith.constant 768 : i32
    %dma_start3A_62 = arith.constant 0 : i32
    %dma_start3A_63 = tpu.memref_slice %arg6[%dma_start3A_61, %dma_start3A_62] : memref<1280x32xf32, #tpu.memory_space<vmem>> -> memref<128x32xf32, #tpu.memory_space<vmem>>
    %dma_start3A_64 = arith.constant 0 : i32
    %dma_start3A_65 = tpu.memref_slice %arg5[%dma_start3A_60, %dma_start3A_64] : memref<10x128xi32, #tpu.memory_space<vmem>> -> memref<1x128xi32, #tpu.memory_space<vmem>>
    %dma_start3A_66 = tpu.memref_squeeze %dma_start3A_65 : memref<1x128xi32, #tpu.memory_space<vmem>> -> memref<128xi32, #tpu.memory_space<vmem>>
    %dma_start3A_67 = arith.constant 0 : i32
    %dma_start3A_68 = arith.constant 0 : i32
    %dma_start3A_69 = tpu.memref_slice %arg2[%dma_start3A_67, %dma_start3A_68] : memref<10240x32xf32, #tpu.memory_space<hbm>> -> memref<10240x32xf32, #tpu.memory_space<hbm>>
    tpu.enqueue_indirect_dma source(%dma_start3A_69 : memref<10240x32xf32, #tpu.memory_space<hbm>>) target(%dma_start3A_63 : memref<128x32xf32, #tpu.memory_space<vmem>>) offsets(%dma_start3A_66 : memref<128xi32, #tpu.memory_space<vmem>>) semaphore(%arg7 : memref<!tpu.dma_semaphore, #tpu.memory_space<semaphore_mem>>)
    %dma_start3A_70 = arith.constant 7 : i32
    %dma_start3A_71 = arith.constant 896 : i32
    %dma_start3A_72 = arith.constant 0 : i32
    %dma_start3A_73 = tpu.memref_slice %arg6[%dma_start3A_71, %dma_start3A_72] : memref<1280x32xf32, #tpu.memory_space<vmem>> -> memref<128x32xf32, #tpu.memory_space<vmem>>
    %dma_start3A_74 = arith.constant 0 : i32
    %dma_start3A_75 = tpu.memref_slice %arg5[%dma_start3A_70, %dma_start3A_74] : memref<10x128xi32, #tpu.memory_space<vmem>> -> memref<1x128xi32, #tpu.memory_space<vmem>>
    %dma_start3A_76 = tpu.memref_squeeze %dma_start3A_75 : memref<1x128xi32, #tpu.memory_space<vmem>> -> memref<128xi32, #tpu.memory_space<vmem>>
    %dma_start3A_77 = arith.constant 0 : i32
    %dma_start3A_78 = arith.constant 0 : i32
    %dma_start3A_79 = tpu.memref_slice %arg2[%dma_start3A_77, %dma_start3A_78] : memref<10240x32xf32, #tpu.memory_space<hbm>> -> memref<10240x32xf32, #tpu.memory_space<hbm>>
    tpu.enqueue_indirect_dma source(%dma_start3A_79 : memref<10240x32xf32, #tpu.memory_space<hbm>>) target(%dma_start3A_73 : memref<128x32xf32, #tpu.memory_space<vmem>>) offsets(%dma_start3A_76 : memref<128xi32, #tpu.memory_space<vmem>>) semaphore(%arg7 : memref<!tpu.dma_semaphore, #tpu.memory_space<semaphore_mem>>)
    %dma_start3A_80 = arith.constant 8 : i32
    %dma_start3A_81 = arith.constant 1024 : i32
    %dma_start3A_82 = arith.constant 0 : i32
    %dma_start3A_83 = tpu.memref_slice %arg6[%dma_start3A_81, %dma_start3A_82] : memref<1280x32xf32, #tpu.memory_space<vmem>> -> memref<128x32xf32, #tpu.memory_space<vmem>>
    %dma_start3A_84 = arith.constant 0 : i32
    %dma_start3A_85 = tpu.memref_slice %arg5[%dma_start3A_80, %dma_start3A_84] : memref<10x128xi32, #tpu.memory_space<vmem>> -> memref<1x128xi32, #tpu.memory_space<vmem>>
    %dma_start3A_86 = tpu.memref_squeeze %dma_start3A_85 : memref<1x128xi32, #tpu.memory_space<vmem>> -> memref<128xi32, #tpu.memory_space<vmem>>
    %dma_start3A_87 = arith.constant 0 : i32
    %dma_start3A_88 = arith.constant 0 : i32
    %dma_start3A_89 = tpu.memref_slice %arg2[%dma_start3A_87, %dma_start3A_88] : memref<10240x32xf32, #tpu.memory_space<hbm>> -> memref<10240x32xf32, #tpu.memory_space<hbm>>
    tpu.enqueue_indirect_dma source(%dma_start3A_89 : memref<10240x32xf32, #tpu.memory_space<hbm>>) target(%dma_start3A_83 : memref<128x32xf32, #tpu.memory_space<vmem>>) offsets(%dma_start3A_86 : memref<128xi32, #tpu.memory_space<vmem>>) semaphore(%arg7 : memref<!tpu.dma_semaphore, #tpu.memory_space<semaphore_mem>>)
    %dma_start3A_90 = arith.constant 9 : i32
    %dma_start3A_91 = arith.constant 1152 : i32
    %dma_start3A_92 = arith.constant 0 : i32
    %dma_start3A_93 = tpu.memref_slice %arg6[%dma_start3A_91, %dma_start3A_92] : memref<1280x32xf32, #tpu.memory_space<vmem>> -> memref<128x32xf32, #tpu.memory_space<vmem>>
    %dma_start3A_94 = arith.constant 0 : i32
    %dma_start3A_95 = tpu.memref_slice %arg5[%dma_start3A_90, %dma_start3A_94] : memref<10x128xi32, #tpu.memory_space<vmem>> -> memref<1x128xi32, #tpu.memory_space<vmem>>
    %dma_start3A_96 = tpu.memref_squeeze %dma_start3A_95 : memref<1x128xi32, #tpu.memory_space<vmem>> -> memref<128xi32, #tpu.memory_space<vmem>>
    %dma_start3A_97 = arith.constant 0 : i32
    %dma_start3A_98 = arith.constant 0 : i32
    %dma_start3A_99 = tpu.memref_slice %arg2[%dma_start3A_97, %dma_start3A_98] : memref<10240x32xf32, #tpu.memory_space<hbm>> -> memref<10240x32xf32, #tpu.memory_space<hbm>>
    tpu.enqueue_indirect_dma source(%dma_start3A_99 : memref<10240x32xf32, #tpu.memory_space<hbm>>) target(%dma_start3A_93 : memref<128x32xf32, #tpu.memory_space<vmem>>) offsets(%dma_start3A_96 : memref<128xi32, #tpu.memory_space<vmem>>) semaphore(%arg7 : memref<!tpu.dma_semaphore, #tpu.memory_space<semaphore_mem>>)
    %dma_wait3A = arith.constant 0 : i32
    %dma_wait3A_100 = arith.constant 0 : i32
    %dma_wait3A_101 = arith.constant 0 : i32
    %dma_wait3A_102 = tpu.memref_slice %arg6[%dma_wait3A_100, %dma_wait3A_101] : memref<1280x32xf32, #tpu.memory_space<vmem>> -> memref<128x32xf32, #tpu.memory_space<vmem>>
    %dma_wait3A_103 = arith.constant 0 : i32
    %dma_wait3A_104 = tpu.memref_slice %arg5[%dma_wait3A, %dma_wait3A_103] : memref<10x128xi32, #tpu.memory_space<vmem>> -> memref<1x128xi32, #tpu.memory_space<vmem>>
    %dma_wait3A_105 = tpu.memref_squeeze %dma_wait3A_104 : memref<1x128xi32, #tpu.memory_space<vmem>> -> memref<128xi32, #tpu.memory_space<vmem>>
    %dma_wait3A_106 = arith.constant 0 : i32
    %dma_wait3A_107 = arith.constant 0 : i32
    %dma_wait3A_108 = tpu.memref_slice %arg2[%dma_wait3A_106, %dma_wait3A_107] : memref<10240x32xf32, #tpu.memory_space<hbm>> -> memref<10240x32xf32, #tpu.memory_space<hbm>>
    tpu.wait_indirect_dma semaphore(%arg7 : memref<!tpu.dma_semaphore, #tpu.memory_space<semaphore_mem>>) src(%dma_wait3A_108 : memref<10240x32xf32, #tpu.memory_space<hbm>>) dst(%dma_wait3A_102 : memref<128x32xf32, #tpu.memory_space<vmem>>)
    %dma_wait3A_109 = arith.constant 1 : i32
    %dma_wait3A_110 = arith.constant 128 : i32
    %dma_wait3A_111 = arith.constant 0 : i32
    %dma_wait3A_112 = tpu.memref_slice %arg6[%dma_wait3A_110, %dma_wait3A_111] : memref<1280x32xf32, #tpu.memory_space<vmem>> -> memref<128x32xf32, #tpu.memory_space<vmem>>
    %dma_wait3A_113 = arith.constant 0 : i32
    %dma_wait3A_114 = tpu.memref_slice %arg5[%dma_wait3A_109, %dma_wait3A_113] : memref<10x128xi32, #tpu.memory_space<vmem>> -> memref<1x128xi32, #tpu.memory_space<vmem>>
    %dma_wait3A_115 = tpu.memref_squeeze %dma_wait3A_114 : memref<1x128xi32, #tpu.memory_space<vmem>> -> memref<128xi32, #tpu.memory_space<vmem>>
    %dma_wait3A_116 = arith.constant 0 : i32
    %dma_wait3A_117 = arith.constant 0 : i32
    %dma_wait3A_118 = tpu.memref_slice %arg2[%dma_wait3A_116, %dma_wait3A_117] : memref<10240x32xf32, #tpu.memory_space<hbm>> -> memref<10240x32xf32, #tpu.memory_space<hbm>>
    tpu.wait_indirect_dma semaphore(%arg7 : memref<!tpu.dma_semaphore, #tpu.memory_space<semaphore_mem>>) src(%dma_wait3A_118 : memref<10240x32xf32, #tpu.memory_space<hbm>>) dst(%dma_wait3A_112 : memref<128x32xf32, #tpu.memory_space<vmem>>)
    %dma_wait3A_119 = arith.constant 2 : i32
    %dma_wait3A_120 = arith.constant 256 : i32
    %dma_wait3A_121 = arith.constant 0 : i32
    %dma_wait3A_122 = tpu.memref_slice %arg6[%dma_wait3A_120, %dma_wait3A_121] : memref<1280x32xf32, #tpu.memory_space<vmem>> -> memref<128x32xf32, #tpu.memory_space<vmem>>
    %dma_wait3A_123 = arith.constant 0 : i32
    %dma_wait3A_124 = tpu.memref_slice %arg5[%dma_wait3A_119, %dma_wait3A_123] : memref<10x128xi32, #tpu.memory_space<vmem>> -> memref<1x128xi32, #tpu.memory_space<vmem>>
    %dma_wait3A_125 = tpu.memref_squeeze %dma_wait3A_124 : memref<1x128xi32, #tpu.memory_space<vmem>> -> memref<128xi32, #tpu.memory_space<vmem>>
    %dma_wait3A_126 = arith.constant 0 : i32
    %dma_wait3A_127 = arith.constant 0 : i32
    %dma_wait3A_128 = tpu.memref_slice %arg2[%dma_wait3A_126, %dma_wait3A_127] : memref<10240x32xf32, #tpu.memory_space<hbm>> -> memref<10240x32xf32, #tpu.memory_space<hbm>>
    tpu.wait_indirect_dma semaphore(%arg7 : memref<!tpu.dma_semaphore, #tpu.memory_space<semaphore_mem>>) src(%dma_wait3A_128 : memref<10240x32xf32, #tpu.memory_space<hbm>>) dst(%dma_wait3A_122 : memref<128x32xf32, #tpu.memory_space<vmem>>)
    %dma_wait3A_129 = arith.constant 3 : i32
    %dma_wait3A_130 = arith.constant 384 : i32
    %dma_wait3A_131 = arith.constant 0 : i32
    %dma_wait3A_132 = tpu.memref_slice %arg6[%dma_wait3A_130, %dma_wait3A_131] : memref<1280x32xf32, #tpu.memory_space<vmem>> -> memref<128x32xf32, #tpu.memory_space<vmem>>
    %dma_wait3A_133 = arith.constant 0 : i32
    %dma_wait3A_134 = tpu.memref_slice %arg5[%dma_wait3A_129, %dma_wait3A_133] : memref<10x128xi32, #tpu.memory_space<vmem>> -> memref<1x128xi32, #tpu.memory_space<vmem>>
    %dma_wait3A_135 = tpu.memref_squeeze %dma_wait3A_134 : memref<1x128xi32, #tpu.memory_space<vmem>> -> memref<128xi32, #tpu.memory_space<vmem>>
    %dma_wait3A_136 = arith.constant 0 : i32
    %dma_wait3A_137 = arith.constant 0 : i32
    %dma_wait3A_138 = tpu.memref_slice %arg2[%dma_wait3A_136, %dma_wait3A_137] : memref<10240x32xf32, #tpu.memory_space<hbm>> -> memref<10240x32xf32, #tpu.memory_space<hbm>>
    tpu.wait_indirect_dma semaphore(%arg7 : memref<!tpu.dma_semaphore, #tpu.memory_space<semaphore_mem>>) src(%dma_wait3A_138 : memref<10240x32xf32, #tpu.memory_space<hbm>>) dst(%dma_wait3A_132 : memref<128x32xf32, #tpu.memory_space<vmem>>)
    %dma_wait3A_139 = arith.constant 4 : i32
    %dma_wait3A_140 = arith.constant 512 : i32
    %dma_wait3A_141 = arith.constant 0 : i32
    %dma_wait3A_142 = tpu.memref_slice %arg6[%dma_wait3A_140, %dma_wait3A_141] : memref<1280x32xf32, #tpu.memory_space<vmem>> -> memref<128x32xf32, #tpu.memory_space<vmem>>
    %dma_wait3A_143 = arith.constant 0 : i32
    %dma_wait3A_144 = tpu.memref_slice %arg5[%dma_wait3A_139, %dma_wait3A_143] : memref<10x128xi32, #tpu.memory_space<vmem>> -> memref<1x128xi32, #tpu.memory_space<vmem>>
    %dma_wait3A_145 = tpu.memref_squeeze %dma_wait3A_144 : memref<1x128xi32, #tpu.memory_space<vmem>> -> memref<128xi32, #tpu.memory_space<vmem>>
    %dma_wait3A_146 = arith.constant 0 : i32
    %dma_wait3A_147 = arith.constant 0 : i32
    %dma_wait3A_148 = tpu.memref_slice %arg2[%dma_wait3A_146, %dma_wait3A_147] : memref<10240x32xf32, #tpu.memory_space<hbm>> -> memref<10240x32xf32, #tpu.memory_space<hbm>>
    tpu.wait_indirect_dma semaphore(%arg7 : memref<!tpu.dma_semaphore, #tpu.memory_space<semaphore_mem>>) src(%dma_wait3A_148 : memref<10240x32xf32, #tpu.memory_space<hbm>>) dst(%dma_wait3A_142 : memref<128x32xf32, #tpu.memory_space<vmem>>)
    %dma_wait3A_149 = arith.constant 5 : i32
    %dma_wait3A_150 = arith.constant 640 : i32
    %dma_wait3A_151 = arith.constant 0 : i32
    %dma_wait3A_152 = tpu.memref_slice %arg6[%dma_wait3A_150, %dma_wait3A_151] : memref<1280x32xf32, #tpu.memory_space<vmem>> -> memref<128x32xf32, #tpu.memory_space<vmem>>
    %dma_wait3A_153 = arith.constant 0 : i32
    %dma_wait3A_154 = tpu.memref_slice %arg5[%dma_wait3A_149, %dma_wait3A_153] : memref<10x128xi32, #tpu.memory_space<vmem>> -> memref<1x128xi32, #tpu.memory_space<vmem>>
    %dma_wait3A_155 = tpu.memref_squeeze %dma_wait3A_154 : memref<1x128xi32, #tpu.memory_space<vmem>> -> memref<128xi32, #tpu.memory_space<vmem>>
    %dma_wait3A_156 = arith.constant 0 : i32
    %dma_wait3A_157 = arith.constant 0 : i32
    %dma_wait3A_158 = tpu.memref_slice %arg2[%dma_wait3A_156, %dma_wait3A_157] : memref<10240x32xf32, #tpu.memory_space<hbm>> -> memref<10240x32xf32, #tpu.memory_space<hbm>>
    tpu.wait_indirect_dma semaphore(%arg7 : memref<!tpu.dma_semaphore, #tpu.memory_space<semaphore_mem>>) src(%dma_wait3A_158 : memref<10240x32xf32, #tpu.memory_space<hbm>>) dst(%dma_wait3A_152 : memref<128x32xf32, #tpu.memory_space<vmem>>)
    %dma_wait3A_159 = arith.constant 6 : i32
    %dma_wait3A_160 = arith.constant 768 : i32
    %dma_wait3A_161 = arith.constant 0 : i32
    %dma_wait3A_162 = tpu.memref_slice %arg6[%dma_wait3A_160, %dma_wait3A_161] : memref<1280x32xf32, #tpu.memory_space<vmem>> -> memref<128x32xf32, #tpu.memory_space<vmem>>
    %dma_wait3A_163 = arith.constant 0 : i32
    %dma_wait3A_164 = tpu.memref_slice %arg5[%dma_wait3A_159, %dma_wait3A_163] : memref<10x128xi32, #tpu.memory_space<vmem>> -> memref<1x128xi32, #tpu.memory_space<vmem>>
    %dma_wait3A_165 = tpu.memref_squeeze %dma_wait3A_164 : memref<1x128xi32, #tpu.memory_space<vmem>> -> memref<128xi32, #tpu.memory_space<vmem>>
    %dma_wait3A_166 = arith.constant 0 : i32
    %dma_wait3A_167 = arith.constant 0 : i32
    %dma_wait3A_168 = tpu.memref_slice %arg2[%dma_wait3A_166, %dma_wait3A_167] : memref<10240x32xf32, #tpu.memory_space<hbm>> -> memref<10240x32xf32, #tpu.memory_space<hbm>>
    tpu.wait_indirect_dma semaphore(%arg7 : memref<!tpu.dma_semaphore, #tpu.memory_space<semaphore_mem>>) src(%dma_wait3A_168 : memref<10240x32xf32, #tpu.memory_space<hbm>>) dst(%dma_wait3A_162 : memref<128x32xf32, #tpu.memory_space<vmem>>)
    %dma_wait3A_169 = arith.constant 7 : i32
    %dma_wait3A_170 = arith.constant 896 : i32
    %dma_wait3A_171 = arith.constant 0 : i32
    %dma_wait3A_172 = tpu.memref_slice %arg6[%dma_wait3A_170, %dma_wait3A_171] : memref<1280x32xf32, #tpu.memory_space<vmem>> -> memref<128x32xf32, #tpu.memory_space<vmem>>
    %dma_wait3A_173 = arith.constant 0 : i32
    %dma_wait3A_174 = tpu.memref_slice %arg5[%dma_wait3A_169, %dma_wait3A_173] : memref<10x128xi32, #tpu.memory_space<vmem>> -> memref<1x128xi32, #tpu.memory_space<vmem>>
    %dma_wait3A_175 = tpu.memref_squeeze %dma_wait3A_174 : memref<1x128xi32, #tpu.memory_space<vmem>> -> memref<128xi32, #tpu.memory_space<vmem>>
    %dma_wait3A_176 = arith.constant 0 : i32
    %dma_wait3A_177 = arith.constant 0 : i32
    %dma_wait3A_178 = tpu.memref_slice %arg2[%dma_wait3A_176, %dma_wait3A_177] : memref<10240x32xf32, #tpu.memory_space<hbm>> -> memref<10240x32xf32, #tpu.memory_space<hbm>>
    tpu.wait_indirect_dma semaphore(%arg7 : memref<!tpu.dma_semaphore, #tpu.memory_space<semaphore_mem>>) src(%dma_wait3A_178 : memref<10240x32xf32, #tpu.memory_space<hbm>>) dst(%dma_wait3A_172 : memref<128x32xf32, #tpu.memory_space<vmem>>)
    %dma_wait3A_179 = arith.constant 8 : i32
    %dma_wait3A_180 = arith.constant 1024 : i32
    %dma_wait3A_181 = arith.constant 0 : i32
    %dma_wait3A_182 = tpu.memref_slice %arg6[%dma_wait3A_180, %dma_wait3A_181] : memref<1280x32xf32, #tpu.memory_space<vmem>> -> memref<128x32xf32, #tpu.memory_space<vmem>>
    %dma_wait3A_183 = arith.constant 0 : i32
    %dma_wait3A_184 = tpu.memref_slice %arg5[%dma_wait3A_179, %dma_wait3A_183] : memref<10x128xi32, #tpu.memory_space<vmem>> -> memref<1x128xi32, #tpu.memory_space<vmem>>
    %dma_wait3A_185 = tpu.memref_squeeze %dma_wait3A_184 : memref<1x128xi32, #tpu.memory_space<vmem>> -> memref<128xi32, #tpu.memory_space<vmem>>
    %dma_wait3A_186 = arith.constant 0 : i32
    %dma_wait3A_187 = arith.constant 0 : i32
    %dma_wait3A_188 = tpu.memref_slice %arg2[%dma_wait3A_186, %dma_wait3A_187] : memref<10240x32xf32, #tpu.memory_space<hbm>> -> memref<10240x32xf32, #tpu.memory_space<hbm>>
    tpu.wait_indirect_dma semaphore(%arg7 : memref<!tpu.dma_semaphore, #tpu.memory_space<semaphore_mem>>) src(%dma_wait3A_188 : memref<10240x32xf32, #tpu.memory_space<hbm>>) dst(%dma_wait3A_182 : memref<128x32xf32, #tpu.memory_space<vmem>>)
    %dma_wait3A_189 = arith.constant 9 : i32
    %dma_wait3A_190 = arith.constant 1152 : i32
    %dma_wait3A_191 = arith.constant 0 : i32
    %dma_wait3A_192 = tpu.memref_slice %arg6[%dma_wait3A_190, %dma_wait3A_191] : memref<1280x32xf32, #tpu.memory_space<vmem>> -> memref<128x32xf32, #tpu.memory_space<vmem>>
    %dma_wait3A_193 = arith.constant 0 : i32
    %dma_wait3A_194 = tpu.memref_slice %arg5[%dma_wait3A_189, %dma_wait3A_193] : memref<10x128xi32, #tpu.memory_space<vmem>> -> memref<1x128xi32, #tpu.memory_space<vmem>>
    %dma_wait3A_195 = tpu.memref_squeeze %dma_wait3A_194 : memref<1x128xi32, #tpu.memory_space<vmem>> -> memref<128xi32, #tpu.memory_space<vmem>>
    %dma_wait3A_196 = arith.constant 0 : i32
    %dma_wait3A_197 = arith.constant 0 : i32
    %dma_wait3A_198 = tpu.memref_slice %arg2[%dma_wait3A_196, %dma_wait3A_197] : memref<10240x32xf32, #tpu.memory_space<hbm>> -> memref<10240x32xf32, #tpu.memory_space<hbm>>
    tpu.wait_indirect_dma semaphore(%arg7 : memref<!tpu.dma_semaphore, #tpu.memory_space<semaphore_mem>>) src(%dma_wait3A_198 : memref<10240x32xf32, #tpu.memory_space<hbm>>) dst(%dma_wait3A_192 : memref<128x32xf32, #tpu.memory_space<vmem>>)
    %mul3A_199 = arith.constant 1280 : i32
    %mul3A_200 = arith.muli %add3A, %mul3A_199 : i32
    "tpu.region"() ({
      %run_scoped3A = tpu.sem_alloc : memref<!tpu.dma_semaphore, #tpu.memory_space<semaphore_mem>>
      %dma_start3A_201 = arith.constant 0 : i32
      %dma_start3A_202 = tpu.memref_slice %arg4[%mul3A_200, %dma_start3A_201] : memref<40960x32xf32, #tpu.memory_space<hbm>> -> memref<1280x32xf32, #tpu.memory_space<hbm>>
      %dma_start3A_203 = arith.constant 0 : i32
      %dma_start3A_204 = tpu.memref_slice %arg4[%mul3A_200, %dma_start3A_203] : memref<40960x32xf32, #tpu.memory_space<hbm>> -> memref<1280x32xf32, #tpu.memory_space<hbm>>
      tpu.enqueue_dma source(%arg6 : memref<1280x32xf32, #tpu.memory_space<vmem>>) target(%dma_start3A_204 : memref<1280x32xf32, #tpu.memory_space<hbm>>) target_semaphore(%run_scoped3A : memref<!tpu.dma_semaphore, #tpu.memory_space<semaphore_mem>>)
      %dma_wait3A_205 = arith.constant 0 : i32
      %dma_wait3A_206 = tpu.memref_slice %arg4[%mul3A_200, %dma_wait3A_205] : memref<40960x32xf32, #tpu.memory_space<hbm>> -> memref<1280x32xf32, #tpu.memory_space<hbm>>
      %dma_wait3A_207 = arith.constant 0 : i32
      %dma_wait3A_208 = tpu.memref_slice %arg4[%mul3A_200, %dma_wait3A_207] : memref<40960x32xf32, #tpu.memory_space<hbm>> -> memref<1280x32xf32, #tpu.memory_space<hbm>>
      tpu.wait_dma2 semaphore(%run_scoped3A : memref<!tpu.dma_semaphore, #tpu.memory_space<semaphore_mem>>) src(%arg6 : memref<1280x32xf32, #tpu.memory_space<vmem>>) dst(%dma_wait3A_208 : memref<1280x32xf32, #tpu.memory_space<hbm>>)
      tpu.yield
    }) : () -> ()
    return
  }
}

#map = affine_map<(d0, d1) -> (0, 0)>
#map1 = affine_map<(d0, d1) -> (0, 0, 0)>
module attributes {stable_mosaic.version = 14 : i64} {
  func.func @k(%arg0: i32, %arg1: i32, %arg2: memref<40960x64xf32, #tpu.memory_space<hbm>>, %arg3: memref<32x10x128xi32, #tpu.memory_space<hbm>>, %arg4: memref<10240x64xf32, #tpu.memory_space<hbm>>, %arg5: memref<20480x64xf32, #tpu.memory_space<hbm>>, %arg6: memref<10x128xi32, #tpu.memory_space<vmem>>, %arg7: memref<1280x64xf32, #tpu.memory_space<vmem>>, %arg8: memref<10240x64xf32, #tpu.memory_space<vmem_shared>>, %arg9: memref<!tpu.dma_semaphore, #tpu.memory_space<semaphore_mem>>) attributes {dimension_semantics = [#tpu.dimension_semantics<core_parallel>, #tpu.dimension_semantics<subcore_parallel>], iteration_bounds = array<i64: 2, 16>, scalar_prefetch = 0 : i64, scratch_operands = 4 : i64, tpu.core_type = #tpu.core_type<sc_vector_subcore>, window_params = [{transform_indices = #map}, {transform_indices = #map1}, {transform_indices = #map}, {transform_indices = #map}]} {
    %mul3A = arith.constant 16 : i32
    %mul3A_0 = arith.muli %arg0, %mul3A : i32
    %add3A = arith.addi %mul3A_0, %arg1 : i32
    %mul3A_1 = arith.constant 640 : i32
    %mul3A_2 = arith.muli %arg1, %mul3A_1 : i32
    %mul3A_3 = arith.constant 640 : i32
    %mul3A_4 = arith.muli %arg1, %mul3A_3 : i32
    "tpu.region"() ({
      %run_scoped3A_24 = tpu.sem_alloc : memref<!tpu.dma_semaphore, #tpu.memory_space<semaphore_mem>>
      %dma_start3A = arith.constant 0 : i32
      %dma_start3A_25 = tpu.memref_slice %arg8[%mul3A_4, %dma_start3A] : memref<10240x64xf32, #tpu.memory_space<vmem_shared>> -> memref<640x64xf32, #tpu.memory_space<vmem_shared>>
      %dma_start3A_26 = arith.constant 0 : i32
      %dma_start3A_27 = tpu.memref_slice %arg4[%mul3A_2, %dma_start3A_26] : memref<10240x64xf32, #tpu.memory_space<hbm>> -> memref<640x64xf32, #tpu.memory_space<hbm>>
      tpu.enqueue_dma source(%dma_start3A_27 : memref<640x64xf32, #tpu.memory_space<hbm>>) target(%dma_start3A_25 : memref<640x64xf32, #tpu.memory_space<vmem_shared>>) target_semaphore(%run_scoped3A_24 : memref<!tpu.dma_semaphore, #tpu.memory_space<semaphore_mem>>)
      %dma_wait3A = arith.constant 0 : i32
      %dma_wait3A_28 = tpu.memref_slice %arg8[%mul3A_4, %dma_wait3A] : memref<10240x64xf32, #tpu.memory_space<vmem_shared>> -> memref<640x64xf32, #tpu.memory_space<vmem_shared>>
      %dma_wait3A_29 = arith.constant 0 : i32
      %dma_wait3A_30 = tpu.memref_slice %arg4[%mul3A_2, %dma_wait3A_29] : memref<10240x64xf32, #tpu.memory_space<hbm>> -> memref<640x64xf32, #tpu.memory_space<hbm>>
      tpu.wait_dma2 semaphore(%run_scoped3A_24 : memref<!tpu.dma_semaphore, #tpu.memory_space<semaphore_mem>>) src(%dma_wait3A_30 : memref<640x64xf32, #tpu.memory_space<hbm>>) dst(%dma_wait3A_28 : memref<640x64xf32, #tpu.memory_space<vmem_shared>>)
      tpu.yield
    }) : () -> ()
    %barrier3A = arith.constant 0 : index
    tpu.barrier barrier_id(%barrier3A)
    "tpu.region"() ({
      %run_scoped3A_24 = tpu.sem_alloc : memref<!tpu.dma_semaphore, #tpu.memory_space<semaphore_mem>>
      %dma_start3A = arith.constant 0 : i32
      %dma_start3A_25 = arith.constant 0 : i32
      %dma_start3A_26 = tpu.memref_slice %arg3[%add3A, %dma_start3A, %dma_start3A_25] : memref<32x10x128xi32, #tpu.memory_space<hbm>> -> memref<1x10x128xi32, #tpu.memory_space<hbm>>
      %dma_start3A_27 = tpu.memref_squeeze %dma_start3A_26 : memref<1x10x128xi32, #tpu.memory_space<hbm>> -> memref<10x128xi32, #tpu.memory_space<hbm>>
      %dma_start3A_28 = arith.constant 0 : i32
      %dma_start3A_29 = arith.constant 0 : i32
      %dma_start3A_30 = tpu.memref_slice %arg3[%add3A, %dma_start3A_28, %dma_start3A_29] : memref<32x10x128xi32, #tpu.memory_space<hbm>> -> memref<1x10x128xi32, #tpu.memory_space<hbm>>
      %dma_start3A_31 = tpu.memref_squeeze %dma_start3A_30 : memref<1x10x128xi32, #tpu.memory_space<hbm>> -> memref<10x128xi32, #tpu.memory_space<hbm>>
      tpu.enqueue_dma source(%dma_start3A_31 : memref<10x128xi32, #tpu.memory_space<hbm>>) target(%arg6 : memref<10x128xi32, #tpu.memory_space<vmem>>) target_semaphore(%run_scoped3A_24 : memref<!tpu.dma_semaphore, #tpu.memory_space<semaphore_mem>>)
      %dma_wait3A = arith.constant 0 : i32
      %dma_wait3A_32 = arith.constant 0 : i32
      %dma_wait3A_33 = tpu.memref_slice %arg3[%add3A, %dma_wait3A, %dma_wait3A_32] : memref<32x10x128xi32, #tpu.memory_space<hbm>> -> memref<1x10x128xi32, #tpu.memory_space<hbm>>
      %dma_wait3A_34 = tpu.memref_squeeze %dma_wait3A_33 : memref<1x10x128xi32, #tpu.memory_space<hbm>> -> memref<10x128xi32, #tpu.memory_space<hbm>>
      %dma_wait3A_35 = arith.constant 0 : i32
      %dma_wait3A_36 = arith.constant 0 : i32
      %dma_wait3A_37 = tpu.memref_slice %arg3[%add3A, %dma_wait3A_35, %dma_wait3A_36] : memref<32x10x128xi32, #tpu.memory_space<hbm>> -> memref<1x10x128xi32, #tpu.memory_space<hbm>>
      %dma_wait3A_38 = tpu.memref_squeeze %dma_wait3A_37 : memref<1x10x128xi32, #tpu.memory_space<hbm>> -> memref<10x128xi32, #tpu.memory_space<hbm>>
      tpu.wait_dma2 semaphore(%run_scoped3A_24 : memref<!tpu.dma_semaphore, #tpu.memory_space<semaphore_mem>>) src(%dma_wait3A_38 : memref<10x128xi32, #tpu.memory_space<hbm>>) dst(%arg6 : memref<10x128xi32, #tpu.memory_space<vmem>>)
      tpu.yield
    }) : () -> ()
    %mul3A_5 = arith.constant 1280 : i32
    %mul3A_6 = arith.muli %add3A, %mul3A_5 : i32
    "tpu.region"() ({
      %run_scoped3A_24 = tpu.sem_alloc : memref<!tpu.dma_semaphore, #tpu.memory_space<semaphore_mem>>
      %dma_start3A = arith.constant 0 : i32
      %dma_start3A_25 = tpu.memref_slice %arg2[%mul3A_6, %dma_start3A] : memref<40960x64xf32, #tpu.memory_space<hbm>> -> memref<1280x64xf32, #tpu.memory_space<hbm>>
      %dma_start3A_26 = arith.constant 0 : i32
      %dma_start3A_27 = tpu.memref_slice %arg2[%mul3A_6, %dma_start3A_26] : memref<40960x64xf32, #tpu.memory_space<hbm>> -> memref<1280x64xf32, #tpu.memory_space<hbm>>
      tpu.enqueue_dma source(%dma_start3A_27 : memref<1280x64xf32, #tpu.memory_space<hbm>>) target(%arg7 : memref<1280x64xf32, #tpu.memory_space<vmem>>) target_semaphore(%run_scoped3A_24 : memref<!tpu.dma_semaphore, #tpu.memory_space<semaphore_mem>>)
      %dma_wait3A = arith.constant 0 : i32
      %dma_wait3A_28 = tpu.memref_slice %arg2[%mul3A_6, %dma_wait3A] : memref<40960x64xf32, #tpu.memory_space<hbm>> -> memref<1280x64xf32, #tpu.memory_space<hbm>>
      %dma_wait3A_29 = arith.constant 0 : i32
      %dma_wait3A_30 = tpu.memref_slice %arg2[%mul3A_6, %dma_wait3A_29] : memref<40960x64xf32, #tpu.memory_space<hbm>> -> memref<1280x64xf32, #tpu.memory_space<hbm>>
      tpu.wait_dma2 semaphore(%run_scoped3A_24 : memref<!tpu.dma_semaphore, #tpu.memory_space<semaphore_mem>>) src(%dma_wait3A_30 : memref<1280x64xf32, #tpu.memory_space<hbm>>) dst(%arg7 : memref<1280x64xf32, #tpu.memory_space<vmem>>)
      tpu.yield
    }) : () -> ()
    %run_scoped3A = arith.constant 0 : i32
    "tpu.region"() ({
      %run_scoped3A_24 = tpu.sem_alloc : memref<!tpu.dma_semaphore, #tpu.memory_space<semaphore_mem>>
      %dma_start3A = arith.constant 0 : i32
      %dma_start3A_25 = arith.constant 0 : i32
      %dma_start3A_26 = tpu.memref_slice %arg7[%dma_start3A, %dma_start3A_25] : memref<1280x64xf32, #tpu.memory_space<vmem>> -> memref<128x64xf32, #tpu.memory_space<vmem>>
      %dma_start3A_27 = arith.constant 0 : i32
      %dma_start3A_28 = tpu.memref_slice %arg6[%run_scoped3A, %dma_start3A_27] : memref<10x128xi32, #tpu.memory_space<vmem>> -> memref<1x128xi32, #tpu.memory_space<vmem>>
      %dma_start3A_29 = tpu.memref_squeeze %dma_start3A_28 : memref<1x128xi32, #tpu.memory_space<vmem>> -> memref<128xi32, #tpu.memory_space<vmem>>
      %dma_start3A_30 = arith.constant 0 : i32
      %dma_start3A_31 = arith.constant 0 : i32
      %dma_start3A_32 = tpu.memref_slice %arg8[%dma_start3A_30, %dma_start3A_31] : memref<10240x64xf32, #tpu.memory_space<vmem_shared>> -> memref<10240x64xf32, #tpu.memory_space<vmem_shared>>
      tpu.enqueue_indirect_dma source(%dma_start3A_26 : memref<128x64xf32, #tpu.memory_space<vmem>>) target(%dma_start3A_32 : memref<10240x64xf32, #tpu.memory_space<vmem_shared>>) offsets(%dma_start3A_29 : memref<128xi32, #tpu.memory_space<vmem>>) semaphore(%run_scoped3A_24 : memref<!tpu.dma_semaphore, #tpu.memory_space<semaphore_mem>>) {add = true}
      %dma_wait3A = arith.constant 0 : i32
      %dma_wait3A_33 = arith.constant 0 : i32
      %dma_wait3A_34 = tpu.memref_slice %arg7[%dma_wait3A, %dma_wait3A_33] : memref<1280x64xf32, #tpu.memory_space<vmem>> -> memref<128x64xf32, #tpu.memory_space<vmem>>
      %dma_wait3A_35 = arith.constant 0 : i32
      %dma_wait3A_36 = tpu.memref_slice %arg6[%run_scoped3A, %dma_wait3A_35] : memref<10x128xi32, #tpu.memory_space<vmem>> -> memref<1x128xi32, #tpu.memory_space<vmem>>
      %dma_wait3A_37 = tpu.memref_squeeze %dma_wait3A_36 : memref<1x128xi32, #tpu.memory_space<vmem>> -> memref<128xi32, #tpu.memory_space<vmem>>
      %dma_wait3A_38 = arith.constant 0 : i32
      %dma_wait3A_39 = arith.constant 0 : i32
      %dma_wait3A_40 = tpu.memref_slice %arg8[%dma_wait3A_38, %dma_wait3A_39] : memref<10240x64xf32, #tpu.memory_space<vmem_shared>> -> memref<10240x64xf32, #tpu.memory_space<vmem_shared>>
      tpu.wait_indirect_dma semaphore(%run_scoped3A_24 : memref<!tpu.dma_semaphore, #tpu.memory_space<semaphore_mem>>) src(%dma_wait3A_34 : memref<128x64xf32, #tpu.memory_space<vmem>>) dst(%dma_wait3A_40 : memref<10240x64xf32, #tpu.memory_space<vmem_shared>>)
      tpu.yield
    }) : () -> ()
    %run_scoped3A_7 = arith.constant 1 : i32
    "tpu.region"() ({
      %run_scoped3A_24 = tpu.sem_alloc : memref<!tpu.dma_semaphore, #tpu.memory_space<semaphore_mem>>
      %dma_start3A = arith.constant 128 : i32
      %dma_start3A_25 = arith.constant 0 : i32
      %dma_start3A_26 = tpu.memref_slice %arg7[%dma_start3A, %dma_start3A_25] : memref<1280x64xf32, #tpu.memory_space<vmem>> -> memref<128x64xf32, #tpu.memory_space<vmem>>
      %dma_start3A_27 = arith.constant 0 : i32
      %dma_start3A_28 = tpu.memref_slice %arg6[%run_scoped3A_7, %dma_start3A_27] : memref<10x128xi32, #tpu.memory_space<vmem>> -> memref<1x128xi32, #tpu.memory_space<vmem>>
      %dma_start3A_29 = tpu.memref_squeeze %dma_start3A_28 : memref<1x128xi32, #tpu.memory_space<vmem>> -> memref<128xi32, #tpu.memory_space<vmem>>
      %dma_start3A_30 = arith.constant 0 : i32
      %dma_start3A_31 = arith.constant 0 : i32
      %dma_start3A_32 = tpu.memref_slice %arg8[%dma_start3A_30, %dma_start3A_31] : memref<10240x64xf32, #tpu.memory_space<vmem_shared>> -> memref<10240x64xf32, #tpu.memory_space<vmem_shared>>
      tpu.enqueue_indirect_dma source(%dma_start3A_26 : memref<128x64xf32, #tpu.memory_space<vmem>>) target(%dma_start3A_32 : memref<10240x64xf32, #tpu.memory_space<vmem_shared>>) offsets(%dma_start3A_29 : memref<128xi32, #tpu.memory_space<vmem>>) semaphore(%run_scoped3A_24 : memref<!tpu.dma_semaphore, #tpu.memory_space<semaphore_mem>>) {add = true}
      %dma_wait3A = arith.constant 128 : i32
      %dma_wait3A_33 = arith.constant 0 : i32
      %dma_wait3A_34 = tpu.memref_slice %arg7[%dma_wait3A, %dma_wait3A_33] : memref<1280x64xf32, #tpu.memory_space<vmem>> -> memref<128x64xf32, #tpu.memory_space<vmem>>
      %dma_wait3A_35 = arith.constant 0 : i32
      %dma_wait3A_36 = tpu.memref_slice %arg6[%run_scoped3A_7, %dma_wait3A_35] : memref<10x128xi32, #tpu.memory_space<vmem>> -> memref<1x128xi32, #tpu.memory_space<vmem>>
      %dma_wait3A_37 = tpu.memref_squeeze %dma_wait3A_36 : memref<1x128xi32, #tpu.memory_space<vmem>> -> memref<128xi32, #tpu.memory_space<vmem>>
      %dma_wait3A_38 = arith.constant 0 : i32
      %dma_wait3A_39 = arith.constant 0 : i32
      %dma_wait3A_40 = tpu.memref_slice %arg8[%dma_wait3A_38, %dma_wait3A_39] : memref<10240x64xf32, #tpu.memory_space<vmem_shared>> -> memref<10240x64xf32, #tpu.memory_space<vmem_shared>>
      tpu.wait_indirect_dma semaphore(%run_scoped3A_24 : memref<!tpu.dma_semaphore, #tpu.memory_space<semaphore_mem>>) src(%dma_wait3A_34 : memref<128x64xf32, #tpu.memory_space<vmem>>) dst(%dma_wait3A_40 : memref<10240x64xf32, #tpu.memory_space<vmem_shared>>)
      tpu.yield
    }) : () -> ()
    %run_scoped3A_8 = arith.constant 2 : i32
    "tpu.region"() ({
      %run_scoped3A_24 = tpu.sem_alloc : memref<!tpu.dma_semaphore, #tpu.memory_space<semaphore_mem>>
      %dma_start3A = arith.constant 256 : i32
      %dma_start3A_25 = arith.constant 0 : i32
      %dma_start3A_26 = tpu.memref_slice %arg7[%dma_start3A, %dma_start3A_25] : memref<1280x64xf32, #tpu.memory_space<vmem>> -> memref<128x64xf32, #tpu.memory_space<vmem>>
      %dma_start3A_27 = arith.constant 0 : i32
      %dma_start3A_28 = tpu.memref_slice %arg6[%run_scoped3A_8, %dma_start3A_27] : memref<10x128xi32, #tpu.memory_space<vmem>> -> memref<1x128xi32, #tpu.memory_space<vmem>>
      %dma_start3A_29 = tpu.memref_squeeze %dma_start3A_28 : memref<1x128xi32, #tpu.memory_space<vmem>> -> memref<128xi32, #tpu.memory_space<vmem>>
      %dma_start3A_30 = arith.constant 0 : i32
      %dma_start3A_31 = arith.constant 0 : i32
      %dma_start3A_32 = tpu.memref_slice %arg8[%dma_start3A_30, %dma_start3A_31] : memref<10240x64xf32, #tpu.memory_space<vmem_shared>> -> memref<10240x64xf32, #tpu.memory_space<vmem_shared>>
      tpu.enqueue_indirect_dma source(%dma_start3A_26 : memref<128x64xf32, #tpu.memory_space<vmem>>) target(%dma_start3A_32 : memref<10240x64xf32, #tpu.memory_space<vmem_shared>>) offsets(%dma_start3A_29 : memref<128xi32, #tpu.memory_space<vmem>>) semaphore(%run_scoped3A_24 : memref<!tpu.dma_semaphore, #tpu.memory_space<semaphore_mem>>) {add = true}
      %dma_wait3A = arith.constant 256 : i32
      %dma_wait3A_33 = arith.constant 0 : i32
      %dma_wait3A_34 = tpu.memref_slice %arg7[%dma_wait3A, %dma_wait3A_33] : memref<1280x64xf32, #tpu.memory_space<vmem>> -> memref<128x64xf32, #tpu.memory_space<vmem>>
      %dma_wait3A_35 = arith.constant 0 : i32
      %dma_wait3A_36 = tpu.memref_slice %arg6[%run_scoped3A_8, %dma_wait3A_35] : memref<10x128xi32, #tpu.memory_space<vmem>> -> memref<1x128xi32, #tpu.memory_space<vmem>>
      %dma_wait3A_37 = tpu.memref_squeeze %dma_wait3A_36 : memref<1x128xi32, #tpu.memory_space<vmem>> -> memref<128xi32, #tpu.memory_space<vmem>>
      %dma_wait3A_38 = arith.constant 0 : i32
      %dma_wait3A_39 = arith.constant 0 : i32
      %dma_wait3A_40 = tpu.memref_slice %arg8[%dma_wait3A_38, %dma_wait3A_39] : memref<10240x64xf32, #tpu.memory_space<vmem_shared>> -> memref<10240x64xf32, #tpu.memory_space<vmem_shared>>
      tpu.wait_indirect_dma semaphore(%run_scoped3A_24 : memref<!tpu.dma_semaphore, #tpu.memory_space<semaphore_mem>>) src(%dma_wait3A_34 : memref<128x64xf32, #tpu.memory_space<vmem>>) dst(%dma_wait3A_40 : memref<10240x64xf32, #tpu.memory_space<vmem_shared>>)
      tpu.yield
    }) : () -> ()
    %run_scoped3A_9 = arith.constant 3 : i32
    "tpu.region"() ({
      %run_scoped3A_24 = tpu.sem_alloc : memref<!tpu.dma_semaphore, #tpu.memory_space<semaphore_mem>>
      %dma_start3A = arith.constant 384 : i32
      %dma_start3A_25 = arith.constant 0 : i32
      %dma_start3A_26 = tpu.memref_slice %arg7[%dma_start3A, %dma_start3A_25] : memref<1280x64xf32, #tpu.memory_space<vmem>> -> memref<128x64xf32, #tpu.memory_space<vmem>>
      %dma_start3A_27 = arith.constant 0 : i32
      %dma_start3A_28 = tpu.memref_slice %arg6[%run_scoped3A_9, %dma_start3A_27] : memref<10x128xi32, #tpu.memory_space<vmem>> -> memref<1x128xi32, #tpu.memory_space<vmem>>
      %dma_start3A_29 = tpu.memref_squeeze %dma_start3A_28 : memref<1x128xi32, #tpu.memory_space<vmem>> -> memref<128xi32, #tpu.memory_space<vmem>>
      %dma_start3A_30 = arith.constant 0 : i32
      %dma_start3A_31 = arith.constant 0 : i32
      %dma_start3A_32 = tpu.memref_slice %arg8[%dma_start3A_30, %dma_start3A_31] : memref<10240x64xf32, #tpu.memory_space<vmem_shared>> -> memref<10240x64xf32, #tpu.memory_space<vmem_shared>>
      tpu.enqueue_indirect_dma source(%dma_start3A_26 : memref<128x64xf32, #tpu.memory_space<vmem>>) target(%dma_start3A_32 : memref<10240x64xf32, #tpu.memory_space<vmem_shared>>) offsets(%dma_start3A_29 : memref<128xi32, #tpu.memory_space<vmem>>) semaphore(%run_scoped3A_24 : memref<!tpu.dma_semaphore, #tpu.memory_space<semaphore_mem>>) {add = true}
      %dma_wait3A = arith.constant 384 : i32
      %dma_wait3A_33 = arith.constant 0 : i32
      %dma_wait3A_34 = tpu.memref_slice %arg7[%dma_wait3A, %dma_wait3A_33] : memref<1280x64xf32, #tpu.memory_space<vmem>> -> memref<128x64xf32, #tpu.memory_space<vmem>>
      %dma_wait3A_35 = arith.constant 0 : i32
      %dma_wait3A_36 = tpu.memref_slice %arg6[%run_scoped3A_9, %dma_wait3A_35] : memref<10x128xi32, #tpu.memory_space<vmem>> -> memref<1x128xi32, #tpu.memory_space<vmem>>
      %dma_wait3A_37 = tpu.memref_squeeze %dma_wait3A_36 : memref<1x128xi32, #tpu.memory_space<vmem>> -> memref<128xi32, #tpu.memory_space<vmem>>
      %dma_wait3A_38 = arith.constant 0 : i32
      %dma_wait3A_39 = arith.constant 0 : i32
      %dma_wait3A_40 = tpu.memref_slice %arg8[%dma_wait3A_38, %dma_wait3A_39] : memref<10240x64xf32, #tpu.memory_space<vmem_shared>> -> memref<10240x64xf32, #tpu.memory_space<vmem_shared>>
      tpu.wait_indirect_dma semaphore(%run_scoped3A_24 : memref<!tpu.dma_semaphore, #tpu.memory_space<semaphore_mem>>) src(%dma_wait3A_34 : memref<128x64xf32, #tpu.memory_space<vmem>>) dst(%dma_wait3A_40 : memref<10240x64xf32, #tpu.memory_space<vmem_shared>>)
      tpu.yield
    }) : () -> ()
    %run_scoped3A_10 = arith.constant 4 : i32
    "tpu.region"() ({
      %run_scoped3A_24 = tpu.sem_alloc : memref<!tpu.dma_semaphore, #tpu.memory_space<semaphore_mem>>
      %dma_start3A = arith.constant 512 : i32
      %dma_start3A_25 = arith.constant 0 : i32
      %dma_start3A_26 = tpu.memref_slice %arg7[%dma_start3A, %dma_start3A_25] : memref<1280x64xf32, #tpu.memory_space<vmem>> -> memref<128x64xf32, #tpu.memory_space<vmem>>
      %dma_start3A_27 = arith.constant 0 : i32
      %dma_start3A_28 = tpu.memref_slice %arg6[%run_scoped3A_10, %dma_start3A_27] : memref<10x128xi32, #tpu.memory_space<vmem>> -> memref<1x128xi32, #tpu.memory_space<vmem>>
      %dma_start3A_29 = tpu.memref_squeeze %dma_start3A_28 : memref<1x128xi32, #tpu.memory_space<vmem>> -> memref<128xi32, #tpu.memory_space<vmem>>
      %dma_start3A_30 = arith.constant 0 : i32
      %dma_start3A_31 = arith.constant 0 : i32
      %dma_start3A_32 = tpu.memref_slice %arg8[%dma_start3A_30, %dma_start3A_31] : memref<10240x64xf32, #tpu.memory_space<vmem_shared>> -> memref<10240x64xf32, #tpu.memory_space<vmem_shared>>
      tpu.enqueue_indirect_dma source(%dma_start3A_26 : memref<128x64xf32, #tpu.memory_space<vmem>>) target(%dma_start3A_32 : memref<10240x64xf32, #tpu.memory_space<vmem_shared>>) offsets(%dma_start3A_29 : memref<128xi32, #tpu.memory_space<vmem>>) semaphore(%run_scoped3A_24 : memref<!tpu.dma_semaphore, #tpu.memory_space<semaphore_mem>>) {add = true}
      %dma_wait3A = arith.constant 512 : i32
      %dma_wait3A_33 = arith.constant 0 : i32
      %dma_wait3A_34 = tpu.memref_slice %arg7[%dma_wait3A, %dma_wait3A_33] : memref<1280x64xf32, #tpu.memory_space<vmem>> -> memref<128x64xf32, #tpu.memory_space<vmem>>
      %dma_wait3A_35 = arith.constant 0 : i32
      %dma_wait3A_36 = tpu.memref_slice %arg6[%run_scoped3A_10, %dma_wait3A_35] : memref<10x128xi32, #tpu.memory_space<vmem>> -> memref<1x128xi32, #tpu.memory_space<vmem>>
      %dma_wait3A_37 = tpu.memref_squeeze %dma_wait3A_36 : memref<1x128xi32, #tpu.memory_space<vmem>> -> memref<128xi32, #tpu.memory_space<vmem>>
      %dma_wait3A_38 = arith.constant 0 : i32
      %dma_wait3A_39 = arith.constant 0 : i32
      %dma_wait3A_40 = tpu.memref_slice %arg8[%dma_wait3A_38, %dma_wait3A_39] : memref<10240x64xf32, #tpu.memory_space<vmem_shared>> -> memref<10240x64xf32, #tpu.memory_space<vmem_shared>>
      tpu.wait_indirect_dma semaphore(%run_scoped3A_24 : memref<!tpu.dma_semaphore, #tpu.memory_space<semaphore_mem>>) src(%dma_wait3A_34 : memref<128x64xf32, #tpu.memory_space<vmem>>) dst(%dma_wait3A_40 : memref<10240x64xf32, #tpu.memory_space<vmem_shared>>)
      tpu.yield
    }) : () -> ()
    %run_scoped3A_11 = arith.constant 5 : i32
    "tpu.region"() ({
      %run_scoped3A_24 = tpu.sem_alloc : memref<!tpu.dma_semaphore, #tpu.memory_space<semaphore_mem>>
      %dma_start3A = arith.constant 640 : i32
      %dma_start3A_25 = arith.constant 0 : i32
      %dma_start3A_26 = tpu.memref_slice %arg7[%dma_start3A, %dma_start3A_25] : memref<1280x64xf32, #tpu.memory_space<vmem>> -> memref<128x64xf32, #tpu.memory_space<vmem>>
      %dma_start3A_27 = arith.constant 0 : i32
      %dma_start3A_28 = tpu.memref_slice %arg6[%run_scoped3A_11, %dma_start3A_27] : memref<10x128xi32, #tpu.memory_space<vmem>> -> memref<1x128xi32, #tpu.memory_space<vmem>>
      %dma_start3A_29 = tpu.memref_squeeze %dma_start3A_28 : memref<1x128xi32, #tpu.memory_space<vmem>> -> memref<128xi32, #tpu.memory_space<vmem>>
      %dma_start3A_30 = arith.constant 0 : i32
      %dma_start3A_31 = arith.constant 0 : i32
      %dma_start3A_32 = tpu.memref_slice %arg8[%dma_start3A_30, %dma_start3A_31] : memref<10240x64xf32, #tpu.memory_space<vmem_shared>> -> memref<10240x64xf32, #tpu.memory_space<vmem_shared>>
      tpu.enqueue_indirect_dma source(%dma_start3A_26 : memref<128x64xf32, #tpu.memory_space<vmem>>) target(%dma_start3A_32 : memref<10240x64xf32, #tpu.memory_space<vmem_shared>>) offsets(%dma_start3A_29 : memref<128xi32, #tpu.memory_space<vmem>>) semaphore(%run_scoped3A_24 : memref<!tpu.dma_semaphore, #tpu.memory_space<semaphore_mem>>) {add = true}
      %dma_wait3A = arith.constant 640 : i32
      %dma_wait3A_33 = arith.constant 0 : i32
      %dma_wait3A_34 = tpu.memref_slice %arg7[%dma_wait3A, %dma_wait3A_33] : memref<1280x64xf32, #tpu.memory_space<vmem>> -> memref<128x64xf32, #tpu.memory_space<vmem>>
      %dma_wait3A_35 = arith.constant 0 : i32
      %dma_wait3A_36 = tpu.memref_slice %arg6[%run_scoped3A_11, %dma_wait3A_35] : memref<10x128xi32, #tpu.memory_space<vmem>> -> memref<1x128xi32, #tpu.memory_space<vmem>>
      %dma_wait3A_37 = tpu.memref_squeeze %dma_wait3A_36 : memref<1x128xi32, #tpu.memory_space<vmem>> -> memref<128xi32, #tpu.memory_space<vmem>>
      %dma_wait3A_38 = arith.constant 0 : i32
      %dma_wait3A_39 = arith.constant 0 : i32
      %dma_wait3A_40 = tpu.memref_slice %arg8[%dma_wait3A_38, %dma_wait3A_39] : memref<10240x64xf32, #tpu.memory_space<vmem_shared>> -> memref<10240x64xf32, #tpu.memory_space<vmem_shared>>
      tpu.wait_indirect_dma semaphore(%run_scoped3A_24 : memref<!tpu.dma_semaphore, #tpu.memory_space<semaphore_mem>>) src(%dma_wait3A_34 : memref<128x64xf32, #tpu.memory_space<vmem>>) dst(%dma_wait3A_40 : memref<10240x64xf32, #tpu.memory_space<vmem_shared>>)
      tpu.yield
    }) : () -> ()
    %run_scoped3A_12 = arith.constant 6 : i32
    "tpu.region"() ({
      %run_scoped3A_24 = tpu.sem_alloc : memref<!tpu.dma_semaphore, #tpu.memory_space<semaphore_mem>>
      %dma_start3A = arith.constant 768 : i32
      %dma_start3A_25 = arith.constant 0 : i32
      %dma_start3A_26 = tpu.memref_slice %arg7[%dma_start3A, %dma_start3A_25] : memref<1280x64xf32, #tpu.memory_space<vmem>> -> memref<128x64xf32, #tpu.memory_space<vmem>>
      %dma_start3A_27 = arith.constant 0 : i32
      %dma_start3A_28 = tpu.memref_slice %arg6[%run_scoped3A_12, %dma_start3A_27] : memref<10x128xi32, #tpu.memory_space<vmem>> -> memref<1x128xi32, #tpu.memory_space<vmem>>
      %dma_start3A_29 = tpu.memref_squeeze %dma_start3A_28 : memref<1x128xi32, #tpu.memory_space<vmem>> -> memref<128xi32, #tpu.memory_space<vmem>>
      %dma_start3A_30 = arith.constant 0 : i32
      %dma_start3A_31 = arith.constant 0 : i32
      %dma_start3A_32 = tpu.memref_slice %arg8[%dma_start3A_30, %dma_start3A_31] : memref<10240x64xf32, #tpu.memory_space<vmem_shared>> -> memref<10240x64xf32, #tpu.memory_space<vmem_shared>>
      tpu.enqueue_indirect_dma source(%dma_start3A_26 : memref<128x64xf32, #tpu.memory_space<vmem>>) target(%dma_start3A_32 : memref<10240x64xf32, #tpu.memory_space<vmem_shared>>) offsets(%dma_start3A_29 : memref<128xi32, #tpu.memory_space<vmem>>) semaphore(%run_scoped3A_24 : memref<!tpu.dma_semaphore, #tpu.memory_space<semaphore_mem>>) {add = true}
      %dma_wait3A = arith.constant 768 : i32
      %dma_wait3A_33 = arith.constant 0 : i32
      %dma_wait3A_34 = tpu.memref_slice %arg7[%dma_wait3A, %dma_wait3A_33] : memref<1280x64xf32, #tpu.memory_space<vmem>> -> memref<128x64xf32, #tpu.memory_space<vmem>>
      %dma_wait3A_35 = arith.constant 0 : i32
      %dma_wait3A_36 = tpu.memref_slice %arg6[%run_scoped3A_12, %dma_wait3A_35] : memref<10x128xi32, #tpu.memory_space<vmem>> -> memref<1x128xi32, #tpu.memory_space<vmem>>
      %dma_wait3A_37 = tpu.memref_squeeze %dma_wait3A_36 : memref<1x128xi32, #tpu.memory_space<vmem>> -> memref<128xi32, #tpu.memory_space<vmem>>
      %dma_wait3A_38 = arith.constant 0 : i32
      %dma_wait3A_39 = arith.constant 0 : i32
      %dma_wait3A_40 = tpu.memref_slice %arg8[%dma_wait3A_38, %dma_wait3A_39] : memref<10240x64xf32, #tpu.memory_space<vmem_shared>> -> memref<10240x64xf32, #tpu.memory_space<vmem_shared>>
      tpu.wait_indirect_dma semaphore(%run_scoped3A_24 : memref<!tpu.dma_semaphore, #tpu.memory_space<semaphore_mem>>) src(%dma_wait3A_34 : memref<128x64xf32, #tpu.memory_space<vmem>>) dst(%dma_wait3A_40 : memref<10240x64xf32, #tpu.memory_space<vmem_shared>>)
      tpu.yield
    }) : () -> ()
    %run_scoped3A_13 = arith.constant 7 : i32
    "tpu.region"() ({
      %run_scoped3A_24 = tpu.sem_alloc : memref<!tpu.dma_semaphore, #tpu.memory_space<semaphore_mem>>
      %dma_start3A = arith.constant 896 : i32
      %dma_start3A_25 = arith.constant 0 : i32
      %dma_start3A_26 = tpu.memref_slice %arg7[%dma_start3A, %dma_start3A_25] : memref<1280x64xf32, #tpu.memory_space<vmem>> -> memref<128x64xf32, #tpu.memory_space<vmem>>
      %dma_start3A_27 = arith.constant 0 : i32
      %dma_start3A_28 = tpu.memref_slice %arg6[%run_scoped3A_13, %dma_start3A_27] : memref<10x128xi32, #tpu.memory_space<vmem>> -> memref<1x128xi32, #tpu.memory_space<vmem>>
      %dma_start3A_29 = tpu.memref_squeeze %dma_start3A_28 : memref<1x128xi32, #tpu.memory_space<vmem>> -> memref<128xi32, #tpu.memory_space<vmem>>
      %dma_start3A_30 = arith.constant 0 : i32
      %dma_start3A_31 = arith.constant 0 : i32
      %dma_start3A_32 = tpu.memref_slice %arg8[%dma_start3A_30, %dma_start3A_31] : memref<10240x64xf32, #tpu.memory_space<vmem_shared>> -> memref<10240x64xf32, #tpu.memory_space<vmem_shared>>
      tpu.enqueue_indirect_dma source(%dma_start3A_26 : memref<128x64xf32, #tpu.memory_space<vmem>>) target(%dma_start3A_32 : memref<10240x64xf32, #tpu.memory_space<vmem_shared>>) offsets(%dma_start3A_29 : memref<128xi32, #tpu.memory_space<vmem>>) semaphore(%run_scoped3A_24 : memref<!tpu.dma_semaphore, #tpu.memory_space<semaphore_mem>>) {add = true}
      %dma_wait3A = arith.constant 896 : i32
      %dma_wait3A_33 = arith.constant 0 : i32
      %dma_wait3A_34 = tpu.memref_slice %arg7[%dma_wait3A, %dma_wait3A_33] : memref<1280x64xf32, #tpu.memory_space<vmem>> -> memref<128x64xf32, #tpu.memory_space<vmem>>
      %dma_wait3A_35 = arith.constant 0 : i32
      %dma_wait3A_36 = tpu.memref_slice %arg6[%run_scoped3A_13, %dma_wait3A_35] : memref<10x128xi32, #tpu.memory_space<vmem>> -> memref<1x128xi32, #tpu.memory_space<vmem>>
      %dma_wait3A_37 = tpu.memref_squeeze %dma_wait3A_36 : memref<1x128xi32, #tpu.memory_space<vmem>> -> memref<128xi32, #tpu.memory_space<vmem>>
      %dma_wait3A_38 = arith.constant 0 : i32
      %dma_wait3A_39 = arith.constant 0 : i32
      %dma_wait3A_40 = tpu.memref_slice %arg8[%dma_wait3A_38, %dma_wait3A_39] : memref<10240x64xf32, #tpu.memory_space<vmem_shared>> -> memref<10240x64xf32, #tpu.memory_space<vmem_shared>>
      tpu.wait_indirect_dma semaphore(%run_scoped3A_24 : memref<!tpu.dma_semaphore, #tpu.memory_space<semaphore_mem>>) src(%dma_wait3A_34 : memref<128x64xf32, #tpu.memory_space<vmem>>) dst(%dma_wait3A_40 : memref<10240x64xf32, #tpu.memory_space<vmem_shared>>)
      tpu.yield
    }) : () -> ()
    %run_scoped3A_14 = arith.constant 8 : i32
    "tpu.region"() ({
      %run_scoped3A_24 = tpu.sem_alloc : memref<!tpu.dma_semaphore, #tpu.memory_space<semaphore_mem>>
      %dma_start3A = arith.constant 1024 : i32
      %dma_start3A_25 = arith.constant 0 : i32
      %dma_start3A_26 = tpu.memref_slice %arg7[%dma_start3A, %dma_start3A_25] : memref<1280x64xf32, #tpu.memory_space<vmem>> -> memref<128x64xf32, #tpu.memory_space<vmem>>
      %dma_start3A_27 = arith.constant 0 : i32
      %dma_start3A_28 = tpu.memref_slice %arg6[%run_scoped3A_14, %dma_start3A_27] : memref<10x128xi32, #tpu.memory_space<vmem>> -> memref<1x128xi32, #tpu.memory_space<vmem>>
      %dma_start3A_29 = tpu.memref_squeeze %dma_start3A_28 : memref<1x128xi32, #tpu.memory_space<vmem>> -> memref<128xi32, #tpu.memory_space<vmem>>
      %dma_start3A_30 = arith.constant 0 : i32
      %dma_start3A_31 = arith.constant 0 : i32
      %dma_start3A_32 = tpu.memref_slice %arg8[%dma_start3A_30, %dma_start3A_31] : memref<10240x64xf32, #tpu.memory_space<vmem_shared>> -> memref<10240x64xf32, #tpu.memory_space<vmem_shared>>
      tpu.enqueue_indirect_dma source(%dma_start3A_26 : memref<128x64xf32, #tpu.memory_space<vmem>>) target(%dma_start3A_32 : memref<10240x64xf32, #tpu.memory_space<vmem_shared>>) offsets(%dma_start3A_29 : memref<128xi32, #tpu.memory_space<vmem>>) semaphore(%run_scoped3A_24 : memref<!tpu.dma_semaphore, #tpu.memory_space<semaphore_mem>>) {add = true}
      %dma_wait3A = arith.constant 1024 : i32
      %dma_wait3A_33 = arith.constant 0 : i32
      %dma_wait3A_34 = tpu.memref_slice %arg7[%dma_wait3A, %dma_wait3A_33] : memref<1280x64xf32, #tpu.memory_space<vmem>> -> memref<128x64xf32, #tpu.memory_space<vmem>>
      %dma_wait3A_35 = arith.constant 0 : i32
      %dma_wait3A_36 = tpu.memref_slice %arg6[%run_scoped3A_14, %dma_wait3A_35] : memref<10x128xi32, #tpu.memory_space<vmem>> -> memref<1x128xi32, #tpu.memory_space<vmem>>
      %dma_wait3A_37 = tpu.memref_squeeze %dma_wait3A_36 : memref<1x128xi32, #tpu.memory_space<vmem>> -> memref<128xi32, #tpu.memory_space<vmem>>
      %dma_wait3A_38 = arith.constant 0 : i32
      %dma_wait3A_39 = arith.constant 0 : i32
      %dma_wait3A_40 = tpu.memref_slice %arg8[%dma_wait3A_38, %dma_wait3A_39] : memref<10240x64xf32, #tpu.memory_space<vmem_shared>> -> memref<10240x64xf32, #tpu.memory_space<vmem_shared>>
      tpu.wait_indirect_dma semaphore(%run_scoped3A_24 : memref<!tpu.dma_semaphore, #tpu.memory_space<semaphore_mem>>) src(%dma_wait3A_34 : memref<128x64xf32, #tpu.memory_space<vmem>>) dst(%dma_wait3A_40 : memref<10240x64xf32, #tpu.memory_space<vmem_shared>>)
      tpu.yield
    }) : () -> ()
    %run_scoped3A_15 = arith.constant 9 : i32
    "tpu.region"() ({
      %run_scoped3A_24 = tpu.sem_alloc : memref<!tpu.dma_semaphore, #tpu.memory_space<semaphore_mem>>
      %dma_start3A = arith.constant 1152 : i32
      %dma_start3A_25 = arith.constant 0 : i32
      %dma_start3A_26 = tpu.memref_slice %arg7[%dma_start3A, %dma_start3A_25] : memref<1280x64xf32, #tpu.memory_space<vmem>> -> memref<128x64xf32, #tpu.memory_space<vmem>>
      %dma_start3A_27 = arith.constant 0 : i32
      %dma_start3A_28 = tpu.memref_slice %arg6[%run_scoped3A_15, %dma_start3A_27] : memref<10x128xi32, #tpu.memory_space<vmem>> -> memref<1x128xi32, #tpu.memory_space<vmem>>
      %dma_start3A_29 = tpu.memref_squeeze %dma_start3A_28 : memref<1x128xi32, #tpu.memory_space<vmem>> -> memref<128xi32, #tpu.memory_space<vmem>>
      %dma_start3A_30 = arith.constant 0 : i32
      %dma_start3A_31 = arith.constant 0 : i32
      %dma_start3A_32 = tpu.memref_slice %arg8[%dma_start3A_30, %dma_start3A_31] : memref<10240x64xf32, #tpu.memory_space<vmem_shared>> -> memref<10240x64xf32, #tpu.memory_space<vmem_shared>>
      tpu.enqueue_indirect_dma source(%dma_start3A_26 : memref<128x64xf32, #tpu.memory_space<vmem>>) target(%dma_start3A_32 : memref<10240x64xf32, #tpu.memory_space<vmem_shared>>) offsets(%dma_start3A_29 : memref<128xi32, #tpu.memory_space<vmem>>) semaphore(%run_scoped3A_24 : memref<!tpu.dma_semaphore, #tpu.memory_space<semaphore_mem>>) {add = true}
      %dma_wait3A = arith.constant 1152 : i32
      %dma_wait3A_33 = arith.constant 0 : i32
      %dma_wait3A_34 = tpu.memref_slice %arg7[%dma_wait3A, %dma_wait3A_33] : memref<1280x64xf32, #tpu.memory_space<vmem>> -> memref<128x64xf32, #tpu.memory_space<vmem>>
      %dma_wait3A_35 = arith.constant 0 : i32
      %dma_wait3A_36 = tpu.memref_slice %arg6[%run_scoped3A_15, %dma_wait3A_35] : memref<10x128xi32, #tpu.memory_space<vmem>> -> memref<1x128xi32, #tpu.memory_space<vmem>>
      %dma_wait3A_37 = tpu.memref_squeeze %dma_wait3A_36 : memref<1x128xi32, #tpu.memory_space<vmem>> -> memref<128xi32, #tpu.memory_space<vmem>>
      %dma_wait3A_38 = arith.constant 0 : i32
      %dma_wait3A_39 = arith.constant 0 : i32
      %dma_wait3A_40 = tpu.memref_slice %arg8[%dma_wait3A_38, %dma_wait3A_39] : memref<10240x64xf32, #tpu.memory_space<vmem_shared>> -> memref<10240x64xf32, #tpu.memory_space<vmem_shared>>
      tpu.wait_indirect_dma semaphore(%run_scoped3A_24 : memref<!tpu.dma_semaphore, #tpu.memory_space<semaphore_mem>>) src(%dma_wait3A_34 : memref<128x64xf32, #tpu.memory_space<vmem>>) dst(%dma_wait3A_40 : memref<10240x64xf32, #tpu.memory_space<vmem_shared>>)
      tpu.yield
    }) : () -> ()
    %barrier3A_16 = arith.constant 0 : index
    tpu.barrier barrier_id(%barrier3A_16)
    %mul3A_17 = arith.constant 640 : i32
    %mul3A_18 = arith.muli %arg1, %mul3A_17 : i32
    %mul3A_19 = arith.constant 10240 : i32
    %mul3A_20 = arith.muli %arg0, %mul3A_19 : i32
    %mul3A_21 = arith.constant 640 : i32
    %mul3A_22 = arith.muli %arg1, %mul3A_21 : i32
    %add3A_23 = arith.addi %mul3A_20, %mul3A_22 : i32
    "tpu.region"() ({
      %run_scoped3A_24 = tpu.sem_alloc : memref<!tpu.dma_semaphore, #tpu.memory_space<semaphore_mem>>
      %dma_start3A = arith.constant 0 : i32
      %dma_start3A_25 = tpu.memref_slice %arg5[%add3A_23, %dma_start3A] : memref<20480x64xf32, #tpu.memory_space<hbm>> -> memref<640x64xf32, #tpu.memory_space<hbm>>
      %dma_start3A_26 = arith.constant 0 : i32
      %dma_start3A_27 = tpu.memref_slice %arg8[%mul3A_18, %dma_start3A_26] : memref<10240x64xf32, #tpu.memory_space<vmem_shared>> -> memref<640x64xf32, #tpu.memory_space<vmem_shared>>
      tpu.enqueue_dma source(%dma_start3A_27 : memref<640x64xf32, #tpu.memory_space<vmem_shared>>) target(%dma_start3A_25 : memref<640x64xf32, #tpu.memory_space<hbm>>) target_semaphore(%run_scoped3A_24 : memref<!tpu.dma_semaphore, #tpu.memory_space<semaphore_mem>>)
      %dma_wait3A = arith.constant 0 : i32
      %dma_wait3A_28 = tpu.memref_slice %arg5[%add3A_23, %dma_wait3A] : memref<20480x64xf32, #tpu.memory_space<hbm>> -> memref<640x64xf32, #tpu.memory_space<hbm>>
      %dma_wait3A_29 = arith.constant 0 : i32
      %dma_wait3A_30 = tpu.memref_slice %arg8[%mul3A_18, %dma_wait3A_29] : memref<10240x64xf32, #tpu.memory_space<vmem_shared>> -> memref<640x64xf32, #tpu.memory_space<vmem_shared>>
      tpu.wait_dma2 semaphore(%run_scoped3A_24 : memref<!tpu.dma_semaphore, #tpu.memory_space<semaphore_mem>>) src(%dma_wait3A_30 : memref<640x64xf32, #tpu.memory_space<vmem_shared>>) dst(%dma_wait3A_28 : memref<640x64xf32, #tpu.memory_space<hbm>>)
      tpu.yield
    }) : () -> ()
    return
  }
}

#map = affine_map<(d0, d1) -> (0, 0)>
#map1 = affine_map<(d0, d1) -> (0, 0, 0)>
module attributes {stable_mosaic.version = 14 : i64} {
  func.func @k(%arg0: i32, %arg1: i32, %arg2: memref<10240x64xf32, #tpu.memory_space<hbm>>, %arg3: memref<32x10x128xi32, #tpu.memory_space<hbm>>, %arg4: memref<40960x64xf32, #tpu.memory_space<hbm>>, %arg5: memref<10x128xi32, #tpu.memory_space<vmem>>, %arg6: memref<1280x64xf32, #tpu.memory_space<vmem>>, %arg7: memref<!tpu.dma_semaphore, #tpu.memory_space<semaphore_mem>>) attributes {dimension_semantics = [#tpu.dimension_semantics<core_parallel>, #tpu.dimension_semantics<subcore_parallel>], iteration_bounds = array<i64: 2, 16>, scalar_prefetch = 0 : i64, scratch_operands = 3 : i64, tpu.core_type = #tpu.core_type<sc_vector_subcore>, window_params = [{transform_indices = #map}, {transform_indices = #map1}, {transform_indices = #map}]} {
    %mul3A = arith.constant 16 : i32
    %mul3A_0 = arith.muli %arg0, %mul3A : i32
    %add3A = arith.addi %mul3A_0, %arg1 : i32
    "tpu.region"() ({
      %run_scoped3A = tpu.sem_alloc : memref<!tpu.dma_semaphore, #tpu.memory_space<semaphore_mem>>
      %dma_start3A_201 = arith.constant 0 : i32
      %dma_start3A_202 = arith.constant 0 : i32
      %dma_start3A_203 = tpu.memref_slice %arg3[%add3A, %dma_start3A_201, %dma_start3A_202] : memref<32x10x128xi32, #tpu.memory_space<hbm>> -> memref<1x10x128xi32, #tpu.memory_space<hbm>>
      %dma_start3A_204 = tpu.memref_squeeze %dma_start3A_203 : memref<1x10x128xi32, #tpu.memory_space<hbm>> -> memref<10x128xi32, #tpu.memory_space<hbm>>
      %dma_start3A_205 = arith.constant 0 : i32
      %dma_start3A_206 = arith.constant 0 : i32
      %dma_start3A_207 = tpu.memref_slice %arg3[%add3A, %dma_start3A_205, %dma_start3A_206] : memref<32x10x128xi32, #tpu.memory_space<hbm>> -> memref<1x10x128xi32, #tpu.memory_space<hbm>>
      %dma_start3A_208 = tpu.memref_squeeze %dma_start3A_207 : memref<1x10x128xi32, #tpu.memory_space<hbm>> -> memref<10x128xi32, #tpu.memory_space<hbm>>
      tpu.enqueue_dma source(%dma_start3A_208 : memref<10x128xi32, #tpu.memory_space<hbm>>) target(%arg5 : memref<10x128xi32, #tpu.memory_space<vmem>>) target_semaphore(%run_scoped3A : memref<!tpu.dma_semaphore, #tpu.memory_space<semaphore_mem>>)
      %dma_wait3A_209 = arith.constant 0 : i32
      %dma_wait3A_210 = arith.constant 0 : i32
      %dma_wait3A_211 = tpu.memref_slice %arg3[%add3A, %dma_wait3A_209, %dma_wait3A_210] : memref<32x10x128xi32, #tpu.memory_space<hbm>> -> memref<1x10x128xi32, #tpu.memory_space<hbm>>
      %dma_wait3A_212 = tpu.memref_squeeze %dma_wait3A_211 : memref<1x10x128xi32, #tpu.memory_space<hbm>> -> memref<10x128xi32, #tpu.memory_space<hbm>>
      %dma_wait3A_213 = arith.constant 0 : i32
      %dma_wait3A_214 = arith.constant 0 : i32
      %dma_wait3A_215 = tpu.memref_slice %arg3[%add3A, %dma_wait3A_213, %dma_wait3A_214] : memref<32x10x128xi32, #tpu.memory_space<hbm>> -> memref<1x10x128xi32, #tpu.memory_space<hbm>>
      %dma_wait3A_216 = tpu.memref_squeeze %dma_wait3A_215 : memref<1x10x128xi32, #tpu.memory_space<hbm>> -> memref<10x128xi32, #tpu.memory_space<hbm>>
      tpu.wait_dma2 semaphore(%run_scoped3A : memref<!tpu.dma_semaphore, #tpu.memory_space<semaphore_mem>>) src(%dma_wait3A_216 : memref<10x128xi32, #tpu.memory_space<hbm>>) dst(%arg5 : memref<10x128xi32, #tpu.memory_space<vmem>>)
      tpu.yield
    }) : () -> ()
    %dma_start3A = arith.constant 0 : i32
    %dma_start3A_1 = arith.constant 0 : i32
    %dma_start3A_2 = arith.constant 0 : i32
    %dma_start3A_3 = tpu.memref_slice %arg6[%dma_start3A_1, %dma_start3A_2] : memref<1280x64xf32, #tpu.memory_space<vmem>> -> memref<128x64xf32, #tpu.memory_space<vmem>>
    %dma_start3A_4 = arith.constant 0 : i32
    %dma_start3A_5 = tpu.memref_slice %arg5[%dma_start3A, %dma_start3A_4] : memref<10x128xi32, #tpu.memory_space<vmem>> -> memref<1x128xi32, #tpu.memory_space<vmem>>
    %dma_start3A_6 = tpu.memref_squeeze %dma_start3A_5 : memref<1x128xi32, #tpu.memory_space<vmem>> -> memref<128xi32, #tpu.memory_space<vmem>>
    %dma_start3A_7 = arith.constant 0 : i32
    %dma_start3A_8 = arith.constant 0 : i32
    %dma_start3A_9 = tpu.memref_slice %arg2[%dma_start3A_7, %dma_start3A_8] : memref<10240x64xf32, #tpu.memory_space<hbm>> -> memref<10240x64xf32, #tpu.memory_space<hbm>>
    tpu.enqueue_indirect_dma source(%dma_start3A_9 : memref<10240x64xf32, #tpu.memory_space<hbm>>) target(%dma_start3A_3 : memref<128x64xf32, #tpu.memory_space<vmem>>) offsets(%dma_start3A_6 : memref<128xi32, #tpu.memory_space<vmem>>) semaphore(%arg7 : memref<!tpu.dma_semaphore, #tpu.memory_space<semaphore_mem>>)
    %dma_start3A_10 = arith.constant 1 : i32
    %dma_start3A_11 = arith.constant 128 : i32
    %dma_start3A_12 = arith.constant 0 : i32
    %dma_start3A_13 = tpu.memref_slice %arg6[%dma_start3A_11, %dma_start3A_12] : memref<1280x64xf32, #tpu.memory_space<vmem>> -> memref<128x64xf32, #tpu.memory_space<vmem>>
    %dma_start3A_14 = arith.constant 0 : i32
    %dma_start3A_15 = tpu.memref_slice %arg5[%dma_start3A_10, %dma_start3A_14] : memref<10x128xi32, #tpu.memory_space<vmem>> -> memref<1x128xi32, #tpu.memory_space<vmem>>
    %dma_start3A_16 = tpu.memref_squeeze %dma_start3A_15 : memref<1x128xi32, #tpu.memory_space<vmem>> -> memref<128xi32, #tpu.memory_space<vmem>>
    %dma_start3A_17 = arith.constant 0 : i32
    %dma_start3A_18 = arith.constant 0 : i32
    %dma_start3A_19 = tpu.memref_slice %arg2[%dma_start3A_17, %dma_start3A_18] : memref<10240x64xf32, #tpu.memory_space<hbm>> -> memref<10240x64xf32, #tpu.memory_space<hbm>>
    tpu.enqueue_indirect_dma source(%dma_start3A_19 : memref<10240x64xf32, #tpu.memory_space<hbm>>) target(%dma_start3A_13 : memref<128x64xf32, #tpu.memory_space<vmem>>) offsets(%dma_start3A_16 : memref<128xi32, #tpu.memory_space<vmem>>) semaphore(%arg7 : memref<!tpu.dma_semaphore, #tpu.memory_space<semaphore_mem>>)
    %dma_start3A_20 = arith.constant 2 : i32
    %dma_start3A_21 = arith.constant 256 : i32
    %dma_start3A_22 = arith.constant 0 : i32
    %dma_start3A_23 = tpu.memref_slice %arg6[%dma_start3A_21, %dma_start3A_22] : memref<1280x64xf32, #tpu.memory_space<vmem>> -> memref<128x64xf32, #tpu.memory_space<vmem>>
    %dma_start3A_24 = arith.constant 0 : i32
    %dma_start3A_25 = tpu.memref_slice %arg5[%dma_start3A_20, %dma_start3A_24] : memref<10x128xi32, #tpu.memory_space<vmem>> -> memref<1x128xi32, #tpu.memory_space<vmem>>
    %dma_start3A_26 = tpu.memref_squeeze %dma_start3A_25 : memref<1x128xi32, #tpu.memory_space<vmem>> -> memref<128xi32, #tpu.memory_space<vmem>>
    %dma_start3A_27 = arith.constant 0 : i32
    %dma_start3A_28 = arith.constant 0 : i32
    %dma_start3A_29 = tpu.memref_slice %arg2[%dma_start3A_27, %dma_start3A_28] : memref<10240x64xf32, #tpu.memory_space<hbm>> -> memref<10240x64xf32, #tpu.memory_space<hbm>>
    tpu.enqueue_indirect_dma source(%dma_start3A_29 : memref<10240x64xf32, #tpu.memory_space<hbm>>) target(%dma_start3A_23 : memref<128x64xf32, #tpu.memory_space<vmem>>) offsets(%dma_start3A_26 : memref<128xi32, #tpu.memory_space<vmem>>) semaphore(%arg7 : memref<!tpu.dma_semaphore, #tpu.memory_space<semaphore_mem>>)
    %dma_start3A_30 = arith.constant 3 : i32
    %dma_start3A_31 = arith.constant 384 : i32
    %dma_start3A_32 = arith.constant 0 : i32
    %dma_start3A_33 = tpu.memref_slice %arg6[%dma_start3A_31, %dma_start3A_32] : memref<1280x64xf32, #tpu.memory_space<vmem>> -> memref<128x64xf32, #tpu.memory_space<vmem>>
    %dma_start3A_34 = arith.constant 0 : i32
    %dma_start3A_35 = tpu.memref_slice %arg5[%dma_start3A_30, %dma_start3A_34] : memref<10x128xi32, #tpu.memory_space<vmem>> -> memref<1x128xi32, #tpu.memory_space<vmem>>
    %dma_start3A_36 = tpu.memref_squeeze %dma_start3A_35 : memref<1x128xi32, #tpu.memory_space<vmem>> -> memref<128xi32, #tpu.memory_space<vmem>>
    %dma_start3A_37 = arith.constant 0 : i32
    %dma_start3A_38 = arith.constant 0 : i32
    %dma_start3A_39 = tpu.memref_slice %arg2[%dma_start3A_37, %dma_start3A_38] : memref<10240x64xf32, #tpu.memory_space<hbm>> -> memref<10240x64xf32, #tpu.memory_space<hbm>>
    tpu.enqueue_indirect_dma source(%dma_start3A_39 : memref<10240x64xf32, #tpu.memory_space<hbm>>) target(%dma_start3A_33 : memref<128x64xf32, #tpu.memory_space<vmem>>) offsets(%dma_start3A_36 : memref<128xi32, #tpu.memory_space<vmem>>) semaphore(%arg7 : memref<!tpu.dma_semaphore, #tpu.memory_space<semaphore_mem>>)
    %dma_start3A_40 = arith.constant 4 : i32
    %dma_start3A_41 = arith.constant 512 : i32
    %dma_start3A_42 = arith.constant 0 : i32
    %dma_start3A_43 = tpu.memref_slice %arg6[%dma_start3A_41, %dma_start3A_42] : memref<1280x64xf32, #tpu.memory_space<vmem>> -> memref<128x64xf32, #tpu.memory_space<vmem>>
    %dma_start3A_44 = arith.constant 0 : i32
    %dma_start3A_45 = tpu.memref_slice %arg5[%dma_start3A_40, %dma_start3A_44] : memref<10x128xi32, #tpu.memory_space<vmem>> -> memref<1x128xi32, #tpu.memory_space<vmem>>
    %dma_start3A_46 = tpu.memref_squeeze %dma_start3A_45 : memref<1x128xi32, #tpu.memory_space<vmem>> -> memref<128xi32, #tpu.memory_space<vmem>>
    %dma_start3A_47 = arith.constant 0 : i32
    %dma_start3A_48 = arith.constant 0 : i32
    %dma_start3A_49 = tpu.memref_slice %arg2[%dma_start3A_47, %dma_start3A_48] : memref<10240x64xf32, #tpu.memory_space<hbm>> -> memref<10240x64xf32, #tpu.memory_space<hbm>>
    tpu.enqueue_indirect_dma source(%dma_start3A_49 : memref<10240x64xf32, #tpu.memory_space<hbm>>) target(%dma_start3A_43 : memref<128x64xf32, #tpu.memory_space<vmem>>) offsets(%dma_start3A_46 : memref<128xi32, #tpu.memory_space<vmem>>) semaphore(%arg7 : memref<!tpu.dma_semaphore, #tpu.memory_space<semaphore_mem>>)
    %dma_start3A_50 = arith.constant 5 : i32
    %dma_start3A_51 = arith.constant 640 : i32
    %dma_start3A_52 = arith.constant 0 : i32
    %dma_start3A_53 = tpu.memref_slice %arg6[%dma_start3A_51, %dma_start3A_52] : memref<1280x64xf32, #tpu.memory_space<vmem>> -> memref<128x64xf32, #tpu.memory_space<vmem>>
    %dma_start3A_54 = arith.constant 0 : i32
    %dma_start3A_55 = tpu.memref_slice %arg5[%dma_start3A_50, %dma_start3A_54] : memref<10x128xi32, #tpu.memory_space<vmem>> -> memref<1x128xi32, #tpu.memory_space<vmem>>
    %dma_start3A_56 = tpu.memref_squeeze %dma_start3A_55 : memref<1x128xi32, #tpu.memory_space<vmem>> -> memref<128xi32, #tpu.memory_space<vmem>>
    %dma_start3A_57 = arith.constant 0 : i32
    %dma_start3A_58 = arith.constant 0 : i32
    %dma_start3A_59 = tpu.memref_slice %arg2[%dma_start3A_57, %dma_start3A_58] : memref<10240x64xf32, #tpu.memory_space<hbm>> -> memref<10240x64xf32, #tpu.memory_space<hbm>>
    tpu.enqueue_indirect_dma source(%dma_start3A_59 : memref<10240x64xf32, #tpu.memory_space<hbm>>) target(%dma_start3A_53 : memref<128x64xf32, #tpu.memory_space<vmem>>) offsets(%dma_start3A_56 : memref<128xi32, #tpu.memory_space<vmem>>) semaphore(%arg7 : memref<!tpu.dma_semaphore, #tpu.memory_space<semaphore_mem>>)
    %dma_start3A_60 = arith.constant 6 : i32
    %dma_start3A_61 = arith.constant 768 : i32
    %dma_start3A_62 = arith.constant 0 : i32
    %dma_start3A_63 = tpu.memref_slice %arg6[%dma_start3A_61, %dma_start3A_62] : memref<1280x64xf32, #tpu.memory_space<vmem>> -> memref<128x64xf32, #tpu.memory_space<vmem>>
    %dma_start3A_64 = arith.constant 0 : i32
    %dma_start3A_65 = tpu.memref_slice %arg5[%dma_start3A_60, %dma_start3A_64] : memref<10x128xi32, #tpu.memory_space<vmem>> -> memref<1x128xi32, #tpu.memory_space<vmem>>
    %dma_start3A_66 = tpu.memref_squeeze %dma_start3A_65 : memref<1x128xi32, #tpu.memory_space<vmem>> -> memref<128xi32, #tpu.memory_space<vmem>>
    %dma_start3A_67 = arith.constant 0 : i32
    %dma_start3A_68 = arith.constant 0 : i32
    %dma_start3A_69 = tpu.memref_slice %arg2[%dma_start3A_67, %dma_start3A_68] : memref<10240x64xf32, #tpu.memory_space<hbm>> -> memref<10240x64xf32, #tpu.memory_space<hbm>>
    tpu.enqueue_indirect_dma source(%dma_start3A_69 : memref<10240x64xf32, #tpu.memory_space<hbm>>) target(%dma_start3A_63 : memref<128x64xf32, #tpu.memory_space<vmem>>) offsets(%dma_start3A_66 : memref<128xi32, #tpu.memory_space<vmem>>) semaphore(%arg7 : memref<!tpu.dma_semaphore, #tpu.memory_space<semaphore_mem>>)
    %dma_start3A_70 = arith.constant 7 : i32
    %dma_start3A_71 = arith.constant 896 : i32
    %dma_start3A_72 = arith.constant 0 : i32
    %dma_start3A_73 = tpu.memref_slice %arg6[%dma_start3A_71, %dma_start3A_72] : memref<1280x64xf32, #tpu.memory_space<vmem>> -> memref<128x64xf32, #tpu.memory_space<vmem>>
    %dma_start3A_74 = arith.constant 0 : i32
    %dma_start3A_75 = tpu.memref_slice %arg5[%dma_start3A_70, %dma_start3A_74] : memref<10x128xi32, #tpu.memory_space<vmem>> -> memref<1x128xi32, #tpu.memory_space<vmem>>
    %dma_start3A_76 = tpu.memref_squeeze %dma_start3A_75 : memref<1x128xi32, #tpu.memory_space<vmem>> -> memref<128xi32, #tpu.memory_space<vmem>>
    %dma_start3A_77 = arith.constant 0 : i32
    %dma_start3A_78 = arith.constant 0 : i32
    %dma_start3A_79 = tpu.memref_slice %arg2[%dma_start3A_77, %dma_start3A_78] : memref<10240x64xf32, #tpu.memory_space<hbm>> -> memref<10240x64xf32, #tpu.memory_space<hbm>>
    tpu.enqueue_indirect_dma source(%dma_start3A_79 : memref<10240x64xf32, #tpu.memory_space<hbm>>) target(%dma_start3A_73 : memref<128x64xf32, #tpu.memory_space<vmem>>) offsets(%dma_start3A_76 : memref<128xi32, #tpu.memory_space<vmem>>) semaphore(%arg7 : memref<!tpu.dma_semaphore, #tpu.memory_space<semaphore_mem>>)
    %dma_start3A_80 = arith.constant 8 : i32
    %dma_start3A_81 = arith.constant 1024 : i32
    %dma_start3A_82 = arith.constant 0 : i32
    %dma_start3A_83 = tpu.memref_slice %arg6[%dma_start3A_81, %dma_start3A_82] : memref<1280x64xf32, #tpu.memory_space<vmem>> -> memref<128x64xf32, #tpu.memory_space<vmem>>
    %dma_start3A_84 = arith.constant 0 : i32
    %dma_start3A_85 = tpu.memref_slice %arg5[%dma_start3A_80, %dma_start3A_84] : memref<10x128xi32, #tpu.memory_space<vmem>> -> memref<1x128xi32, #tpu.memory_space<vmem>>
    %dma_start3A_86 = tpu.memref_squeeze %dma_start3A_85 : memref<1x128xi32, #tpu.memory_space<vmem>> -> memref<128xi32, #tpu.memory_space<vmem>>
    %dma_start3A_87 = arith.constant 0 : i32
    %dma_start3A_88 = arith.constant 0 : i32
    %dma_start3A_89 = tpu.memref_slice %arg2[%dma_start3A_87, %dma_start3A_88] : memref<10240x64xf32, #tpu.memory_space<hbm>> -> memref<10240x64xf32, #tpu.memory_space<hbm>>
    tpu.enqueue_indirect_dma source(%dma_start3A_89 : memref<10240x64xf32, #tpu.memory_space<hbm>>) target(%dma_start3A_83 : memref<128x64xf32, #tpu.memory_space<vmem>>) offsets(%dma_start3A_86 : memref<128xi32, #tpu.memory_space<vmem>>) semaphore(%arg7 : memref<!tpu.dma_semaphore, #tpu.memory_space<semaphore_mem>>)
    %dma_start3A_90 = arith.constant 9 : i32
    %dma_start3A_91 = arith.constant 1152 : i32
    %dma_start3A_92 = arith.constant 0 : i32
    %dma_start3A_93 = tpu.memref_slice %arg6[%dma_start3A_91, %dma_start3A_92] : memref<1280x64xf32, #tpu.memory_space<vmem>> -> memref<128x64xf32, #tpu.memory_space<vmem>>
    %dma_start3A_94 = arith.constant 0 : i32
    %dma_start3A_95 = tpu.memref_slice %arg5[%dma_start3A_90, %dma_start3A_94] : memref<10x128xi32, #tpu.memory_space<vmem>> -> memref<1x128xi32, #tpu.memory_space<vmem>>
    %dma_start3A_96 = tpu.memref_squeeze %dma_start3A_95 : memref<1x128xi32, #tpu.memory_space<vmem>> -> memref<128xi32, #tpu.memory_space<vmem>>
    %dma_start3A_97 = arith.constant 0 : i32
    %dma_start3A_98 = arith.constant 0 : i32
    %dma_start3A_99 = tpu.memref_slice %arg2[%dma_start3A_97, %dma_start3A_98] : memref<10240x64xf32, #tpu.memory_space<hbm>> -> memref<10240x64xf32, #tpu.memory_space<hbm>>
    tpu.enqueue_indirect_dma source(%dma_start3A_99 : memref<10240x64xf32, #tpu.memory_space<hbm>>) target(%dma_start3A_93 : memref<128x64xf32, #tpu.memory_space<vmem>>) offsets(%dma_start3A_96 : memref<128xi32, #tpu.memory_space<vmem>>) semaphore(%arg7 : memref<!tpu.dma_semaphore, #tpu.memory_space<semaphore_mem>>)
    %dma_wait3A = arith.constant 0 : i32
    %dma_wait3A_100 = arith.constant 0 : i32
    %dma_wait3A_101 = arith.constant 0 : i32
    %dma_wait3A_102 = tpu.memref_slice %arg6[%dma_wait3A_100, %dma_wait3A_101] : memref<1280x64xf32, #tpu.memory_space<vmem>> -> memref<128x64xf32, #tpu.memory_space<vmem>>
    %dma_wait3A_103 = arith.constant 0 : i32
    %dma_wait3A_104 = tpu.memref_slice %arg5[%dma_wait3A, %dma_wait3A_103] : memref<10x128xi32, #tpu.memory_space<vmem>> -> memref<1x128xi32, #tpu.memory_space<vmem>>
    %dma_wait3A_105 = tpu.memref_squeeze %dma_wait3A_104 : memref<1x128xi32, #tpu.memory_space<vmem>> -> memref<128xi32, #tpu.memory_space<vmem>>
    %dma_wait3A_106 = arith.constant 0 : i32
    %dma_wait3A_107 = arith.constant 0 : i32
    %dma_wait3A_108 = tpu.memref_slice %arg2[%dma_wait3A_106, %dma_wait3A_107] : memref<10240x64xf32, #tpu.memory_space<hbm>> -> memref<10240x64xf32, #tpu.memory_space<hbm>>
    tpu.wait_indirect_dma semaphore(%arg7 : memref<!tpu.dma_semaphore, #tpu.memory_space<semaphore_mem>>) src(%dma_wait3A_108 : memref<10240x64xf32, #tpu.memory_space<hbm>>) dst(%dma_wait3A_102 : memref<128x64xf32, #tpu.memory_space<vmem>>)
    %dma_wait3A_109 = arith.constant 1 : i32
    %dma_wait3A_110 = arith.constant 128 : i32
    %dma_wait3A_111 = arith.constant 0 : i32
    %dma_wait3A_112 = tpu.memref_slice %arg6[%dma_wait3A_110, %dma_wait3A_111] : memref<1280x64xf32, #tpu.memory_space<vmem>> -> memref<128x64xf32, #tpu.memory_space<vmem>>
    %dma_wait3A_113 = arith.constant 0 : i32
    %dma_wait3A_114 = tpu.memref_slice %arg5[%dma_wait3A_109, %dma_wait3A_113] : memref<10x128xi32, #tpu.memory_space<vmem>> -> memref<1x128xi32, #tpu.memory_space<vmem>>
    %dma_wait3A_115 = tpu.memref_squeeze %dma_wait3A_114 : memref<1x128xi32, #tpu.memory_space<vmem>> -> memref<128xi32, #tpu.memory_space<vmem>>
    %dma_wait3A_116 = arith.constant 0 : i32
    %dma_wait3A_117 = arith.constant 0 : i32
    %dma_wait3A_118 = tpu.memref_slice %arg2[%dma_wait3A_116, %dma_wait3A_117] : memref<10240x64xf32, #tpu.memory_space<hbm>> -> memref<10240x64xf32, #tpu.memory_space<hbm>>
    tpu.wait_indirect_dma semaphore(%arg7 : memref<!tpu.dma_semaphore, #tpu.memory_space<semaphore_mem>>) src(%dma_wait3A_118 : memref<10240x64xf32, #tpu.memory_space<hbm>>) dst(%dma_wait3A_112 : memref<128x64xf32, #tpu.memory_space<vmem>>)
    %dma_wait3A_119 = arith.constant 2 : i32
    %dma_wait3A_120 = arith.constant 256 : i32
    %dma_wait3A_121 = arith.constant 0 : i32
    %dma_wait3A_122 = tpu.memref_slice %arg6[%dma_wait3A_120, %dma_wait3A_121] : memref<1280x64xf32, #tpu.memory_space<vmem>> -> memref<128x64xf32, #tpu.memory_space<vmem>>
    %dma_wait3A_123 = arith.constant 0 : i32
    %dma_wait3A_124 = tpu.memref_slice %arg5[%dma_wait3A_119, %dma_wait3A_123] : memref<10x128xi32, #tpu.memory_space<vmem>> -> memref<1x128xi32, #tpu.memory_space<vmem>>
    %dma_wait3A_125 = tpu.memref_squeeze %dma_wait3A_124 : memref<1x128xi32, #tpu.memory_space<vmem>> -> memref<128xi32, #tpu.memory_space<vmem>>
    %dma_wait3A_126 = arith.constant 0 : i32
    %dma_wait3A_127 = arith.constant 0 : i32
    %dma_wait3A_128 = tpu.memref_slice %arg2[%dma_wait3A_126, %dma_wait3A_127] : memref<10240x64xf32, #tpu.memory_space<hbm>> -> memref<10240x64xf32, #tpu.memory_space<hbm>>
    tpu.wait_indirect_dma semaphore(%arg7 : memref<!tpu.dma_semaphore, #tpu.memory_space<semaphore_mem>>) src(%dma_wait3A_128 : memref<10240x64xf32, #tpu.memory_space<hbm>>) dst(%dma_wait3A_122 : memref<128x64xf32, #tpu.memory_space<vmem>>)
    %dma_wait3A_129 = arith.constant 3 : i32
    %dma_wait3A_130 = arith.constant 384 : i32
    %dma_wait3A_131 = arith.constant 0 : i32
    %dma_wait3A_132 = tpu.memref_slice %arg6[%dma_wait3A_130, %dma_wait3A_131] : memref<1280x64xf32, #tpu.memory_space<vmem>> -> memref<128x64xf32, #tpu.memory_space<vmem>>
    %dma_wait3A_133 = arith.constant 0 : i32
    %dma_wait3A_134 = tpu.memref_slice %arg5[%dma_wait3A_129, %dma_wait3A_133] : memref<10x128xi32, #tpu.memory_space<vmem>> -> memref<1x128xi32, #tpu.memory_space<vmem>>
    %dma_wait3A_135 = tpu.memref_squeeze %dma_wait3A_134 : memref<1x128xi32, #tpu.memory_space<vmem>> -> memref<128xi32, #tpu.memory_space<vmem>>
    %dma_wait3A_136 = arith.constant 0 : i32
    %dma_wait3A_137 = arith.constant 0 : i32
    %dma_wait3A_138 = tpu.memref_slice %arg2[%dma_wait3A_136, %dma_wait3A_137] : memref<10240x64xf32, #tpu.memory_space<hbm>> -> memref<10240x64xf32, #tpu.memory_space<hbm>>
    tpu.wait_indirect_dma semaphore(%arg7 : memref<!tpu.dma_semaphore, #tpu.memory_space<semaphore_mem>>) src(%dma_wait3A_138 : memref<10240x64xf32, #tpu.memory_space<hbm>>) dst(%dma_wait3A_132 : memref<128x64xf32, #tpu.memory_space<vmem>>)
    %dma_wait3A_139 = arith.constant 4 : i32
    %dma_wait3A_140 = arith.constant 512 : i32
    %dma_wait3A_141 = arith.constant 0 : i32
    %dma_wait3A_142 = tpu.memref_slice %arg6[%dma_wait3A_140, %dma_wait3A_141] : memref<1280x64xf32, #tpu.memory_space<vmem>> -> memref<128x64xf32, #tpu.memory_space<vmem>>
    %dma_wait3A_143 = arith.constant 0 : i32
    %dma_wait3A_144 = tpu.memref_slice %arg5[%dma_wait3A_139, %dma_wait3A_143] : memref<10x128xi32, #tpu.memory_space<vmem>> -> memref<1x128xi32, #tpu.memory_space<vmem>>
    %dma_wait3A_145 = tpu.memref_squeeze %dma_wait3A_144 : memref<1x128xi32, #tpu.memory_space<vmem>> -> memref<128xi32, #tpu.memory_space<vmem>>
    %dma_wait3A_146 = arith.constant 0 : i32
    %dma_wait3A_147 = arith.constant 0 : i32
    %dma_wait3A_148 = tpu.memref_slice %arg2[%dma_wait3A_146, %dma_wait3A_147] : memref<10240x64xf32, #tpu.memory_space<hbm>> -> memref<10240x64xf32, #tpu.memory_space<hbm>>
    tpu.wait_indirect_dma semaphore(%arg7 : memref<!tpu.dma_semaphore, #tpu.memory_space<semaphore_mem>>) src(%dma_wait3A_148 : memref<10240x64xf32, #tpu.memory_space<hbm>>) dst(%dma_wait3A_142 : memref<128x64xf32, #tpu.memory_space<vmem>>)
    %dma_wait3A_149 = arith.constant 5 : i32
    %dma_wait3A_150 = arith.constant 640 : i32
    %dma_wait3A_151 = arith.constant 0 : i32
    %dma_wait3A_152 = tpu.memref_slice %arg6[%dma_wait3A_150, %dma_wait3A_151] : memref<1280x64xf32, #tpu.memory_space<vmem>> -> memref<128x64xf32, #tpu.memory_space<vmem>>
    %dma_wait3A_153 = arith.constant 0 : i32
    %dma_wait3A_154 = tpu.memref_slice %arg5[%dma_wait3A_149, %dma_wait3A_153] : memref<10x128xi32, #tpu.memory_space<vmem>> -> memref<1x128xi32, #tpu.memory_space<vmem>>
    %dma_wait3A_155 = tpu.memref_squeeze %dma_wait3A_154 : memref<1x128xi32, #tpu.memory_space<vmem>> -> memref<128xi32, #tpu.memory_space<vmem>>
    %dma_wait3A_156 = arith.constant 0 : i32
    %dma_wait3A_157 = arith.constant 0 : i32
    %dma_wait3A_158 = tpu.memref_slice %arg2[%dma_wait3A_156, %dma_wait3A_157] : memref<10240x64xf32, #tpu.memory_space<hbm>> -> memref<10240x64xf32, #tpu.memory_space<hbm>>
    tpu.wait_indirect_dma semaphore(%arg7 : memref<!tpu.dma_semaphore, #tpu.memory_space<semaphore_mem>>) src(%dma_wait3A_158 : memref<10240x64xf32, #tpu.memory_space<hbm>>) dst(%dma_wait3A_152 : memref<128x64xf32, #tpu.memory_space<vmem>>)
    %dma_wait3A_159 = arith.constant 6 : i32
    %dma_wait3A_160 = arith.constant 768 : i32
    %dma_wait3A_161 = arith.constant 0 : i32
    %dma_wait3A_162 = tpu.memref_slice %arg6[%dma_wait3A_160, %dma_wait3A_161] : memref<1280x64xf32, #tpu.memory_space<vmem>> -> memref<128x64xf32, #tpu.memory_space<vmem>>
    %dma_wait3A_163 = arith.constant 0 : i32
    %dma_wait3A_164 = tpu.memref_slice %arg5[%dma_wait3A_159, %dma_wait3A_163] : memref<10x128xi32, #tpu.memory_space<vmem>> -> memref<1x128xi32, #tpu.memory_space<vmem>>
    %dma_wait3A_165 = tpu.memref_squeeze %dma_wait3A_164 : memref<1x128xi32, #tpu.memory_space<vmem>> -> memref<128xi32, #tpu.memory_space<vmem>>
    %dma_wait3A_166 = arith.constant 0 : i32
    %dma_wait3A_167 = arith.constant 0 : i32
    %dma_wait3A_168 = tpu.memref_slice %arg2[%dma_wait3A_166, %dma_wait3A_167] : memref<10240x64xf32, #tpu.memory_space<hbm>> -> memref<10240x64xf32, #tpu.memory_space<hbm>>
    tpu.wait_indirect_dma semaphore(%arg7 : memref<!tpu.dma_semaphore, #tpu.memory_space<semaphore_mem>>) src(%dma_wait3A_168 : memref<10240x64xf32, #tpu.memory_space<hbm>>) dst(%dma_wait3A_162 : memref<128x64xf32, #tpu.memory_space<vmem>>)
    %dma_wait3A_169 = arith.constant 7 : i32
    %dma_wait3A_170 = arith.constant 896 : i32
    %dma_wait3A_171 = arith.constant 0 : i32
    %dma_wait3A_172 = tpu.memref_slice %arg6[%dma_wait3A_170, %dma_wait3A_171] : memref<1280x64xf32, #tpu.memory_space<vmem>> -> memref<128x64xf32, #tpu.memory_space<vmem>>
    %dma_wait3A_173 = arith.constant 0 : i32
    %dma_wait3A_174 = tpu.memref_slice %arg5[%dma_wait3A_169, %dma_wait3A_173] : memref<10x128xi32, #tpu.memory_space<vmem>> -> memref<1x128xi32, #tpu.memory_space<vmem>>
    %dma_wait3A_175 = tpu.memref_squeeze %dma_wait3A_174 : memref<1x128xi32, #tpu.memory_space<vmem>> -> memref<128xi32, #tpu.memory_space<vmem>>
    %dma_wait3A_176 = arith.constant 0 : i32
    %dma_wait3A_177 = arith.constant 0 : i32
    %dma_wait3A_178 = tpu.memref_slice %arg2[%dma_wait3A_176, %dma_wait3A_177] : memref<10240x64xf32, #tpu.memory_space<hbm>> -> memref<10240x64xf32, #tpu.memory_space<hbm>>
    tpu.wait_indirect_dma semaphore(%arg7 : memref<!tpu.dma_semaphore, #tpu.memory_space<semaphore_mem>>) src(%dma_wait3A_178 : memref<10240x64xf32, #tpu.memory_space<hbm>>) dst(%dma_wait3A_172 : memref<128x64xf32, #tpu.memory_space<vmem>>)
    %dma_wait3A_179 = arith.constant 8 : i32
    %dma_wait3A_180 = arith.constant 1024 : i32
    %dma_wait3A_181 = arith.constant 0 : i32
    %dma_wait3A_182 = tpu.memref_slice %arg6[%dma_wait3A_180, %dma_wait3A_181] : memref<1280x64xf32, #tpu.memory_space<vmem>> -> memref<128x64xf32, #tpu.memory_space<vmem>>
    %dma_wait3A_183 = arith.constant 0 : i32
    %dma_wait3A_184 = tpu.memref_slice %arg5[%dma_wait3A_179, %dma_wait3A_183] : memref<10x128xi32, #tpu.memory_space<vmem>> -> memref<1x128xi32, #tpu.memory_space<vmem>>
    %dma_wait3A_185 = tpu.memref_squeeze %dma_wait3A_184 : memref<1x128xi32, #tpu.memory_space<vmem>> -> memref<128xi32, #tpu.memory_space<vmem>>
    %dma_wait3A_186 = arith.constant 0 : i32
    %dma_wait3A_187 = arith.constant 0 : i32
    %dma_wait3A_188 = tpu.memref_slice %arg2[%dma_wait3A_186, %dma_wait3A_187] : memref<10240x64xf32, #tpu.memory_space<hbm>> -> memref<10240x64xf32, #tpu.memory_space<hbm>>
    tpu.wait_indirect_dma semaphore(%arg7 : memref<!tpu.dma_semaphore, #tpu.memory_space<semaphore_mem>>) src(%dma_wait3A_188 : memref<10240x64xf32, #tpu.memory_space<hbm>>) dst(%dma_wait3A_182 : memref<128x64xf32, #tpu.memory_space<vmem>>)
    %dma_wait3A_189 = arith.constant 9 : i32
    %dma_wait3A_190 = arith.constant 1152 : i32
    %dma_wait3A_191 = arith.constant 0 : i32
    %dma_wait3A_192 = tpu.memref_slice %arg6[%dma_wait3A_190, %dma_wait3A_191] : memref<1280x64xf32, #tpu.memory_space<vmem>> -> memref<128x64xf32, #tpu.memory_space<vmem>>
    %dma_wait3A_193 = arith.constant 0 : i32
    %dma_wait3A_194 = tpu.memref_slice %arg5[%dma_wait3A_189, %dma_wait3A_193] : memref<10x128xi32, #tpu.memory_space<vmem>> -> memref<1x128xi32, #tpu.memory_space<vmem>>
    %dma_wait3A_195 = tpu.memref_squeeze %dma_wait3A_194 : memref<1x128xi32, #tpu.memory_space<vmem>> -> memref<128xi32, #tpu.memory_space<vmem>>
    %dma_wait3A_196 = arith.constant 0 : i32
    %dma_wait3A_197 = arith.constant 0 : i32
    %dma_wait3A_198 = tpu.memref_slice %arg2[%dma_wait3A_196, %dma_wait3A_197] : memref<10240x64xf32, #tpu.memory_space<hbm>> -> memref<10240x64xf32, #tpu.memory_space<hbm>>
    tpu.wait_indirect_dma semaphore(%arg7 : memref<!tpu.dma_semaphore, #tpu.memory_space<semaphore_mem>>) src(%dma_wait3A_198 : memref<10240x64xf32, #tpu.memory_space<hbm>>) dst(%dma_wait3A_192 : memref<128x64xf32, #tpu.memory_space<vmem>>)
    %mul3A_199 = arith.constant 1280 : i32
    %mul3A_200 = arith.muli %add3A, %mul3A_199 : i32
    "tpu.region"() ({
      %run_scoped3A = tpu.sem_alloc : memref<!tpu.dma_semaphore, #tpu.memory_space<semaphore_mem>>
      %dma_start3A_201 = arith.constant 0 : i32
      %dma_start3A_202 = tpu.memref_slice %arg4[%mul3A_200, %dma_start3A_201] : memref<40960x64xf32, #tpu.memory_space<hbm>> -> memref<1280x64xf32, #tpu.memory_space<hbm>>
      %dma_start3A_203 = arith.constant 0 : i32
      %dma_start3A_204 = tpu.memref_slice %arg4[%mul3A_200, %dma_start3A_203] : memref<40960x64xf32, #tpu.memory_space<hbm>> -> memref<1280x64xf32, #tpu.memory_space<hbm>>
      tpu.enqueue_dma source(%arg6 : memref<1280x64xf32, #tpu.memory_space<vmem>>) target(%dma_start3A_204 : memref<1280x64xf32, #tpu.memory_space<hbm>>) target_semaphore(%run_scoped3A : memref<!tpu.dma_semaphore, #tpu.memory_space<semaphore_mem>>)
      %dma_wait3A_205 = arith.constant 0 : i32
      %dma_wait3A_206 = tpu.memref_slice %arg4[%mul3A_200, %dma_wait3A_205] : memref<40960x64xf32, #tpu.memory_space<hbm>> -> memref<1280x64xf32, #tpu.memory_space<hbm>>
      %dma_wait3A_207 = arith.constant 0 : i32
      %dma_wait3A_208 = tpu.memref_slice %arg4[%mul3A_200, %dma_wait3A_207] : memref<40960x64xf32, #tpu.memory_space<hbm>> -> memref<1280x64xf32, #tpu.memory_space<hbm>>
      tpu.wait_dma2 semaphore(%run_scoped3A : memref<!tpu.dma_semaphore, #tpu.memory_space<semaphore_mem>>) src(%arg6 : memref<1280x64xf32, #tpu.memory_space<vmem>>) dst(%dma_wait3A_208 : memref<1280x64xf32, #tpu.memory_space<hbm>>)
      tpu.yield
    }) : () -> ()
    return
  }
}

#map = affine_map<(d0, d1) -> (0, 0)>
#map1 = affine_map<(d0, d1) -> (0, 0, 0)>
module attributes {stable_mosaic.version = 14 : i64} {
  func.func @k(%arg0: i32, %arg1: i32, %arg2: memref<40960x64xf32, #tpu.memory_space<hbm>>, %arg3: memref<32x10x128xi32, #tpu.memory_space<hbm>>, %arg4: memref<10240x64xf32, #tpu.memory_space<hbm>>, %arg5: memref<20480x64xf32, #tpu.memory_space<hbm>>, %arg6: memref<10x128xi32, #tpu.memory_space<vmem>>, %arg7: memref<1280x64xf32, #tpu.memory_space<vmem>>, %arg8: memref<10240x64xf32, #tpu.memory_space<vmem_shared>>, %arg9: memref<!tpu.dma_semaphore, #tpu.memory_space<semaphore_mem>>) attributes {dimension_semantics = [#tpu.dimension_semantics<core_parallel>, #tpu.dimension_semantics<subcore_parallel>], iteration_bounds = array<i64: 2, 16>, scalar_prefetch = 0 : i64, scratch_operands = 4 : i64, tpu.core_type = #tpu.core_type<sc_vector_subcore>, window_params = [{transform_indices = #map}, {transform_indices = #map1}, {transform_indices = #map}, {transform_indices = #map}]} {
    %mul3A = arith.constant 16 : i32
    %mul3A_0 = arith.muli %arg0, %mul3A : i32
    %add3A = arith.addi %mul3A_0, %arg1 : i32
    %mul3A_1 = arith.constant 640 : i32
    %mul3A_2 = arith.muli %arg1, %mul3A_1 : i32
    %mul3A_3 = arith.constant 640 : i32
    %mul3A_4 = arith.muli %arg1, %mul3A_3 : i32
    "tpu.region"() ({
      %run_scoped3A_24 = tpu.sem_alloc : memref<!tpu.dma_semaphore, #tpu.memory_space<semaphore_mem>>
      %dma_start3A = arith.constant 0 : i32
      %dma_start3A_25 = tpu.memref_slice %arg8[%mul3A_4, %dma_start3A] : memref<10240x64xf32, #tpu.memory_space<vmem_shared>> -> memref<640x64xf32, #tpu.memory_space<vmem_shared>>
      %dma_start3A_26 = arith.constant 0 : i32
      %dma_start3A_27 = tpu.memref_slice %arg4[%mul3A_2, %dma_start3A_26] : memref<10240x64xf32, #tpu.memory_space<hbm>> -> memref<640x64xf32, #tpu.memory_space<hbm>>
      tpu.enqueue_dma source(%dma_start3A_27 : memref<640x64xf32, #tpu.memory_space<hbm>>) target(%dma_start3A_25 : memref<640x64xf32, #tpu.memory_space<vmem_shared>>) target_semaphore(%run_scoped3A_24 : memref<!tpu.dma_semaphore, #tpu.memory_space<semaphore_mem>>)
      %dma_wait3A = arith.constant 0 : i32
      %dma_wait3A_28 = tpu.memref_slice %arg8[%mul3A_4, %dma_wait3A] : memref<10240x64xf32, #tpu.memory_space<vmem_shared>> -> memref<640x64xf32, #tpu.memory_space<vmem_shared>>
      %dma_wait3A_29 = arith.constant 0 : i32
      %dma_wait3A_30 = tpu.memref_slice %arg4[%mul3A_2, %dma_wait3A_29] : memref<10240x64xf32, #tpu.memory_space<hbm>> -> memref<640x64xf32, #tpu.memory_space<hbm>>
      tpu.wait_dma2 semaphore(%run_scoped3A_24 : memref<!tpu.dma_semaphore, #tpu.memory_space<semaphore_mem>>) src(%dma_wait3A_30 : memref<640x64xf32, #tpu.memory_space<hbm>>) dst(%dma_wait3A_28 : memref<640x64xf32, #tpu.memory_space<vmem_shared>>)
      tpu.yield
    }) : () -> ()
    %barrier3A = arith.constant 0 : index
    tpu.barrier barrier_id(%barrier3A)
    "tpu.region"() ({
      %run_scoped3A_24 = tpu.sem_alloc : memref<!tpu.dma_semaphore, #tpu.memory_space<semaphore_mem>>
      %dma_start3A = arith.constant 0 : i32
      %dma_start3A_25 = arith.constant 0 : i32
      %dma_start3A_26 = tpu.memref_slice %arg3[%add3A, %dma_start3A, %dma_start3A_25] : memref<32x10x128xi32, #tpu.memory_space<hbm>> -> memref<1x10x128xi32, #tpu.memory_space<hbm>>
      %dma_start3A_27 = tpu.memref_squeeze %dma_start3A_26 : memref<1x10x128xi32, #tpu.memory_space<hbm>> -> memref<10x128xi32, #tpu.memory_space<hbm>>
      %dma_start3A_28 = arith.constant 0 : i32
      %dma_start3A_29 = arith.constant 0 : i32
      %dma_start3A_30 = tpu.memref_slice %arg3[%add3A, %dma_start3A_28, %dma_start3A_29] : memref<32x10x128xi32, #tpu.memory_space<hbm>> -> memref<1x10x128xi32, #tpu.memory_space<hbm>>
      %dma_start3A_31 = tpu.memref_squeeze %dma_start3A_30 : memref<1x10x128xi32, #tpu.memory_space<hbm>> -> memref<10x128xi32, #tpu.memory_space<hbm>>
      tpu.enqueue_dma source(%dma_start3A_31 : memref<10x128xi32, #tpu.memory_space<hbm>>) target(%arg6 : memref<10x128xi32, #tpu.memory_space<vmem>>) target_semaphore(%run_scoped3A_24 : memref<!tpu.dma_semaphore, #tpu.memory_space<semaphore_mem>>)
      %dma_wait3A = arith.constant 0 : i32
      %dma_wait3A_32 = arith.constant 0 : i32
      %dma_wait3A_33 = tpu.memref_slice %arg3[%add3A, %dma_wait3A, %dma_wait3A_32] : memref<32x10x128xi32, #tpu.memory_space<hbm>> -> memref<1x10x128xi32, #tpu.memory_space<hbm>>
      %dma_wait3A_34 = tpu.memref_squeeze %dma_wait3A_33 : memref<1x10x128xi32, #tpu.memory_space<hbm>> -> memref<10x128xi32, #tpu.memory_space<hbm>>
      %dma_wait3A_35 = arith.constant 0 : i32
      %dma_wait3A_36 = arith.constant 0 : i32
      %dma_wait3A_37 = tpu.memref_slice %arg3[%add3A, %dma_wait3A_35, %dma_wait3A_36] : memref<32x10x128xi32, #tpu.memory_space<hbm>> -> memref<1x10x128xi32, #tpu.memory_space<hbm>>
      %dma_wait3A_38 = tpu.memref_squeeze %dma_wait3A_37 : memref<1x10x128xi32, #tpu.memory_space<hbm>> -> memref<10x128xi32, #tpu.memory_space<hbm>>
      tpu.wait_dma2 semaphore(%run_scoped3A_24 : memref<!tpu.dma_semaphore, #tpu.memory_space<semaphore_mem>>) src(%dma_wait3A_38 : memref<10x128xi32, #tpu.memory_space<hbm>>) dst(%arg6 : memref<10x128xi32, #tpu.memory_space<vmem>>)
      tpu.yield
    }) : () -> ()
    %mul3A_5 = arith.constant 1280 : i32
    %mul3A_6 = arith.muli %add3A, %mul3A_5 : i32
    "tpu.region"() ({
      %run_scoped3A_24 = tpu.sem_alloc : memref<!tpu.dma_semaphore, #tpu.memory_space<semaphore_mem>>
      %dma_start3A = arith.constant 0 : i32
      %dma_start3A_25 = tpu.memref_slice %arg2[%mul3A_6, %dma_start3A] : memref<40960x64xf32, #tpu.memory_space<hbm>> -> memref<1280x64xf32, #tpu.memory_space<hbm>>
      %dma_start3A_26 = arith.constant 0 : i32
      %dma_start3A_27 = tpu.memref_slice %arg2[%mul3A_6, %dma_start3A_26] : memref<40960x64xf32, #tpu.memory_space<hbm>> -> memref<1280x64xf32, #tpu.memory_space<hbm>>
      tpu.enqueue_dma source(%dma_start3A_27 : memref<1280x64xf32, #tpu.memory_space<hbm>>) target(%arg7 : memref<1280x64xf32, #tpu.memory_space<vmem>>) target_semaphore(%run_scoped3A_24 : memref<!tpu.dma_semaphore, #tpu.memory_space<semaphore_mem>>)
      %dma_wait3A = arith.constant 0 : i32
      %dma_wait3A_28 = tpu.memref_slice %arg2[%mul3A_6, %dma_wait3A] : memref<40960x64xf32, #tpu.memory_space<hbm>> -> memref<1280x64xf32, #tpu.memory_space<hbm>>
      %dma_wait3A_29 = arith.constant 0 : i32
      %dma_wait3A_30 = tpu.memref_slice %arg2[%mul3A_6, %dma_wait3A_29] : memref<40960x64xf32, #tpu.memory_space<hbm>> -> memref<1280x64xf32, #tpu.memory_space<hbm>>
      tpu.wait_dma2 semaphore(%run_scoped3A_24 : memref<!tpu.dma_semaphore, #tpu.memory_space<semaphore_mem>>) src(%dma_wait3A_30 : memref<1280x64xf32, #tpu.memory_space<hbm>>) dst(%arg7 : memref<1280x64xf32, #tpu.memory_space<vmem>>)
      tpu.yield
    }) : () -> ()
    %run_scoped3A = arith.constant 0 : i32
    "tpu.region"() ({
      %run_scoped3A_24 = tpu.sem_alloc : memref<!tpu.dma_semaphore, #tpu.memory_space<semaphore_mem>>
      %dma_start3A = arith.constant 0 : i32
      %dma_start3A_25 = arith.constant 0 : i32
      %dma_start3A_26 = tpu.memref_slice %arg7[%dma_start3A, %dma_start3A_25] : memref<1280x64xf32, #tpu.memory_space<vmem>> -> memref<128x64xf32, #tpu.memory_space<vmem>>
      %dma_start3A_27 = arith.constant 0 : i32
      %dma_start3A_28 = tpu.memref_slice %arg6[%run_scoped3A, %dma_start3A_27] : memref<10x128xi32, #tpu.memory_space<vmem>> -> memref<1x128xi32, #tpu.memory_space<vmem>>
      %dma_start3A_29 = tpu.memref_squeeze %dma_start3A_28 : memref<1x128xi32, #tpu.memory_space<vmem>> -> memref<128xi32, #tpu.memory_space<vmem>>
      %dma_start3A_30 = arith.constant 0 : i32
      %dma_start3A_31 = arith.constant 0 : i32
      %dma_start3A_32 = tpu.memref_slice %arg8[%dma_start3A_30, %dma_start3A_31] : memref<10240x64xf32, #tpu.memory_space<vmem_shared>> -> memref<10240x64xf32, #tpu.memory_space<vmem_shared>>
      tpu.enqueue_indirect_dma source(%dma_start3A_26 : memref<128x64xf32, #tpu.memory_space<vmem>>) target(%dma_start3A_32 : memref<10240x64xf32, #tpu.memory_space<vmem_shared>>) offsets(%dma_start3A_29 : memref<128xi32, #tpu.memory_space<vmem>>) semaphore(%run_scoped3A_24 : memref<!tpu.dma_semaphore, #tpu.memory_space<semaphore_mem>>) {add = true}
      %dma_wait3A = arith.constant 0 : i32
      %dma_wait3A_33 = arith.constant 0 : i32
      %dma_wait3A_34 = tpu.memref_slice %arg7[%dma_wait3A, %dma_wait3A_33] : memref<1280x64xf32, #tpu.memory_space<vmem>> -> memref<128x64xf32, #tpu.memory_space<vmem>>
      %dma_wait3A_35 = arith.constant 0 : i32
      %dma_wait3A_36 = tpu.memref_slice %arg6[%run_scoped3A, %dma_wait3A_35] : memref<10x128xi32, #tpu.memory_space<vmem>> -> memref<1x128xi32, #tpu.memory_space<vmem>>
      %dma_wait3A_37 = tpu.memref_squeeze %dma_wait3A_36 : memref<1x128xi32, #tpu.memory_space<vmem>> -> memref<128xi32, #tpu.memory_space<vmem>>
      %dma_wait3A_38 = arith.constant 0 : i32
      %dma_wait3A_39 = arith.constant 0 : i32
      %dma_wait3A_40 = tpu.memref_slice %arg8[%dma_wait3A_38, %dma_wait3A_39] : memref<10240x64xf32, #tpu.memory_space<vmem_shared>> -> memref<10240x64xf32, #tpu.memory_space<vmem_shared>>
      tpu.wait_indirect_dma semaphore(%run_scoped3A_24 : memref<!tpu.dma_semaphore, #tpu.memory_space<semaphore_mem>>) src(%dma_wait3A_34 : memref<128x64xf32, #tpu.memory_space<vmem>>) dst(%dma_wait3A_40 : memref<10240x64xf32, #tpu.memory_space<vmem_shared>>)
      tpu.yield
    }) : () -> ()
    %run_scoped3A_7 = arith.constant 1 : i32
    "tpu.region"() ({
      %run_scoped3A_24 = tpu.sem_alloc : memref<!tpu.dma_semaphore, #tpu.memory_space<semaphore_mem>>
      %dma_start3A = arith.constant 128 : i32
      %dma_start3A_25 = arith.constant 0 : i32
      %dma_start3A_26 = tpu.memref_slice %arg7[%dma_start3A, %dma_start3A_25] : memref<1280x64xf32, #tpu.memory_space<vmem>> -> memref<128x64xf32, #tpu.memory_space<vmem>>
      %dma_start3A_27 = arith.constant 0 : i32
      %dma_start3A_28 = tpu.memref_slice %arg6[%run_scoped3A_7, %dma_start3A_27] : memref<10x128xi32, #tpu.memory_space<vmem>> -> memref<1x128xi32, #tpu.memory_space<vmem>>
      %dma_start3A_29 = tpu.memref_squeeze %dma_start3A_28 : memref<1x128xi32, #tpu.memory_space<vmem>> -> memref<128xi32, #tpu.memory_space<vmem>>
      %dma_start3A_30 = arith.constant 0 : i32
      %dma_start3A_31 = arith.constant 0 : i32
      %dma_start3A_32 = tpu.memref_slice %arg8[%dma_start3A_30, %dma_start3A_31] : memref<10240x64xf32, #tpu.memory_space<vmem_shared>> -> memref<10240x64xf32, #tpu.memory_space<vmem_shared>>
      tpu.enqueue_indirect_dma source(%dma_start3A_26 : memref<128x64xf32, #tpu.memory_space<vmem>>) target(%dma_start3A_32 : memref<10240x64xf32, #tpu.memory_space<vmem_shared>>) offsets(%dma_start3A_29 : memref<128xi32, #tpu.memory_space<vmem>>) semaphore(%run_scoped3A_24 : memref<!tpu.dma_semaphore, #tpu.memory_space<semaphore_mem>>) {add = true}
      %dma_wait3A = arith.constant 128 : i32
      %dma_wait3A_33 = arith.constant 0 : i32
      %dma_wait3A_34 = tpu.memref_slice %arg7[%dma_wait3A, %dma_wait3A_33] : memref<1280x64xf32, #tpu.memory_space<vmem>> -> memref<128x64xf32, #tpu.memory_space<vmem>>
      %dma_wait3A_35 = arith.constant 0 : i32
      %dma_wait3A_36 = tpu.memref_slice %arg6[%run_scoped3A_7, %dma_wait3A_35] : memref<10x128xi32, #tpu.memory_space<vmem>> -> memref<1x128xi32, #tpu.memory_space<vmem>>
      %dma_wait3A_37 = tpu.memref_squeeze %dma_wait3A_36 : memref<1x128xi32, #tpu.memory_space<vmem>> -> memref<128xi32, #tpu.memory_space<vmem>>
      %dma_wait3A_38 = arith.constant 0 : i32
      %dma_wait3A_39 = arith.constant 0 : i32
      %dma_wait3A_40 = tpu.memref_slice %arg8[%dma_wait3A_38, %dma_wait3A_39] : memref<10240x64xf32, #tpu.memory_space<vmem_shared>> -> memref<10240x64xf32, #tpu.memory_space<vmem_shared>>
      tpu.wait_indirect_dma semaphore(%run_scoped3A_24 : memref<!tpu.dma_semaphore, #tpu.memory_space<semaphore_mem>>) src(%dma_wait3A_34 : memref<128x64xf32, #tpu.memory_space<vmem>>) dst(%dma_wait3A_40 : memref<10240x64xf32, #tpu.memory_space<vmem_shared>>)
      tpu.yield
    }) : () -> ()
    %run_scoped3A_8 = arith.constant 2 : i32
    "tpu.region"() ({
      %run_scoped3A_24 = tpu.sem_alloc : memref<!tpu.dma_semaphore, #tpu.memory_space<semaphore_mem>>
      %dma_start3A = arith.constant 256 : i32
      %dma_start3A_25 = arith.constant 0 : i32
      %dma_start3A_26 = tpu.memref_slice %arg7[%dma_start3A, %dma_start3A_25] : memref<1280x64xf32, #tpu.memory_space<vmem>> -> memref<128x64xf32, #tpu.memory_space<vmem>>
      %dma_start3A_27 = arith.constant 0 : i32
      %dma_start3A_28 = tpu.memref_slice %arg6[%run_scoped3A_8, %dma_start3A_27] : memref<10x128xi32, #tpu.memory_space<vmem>> -> memref<1x128xi32, #tpu.memory_space<vmem>>
      %dma_start3A_29 = tpu.memref_squeeze %dma_start3A_28 : memref<1x128xi32, #tpu.memory_space<vmem>> -> memref<128xi32, #tpu.memory_space<vmem>>
      %dma_start3A_30 = arith.constant 0 : i32
      %dma_start3A_31 = arith.constant 0 : i32
      %dma_start3A_32 = tpu.memref_slice %arg8[%dma_start3A_30, %dma_start3A_31] : memref<10240x64xf32, #tpu.memory_space<vmem_shared>> -> memref<10240x64xf32, #tpu.memory_space<vmem_shared>>
      tpu.enqueue_indirect_dma source(%dma_start3A_26 : memref<128x64xf32, #tpu.memory_space<vmem>>) target(%dma_start3A_32 : memref<10240x64xf32, #tpu.memory_space<vmem_shared>>) offsets(%dma_start3A_29 : memref<128xi32, #tpu.memory_space<vmem>>) semaphore(%run_scoped3A_24 : memref<!tpu.dma_semaphore, #tpu.memory_space<semaphore_mem>>) {add = true}
      %dma_wait3A = arith.constant 256 : i32
      %dma_wait3A_33 = arith.constant 0 : i32
      %dma_wait3A_34 = tpu.memref_slice %arg7[%dma_wait3A, %dma_wait3A_33] : memref<1280x64xf32, #tpu.memory_space<vmem>> -> memref<128x64xf32, #tpu.memory_space<vmem>>
      %dma_wait3A_35 = arith.constant 0 : i32
      %dma_wait3A_36 = tpu.memref_slice %arg6[%run_scoped3A_8, %dma_wait3A_35] : memref<10x128xi32, #tpu.memory_space<vmem>> -> memref<1x128xi32, #tpu.memory_space<vmem>>
      %dma_wait3A_37 = tpu.memref_squeeze %dma_wait3A_36 : memref<1x128xi32, #tpu.memory_space<vmem>> -> memref<128xi32, #tpu.memory_space<vmem>>
      %dma_wait3A_38 = arith.constant 0 : i32
      %dma_wait3A_39 = arith.constant 0 : i32
      %dma_wait3A_40 = tpu.memref_slice %arg8[%dma_wait3A_38, %dma_wait3A_39] : memref<10240x64xf32, #tpu.memory_space<vmem_shared>> -> memref<10240x64xf32, #tpu.memory_space<vmem_shared>>
      tpu.wait_indirect_dma semaphore(%run_scoped3A_24 : memref<!tpu.dma_semaphore, #tpu.memory_space<semaphore_mem>>) src(%dma_wait3A_34 : memref<128x64xf32, #tpu.memory_space<vmem>>) dst(%dma_wait3A_40 : memref<10240x64xf32, #tpu.memory_space<vmem_shared>>)
      tpu.yield
    }) : () -> ()
    %run_scoped3A_9 = arith.constant 3 : i32
    "tpu.region"() ({
      %run_scoped3A_24 = tpu.sem_alloc : memref<!tpu.dma_semaphore, #tpu.memory_space<semaphore_mem>>
      %dma_start3A = arith.constant 384 : i32
      %dma_start3A_25 = arith.constant 0 : i32
      %dma_start3A_26 = tpu.memref_slice %arg7[%dma_start3A, %dma_start3A_25] : memref<1280x64xf32, #tpu.memory_space<vmem>> -> memref<128x64xf32, #tpu.memory_space<vmem>>
      %dma_start3A_27 = arith.constant 0 : i32
      %dma_start3A_28 = tpu.memref_slice %arg6[%run_scoped3A_9, %dma_start3A_27] : memref<10x128xi32, #tpu.memory_space<vmem>> -> memref<1x128xi32, #tpu.memory_space<vmem>>
      %dma_start3A_29 = tpu.memref_squeeze %dma_start3A_28 : memref<1x128xi32, #tpu.memory_space<vmem>> -> memref<128xi32, #tpu.memory_space<vmem>>
      %dma_start3A_30 = arith.constant 0 : i32
      %dma_start3A_31 = arith.constant 0 : i32
      %dma_start3A_32 = tpu.memref_slice %arg8[%dma_start3A_30, %dma_start3A_31] : memref<10240x64xf32, #tpu.memory_space<vmem_shared>> -> memref<10240x64xf32, #tpu.memory_space<vmem_shared>>
      tpu.enqueue_indirect_dma source(%dma_start3A_26 : memref<128x64xf32, #tpu.memory_space<vmem>>) target(%dma_start3A_32 : memref<10240x64xf32, #tpu.memory_space<vmem_shared>>) offsets(%dma_start3A_29 : memref<128xi32, #tpu.memory_space<vmem>>) semaphore(%run_scoped3A_24 : memref<!tpu.dma_semaphore, #tpu.memory_space<semaphore_mem>>) {add = true}
      %dma_wait3A = arith.constant 384 : i32
      %dma_wait3A_33 = arith.constant 0 : i32
      %dma_wait3A_34 = tpu.memref_slice %arg7[%dma_wait3A, %dma_wait3A_33] : memref<1280x64xf32, #tpu.memory_space<vmem>> -> memref<128x64xf32, #tpu.memory_space<vmem>>
      %dma_wait3A_35 = arith.constant 0 : i32
      %dma_wait3A_36 = tpu.memref_slice %arg6[%run_scoped3A_9, %dma_wait3A_35] : memref<10x128xi32, #tpu.memory_space<vmem>> -> memref<1x128xi32, #tpu.memory_space<vmem>>
      %dma_wait3A_37 = tpu.memref_squeeze %dma_wait3A_36 : memref<1x128xi32, #tpu.memory_space<vmem>> -> memref<128xi32, #tpu.memory_space<vmem>>
      %dma_wait3A_38 = arith.constant 0 : i32
      %dma_wait3A_39 = arith.constant 0 : i32
      %dma_wait3A_40 = tpu.memref_slice %arg8[%dma_wait3A_38, %dma_wait3A_39] : memref<10240x64xf32, #tpu.memory_space<vmem_shared>> -> memref<10240x64xf32, #tpu.memory_space<vmem_shared>>
      tpu.wait_indirect_dma semaphore(%run_scoped3A_24 : memref<!tpu.dma_semaphore, #tpu.memory_space<semaphore_mem>>) src(%dma_wait3A_34 : memref<128x64xf32, #tpu.memory_space<vmem>>) dst(%dma_wait3A_40 : memref<10240x64xf32, #tpu.memory_space<vmem_shared>>)
      tpu.yield
    }) : () -> ()
    %run_scoped3A_10 = arith.constant 4 : i32
    "tpu.region"() ({
      %run_scoped3A_24 = tpu.sem_alloc : memref<!tpu.dma_semaphore, #tpu.memory_space<semaphore_mem>>
      %dma_start3A = arith.constant 512 : i32
      %dma_start3A_25 = arith.constant 0 : i32
      %dma_start3A_26 = tpu.memref_slice %arg7[%dma_start3A, %dma_start3A_25] : memref<1280x64xf32, #tpu.memory_space<vmem>> -> memref<128x64xf32, #tpu.memory_space<vmem>>
      %dma_start3A_27 = arith.constant 0 : i32
      %dma_start3A_28 = tpu.memref_slice %arg6[%run_scoped3A_10, %dma_start3A_27] : memref<10x128xi32, #tpu.memory_space<vmem>> -> memref<1x128xi32, #tpu.memory_space<vmem>>
      %dma_start3A_29 = tpu.memref_squeeze %dma_start3A_28 : memref<1x128xi32, #tpu.memory_space<vmem>> -> memref<128xi32, #tpu.memory_space<vmem>>
      %dma_start3A_30 = arith.constant 0 : i32
      %dma_start3A_31 = arith.constant 0 : i32
      %dma_start3A_32 = tpu.memref_slice %arg8[%dma_start3A_30, %dma_start3A_31] : memref<10240x64xf32, #tpu.memory_space<vmem_shared>> -> memref<10240x64xf32, #tpu.memory_space<vmem_shared>>
      tpu.enqueue_indirect_dma source(%dma_start3A_26 : memref<128x64xf32, #tpu.memory_space<vmem>>) target(%dma_start3A_32 : memref<10240x64xf32, #tpu.memory_space<vmem_shared>>) offsets(%dma_start3A_29 : memref<128xi32, #tpu.memory_space<vmem>>) semaphore(%run_scoped3A_24 : memref<!tpu.dma_semaphore, #tpu.memory_space<semaphore_mem>>) {add = true}
      %dma_wait3A = arith.constant 512 : i32
      %dma_wait3A_33 = arith.constant 0 : i32
      %dma_wait3A_34 = tpu.memref_slice %arg7[%dma_wait3A, %dma_wait3A_33] : memref<1280x64xf32, #tpu.memory_space<vmem>> -> memref<128x64xf32, #tpu.memory_space<vmem>>
      %dma_wait3A_35 = arith.constant 0 : i32
      %dma_wait3A_36 = tpu.memref_slice %arg6[%run_scoped3A_10, %dma_wait3A_35] : memref<10x128xi32, #tpu.memory_space<vmem>> -> memref<1x128xi32, #tpu.memory_space<vmem>>
      %dma_wait3A_37 = tpu.memref_squeeze %dma_wait3A_36 : memref<1x128xi32, #tpu.memory_space<vmem>> -> memref<128xi32, #tpu.memory_space<vmem>>
      %dma_wait3A_38 = arith.constant 0 : i32
      %dma_wait3A_39 = arith.constant 0 : i32
      %dma_wait3A_40 = tpu.memref_slice %arg8[%dma_wait3A_38, %dma_wait3A_39] : memref<10240x64xf32, #tpu.memory_space<vmem_shared>> -> memref<10240x64xf32, #tpu.memory_space<vmem_shared>>
      tpu.wait_indirect_dma semaphore(%run_scoped3A_24 : memref<!tpu.dma_semaphore, #tpu.memory_space<semaphore_mem>>) src(%dma_wait3A_34 : memref<128x64xf32, #tpu.memory_space<vmem>>) dst(%dma_wait3A_40 : memref<10240x64xf32, #tpu.memory_space<vmem_shared>>)
      tpu.yield
    }) : () -> ()
    %run_scoped3A_11 = arith.constant 5 : i32
    "tpu.region"() ({
      %run_scoped3A_24 = tpu.sem_alloc : memref<!tpu.dma_semaphore, #tpu.memory_space<semaphore_mem>>
      %dma_start3A = arith.constant 640 : i32
      %dma_start3A_25 = arith.constant 0 : i32
      %dma_start3A_26 = tpu.memref_slice %arg7[%dma_start3A, %dma_start3A_25] : memref<1280x64xf32, #tpu.memory_space<vmem>> -> memref<128x64xf32, #tpu.memory_space<vmem>>
      %dma_start3A_27 = arith.constant 0 : i32
      %dma_start3A_28 = tpu.memref_slice %arg6[%run_scoped3A_11, %dma_start3A_27] : memref<10x128xi32, #tpu.memory_space<vmem>> -> memref<1x128xi32, #tpu.memory_space<vmem>>
      %dma_start3A_29 = tpu.memref_squeeze %dma_start3A_28 : memref<1x128xi32, #tpu.memory_space<vmem>> -> memref<128xi32, #tpu.memory_space<vmem>>
      %dma_start3A_30 = arith.constant 0 : i32
      %dma_start3A_31 = arith.constant 0 : i32
      %dma_start3A_32 = tpu.memref_slice %arg8[%dma_start3A_30, %dma_start3A_31] : memref<10240x64xf32, #tpu.memory_space<vmem_shared>> -> memref<10240x64xf32, #tpu.memory_space<vmem_shared>>
      tpu.enqueue_indirect_dma source(%dma_start3A_26 : memref<128x64xf32, #tpu.memory_space<vmem>>) target(%dma_start3A_32 : memref<10240x64xf32, #tpu.memory_space<vmem_shared>>) offsets(%dma_start3A_29 : memref<128xi32, #tpu.memory_space<vmem>>) semaphore(%run_scoped3A_24 : memref<!tpu.dma_semaphore, #tpu.memory_space<semaphore_mem>>) {add = true}
      %dma_wait3A = arith.constant 640 : i32
      %dma_wait3A_33 = arith.constant 0 : i32
      %dma_wait3A_34 = tpu.memref_slice %arg7[%dma_wait3A, %dma_wait3A_33] : memref<1280x64xf32, #tpu.memory_space<vmem>> -> memref<128x64xf32, #tpu.memory_space<vmem>>
      %dma_wait3A_35 = arith.constant 0 : i32
      %dma_wait3A_36 = tpu.memref_slice %arg6[%run_scoped3A_11, %dma_wait3A_35] : memref<10x128xi32, #tpu.memory_space<vmem>> -> memref<1x128xi32, #tpu.memory_space<vmem>>
      %dma_wait3A_37 = tpu.memref_squeeze %dma_wait3A_36 : memref<1x128xi32, #tpu.memory_space<vmem>> -> memref<128xi32, #tpu.memory_space<vmem>>
      %dma_wait3A_38 = arith.constant 0 : i32
      %dma_wait3A_39 = arith.constant 0 : i32
      %dma_wait3A_40 = tpu.memref_slice %arg8[%dma_wait3A_38, %dma_wait3A_39] : memref<10240x64xf32, #tpu.memory_space<vmem_shared>> -> memref<10240x64xf32, #tpu.memory_space<vmem_shared>>
      tpu.wait_indirect_dma semaphore(%run_scoped3A_24 : memref<!tpu.dma_semaphore, #tpu.memory_space<semaphore_mem>>) src(%dma_wait3A_34 : memref<128x64xf32, #tpu.memory_space<vmem>>) dst(%dma_wait3A_40 : memref<10240x64xf32, #tpu.memory_space<vmem_shared>>)
      tpu.yield
    }) : () -> ()
    %run_scoped3A_12 = arith.constant 6 : i32
    "tpu.region"() ({
      %run_scoped3A_24 = tpu.sem_alloc : memref<!tpu.dma_semaphore, #tpu.memory_space<semaphore_mem>>
      %dma_start3A = arith.constant 768 : i32
      %dma_start3A_25 = arith.constant 0 : i32
      %dma_start3A_26 = tpu.memref_slice %arg7[%dma_start3A, %dma_start3A_25] : memref<1280x64xf32, #tpu.memory_space<vmem>> -> memref<128x64xf32, #tpu.memory_space<vmem>>
      %dma_start3A_27 = arith.constant 0 : i32
      %dma_start3A_28 = tpu.memref_slice %arg6[%run_scoped3A_12, %dma_start3A_27] : memref<10x128xi32, #tpu.memory_space<vmem>> -> memref<1x128xi32, #tpu.memory_space<vmem>>
      %dma_start3A_29 = tpu.memref_squeeze %dma_start3A_28 : memref<1x128xi32, #tpu.memory_space<vmem>> -> memref<128xi32, #tpu.memory_space<vmem>>
      %dma_start3A_30 = arith.constant 0 : i32
      %dma_start3A_31 = arith.constant 0 : i32
      %dma_start3A_32 = tpu.memref_slice %arg8[%dma_start3A_30, %dma_start3A_31] : memref<10240x64xf32, #tpu.memory_space<vmem_shared>> -> memref<10240x64xf32, #tpu.memory_space<vmem_shared>>
      tpu.enqueue_indirect_dma source(%dma_start3A_26 : memref<128x64xf32, #tpu.memory_space<vmem>>) target(%dma_start3A_32 : memref<10240x64xf32, #tpu.memory_space<vmem_shared>>) offsets(%dma_start3A_29 : memref<128xi32, #tpu.memory_space<vmem>>) semaphore(%run_scoped3A_24 : memref<!tpu.dma_semaphore, #tpu.memory_space<semaphore_mem>>) {add = true}
      %dma_wait3A = arith.constant 768 : i32
      %dma_wait3A_33 = arith.constant 0 : i32
      %dma_wait3A_34 = tpu.memref_slice %arg7[%dma_wait3A, %dma_wait3A_33] : memref<1280x64xf32, #tpu.memory_space<vmem>> -> memref<128x64xf32, #tpu.memory_space<vmem>>
      %dma_wait3A_35 = arith.constant 0 : i32
      %dma_wait3A_36 = tpu.memref_slice %arg6[%run_scoped3A_12, %dma_wait3A_35] : memref<10x128xi32, #tpu.memory_space<vmem>> -> memref<1x128xi32, #tpu.memory_space<vmem>>
      %dma_wait3A_37 = tpu.memref_squeeze %dma_wait3A_36 : memref<1x128xi32, #tpu.memory_space<vmem>> -> memref<128xi32, #tpu.memory_space<vmem>>
      %dma_wait3A_38 = arith.constant 0 : i32
      %dma_wait3A_39 = arith.constant 0 : i32
      %dma_wait3A_40 = tpu.memref_slice %arg8[%dma_wait3A_38, %dma_wait3A_39] : memref<10240x64xf32, #tpu.memory_space<vmem_shared>> -> memref<10240x64xf32, #tpu.memory_space<vmem_shared>>
      tpu.wait_indirect_dma semaphore(%run_scoped3A_24 : memref<!tpu.dma_semaphore, #tpu.memory_space<semaphore_mem>>) src(%dma_wait3A_34 : memref<128x64xf32, #tpu.memory_space<vmem>>) dst(%dma_wait3A_40 : memref<10240x64xf32, #tpu.memory_space<vmem_shared>>)
      tpu.yield
    }) : () -> ()
    %run_scoped3A_13 = arith.constant 7 : i32
    "tpu.region"() ({
      %run_scoped3A_24 = tpu.sem_alloc : memref<!tpu.dma_semaphore, #tpu.memory_space<semaphore_mem>>
      %dma_start3A = arith.constant 896 : i32
      %dma_start3A_25 = arith.constant 0 : i32
      %dma_start3A_26 = tpu.memref_slice %arg7[%dma_start3A, %dma_start3A_25] : memref<1280x64xf32, #tpu.memory_space<vmem>> -> memref<128x64xf32, #tpu.memory_space<vmem>>
      %dma_start3A_27 = arith.constant 0 : i32
      %dma_start3A_28 = tpu.memref_slice %arg6[%run_scoped3A_13, %dma_start3A_27] : memref<10x128xi32, #tpu.memory_space<vmem>> -> memref<1x128xi32, #tpu.memory_space<vmem>>
      %dma_start3A_29 = tpu.memref_squeeze %dma_start3A_28 : memref<1x128xi32, #tpu.memory_space<vmem>> -> memref<128xi32, #tpu.memory_space<vmem>>
      %dma_start3A_30 = arith.constant 0 : i32
      %dma_start3A_31 = arith.constant 0 : i32
      %dma_start3A_32 = tpu.memref_slice %arg8[%dma_start3A_30, %dma_start3A_31] : memref<10240x64xf32, #tpu.memory_space<vmem_shared>> -> memref<10240x64xf32, #tpu.memory_space<vmem_shared>>
      tpu.enqueue_indirect_dma source(%dma_start3A_26 : memref<128x64xf32, #tpu.memory_space<vmem>>) target(%dma_start3A_32 : memref<10240x64xf32, #tpu.memory_space<vmem_shared>>) offsets(%dma_start3A_29 : memref<128xi32, #tpu.memory_space<vmem>>) semaphore(%run_scoped3A_24 : memref<!tpu.dma_semaphore, #tpu.memory_space<semaphore_mem>>) {add = true}
      %dma_wait3A = arith.constant 896 : i32
      %dma_wait3A_33 = arith.constant 0 : i32
      %dma_wait3A_34 = tpu.memref_slice %arg7[%dma_wait3A, %dma_wait3A_33] : memref<1280x64xf32, #tpu.memory_space<vmem>> -> memref<128x64xf32, #tpu.memory_space<vmem>>
      %dma_wait3A_35 = arith.constant 0 : i32
      %dma_wait3A_36 = tpu.memref_slice %arg6[%run_scoped3A_13, %dma_wait3A_35] : memref<10x128xi32, #tpu.memory_space<vmem>> -> memref<1x128xi32, #tpu.memory_space<vmem>>
      %dma_wait3A_37 = tpu.memref_squeeze %dma_wait3A_36 : memref<1x128xi32, #tpu.memory_space<vmem>> -> memref<128xi32, #tpu.memory_space<vmem>>
      %dma_wait3A_38 = arith.constant 0 : i32
      %dma_wait3A_39 = arith.constant 0 : i32
      %dma_wait3A_40 = tpu.memref_slice %arg8[%dma_wait3A_38, %dma_wait3A_39] : memref<10240x64xf32, #tpu.memory_space<vmem_shared>> -> memref<10240x64xf32, #tpu.memory_space<vmem_shared>>
      tpu.wait_indirect_dma semaphore(%run_scoped3A_24 : memref<!tpu.dma_semaphore, #tpu.memory_space<semaphore_mem>>) src(%dma_wait3A_34 : memref<128x64xf32, #tpu.memory_space<vmem>>) dst(%dma_wait3A_40 : memref<10240x64xf32, #tpu.memory_space<vmem_shared>>)
      tpu.yield
    }) : () -> ()
    %run_scoped3A_14 = arith.constant 8 : i32
    "tpu.region"() ({
      %run_scoped3A_24 = tpu.sem_alloc : memref<!tpu.dma_semaphore, #tpu.memory_space<semaphore_mem>>
      %dma_start3A = arith.constant 1024 : i32
      %dma_start3A_25 = arith.constant 0 : i32
      %dma_start3A_26 = tpu.memref_slice %arg7[%dma_start3A, %dma_start3A_25] : memref<1280x64xf32, #tpu.memory_space<vmem>> -> memref<128x64xf32, #tpu.memory_space<vmem>>
      %dma_start3A_27 = arith.constant 0 : i32
      %dma_start3A_28 = tpu.memref_slice %arg6[%run_scoped3A_14, %dma_start3A_27] : memref<10x128xi32, #tpu.memory_space<vmem>> -> memref<1x128xi32, #tpu.memory_space<vmem>>
      %dma_start3A_29 = tpu.memref_squeeze %dma_start3A_28 : memref<1x128xi32, #tpu.memory_space<vmem>> -> memref<128xi32, #tpu.memory_space<vmem>>
      %dma_start3A_30 = arith.constant 0 : i32
      %dma_start3A_31 = arith.constant 0 : i32
      %dma_start3A_32 = tpu.memref_slice %arg8[%dma_start3A_30, %dma_start3A_31] : memref<10240x64xf32, #tpu.memory_space<vmem_shared>> -> memref<10240x64xf32, #tpu.memory_space<vmem_shared>>
      tpu.enqueue_indirect_dma source(%dma_start3A_26 : memref<128x64xf32, #tpu.memory_space<vmem>>) target(%dma_start3A_32 : memref<10240x64xf32, #tpu.memory_space<vmem_shared>>) offsets(%dma_start3A_29 : memref<128xi32, #tpu.memory_space<vmem>>) semaphore(%run_scoped3A_24 : memref<!tpu.dma_semaphore, #tpu.memory_space<semaphore_mem>>) {add = true}
      %dma_wait3A = arith.constant 1024 : i32
      %dma_wait3A_33 = arith.constant 0 : i32
      %dma_wait3A_34 = tpu.memref_slice %arg7[%dma_wait3A, %dma_wait3A_33] : memref<1280x64xf32, #tpu.memory_space<vmem>> -> memref<128x64xf32, #tpu.memory_space<vmem>>
      %dma_wait3A_35 = arith.constant 0 : i32
      %dma_wait3A_36 = tpu.memref_slice %arg6[%run_scoped3A_14, %dma_wait3A_35] : memref<10x128xi32, #tpu.memory_space<vmem>> -> memref<1x128xi32, #tpu.memory_space<vmem>>
      %dma_wait3A_37 = tpu.memref_squeeze %dma_wait3A_36 : memref<1x128xi32, #tpu.memory_space<vmem>> -> memref<128xi32, #tpu.memory_space<vmem>>
      %dma_wait3A_38 = arith.constant 0 : i32
      %dma_wait3A_39 = arith.constant 0 : i32
      %dma_wait3A_40 = tpu.memref_slice %arg8[%dma_wait3A_38, %dma_wait3A_39] : memref<10240x64xf32, #tpu.memory_space<vmem_shared>> -> memref<10240x64xf32, #tpu.memory_space<vmem_shared>>
      tpu.wait_indirect_dma semaphore(%run_scoped3A_24 : memref<!tpu.dma_semaphore, #tpu.memory_space<semaphore_mem>>) src(%dma_wait3A_34 : memref<128x64xf32, #tpu.memory_space<vmem>>) dst(%dma_wait3A_40 : memref<10240x64xf32, #tpu.memory_space<vmem_shared>>)
      tpu.yield
    }) : () -> ()
    %run_scoped3A_15 = arith.constant 9 : i32
    "tpu.region"() ({
      %run_scoped3A_24 = tpu.sem_alloc : memref<!tpu.dma_semaphore, #tpu.memory_space<semaphore_mem>>
      %dma_start3A = arith.constant 1152 : i32
      %dma_start3A_25 = arith.constant 0 : i32
      %dma_start3A_26 = tpu.memref_slice %arg7[%dma_start3A, %dma_start3A_25] : memref<1280x64xf32, #tpu.memory_space<vmem>> -> memref<128x64xf32, #tpu.memory_space<vmem>>
      %dma_start3A_27 = arith.constant 0 : i32
      %dma_start3A_28 = tpu.memref_slice %arg6[%run_scoped3A_15, %dma_start3A_27] : memref<10x128xi32, #tpu.memory_space<vmem>> -> memref<1x128xi32, #tpu.memory_space<vmem>>
      %dma_start3A_29 = tpu.memref_squeeze %dma_start3A_28 : memref<1x128xi32, #tpu.memory_space<vmem>> -> memref<128xi32, #tpu.memory_space<vmem>>
      %dma_start3A_30 = arith.constant 0 : i32
      %dma_start3A_31 = arith.constant 0 : i32
      %dma_start3A_32 = tpu.memref_slice %arg8[%dma_start3A_30, %dma_start3A_31] : memref<10240x64xf32, #tpu.memory_space<vmem_shared>> -> memref<10240x64xf32, #tpu.memory_space<vmem_shared>>
      tpu.enqueue_indirect_dma source(%dma_start3A_26 : memref<128x64xf32, #tpu.memory_space<vmem>>) target(%dma_start3A_32 : memref<10240x64xf32, #tpu.memory_space<vmem_shared>>) offsets(%dma_start3A_29 : memref<128xi32, #tpu.memory_space<vmem>>) semaphore(%run_scoped3A_24 : memref<!tpu.dma_semaphore, #tpu.memory_space<semaphore_mem>>) {add = true}
      %dma_wait3A = arith.constant 1152 : i32
      %dma_wait3A_33 = arith.constant 0 : i32
      %dma_wait3A_34 = tpu.memref_slice %arg7[%dma_wait3A, %dma_wait3A_33] : memref<1280x64xf32, #tpu.memory_space<vmem>> -> memref<128x64xf32, #tpu.memory_space<vmem>>
      %dma_wait3A_35 = arith.constant 0 : i32
      %dma_wait3A_36 = tpu.memref_slice %arg6[%run_scoped3A_15, %dma_wait3A_35] : memref<10x128xi32, #tpu.memory_space<vmem>> -> memref<1x128xi32, #tpu.memory_space<vmem>>
      %dma_wait3A_37 = tpu.memref_squeeze %dma_wait3A_36 : memref<1x128xi32, #tpu.memory_space<vmem>> -> memref<128xi32, #tpu.memory_space<vmem>>
      %dma_wait3A_38 = arith.constant 0 : i32
      %dma_wait3A_39 = arith.constant 0 : i32
      %dma_wait3A_40 = tpu.memref_slice %arg8[%dma_wait3A_38, %dma_wait3A_39] : memref<10240x64xf32, #tpu.memory_space<vmem_shared>> -> memref<10240x64xf32, #tpu.memory_space<vmem_shared>>
      tpu.wait_indirect_dma semaphore(%run_scoped3A_24 : memref<!tpu.dma_semaphore, #tpu.memory_space<semaphore_mem>>) src(%dma_wait3A_34 : memref<128x64xf32, #tpu.memory_space<vmem>>) dst(%dma_wait3A_40 : memref<10240x64xf32, #tpu.memory_space<vmem_shared>>)
      tpu.yield
    }) : () -> ()
    %barrier3A_16 = arith.constant 0 : index
    tpu.barrier barrier_id(%barrier3A_16)
    %mul3A_17 = arith.constant 640 : i32
    %mul3A_18 = arith.muli %arg1, %mul3A_17 : i32
    %mul3A_19 = arith.constant 10240 : i32
    %mul3A_20 = arith.muli %arg0, %mul3A_19 : i32
    %mul3A_21 = arith.constant 640 : i32
    %mul3A_22 = arith.muli %arg1, %mul3A_21 : i32
    %add3A_23 = arith.addi %mul3A_20, %mul3A_22 : i32
    "tpu.region"() ({
      %run_scoped3A_24 = tpu.sem_alloc : memref<!tpu.dma_semaphore, #tpu.memory_space<semaphore_mem>>
      %dma_start3A = arith.constant 0 : i32
      %dma_start3A_25 = tpu.memref_slice %arg5[%add3A_23, %dma_start3A] : memref<20480x64xf32, #tpu.memory_space<hbm>> -> memref<640x64xf32, #tpu.memory_space<hbm>>
      %dma_start3A_26 = arith.constant 0 : i32
      %dma_start3A_27 = tpu.memref_slice %arg8[%mul3A_18, %dma_start3A_26] : memref<10240x64xf32, #tpu.memory_space<vmem_shared>> -> memref<640x64xf32, #tpu.memory_space<vmem_shared>>
      tpu.enqueue_dma source(%dma_start3A_27 : memref<640x64xf32, #tpu.memory_space<vmem_shared>>) target(%dma_start3A_25 : memref<640x64xf32, #tpu.memory_space<hbm>>) target_semaphore(%run_scoped3A_24 : memref<!tpu.dma_semaphore, #tpu.memory_space<semaphore_mem>>)
      %dma_wait3A = arith.constant 0 : i32
      %dma_wait3A_28 = tpu.memref_slice %arg5[%add3A_23, %dma_wait3A] : memref<20480x64xf32, #tpu.memory_space<hbm>> -> memref<640x64xf32, #tpu.memory_space<hbm>>
      %dma_wait3A_29 = arith.constant 0 : i32
      %dma_wait3A_30 = tpu.memref_slice %arg8[%mul3A_18, %dma_wait3A_29] : memref<10240x64xf32, #tpu.memory_space<vmem_shared>> -> memref<640x64xf32, #tpu.memory_space<vmem_shared>>
      tpu.wait_dma2 semaphore(%run_scoped3A_24 : memref<!tpu.dma_semaphore, #tpu.memory_space<semaphore_mem>>) src(%dma_wait3A_30 : memref<640x64xf32, #tpu.memory_space<vmem_shared>>) dst(%dma_wait3A_28 : memref<640x64xf32, #tpu.memory_space<hbm>>)
      tpu.yield
    }) : () -> ()
    return
  }
}

module attributes {stable_mosaic.version = 14 : i64} {
  func.func @body(%arg0: i32, %arg1: memref<512x8xf32, #tpu.memory_space<vmem>>, %arg2: memref<512x16xf32, #tpu.memory_space<vmem>>, %arg3: memref<8x128xf32, #tpu.memory_space<vmem>>, %arg4: memref<1x128xf32, #tpu.memory_space<vmem>>, %arg5: memref<128x512xf32, #tpu.memory_space<vmem>>, %arg6: memref<1x512xf32, #tpu.memory_space<vmem>>, %arg7: memref<512x32xf32, #tpu.memory_space<vmem>>) attributes {dimension_semantics = [#tpu.dimension_semantics<arbitrary>], iteration_bounds = array<i64: 80>, scalar_prefetch = 0 : i64, scratch_operands = 0 : i64, tpu.core_type = #tpu.core_type<tc>, window_params = [{transform_indices = @transform_0, window_bounds = array<i64: 512, 8>}, {transform_indices = @transform_1, window_bounds = array<i64: 512, 16>}, {pipeline_mode = #tpu.pipeline_mode<synchronous>, transform_indices = @transform_2, window_bounds = array<i64: 8, 128>}, {pipeline_mode = #tpu.pipeline_mode<synchronous>, transform_indices = @transform_3, window_bounds = array<i64: 1, 128>}, {pipeline_mode = #tpu.pipeline_mode<synchronous>, transform_indices = @transform_4, window_bounds = array<i64: 128, 512>}, {pipeline_mode = #tpu.pipeline_mode<synchronous>, transform_indices = @transform_5, window_bounds = array<i64: 1, 512>}, {transform_indices = @transform_6, window_bounds = array<i64: 512, 32>}]} {
    %get3A = arith.constant 0 : index
    %get3A_0 = arith.constant 0 : index
    %get3A_1 = vector.load %arg1[%get3A, %get3A_0] : memref<512x8xf32, #tpu.memory_space<vmem>>, vector<512x8xf32>
    %convert_element_type3A = arith.truncf %get3A_1 : vector<512x8xf32> to vector<512x8xbf16>
    %get3A_2 = arith.constant 0 : index
    %get3A_3 = arith.constant 0 : index
    %get3A_4 = vector.load %arg3[%get3A_2, %get3A_3] : memref<8x128xf32, #tpu.memory_space<vmem>>, vector<8x128xf32>
    %convert_element_type3A_5 = arith.truncf %get3A_4 : vector<8x128xf32> to vector<8x128xbf16>
    %dot_general3A = arith.constant dense<0.000000e+00> : vector<512x128xf32>
    %dot_general3A_6 = tpu.matmul %convert_element_type3A, %convert_element_type3A_5, %dot_general3A {dimension_numbers = #tpu.dot_dimension_numbers<[1], [0], [0], [1], [0, 0, 1, 1], [], []>, transpose_lhs_hint = false} : vector<512x8xbf16>, vector<8x128xbf16>, vector<512x128xf32> -> vector<512x128xf32>
    %get3A_7 = arith.constant 0 : index
    %get3A_8 = arith.constant 0 : index
    %get3A_9 = vector.load %arg4[%get3A_7, %get3A_8] : memref<1x128xf32, #tpu.memory_space<vmem>>, vector<1x128xf32>
    %add3A = vector.broadcast %get3A_9 : vector<1x128xf32> to vector<512x128xf32>
    %add3A_10 = arith.addf %dot_general3A_6, %add3A : vector<512x128xf32>
    %max3A = arith.constant 0.000000e+00 : f32
    %max3A_11 = vector.broadcast %max3A : f32 to vector<512x128xf32>
    %max3A_12 = arith.maximumf %add3A_10, %max3A_11 : vector<512x128xf32>
    %convert_element_type3A_13 = arith.truncf %max3A_12 : vector<512x128xf32> to vector<512x128xbf16>
    %get3A_14 = arith.constant 0 : index
    %get3A_15 = arith.constant 0 : index
    %get3A_16 = vector.load %arg2[%get3A_14, %get3A_15] : memref<512x16xf32, #tpu.memory_space<vmem>>, vector<512x16xf32>
    %get3A_17 = arith.constant 0 : index
    %get3A_18 = arith.constant 0 : index
    %get3A_19 = vector.load %arg5[%get3A_17, %get3A_18] : memref<128x512xf32, #tpu.memory_space<vmem>>, vector<128x512xf32>
    %get3A_20 = arith.constant 0 : index
    %get3A_21 = arith.constant 0 : index
    %get3A_22 = vector.load %arg6[%get3A_20, %get3A_21] : memref<1x512xf32, #tpu.memory_space<vmem>>, vector<1x512xf32>
    %slice3A = vector.extract_strided_slice %get3A_19 {offsets = [0, 0], sizes = [128, 128], strides = [1, 1]} : vector<128x512xf32> to vector<128x128xf32>
    %convert_element_type3A_23 = arith.truncf %slice3A : vector<128x128xf32> to vector<128x128xbf16>
    %dot_general3A_24 = arith.constant dense<0.000000e+00> : vector<512x128xf32>
    %dot_general3A_25 = tpu.matmul %convert_element_type3A_13, %convert_element_type3A_23, %dot_general3A_24 {dimension_numbers = #tpu.dot_dimension_numbers<[1], [0], [0], [1], [0, 0, 1, 1], [], []>, transpose_lhs_hint = false} : vector<512x128xbf16>, vector<128x128xbf16>, vector<512x128xf32> -> vector<512x128xf32>
    %slice3A_26 = vector.extract_strided_slice %get3A_22 {offsets = [0, 0], sizes = [1, 128], strides = [1, 1]} : vector<1x512xf32> to vector<1x128xf32>
    %add3A_27 = vector.broadcast %slice3A_26 : vector<1x128xf32> to vector<512x128xf32>
    %add3A_28 = arith.addf %dot_general3A_25, %add3A_27 : vector<512x128xf32>
    %slice3A_29 = vector.extract_strided_slice %get3A_16 {offsets = [0, 0], sizes = [512, 1], strides = [1, 1]} : vector<512x16xf32> to vector<512x1xf32>
    %broadcast_in_dim3A = vector.shape_cast %slice3A_29 : vector<512x1xf32> to vector<512x1xf32>
    %broadcast_in_dim3A_30 = vector.broadcast %broadcast_in_dim3A : vector<512x1xf32> to vector<512x32xf32>
    %slice3A_31 = vector.extract_strided_slice %get3A_16 {offsets = [0, 1], sizes = [512, 1], strides = [1, 1]} : vector<512x16xf32> to vector<512x1xf32>
    %broadcast_in_dim3A_32 = vector.shape_cast %slice3A_31 : vector<512x1xf32> to vector<512x1xf32>
    %broadcast_in_dim3A_33 = vector.broadcast %broadcast_in_dim3A_32 : vector<512x1xf32> to vector<512x32xf32>
    %slice3A_34 = vector.extract_strided_slice %get3A_16 {offsets = [0, 2], sizes = [512, 1], strides = [1, 1]} : vector<512x16xf32> to vector<512x1xf32>
    %broadcast_in_dim3A_35 = vector.shape_cast %slice3A_34 : vector<512x1xf32> to vector<512x1xf32>
    %broadcast_in_dim3A_36 = vector.broadcast %broadcast_in_dim3A_35 : vector<512x1xf32> to vector<512x32xf32>
    %slice3A_37 = vector.extract_strided_slice %get3A_16 {offsets = [0, 3], sizes = [512, 1], strides = [1, 1]} : vector<512x16xf32> to vector<512x1xf32>
    %broadcast_in_dim3A_38 = vector.shape_cast %slice3A_37 : vector<512x1xf32> to vector<512x1xf32>
    %broadcast_in_dim3A_39 = vector.broadcast %broadcast_in_dim3A_38 : vector<512x1xf32> to vector<512x32xf32>
    %concatenate3A = tpu.concatenate %broadcast_in_dim3A_30, %broadcast_in_dim3A_33, %broadcast_in_dim3A_36, %broadcast_in_dim3A_39 in 1 : vector<512x32xf32>, vector<512x32xf32>, vector<512x32xf32>, vector<512x32xf32> -> vector<512x128xf32>
    %mul3A = arith.mulf %concatenate3A, %add3A_28 : vector<512x128xf32>
    %slice3A_40 = vector.extract_strided_slice %mul3A {offsets = [0, 0], sizes = [512, 32], strides = [1, 1]} : vector<512x128xf32> to vector<512x32xf32>
    %slice3A_41 = vector.extract_strided_slice %mul3A {offsets = [0, 32], sizes = [512, 32], strides = [1, 1]} : vector<512x128xf32> to vector<512x32xf32>
    %add3A_42 = arith.addf %slice3A_40, %slice3A_41 : vector<512x32xf32>
    %slice3A_43 = vector.extract_strided_slice %mul3A {offsets = [0, 64], sizes = [512, 32], strides = [1, 1]} : vector<512x128xf32> to vector<512x32xf32>
    %add3A_44 = arith.addf %add3A_42, %slice3A_43 : vector<512x32xf32>
    %slice3A_45 = vector.extract_strided_slice %mul3A {offsets = [0, 96], sizes = [512, 32], strides = [1, 1]} : vector<512x128xf32> to vector<512x32xf32>
    %add3A_46 = arith.addf %add3A_44, %slice3A_45 : vector<512x32xf32>
    %slice3A_47 = vector.extract_strided_slice %get3A_19 {offsets = [0, 128], sizes = [128, 128], strides = [1, 1]} : vector<128x512xf32> to vector<128x128xf32>
    %convert_element_type3A_48 = arith.truncf %slice3A_47 : vector<128x128xf32> to vector<128x128xbf16>
    %dot_general3A_49 = arith.constant dense<0.000000e+00> : vector<512x128xf32>
    %dot_general3A_50 = tpu.matmul %convert_element_type3A_13, %convert_element_type3A_48, %dot_general3A_49 {dimension_numbers = #tpu.dot_dimension_numbers<[1], [0], [0], [1], [0, 0, 1, 1], [], []>, transpose_lhs_hint = false} : vector<512x128xbf16>, vector<128x128xbf16>, vector<512x128xf32> -> vector<512x128xf32>
    %slice3A_51 = vector.extract_strided_slice %get3A_22 {offsets = [0, 128], sizes = [1, 128], strides = [1, 1]} : vector<1x512xf32> to vector<1x128xf32>
    %add3A_52 = vector.broadcast %slice3A_51 : vector<1x128xf32> to vector<512x128xf32>
    %add3A_53 = arith.addf %dot_general3A_50, %add3A_52 : vector<512x128xf32>
    %slice3A_54 = vector.extract_strided_slice %get3A_16 {offsets = [0, 4], sizes = [512, 1], strides = [1, 1]} : vector<512x16xf32> to vector<512x1xf32>
    %broadcast_in_dim3A_55 = vector.shape_cast %slice3A_54 : vector<512x1xf32> to vector<512x1xf32>
    %broadcast_in_dim3A_56 = vector.broadcast %broadcast_in_dim3A_55 : vector<512x1xf32> to vector<512x32xf32>
    %slice3A_57 = vector.extract_strided_slice %get3A_16 {offsets = [0, 5], sizes = [512, 1], strides = [1, 1]} : vector<512x16xf32> to vector<512x1xf32>
    %broadcast_in_dim3A_58 = vector.shape_cast %slice3A_57 : vector<512x1xf32> to vector<512x1xf32>
    %broadcast_in_dim3A_59 = vector.broadcast %broadcast_in_dim3A_58 : vector<512x1xf32> to vector<512x32xf32>
    %slice3A_60 = vector.extract_strided_slice %get3A_16 {offsets = [0, 6], sizes = [512, 1], strides = [1, 1]} : vector<512x16xf32> to vector<512x1xf32>
    %broadcast_in_dim3A_61 = vector.shape_cast %slice3A_60 : vector<512x1xf32> to vector<512x1xf32>
    %broadcast_in_dim3A_62 = vector.broadcast %broadcast_in_dim3A_61 : vector<512x1xf32> to vector<512x32xf32>
    %slice3A_63 = vector.extract_strided_slice %get3A_16 {offsets = [0, 7], sizes = [512, 1], strides = [1, 1]} : vector<512x16xf32> to vector<512x1xf32>
    %broadcast_in_dim3A_64 = vector.shape_cast %slice3A_63 : vector<512x1xf32> to vector<512x1xf32>
    %broadcast_in_dim3A_65 = vector.broadcast %broadcast_in_dim3A_64 : vector<512x1xf32> to vector<512x32xf32>
    %concatenate3A_66 = tpu.concatenate %broadcast_in_dim3A_56, %broadcast_in_dim3A_59, %broadcast_in_dim3A_62, %broadcast_in_dim3A_65 in 1 : vector<512x32xf32>, vector<512x32xf32>, vector<512x32xf32>, vector<512x32xf32> -> vector<512x128xf32>
    %mul3A_67 = arith.mulf %concatenate3A_66, %add3A_53 : vector<512x128xf32>
    %slice3A_68 = vector.extract_strided_slice %mul3A_67 {offsets = [0, 0], sizes = [512, 32], strides = [1, 1]} : vector<512x128xf32> to vector<512x32xf32>
    %slice3A_69 = vector.extract_strided_slice %mul3A_67 {offsets = [0, 32], sizes = [512, 32], strides = [1, 1]} : vector<512x128xf32> to vector<512x32xf32>
    %add3A_70 = arith.addf %slice3A_68, %slice3A_69 : vector<512x32xf32>
    %slice3A_71 = vector.extract_strided_slice %mul3A_67 {offsets = [0, 64], sizes = [512, 32], strides = [1, 1]} : vector<512x128xf32> to vector<512x32xf32>
    %add3A_72 = arith.addf %add3A_70, %slice3A_71 : vector<512x32xf32>
    %slice3A_73 = vector.extract_strided_slice %mul3A_67 {offsets = [0, 96], sizes = [512, 32], strides = [1, 1]} : vector<512x128xf32> to vector<512x32xf32>
    %add3A_74 = arith.addf %add3A_72, %slice3A_73 : vector<512x32xf32>
    %add3A_75 = arith.addf %add3A_46, %add3A_74 : vector<512x32xf32>
    %slice3A_76 = vector.extract_strided_slice %get3A_19 {offsets = [0, 256], sizes = [128, 128], strides = [1, 1]} : vector<128x512xf32> to vector<128x128xf32>
    %convert_element_type3A_77 = arith.truncf %slice3A_76 : vector<128x128xf32> to vector<128x128xbf16>
    %dot_general3A_78 = arith.constant dense<0.000000e+00> : vector<512x128xf32>
    %dot_general3A_79 = tpu.matmul %convert_element_type3A_13, %convert_element_type3A_77, %dot_general3A_78 {dimension_numbers = #tpu.dot_dimension_numbers<[1], [0], [0], [1], [0, 0, 1, 1], [], []>, transpose_lhs_hint = false} : vector<512x128xbf16>, vector<128x128xbf16>, vector<512x128xf32> -> vector<512x128xf32>
    %slice3A_80 = vector.extract_strided_slice %get3A_22 {offsets = [0, 256], sizes = [1, 128], strides = [1, 1]} : vector<1x512xf32> to vector<1x128xf32>
    %add3A_81 = vector.broadcast %slice3A_80 : vector<1x128xf32> to vector<512x128xf32>
    %add3A_82 = arith.addf %dot_general3A_79, %add3A_81 : vector<512x128xf32>
    %slice3A_83 = vector.extract_strided_slice %get3A_16 {offsets = [0, 8], sizes = [512, 1], strides = [1, 1]} : vector<512x16xf32> to vector<512x1xf32>
    %broadcast_in_dim3A_84 = vector.shape_cast %slice3A_83 : vector<512x1xf32> to vector<512x1xf32>
    %broadcast_in_dim3A_85 = vector.broadcast %broadcast_in_dim3A_84 : vector<512x1xf32> to vector<512x32xf32>
    %slice3A_86 = vector.extract_strided_slice %get3A_16 {offsets = [0, 9], sizes = [512, 1], strides = [1, 1]} : vector<512x16xf32> to vector<512x1xf32>
    %broadcast_in_dim3A_87 = vector.shape_cast %slice3A_86 : vector<512x1xf32> to vector<512x1xf32>
    %broadcast_in_dim3A_88 = vector.broadcast %broadcast_in_dim3A_87 : vector<512x1xf32> to vector<512x32xf32>
    %slice3A_89 = vector.extract_strided_slice %get3A_16 {offsets = [0, 10], sizes = [512, 1], strides = [1, 1]} : vector<512x16xf32> to vector<512x1xf32>
    %broadcast_in_dim3A_90 = vector.shape_cast %slice3A_89 : vector<512x1xf32> to vector<512x1xf32>
    %broadcast_in_dim3A_91 = vector.broadcast %broadcast_in_dim3A_90 : vector<512x1xf32> to vector<512x32xf32>
    %slice3A_92 = vector.extract_strided_slice %get3A_16 {offsets = [0, 11], sizes = [512, 1], strides = [1, 1]} : vector<512x16xf32> to vector<512x1xf32>
    %broadcast_in_dim3A_93 = vector.shape_cast %slice3A_92 : vector<512x1xf32> to vector<512x1xf32>
    %broadcast_in_dim3A_94 = vector.broadcast %broadcast_in_dim3A_93 : vector<512x1xf32> to vector<512x32xf32>
    %concatenate3A_95 = tpu.concatenate %broadcast_in_dim3A_85, %broadcast_in_dim3A_88, %broadcast_in_dim3A_91, %broadcast_in_dim3A_94 in 1 : vector<512x32xf32>, vector<512x32xf32>, vector<512x32xf32>, vector<512x32xf32> -> vector<512x128xf32>
    %mul3A_96 = arith.mulf %concatenate3A_95, %add3A_82 : vector<512x128xf32>
    %slice3A_97 = vector.extract_strided_slice %mul3A_96 {offsets = [0, 0], sizes = [512, 32], strides = [1, 1]} : vector<512x128xf32> to vector<512x32xf32>
    %slice3A_98 = vector.extract_strided_slice %mul3A_96 {offsets = [0, 32], sizes = [512, 32], strides = [1, 1]} : vector<512x128xf32> to vector<512x32xf32>
    %add3A_99 = arith.addf %slice3A_97, %slice3A_98 : vector<512x32xf32>
    %slice3A_100 = vector.extract_strided_slice %mul3A_96 {offsets = [0, 64], sizes = [512, 32], strides = [1, 1]} : vector<512x128xf32> to vector<512x32xf32>
    %add3A_101 = arith.addf %add3A_99, %slice3A_100 : vector<512x32xf32>
    %slice3A_102 = vector.extract_strided_slice %mul3A_96 {offsets = [0, 96], sizes = [512, 32], strides = [1, 1]} : vector<512x128xf32> to vector<512x32xf32>
    %add3A_103 = arith.addf %add3A_101, %slice3A_102 : vector<512x32xf32>
    %add3A_104 = arith.addf %add3A_75, %add3A_103 : vector<512x32xf32>
    %slice3A_105 = vector.extract_strided_slice %get3A_19 {offsets = [0, 384], sizes = [128, 128], strides = [1, 1]} : vector<128x512xf32> to vector<128x128xf32>
    %convert_element_type3A_106 = arith.truncf %slice3A_105 : vector<128x128xf32> to vector<128x128xbf16>
    %dot_general3A_107 = arith.constant dense<0.000000e+00> : vector<512x128xf32>
    %dot_general3A_108 = tpu.matmul %convert_element_type3A_13, %convert_element_type3A_106, %dot_general3A_107 {dimension_numbers = #tpu.dot_dimension_numbers<[1], [0], [0], [1], [0, 0, 1, 1], [], []>, transpose_lhs_hint = false} : vector<512x128xbf16>, vector<128x128xbf16>, vector<512x128xf32> -> vector<512x128xf32>
    %slice3A_109 = vector.extract_strided_slice %get3A_22 {offsets = [0, 384], sizes = [1, 128], strides = [1, 1]} : vector<1x512xf32> to vector<1x128xf32>
    %add3A_110 = vector.broadcast %slice3A_109 : vector<1x128xf32> to vector<512x128xf32>
    %add3A_111 = arith.addf %dot_general3A_108, %add3A_110 : vector<512x128xf32>
    %slice3A_112 = vector.extract_strided_slice %get3A_16 {offsets = [0, 12], sizes = [512, 1], strides = [1, 1]} : vector<512x16xf32> to vector<512x1xf32>
    %broadcast_in_dim3A_113 = vector.shape_cast %slice3A_112 : vector<512x1xf32> to vector<512x1xf32>
    %broadcast_in_dim3A_114 = vector.broadcast %broadcast_in_dim3A_113 : vector<512x1xf32> to vector<512x32xf32>
    %slice3A_115 = vector.extract_strided_slice %get3A_16 {offsets = [0, 13], sizes = [512, 1], strides = [1, 1]} : vector<512x16xf32> to vector<512x1xf32>
    %broadcast_in_dim3A_116 = vector.shape_cast %slice3A_115 : vector<512x1xf32> to vector<512x1xf32>
    %broadcast_in_dim3A_117 = vector.broadcast %broadcast_in_dim3A_116 : vector<512x1xf32> to vector<512x32xf32>
    %slice3A_118 = vector.extract_strided_slice %get3A_16 {offsets = [0, 14], sizes = [512, 1], strides = [1, 1]} : vector<512x16xf32> to vector<512x1xf32>
    %broadcast_in_dim3A_119 = vector.shape_cast %slice3A_118 : vector<512x1xf32> to vector<512x1xf32>
    %broadcast_in_dim3A_120 = vector.broadcast %broadcast_in_dim3A_119 : vector<512x1xf32> to vector<512x32xf32>
    %slice3A_121 = vector.extract_strided_slice %get3A_16 {offsets = [0, 15], sizes = [512, 1], strides = [1, 1]} : vector<512x16xf32> to vector<512x1xf32>
    %broadcast_in_dim3A_122 = vector.shape_cast %slice3A_121 : vector<512x1xf32> to vector<512x1xf32>
    %broadcast_in_dim3A_123 = vector.broadcast %broadcast_in_dim3A_122 : vector<512x1xf32> to vector<512x32xf32>
    %concatenate3A_124 = tpu.concatenate %broadcast_in_dim3A_114, %broadcast_in_dim3A_117, %broadcast_in_dim3A_120, %broadcast_in_dim3A_123 in 1 : vector<512x32xf32>, vector<512x32xf32>, vector<512x32xf32>, vector<512x32xf32> -> vector<512x128xf32>
    %mul3A_125 = arith.mulf %concatenate3A_124, %add3A_111 : vector<512x128xf32>
    %slice3A_126 = vector.extract_strided_slice %mul3A_125 {offsets = [0, 0], sizes = [512, 32], strides = [1, 1]} : vector<512x128xf32> to vector<512x32xf32>
    %slice3A_127 = vector.extract_strided_slice %mul3A_125 {offsets = [0, 32], sizes = [512, 32], strides = [1, 1]} : vector<512x128xf32> to vector<512x32xf32>
    %add3A_128 = arith.addf %slice3A_126, %slice3A_127 : vector<512x32xf32>
    %slice3A_129 = vector.extract_strided_slice %mul3A_125 {offsets = [0, 64], sizes = [512, 32], strides = [1, 1]} : vector<512x128xf32> to vector<512x32xf32>
    %add3A_130 = arith.addf %add3A_128, %slice3A_129 : vector<512x32xf32>
    %slice3A_131 = vector.extract_strided_slice %mul3A_125 {offsets = [0, 96], sizes = [512, 32], strides = [1, 1]} : vector<512x128xf32> to vector<512x32xf32>
    %add3A_132 = arith.addf %add3A_130, %slice3A_131 : vector<512x32xf32>
    %add3A_133 = arith.addf %add3A_104, %add3A_132 : vector<512x32xf32>
    %swap3A = arith.constant 0 : index
    %swap3A_134 = arith.constant 0 : index
    %swap3A_135 = vector.load %arg7[%swap3A, %swap3A_134] : memref<512x32xf32, #tpu.memory_space<vmem>>, vector<512x32xf32>
    tpu.vector_store %arg7[%swap3A, %swap3A_134], %add3A_133 {strides = array<i32>} : memref<512x32xf32, #tpu.memory_space<vmem>>, vector<512x32xf32>,
    return
  }
  func.func @transform_0(%arg0: i32) -> (i32, i32) {
    %c0_i32 = arith.constant 0 : i32
    %c0_i32_0 = arith.constant 0 : i32
    return %arg0, %c0_i32 : i32, i32
  }
  func.func @transform_1(%arg0: i32) -> (i32, i32) {
    %c0_i32 = arith.constant 0 : i32
    %c0_i32_0 = arith.constant 0 : i32
    return %arg0, %c0_i32 : i32, i32
  }
  func.func @transform_2(%arg0: i32) -> (i32, i32) {
    %c0_i32 = arith.constant 0 : i32
    %c0_i32_0 = arith.constant 0 : i32
    %c0_i32_1 = arith.constant 0 : i32
    return %c0_i32, %c0_i32_0 : i32, i32
  }
  func.func @transform_3(%arg0: i32) -> (i32, i32) {
    %c0_i32 = arith.constant 0 : i32
    %c0_i32_0 = arith.constant 0 : i32
    %c0_i32_1 = arith.constant 0 : i32
    return %c0_i32, %c0_i32_0 : i32, i32
  }
  func.func @transform_4(%arg0: i32) -> (i32, i32) {
    %c0_i32 = arith.constant 0 : i32
    %c0_i32_0 = arith.constant 0 : i32
    %c0_i32_1 = arith.constant 0 : i32
    return %c0_i32, %c0_i32_0 : i32, i32
  }
  func.func @transform_5(%arg0: i32) -> (i32, i32) {
    %c0_i32 = arith.constant 0 : i32
    %c0_i32_0 = arith.constant 0 : i32
    %c0_i32_1 = arith.constant 0 : i32
    return %c0_i32, %c0_i32_0 : i32, i32
  }
  func.func @transform_6(%arg0: i32) -> (i32, i32) {
    %c0_i32 = arith.constant 0 : i32
    %c0_i32_0 = arith.constant 0 : i32
    return %arg0, %c0_i32 : i32, i32
  }
}

module attributes {stable_mosaic.version = 14 : i64} {
  func.func @body(%arg0: i32, %arg1: memref<512x16xf32, #tpu.memory_space<vmem>>, %arg2: memref<512x32xf32, #tpu.memory_space<vmem>>, %arg3: memref<512x32xf32, #tpu.memory_space<vmem>>, %arg4: memref<16x32xf32, #tpu.memory_space<vmem>>, %arg5: memref<1x32xf32, #tpu.memory_space<vmem>>, %arg6: memref<512x32xf32, #tpu.memory_space<vmem>>) attributes {dimension_semantics = [#tpu.dimension_semantics<arbitrary>], iteration_bounds = array<i64: 20>, scalar_prefetch = 0 : i64, scratch_operands = 0 : i64, tpu.core_type = #tpu.core_type<tc>, window_params = [{transform_indices = @transform_0, window_bounds = array<i64: 512, 16>}, {transform_indices = @transform_1, window_bounds = array<i64: 512, 32>}, {transform_indices = @transform_2, window_bounds = array<i64: 512, 32>}, {pipeline_mode = #tpu.pipeline_mode<synchronous>, transform_indices = @transform_3, window_bounds = array<i64: 16, 32>}, {pipeline_mode = #tpu.pipeline_mode<synchronous>, transform_indices = @transform_4, window_bounds = array<i64: 1, 32>}, {transform_indices = @transform_5, window_bounds = array<i64: 512, 32>}]} {
    %get3A = arith.constant 0 : index
    %get3A_0 = arith.constant 0 : index
    %get3A_1 = vector.load %arg1[%get3A, %get3A_0] : memref<512x16xf32, #tpu.memory_space<vmem>>, vector<512x16xf32>
    %convert_element_type3A = arith.truncf %get3A_1 : vector<512x16xf32> to vector<512x16xbf16>
    %get3A_2 = arith.constant 0 : index
    %get3A_3 = arith.constant 0 : index
    %get3A_4 = vector.load %arg4[%get3A_2, %get3A_3] : memref<16x32xf32, #tpu.memory_space<vmem>>, vector<16x32xf32>
    %convert_element_type3A_5 = arith.truncf %get3A_4 : vector<16x32xf32> to vector<16x32xbf16>
    %dot_general3A = arith.constant dense<0.000000e+00> : vector<512x32xf32>
    %dot_general3A_6 = tpu.matmul %convert_element_type3A, %convert_element_type3A_5, %dot_general3A {dimension_numbers = #tpu.dot_dimension_numbers<[1], [0], [0], [1], [0, 0, 1, 1], [], []>, transpose_lhs_hint = false} : vector<512x16xbf16>, vector<16x32xbf16>, vector<512x32xf32> -> vector<512x32xf32>
    %get3A_7 = arith.constant 0 : index
    %get3A_8 = arith.constant 0 : index
    %get3A_9 = vector.load %arg5[%get3A_7, %get3A_8] : memref<1x32xf32, #tpu.memory_space<vmem>>, vector<1x32xf32>
    %add3A = vector.broadcast %get3A_9 : vector<1x32xf32> to vector<512x32xf32>
    %add3A_10 = arith.addf %dot_general3A_6, %add3A : vector<512x32xf32>
    %get3A_11 = arith.constant 0 : index
    %get3A_12 = arith.constant 0 : index
    %get3A_13 = vector.load %arg2[%get3A_11, %get3A_12] : memref<512x32xf32, #tpu.memory_space<vmem>>, vector<512x32xf32>
    %add3A_14 = arith.addf %add3A_10, %get3A_13 : vector<512x32xf32>
    %get3A_15 = arith.constant 0 : index
    %get3A_16 = arith.constant 0 : index
    %get3A_17 = vector.load %arg3[%get3A_15, %get3A_16] : memref<512x32xf32, #tpu.memory_space<vmem>>, vector<512x32xf32>
    %add3A_18 = arith.addf %add3A_14, %get3A_17 : vector<512x32xf32>
    %gt3A = arith.constant 0.000000e+00 : f32
    %gt3A_19 = vector.broadcast %gt3A : f32 to vector<512x32xf32>
    %gt3A_20 = arith.cmpf ogt, %add3A_18, %gt3A_19 : vector<512x32xf32>
    %min3A = arith.constant 0.000000e+00 : f32
    %min3A_21 = vector.broadcast %min3A : f32 to vector<512x32xf32>
    %min3A_22 = arith.minimumf %add3A_18, %min3A_21 : vector<512x32xf32>
    %exp3A = math.exp %min3A_22 : vector<512x32xf32>
    %sub3A = arith.constant 1.000000e+00 : f32
    %sub3A_23 = vector.broadcast %sub3A : f32 to vector<512x32xf32>
    %sub3A_24 = arith.subf %exp3A, %sub3A_23 : vector<512x32xf32>
    %select_n3A = arith.select %gt3A_20, %add3A_18, %sub3A_24 : vector<512x32xi1>, vector<512x32xf32>
    %mul3A = arith.constant 512 : i32
    %mul3A_25 = arith.muli %arg0, %mul3A : i32
    %iota3A = tpu.iota {dimensions = array<i32: 0>} : vector<512x1xi32>
    %add3A_26 = vector.broadcast %mul3A_25 : i32 to vector<512x1xi32>
    %add3A_27 = arith.addi %add3A_26, %iota3A : vector<512x1xi32>
    %lt3A = arith.constant 10000 : i32
    %lt3A_28 = vector.broadcast %lt3A : i32 to vector<512x1xi32>
    %lt3A_29 = arith.cmpi slt, %add3A_27, %lt3A_28 : vector<512x1xi32>
    %jit3A = arith.constant 0.000000e+00 : f32
    %broadcast_in_dim3A = vector.shape_cast %lt3A_29 : vector<512x1xi1> to vector<512x1xi1>
    %broadcast_in_dim3A_30 = vector.broadcast %broadcast_in_dim3A : vector<512x1xi1> to vector<512x32xi1>
    %broadcast_in_dim3A_31 = vector.broadcast %jit3A : f32 to vector<512x32xf32>
    %select_n3A_32 = arith.select %broadcast_in_dim3A_30, %select_n3A, %broadcast_in_dim3A_31 : vector<512x32xi1>, vector<512x32xf32>
    %swap3A = arith.constant 0 : index
    %swap3A_33 = arith.constant 0 : index
    %swap3A_34 = vector.load %arg6[%swap3A, %swap3A_33] : memref<512x32xf32, #tpu.memory_space<vmem>>, vector<512x32xf32>
    tpu.vector_store %arg6[%swap3A, %swap3A_33], %select_n3A_32 {strides = array<i32>} : memref<512x32xf32, #tpu.memory_space<vmem>>, vector<512x32xf32>,
    return
  }
  func.func @transform_0(%arg0: i32) -> (i32, i32) {
    %c0_i32 = arith.constant 0 : i32
    %c0_i32_0 = arith.constant 0 : i32
    return %arg0, %c0_i32 : i32, i32
  }
  func.func @transform_1(%arg0: i32) -> (i32, i32) {
    %c0_i32 = arith.constant 0 : i32
    %c0_i32_0 = arith.constant 0 : i32
    return %arg0, %c0_i32 : i32, i32
  }
  func.func @transform_2(%arg0: i32) -> (i32, i32) {
    %add3A = arith.constant 20 : i32
    %add3A_0 = arith.addi %arg0, %add3A : i32
    %c0_i32 = arith.constant 0 : i32
    %c0_i32_1 = arith.constant 0 : i32
    return %add3A_0, %c0_i32 : i32, i32
  }
  func.func @transform_3(%arg0: i32) -> (i32, i32) {
    %c0_i32 = arith.constant 0 : i32
    %c0_i32_0 = arith.constant 0 : i32
    %c0_i32_1 = arith.constant 0 : i32
    return %c0_i32, %c0_i32_0 : i32, i32
  }
  func.func @transform_4(%arg0: i32) -> (i32, i32) {
    %c0_i32 = arith.constant 0 : i32
    %c0_i32_0 = arith.constant 0 : i32
    %c0_i32_1 = arith.constant 0 : i32
    return %c0_i32, %c0_i32_0 : i32, i32
  }
  func.func @transform_5(%arg0: i32) -> (i32, i32) {
    %c0_i32 = arith.constant 0 : i32
    %c0_i32_0 = arith.constant 0 : i32
    return %arg0, %c0_i32 : i32, i32
  }
}

module attributes {stable_mosaic.version = 14 : i64} {
  func.func @body(%arg0: i32, %arg1: memref<512x8xf32, #tpu.memory_space<vmem>>, %arg2: memref<512x32xf32, #tpu.memory_space<vmem>>, %arg3: memref<8x128xf32, #tpu.memory_space<vmem>>, %arg4: memref<1x128xf32, #tpu.memory_space<vmem>>, %arg5: memref<128x2048xf32, #tpu.memory_space<vmem>>, %arg6: memref<1x2048xf32, #tpu.memory_space<vmem>>, %arg7: memref<512x64xf32, #tpu.memory_space<vmem>>) attributes {dimension_semantics = [#tpu.dimension_semantics<arbitrary>], iteration_bounds = array<i64: 80>, scalar_prefetch = 0 : i64, scratch_operands = 0 : i64, tpu.core_type = #tpu.core_type<tc>, window_params = [{transform_indices = @transform_0, window_bounds = array<i64: 512, 8>}, {transform_indices = @transform_1, window_bounds = array<i64: 512, 32>}, {pipeline_mode = #tpu.pipeline_mode<synchronous>, transform_indices = @transform_2, window_bounds = array<i64: 8, 128>}, {pipeline_mode = #tpu.pipeline_mode<synchronous>, transform_indices = @transform_3, window_bounds = array<i64: 1, 128>}, {pipeline_mode = #tpu.pipeline_mode<synchronous>, transform_indices = @transform_4, window_bounds = array<i64: 128, 2048>}, {pipeline_mode = #tpu.pipeline_mode<synchronous>, transform_indices = @transform_5, window_bounds = array<i64: 1, 2048>}, {transform_indices = @transform_6, window_bounds = array<i64: 512, 64>}]} {
    %get3A = arith.constant 0 : index
    %get3A_0 = arith.constant 0 : index
    %get3A_1 = vector.load %arg1[%get3A, %get3A_0] : memref<512x8xf32, #tpu.memory_space<vmem>>, vector<512x8xf32>
    %convert_element_type3A = arith.truncf %get3A_1 : vector<512x8xf32> to vector<512x8xbf16>
    %get3A_2 = arith.constant 0 : index
    %get3A_3 = arith.constant 0 : index
    %get3A_4 = vector.load %arg3[%get3A_2, %get3A_3] : memref<8x128xf32, #tpu.memory_space<vmem>>, vector<8x128xf32>
    %convert_element_type3A_5 = arith.truncf %get3A_4 : vector<8x128xf32> to vector<8x128xbf16>
    %dot_general3A = arith.constant dense<0.000000e+00> : vector<512x128xf32>
    %dot_general3A_6 = tpu.matmul %convert_element_type3A, %convert_element_type3A_5, %dot_general3A {dimension_numbers = #tpu.dot_dimension_numbers<[1], [0], [0], [1], [0, 0, 1, 1], [], []>, transpose_lhs_hint = false} : vector<512x8xbf16>, vector<8x128xbf16>, vector<512x128xf32> -> vector<512x128xf32>
    %get3A_7 = arith.constant 0 : index
    %get3A_8 = arith.constant 0 : index
    %get3A_9 = vector.load %arg4[%get3A_7, %get3A_8] : memref<1x128xf32, #tpu.memory_space<vmem>>, vector<1x128xf32>
    %add3A = vector.broadcast %get3A_9 : vector<1x128xf32> to vector<512x128xf32>
    %add3A_10 = arith.addf %dot_general3A_6, %add3A : vector<512x128xf32>
    %max3A = arith.constant 0.000000e+00 : f32
    %max3A_11 = vector.broadcast %max3A : f32 to vector<512x128xf32>
    %max3A_12 = arith.maximumf %add3A_10, %max3A_11 : vector<512x128xf32>
    %convert_element_type3A_13 = arith.truncf %max3A_12 : vector<512x128xf32> to vector<512x128xbf16>
    %get3A_14 = arith.constant 0 : index
    %get3A_15 = arith.constant 0 : index
    %get3A_16 = vector.load %arg2[%get3A_14, %get3A_15] : memref<512x32xf32, #tpu.memory_space<vmem>>, vector<512x32xf32>
    %get3A_17 = arith.constant 0 : index
    %get3A_18 = arith.constant 0 : index
    %get3A_19 = vector.load %arg5[%get3A_17, %get3A_18] : memref<128x2048xf32, #tpu.memory_space<vmem>>, vector<128x2048xf32>
    %get3A_20 = arith.constant 0 : index
    %get3A_21 = arith.constant 0 : index
    %get3A_22 = vector.load %arg6[%get3A_20, %get3A_21] : memref<1x2048xf32, #tpu.memory_space<vmem>>, vector<1x2048xf32>
    %slice3A = vector.extract_strided_slice %get3A_19 {offsets = [0, 0], sizes = [128, 128], strides = [1, 1]} : vector<128x2048xf32> to vector<128x128xf32>
    %convert_element_type3A_23 = arith.truncf %slice3A : vector<128x128xf32> to vector<128x128xbf16>
    %dot_general3A_24 = arith.constant dense<0.000000e+00> : vector<512x128xf32>
    %dot_general3A_25 = tpu.matmul %convert_element_type3A_13, %convert_element_type3A_23, %dot_general3A_24 {dimension_numbers = #tpu.dot_dimension_numbers<[1], [0], [0], [1], [0, 0, 1, 1], [], []>, transpose_lhs_hint = false} : vector<512x128xbf16>, vector<128x128xbf16>, vector<512x128xf32> -> vector<512x128xf32>
    %slice3A_26 = vector.extract_strided_slice %get3A_22 {offsets = [0, 0], sizes = [1, 128], strides = [1, 1]} : vector<1x2048xf32> to vector<1x128xf32>
    %add3A_27 = vector.broadcast %slice3A_26 : vector<1x128xf32> to vector<512x128xf32>
    %add3A_28 = arith.addf %dot_general3A_25, %add3A_27 : vector<512x128xf32>
    %slice3A_29 = vector.extract_strided_slice %get3A_16 {offsets = [0, 0], sizes = [512, 1], strides = [1, 1]} : vector<512x32xf32> to vector<512x1xf32>
    %broadcast_in_dim3A = vector.shape_cast %slice3A_29 : vector<512x1xf32> to vector<512x1xf32>
    %broadcast_in_dim3A_30 = vector.broadcast %broadcast_in_dim3A : vector<512x1xf32> to vector<512x64xf32>
    %slice3A_31 = vector.extract_strided_slice %get3A_16 {offsets = [0, 1], sizes = [512, 1], strides = [1, 1]} : vector<512x32xf32> to vector<512x1xf32>
    %broadcast_in_dim3A_32 = vector.shape_cast %slice3A_31 : vector<512x1xf32> to vector<512x1xf32>
    %broadcast_in_dim3A_33 = vector.broadcast %broadcast_in_dim3A_32 : vector<512x1xf32> to vector<512x64xf32>
    %concatenate3A = tpu.concatenate %broadcast_in_dim3A_30, %broadcast_in_dim3A_33 in 1 : vector<512x64xf32>, vector<512x64xf32> -> vector<512x128xf32>
    %mul3A = arith.mulf %concatenate3A, %add3A_28 : vector<512x128xf32>
    %slice3A_34 = vector.extract_strided_slice %mul3A {offsets = [0, 0], sizes = [512, 64], strides = [1, 1]} : vector<512x128xf32> to vector<512x64xf32>
    %slice3A_35 = vector.extract_strided_slice %mul3A {offsets = [0, 64], sizes = [512, 64], strides = [1, 1]} : vector<512x128xf32> to vector<512x64xf32>
    %add3A_36 = arith.addf %slice3A_34, %slice3A_35 : vector<512x64xf32>
    %slice3A_37 = vector.extract_strided_slice %get3A_19 {offsets = [0, 128], sizes = [128, 128], strides = [1, 1]} : vector<128x2048xf32> to vector<128x128xf32>
    %convert_element_type3A_38 = arith.truncf %slice3A_37 : vector<128x128xf32> to vector<128x128xbf16>
    %dot_general3A_39 = arith.constant dense<0.000000e+00> : vector<512x128xf32>
    %dot_general3A_40 = tpu.matmul %convert_element_type3A_13, %convert_element_type3A_38, %dot_general3A_39 {dimension_numbers = #tpu.dot_dimension_numbers<[1], [0], [0], [1], [0, 0, 1, 1], [], []>, transpose_lhs_hint = false} : vector<512x128xbf16>, vector<128x128xbf16>, vector<512x128xf32> -> vector<512x128xf32>
    %slice3A_41 = vector.extract_strided_slice %get3A_22 {offsets = [0, 128], sizes = [1, 128], strides = [1, 1]} : vector<1x2048xf32> to vector<1x128xf32>
    %add3A_42 = vector.broadcast %slice3A_41 : vector<1x128xf32> to vector<512x128xf32>
    %add3A_43 = arith.addf %dot_general3A_40, %add3A_42 : vector<512x128xf32>
    %slice3A_44 = vector.extract_strided_slice %get3A_16 {offsets = [0, 2], sizes = [512, 1], strides = [1, 1]} : vector<512x32xf32> to vector<512x1xf32>
    %broadcast_in_dim3A_45 = vector.shape_cast %slice3A_44 : vector<512x1xf32> to vector<512x1xf32>
    %broadcast_in_dim3A_46 = vector.broadcast %broadcast_in_dim3A_45 : vector<512x1xf32> to vector<512x64xf32>
    %slice3A_47 = vector.extract_strided_slice %get3A_16 {offsets = [0, 3], sizes = [512, 1], strides = [1, 1]} : vector<512x32xf32> to vector<512x1xf32>
    %broadcast_in_dim3A_48 = vector.shape_cast %slice3A_47 : vector<512x1xf32> to vector<512x1xf32>
    %broadcast_in_dim3A_49 = vector.broadcast %broadcast_in_dim3A_48 : vector<512x1xf32> to vector<512x64xf32>
    %concatenate3A_50 = tpu.concatenate %broadcast_in_dim3A_46, %broadcast_in_dim3A_49 in 1 : vector<512x64xf32>, vector<512x64xf32> -> vector<512x128xf32>
    %mul3A_51 = arith.mulf %concatenate3A_50, %add3A_43 : vector<512x128xf32>
    %slice3A_52 = vector.extract_strided_slice %mul3A_51 {offsets = [0, 0], sizes = [512, 64], strides = [1, 1]} : vector<512x128xf32> to vector<512x64xf32>
    %slice3A_53 = vector.extract_strided_slice %mul3A_51 {offsets = [0, 64], sizes = [512, 64], strides = [1, 1]} : vector<512x128xf32> to vector<512x64xf32>
    %add3A_54 = arith.addf %slice3A_52, %slice3A_53 : vector<512x64xf32>
    %add3A_55 = arith.addf %add3A_36, %add3A_54 : vector<512x64xf32>
    %slice3A_56 = vector.extract_strided_slice %get3A_19 {offsets = [0, 256], sizes = [128, 128], strides = [1, 1]} : vector<128x2048xf32> to vector<128x128xf32>
    %convert_element_type3A_57 = arith.truncf %slice3A_56 : vector<128x128xf32> to vector<128x128xbf16>
    %dot_general3A_58 = arith.constant dense<0.000000e+00> : vector<512x128xf32>
    %dot_general3A_59 = tpu.matmul %convert_element_type3A_13, %convert_element_type3A_57, %dot_general3A_58 {dimension_numbers = #tpu.dot_dimension_numbers<[1], [0], [0], [1], [0, 0, 1, 1], [], []>, transpose_lhs_hint = false} : vector<512x128xbf16>, vector<128x128xbf16>, vector<512x128xf32> -> vector<512x128xf32>
    %slice3A_60 = vector.extract_strided_slice %get3A_22 {offsets = [0, 256], sizes = [1, 128], strides = [1, 1]} : vector<1x2048xf32> to vector<1x128xf32>
    %add3A_61 = vector.broadcast %slice3A_60 : vector<1x128xf32> to vector<512x128xf32>
    %add3A_62 = arith.addf %dot_general3A_59, %add3A_61 : vector<512x128xf32>
    %slice3A_63 = vector.extract_strided_slice %get3A_16 {offsets = [0, 4], sizes = [512, 1], strides = [1, 1]} : vector<512x32xf32> to vector<512x1xf32>
    %broadcast_in_dim3A_64 = vector.shape_cast %slice3A_63 : vector<512x1xf32> to vector<512x1xf32>
    %broadcast_in_dim3A_65 = vector.broadcast %broadcast_in_dim3A_64 : vector<512x1xf32> to vector<512x64xf32>
    %slice3A_66 = vector.extract_strided_slice %get3A_16 {offsets = [0, 5], sizes = [512, 1], strides = [1, 1]} : vector<512x32xf32> to vector<512x1xf32>
    %broadcast_in_dim3A_67 = vector.shape_cast %slice3A_66 : vector<512x1xf32> to vector<512x1xf32>
    %broadcast_in_dim3A_68 = vector.broadcast %broadcast_in_dim3A_67 : vector<512x1xf32> to vector<512x64xf32>
    %concatenate3A_69 = tpu.concatenate %broadcast_in_dim3A_65, %broadcast_in_dim3A_68 in 1 : vector<512x64xf32>, vector<512x64xf32> -> vector<512x128xf32>
    %mul3A_70 = arith.mulf %concatenate3A_69, %add3A_62 : vector<512x128xf32>
    %slice3A_71 = vector.extract_strided_slice %mul3A_70 {offsets = [0, 0], sizes = [512, 64], strides = [1, 1]} : vector<512x128xf32> to vector<512x64xf32>
    %slice3A_72 = vector.extract_strided_slice %mul3A_70 {offsets = [0, 64], sizes = [512, 64], strides = [1, 1]} : vector<512x128xf32> to vector<512x64xf32>
    %add3A_73 = arith.addf %slice3A_71, %slice3A_72 : vector<512x64xf32>
    %add3A_74 = arith.addf %add3A_55, %add3A_73 : vector<512x64xf32>
    %slice3A_75 = vector.extract_strided_slice %get3A_19 {offsets = [0, 384], sizes = [128, 128], strides = [1, 1]} : vector<128x2048xf32> to vector<128x128xf32>
    %convert_element_type3A_76 = arith.truncf %slice3A_75 : vector<128x128xf32> to vector<128x128xbf16>
    %dot_general3A_77 = arith.constant dense<0.000000e+00> : vector<512x128xf32>
    %dot_general3A_78 = tpu.matmul %convert_element_type3A_13, %convert_element_type3A_76, %dot_general3A_77 {dimension_numbers = #tpu.dot_dimension_numbers<[1], [0], [0], [1], [0, 0, 1, 1], [], []>, transpose_lhs_hint = false} : vector<512x128xbf16>, vector<128x128xbf16>, vector<512x128xf32> -> vector<512x128xf32>
    %slice3A_79 = vector.extract_strided_slice %get3A_22 {offsets = [0, 384], sizes = [1, 128], strides = [1, 1]} : vector<1x2048xf32> to vector<1x128xf32>
    %add3A_80 = vector.broadcast %slice3A_79 : vector<1x128xf32> to vector<512x128xf32>
    %add3A_81 = arith.addf %dot_general3A_78, %add3A_80 : vector<512x128xf32>
    %slice3A_82 = vector.extract_strided_slice %get3A_16 {offsets = [0, 6], sizes = [512, 1], strides = [1, 1]} : vector<512x32xf32> to vector<512x1xf32>
    %broadcast_in_dim3A_83 = vector.shape_cast %slice3A_82 : vector<512x1xf32> to vector<512x1xf32>
    %broadcast_in_dim3A_84 = vector.broadcast %broadcast_in_dim3A_83 : vector<512x1xf32> to vector<512x64xf32>
    %slice3A_85 = vector.extract_strided_slice %get3A_16 {offsets = [0, 7], sizes = [512, 1], strides = [1, 1]} : vector<512x32xf32> to vector<512x1xf32>
    %broadcast_in_dim3A_86 = vector.shape_cast %slice3A_85 : vector<512x1xf32> to vector<512x1xf32>
    %broadcast_in_dim3A_87 = vector.broadcast %broadcast_in_dim3A_86 : vector<512x1xf32> to vector<512x64xf32>
    %concatenate3A_88 = tpu.concatenate %broadcast_in_dim3A_84, %broadcast_in_dim3A_87 in 1 : vector<512x64xf32>, vector<512x64xf32> -> vector<512x128xf32>
    %mul3A_89 = arith.mulf %concatenate3A_88, %add3A_81 : vector<512x128xf32>
    %slice3A_90 = vector.extract_strided_slice %mul3A_89 {offsets = [0, 0], sizes = [512, 64], strides = [1, 1]} : vector<512x128xf32> to vector<512x64xf32>
    %slice3A_91 = vector.extract_strided_slice %mul3A_89 {offsets = [0, 64], sizes = [512, 64], strides = [1, 1]} : vector<512x128xf32> to vector<512x64xf32>
    %add3A_92 = arith.addf %slice3A_90, %slice3A_91 : vector<512x64xf32>
    %add3A_93 = arith.addf %add3A_74, %add3A_92 : vector<512x64xf32>
    %slice3A_94 = vector.extract_strided_slice %get3A_19 {offsets = [0, 512], sizes = [128, 128], strides = [1, 1]} : vector<128x2048xf32> to vector<128x128xf32>
    %convert_element_type3A_95 = arith.truncf %slice3A_94 : vector<128x128xf32> to vector<128x128xbf16>
    %dot_general3A_96 = arith.constant dense<0.000000e+00> : vector<512x128xf32>
    %dot_general3A_97 = tpu.matmul %convert_element_type3A_13, %convert_element_type3A_95, %dot_general3A_96 {dimension_numbers = #tpu.dot_dimension_numbers<[1], [0], [0], [1], [0, 0, 1, 1], [], []>, transpose_lhs_hint = false} : vector<512x128xbf16>, vector<128x128xbf16>, vector<512x128xf32> -> vector<512x128xf32>
    %slice3A_98 = vector.extract_strided_slice %get3A_22 {offsets = [0, 512], sizes = [1, 128], strides = [1, 1]} : vector<1x2048xf32> to vector<1x128xf32>
    %add3A_99 = vector.broadcast %slice3A_98 : vector<1x128xf32> to vector<512x128xf32>
    %add3A_100 = arith.addf %dot_general3A_97, %add3A_99 : vector<512x128xf32>
    %slice3A_101 = vector.extract_strided_slice %get3A_16 {offsets = [0, 8], sizes = [512, 1], strides = [1, 1]} : vector<512x32xf32> to vector<512x1xf32>
    %broadcast_in_dim3A_102 = vector.shape_cast %slice3A_101 : vector<512x1xf32> to vector<512x1xf32>
    %broadcast_in_dim3A_103 = vector.broadcast %broadcast_in_dim3A_102 : vector<512x1xf32> to vector<512x64xf32>
    %slice3A_104 = vector.extract_strided_slice %get3A_16 {offsets = [0, 9], sizes = [512, 1], strides = [1, 1]} : vector<512x32xf32> to vector<512x1xf32>
    %broadcast_in_dim3A_105 = vector.shape_cast %slice3A_104 : vector<512x1xf32> to vector<512x1xf32>
    %broadcast_in_dim3A_106 = vector.broadcast %broadcast_in_dim3A_105 : vector<512x1xf32> to vector<512x64xf32>
    %concatenate3A_107 = tpu.concatenate %broadcast_in_dim3A_103, %broadcast_in_dim3A_106 in 1 : vector<512x64xf32>, vector<512x64xf32> -> vector<512x128xf32>
    %mul3A_108 = arith.mulf %concatenate3A_107, %add3A_100 : vector<512x128xf32>
    %slice3A_109 = vector.extract_strided_slice %mul3A_108 {offsets = [0, 0], sizes = [512, 64], strides = [1, 1]} : vector<512x128xf32> to vector<512x64xf32>
    %slice3A_110 = vector.extract_strided_slice %mul3A_108 {offsets = [0, 64], sizes = [512, 64], strides = [1, 1]} : vector<512x128xf32> to vector<512x64xf32>
    %add3A_111 = arith.addf %slice3A_109, %slice3A_110 : vector<512x64xf32>
    %add3A_112 = arith.addf %add3A_93, %add3A_111 : vector<512x64xf32>
    %slice3A_113 = vector.extract_strided_slice %get3A_19 {offsets = [0, 640], sizes = [128, 128], strides = [1, 1]} : vector<128x2048xf32> to vector<128x128xf32>
    %convert_element_type3A_114 = arith.truncf %slice3A_113 : vector<128x128xf32> to vector<128x128xbf16>
    %dot_general3A_115 = arith.constant dense<0.000000e+00> : vector<512x128xf32>
    %dot_general3A_116 = tpu.matmul %convert_element_type3A_13, %convert_element_type3A_114, %dot_general3A_115 {dimension_numbers = #tpu.dot_dimension_numbers<[1], [0], [0], [1], [0, 0, 1, 1], [], []>, transpose_lhs_hint = false} : vector<512x128xbf16>, vector<128x128xbf16>, vector<512x128xf32> -> vector<512x128xf32>
    %slice3A_117 = vector.extract_strided_slice %get3A_22 {offsets = [0, 640], sizes = [1, 128], strides = [1, 1]} : vector<1x2048xf32> to vector<1x128xf32>
    %add3A_118 = vector.broadcast %slice3A_117 : vector<1x128xf32> to vector<512x128xf32>
    %add3A_119 = arith.addf %dot_general3A_116, %add3A_118 : vector<512x128xf32>
    %slice3A_120 = vector.extract_strided_slice %get3A_16 {offsets = [0, 10], sizes = [512, 1], strides = [1, 1]} : vector<512x32xf32> to vector<512x1xf32>
    %broadcast_in_dim3A_121 = vector.shape_cast %slice3A_120 : vector<512x1xf32> to vector<512x1xf32>
    %broadcast_in_dim3A_122 = vector.broadcast %broadcast_in_dim3A_121 : vector<512x1xf32> to vector<512x64xf32>
    %slice3A_123 = vector.extract_strided_slice %get3A_16 {offsets = [0, 11], sizes = [512, 1], strides = [1, 1]} : vector<512x32xf32> to vector<512x1xf32>
    %broadcast_in_dim3A_124 = vector.shape_cast %slice3A_123 : vector<512x1xf32> to vector<512x1xf32>
    %broadcast_in_dim3A_125 = vector.broadcast %broadcast_in_dim3A_124 : vector<512x1xf32> to vector<512x64xf32>
    %concatenate3A_126 = tpu.concatenate %broadcast_in_dim3A_122, %broadcast_in_dim3A_125 in 1 : vector<512x64xf32>, vector<512x64xf32> -> vector<512x128xf32>
    %mul3A_127 = arith.mulf %concatenate3A_126, %add3A_119 : vector<512x128xf32>
    %slice3A_128 = vector.extract_strided_slice %mul3A_127 {offsets = [0, 0], sizes = [512, 64], strides = [1, 1]} : vector<512x128xf32> to vector<512x64xf32>
    %slice3A_129 = vector.extract_strided_slice %mul3A_127 {offsets = [0, 64], sizes = [512, 64], strides = [1, 1]} : vector<512x128xf32> to vector<512x64xf32>
    %add3A_130 = arith.addf %slice3A_128, %slice3A_129 : vector<512x64xf32>
    %add3A_131 = arith.addf %add3A_112, %add3A_130 : vector<512x64xf32>
    %slice3A_132 = vector.extract_strided_slice %get3A_19 {offsets = [0, 768], sizes = [128, 128], strides = [1, 1]} : vector<128x2048xf32> to vector<128x128xf32>
    %convert_element_type3A_133 = arith.truncf %slice3A_132 : vector<128x128xf32> to vector<128x128xbf16>
    %dot_general3A_134 = arith.constant dense<0.000000e+00> : vector<512x128xf32>
    %dot_general3A_135 = tpu.matmul %convert_element_type3A_13, %convert_element_type3A_133, %dot_general3A_134 {dimension_numbers = #tpu.dot_dimension_numbers<[1], [0], [0], [1], [0, 0, 1, 1], [], []>, transpose_lhs_hint = false} : vector<512x128xbf16>, vector<128x128xbf16>, vector<512x128xf32> -> vector<512x128xf32>
    %slice3A_136 = vector.extract_strided_slice %get3A_22 {offsets = [0, 768], sizes = [1, 128], strides = [1, 1]} : vector<1x2048xf32> to vector<1x128xf32>
    %add3A_137 = vector.broadcast %slice3A_136 : vector<1x128xf32> to vector<512x128xf32>
    %add3A_138 = arith.addf %dot_general3A_135, %add3A_137 : vector<512x128xf32>
    %slice3A_139 = vector.extract_strided_slice %get3A_16 {offsets = [0, 12], sizes = [512, 1], strides = [1, 1]} : vector<512x32xf32> to vector<512x1xf32>
    %broadcast_in_dim3A_140 = vector.shape_cast %slice3A_139 : vector<512x1xf32> to vector<512x1xf32>
    %broadcast_in_dim3A_141 = vector.broadcast %broadcast_in_dim3A_140 : vector<512x1xf32> to vector<512x64xf32>
    %slice3A_142 = vector.extract_strided_slice %get3A_16 {offsets = [0, 13], sizes = [512, 1], strides = [1, 1]} : vector<512x32xf32> to vector<512x1xf32>
    %broadcast_in_dim3A_143 = vector.shape_cast %slice3A_142 : vector<512x1xf32> to vector<512x1xf32>
    %broadcast_in_dim3A_144 = vector.broadcast %broadcast_in_dim3A_143 : vector<512x1xf32> to vector<512x64xf32>
    %concatenate3A_145 = tpu.concatenate %broadcast_in_dim3A_141, %broadcast_in_dim3A_144 in 1 : vector<512x64xf32>, vector<512x64xf32> -> vector<512x128xf32>
    %mul3A_146 = arith.mulf %concatenate3A_145, %add3A_138 : vector<512x128xf32>
    %slice3A_147 = vector.extract_strided_slice %mul3A_146 {offsets = [0, 0], sizes = [512, 64], strides = [1, 1]} : vector<512x128xf32> to vector<512x64xf32>
    %slice3A_148 = vector.extract_strided_slice %mul3A_146 {offsets = [0, 64], sizes = [512, 64], strides = [1, 1]} : vector<512x128xf32> to vector<512x64xf32>
    %add3A_149 = arith.addf %slice3A_147, %slice3A_148 : vector<512x64xf32>
    %add3A_150 = arith.addf %add3A_131, %add3A_149 : vector<512x64xf32>
    %slice3A_151 = vector.extract_strided_slice %get3A_19 {offsets = [0, 896], sizes = [128, 128], strides = [1, 1]} : vector<128x2048xf32> to vector<128x128xf32>
    %convert_element_type3A_152 = arith.truncf %slice3A_151 : vector<128x128xf32> to vector<128x128xbf16>
    %dot_general3A_153 = arith.constant dense<0.000000e+00> : vector<512x128xf32>
    %dot_general3A_154 = tpu.matmul %convert_element_type3A_13, %convert_element_type3A_152, %dot_general3A_153 {dimension_numbers = #tpu.dot_dimension_numbers<[1], [0], [0], [1], [0, 0, 1, 1], [], []>, transpose_lhs_hint = false} : vector<512x128xbf16>, vector<128x128xbf16>, vector<512x128xf32> -> vector<512x128xf32>
    %slice3A_155 = vector.extract_strided_slice %get3A_22 {offsets = [0, 896], sizes = [1, 128], strides = [1, 1]} : vector<1x2048xf32> to vector<1x128xf32>
    %add3A_156 = vector.broadcast %slice3A_155 : vector<1x128xf32> to vector<512x128xf32>
    %add3A_157 = arith.addf %dot_general3A_154, %add3A_156 : vector<512x128xf32>
    %slice3A_158 = vector.extract_strided_slice %get3A_16 {offsets = [0, 14], sizes = [512, 1], strides = [1, 1]} : vector<512x32xf32> to vector<512x1xf32>
    %broadcast_in_dim3A_159 = vector.shape_cast %slice3A_158 : vector<512x1xf32> to vector<512x1xf32>
    %broadcast_in_dim3A_160 = vector.broadcast %broadcast_in_dim3A_159 : vector<512x1xf32> to vector<512x64xf32>
    %slice3A_161 = vector.extract_strided_slice %get3A_16 {offsets = [0, 15], sizes = [512, 1], strides = [1, 1]} : vector<512x32xf32> to vector<512x1xf32>
    %broadcast_in_dim3A_162 = vector.shape_cast %slice3A_161 : vector<512x1xf32> to vector<512x1xf32>
    %broadcast_in_dim3A_163 = vector.broadcast %broadcast_in_dim3A_162 : vector<512x1xf32> to vector<512x64xf32>
    %concatenate3A_164 = tpu.concatenate %broadcast_in_dim3A_160, %broadcast_in_dim3A_163 in 1 : vector<512x64xf32>, vector<512x64xf32> -> vector<512x128xf32>
    %mul3A_165 = arith.mulf %concatenate3A_164, %add3A_157 : vector<512x128xf32>
    %slice3A_166 = vector.extract_strided_slice %mul3A_165 {offsets = [0, 0], sizes = [512, 64], strides = [1, 1]} : vector<512x128xf32> to vector<512x64xf32>
    %slice3A_167 = vector.extract_strided_slice %mul3A_165 {offsets = [0, 64], sizes = [512, 64], strides = [1, 1]} : vector<512x128xf32> to vector<512x64xf32>
    %add3A_168 = arith.addf %slice3A_166, %slice3A_167 : vector<512x64xf32>
    %add3A_169 = arith.addf %add3A_150, %add3A_168 : vector<512x64xf32>
    %slice3A_170 = vector.extract_strided_slice %get3A_19 {offsets = [0, 1024], sizes = [128, 128], strides = [1, 1]} : vector<128x2048xf32> to vector<128x128xf32>
    %convert_element_type3A_171 = arith.truncf %slice3A_170 : vector<128x128xf32> to vector<128x128xbf16>
    %dot_general3A_172 = arith.constant dense<0.000000e+00> : vector<512x128xf32>
    %dot_general3A_173 = tpu.matmul %convert_element_type3A_13, %convert_element_type3A_171, %dot_general3A_172 {dimension_numbers = #tpu.dot_dimension_numbers<[1], [0], [0], [1], [0, 0, 1, 1], [], []>, transpose_lhs_hint = false} : vector<512x128xbf16>, vector<128x128xbf16>, vector<512x128xf32> -> vector<512x128xf32>
    %slice3A_174 = vector.extract_strided_slice %get3A_22 {offsets = [0, 1024], sizes = [1, 128], strides = [1, 1]} : vector<1x2048xf32> to vector<1x128xf32>
    %add3A_175 = vector.broadcast %slice3A_174 : vector<1x128xf32> to vector<512x128xf32>
    %add3A_176 = arith.addf %dot_general3A_173, %add3A_175 : vector<512x128xf32>
    %slice3A_177 = vector.extract_strided_slice %get3A_16 {offsets = [0, 16], sizes = [512, 1], strides = [1, 1]} : vector<512x32xf32> to vector<512x1xf32>
    %broadcast_in_dim3A_178 = vector.shape_cast %slice3A_177 : vector<512x1xf32> to vector<512x1xf32>
    %broadcast_in_dim3A_179 = vector.broadcast %broadcast_in_dim3A_178 : vector<512x1xf32> to vector<512x64xf32>
    %slice3A_180 = vector.extract_strided_slice %get3A_16 {offsets = [0, 17], sizes = [512, 1], strides = [1, 1]} : vector<512x32xf32> to vector<512x1xf32>
    %broadcast_in_dim3A_181 = vector.shape_cast %slice3A_180 : vector<512x1xf32> to vector<512x1xf32>
    %broadcast_in_dim3A_182 = vector.broadcast %broadcast_in_dim3A_181 : vector<512x1xf32> to vector<512x64xf32>
    %concatenate3A_183 = tpu.concatenate %broadcast_in_dim3A_179, %broadcast_in_dim3A_182 in 1 : vector<512x64xf32>, vector<512x64xf32> -> vector<512x128xf32>
    %mul3A_184 = arith.mulf %concatenate3A_183, %add3A_176 : vector<512x128xf32>
    %slice3A_185 = vector.extract_strided_slice %mul3A_184 {offsets = [0, 0], sizes = [512, 64], strides = [1, 1]} : vector<512x128xf32> to vector<512x64xf32>
    %slice3A_186 = vector.extract_strided_slice %mul3A_184 {offsets = [0, 64], sizes = [512, 64], strides = [1, 1]} : vector<512x128xf32> to vector<512x64xf32>
    %add3A_187 = arith.addf %slice3A_185, %slice3A_186 : vector<512x64xf32>
    %add3A_188 = arith.addf %add3A_169, %add3A_187 : vector<512x64xf32>
    %slice3A_189 = vector.extract_strided_slice %get3A_19 {offsets = [0, 1152], sizes = [128, 128], strides = [1, 1]} : vector<128x2048xf32> to vector<128x128xf32>
    %convert_element_type3A_190 = arith.truncf %slice3A_189 : vector<128x128xf32> to vector<128x128xbf16>
    %dot_general3A_191 = arith.constant dense<0.000000e+00> : vector<512x128xf32>
    %dot_general3A_192 = tpu.matmul %convert_element_type3A_13, %convert_element_type3A_190, %dot_general3A_191 {dimension_numbers = #tpu.dot_dimension_numbers<[1], [0], [0], [1], [0, 0, 1, 1], [], []>, transpose_lhs_hint = false} : vector<512x128xbf16>, vector<128x128xbf16>, vector<512x128xf32> -> vector<512x128xf32>
    %slice3A_193 = vector.extract_strided_slice %get3A_22 {offsets = [0, 1152], sizes = [1, 128], strides = [1, 1]} : vector<1x2048xf32> to vector<1x128xf32>
    %add3A_194 = vector.broadcast %slice3A_193 : vector<1x128xf32> to vector<512x128xf32>
    %add3A_195 = arith.addf %dot_general3A_192, %add3A_194 : vector<512x128xf32>
    %slice3A_196 = vector.extract_strided_slice %get3A_16 {offsets = [0, 18], sizes = [512, 1], strides = [1, 1]} : vector<512x32xf32> to vector<512x1xf32>
    %broadcast_in_dim3A_197 = vector.shape_cast %slice3A_196 : vector<512x1xf32> to vector<512x1xf32>
    %broadcast_in_dim3A_198 = vector.broadcast %broadcast_in_dim3A_197 : vector<512x1xf32> to vector<512x64xf32>
    %slice3A_199 = vector.extract_strided_slice %get3A_16 {offsets = [0, 19], sizes = [512, 1], strides = [1, 1]} : vector<512x32xf32> to vector<512x1xf32>
    %broadcast_in_dim3A_200 = vector.shape_cast %slice3A_199 : vector<512x1xf32> to vector<512x1xf32>
    %broadcast_in_dim3A_201 = vector.broadcast %broadcast_in_dim3A_200 : vector<512x1xf32> to vector<512x64xf32>
    %concatenate3A_202 = tpu.concatenate %broadcast_in_dim3A_198, %broadcast_in_dim3A_201 in 1 : vector<512x64xf32>, vector<512x64xf32> -> vector<512x128xf32>
    %mul3A_203 = arith.mulf %concatenate3A_202, %add3A_195 : vector<512x128xf32>
    %slice3A_204 = vector.extract_strided_slice %mul3A_203 {offsets = [0, 0], sizes = [512, 64], strides = [1, 1]} : vector<512x128xf32> to vector<512x64xf32>
    %slice3A_205 = vector.extract_strided_slice %mul3A_203 {offsets = [0, 64], sizes = [512, 64], strides = [1, 1]} : vector<512x128xf32> to vector<512x64xf32>
    %add3A_206 = arith.addf %slice3A_204, %slice3A_205 : vector<512x64xf32>
    %add3A_207 = arith.addf %add3A_188, %add3A_206 : vector<512x64xf32>
    %slice3A_208 = vector.extract_strided_slice %get3A_19 {offsets = [0, 1280], sizes = [128, 128], strides = [1, 1]} : vector<128x2048xf32> to vector<128x128xf32>
    %convert_element_type3A_209 = arith.truncf %slice3A_208 : vector<128x128xf32> to vector<128x128xbf16>
    %dot_general3A_210 = arith.constant dense<0.000000e+00> : vector<512x128xf32>
    %dot_general3A_211 = tpu.matmul %convert_element_type3A_13, %convert_element_type3A_209, %dot_general3A_210 {dimension_numbers = #tpu.dot_dimension_numbers<[1], [0], [0], [1], [0, 0, 1, 1], [], []>, transpose_lhs_hint = false} : vector<512x128xbf16>, vector<128x128xbf16>, vector<512x128xf32> -> vector<512x128xf32>
    %slice3A_212 = vector.extract_strided_slice %get3A_22 {offsets = [0, 1280], sizes = [1, 128], strides = [1, 1]} : vector<1x2048xf32> to vector<1x128xf32>
    %add3A_213 = vector.broadcast %slice3A_212 : vector<1x128xf32> to vector<512x128xf32>
    %add3A_214 = arith.addf %dot_general3A_211, %add3A_213 : vector<512x128xf32>
    %slice3A_215 = vector.extract_strided_slice %get3A_16 {offsets = [0, 20], sizes = [512, 1], strides = [1, 1]} : vector<512x32xf32> to vector<512x1xf32>
    %broadcast_in_dim3A_216 = vector.shape_cast %slice3A_215 : vector<512x1xf32> to vector<512x1xf32>
    %broadcast_in_dim3A_217 = vector.broadcast %broadcast_in_dim3A_216 : vector<512x1xf32> to vector<512x64xf32>
    %slice3A_218 = vector.extract_strided_slice %get3A_16 {offsets = [0, 21], sizes = [512, 1], strides = [1, 1]} : vector<512x32xf32> to vector<512x1xf32>
    %broadcast_in_dim3A_219 = vector.shape_cast %slice3A_218 : vector<512x1xf32> to vector<512x1xf32>
    %broadcast_in_dim3A_220 = vector.broadcast %broadcast_in_dim3A_219 : vector<512x1xf32> to vector<512x64xf32>
    %concatenate3A_221 = tpu.concatenate %broadcast_in_dim3A_217, %broadcast_in_dim3A_220 in 1 : vector<512x64xf32>, vector<512x64xf32> -> vector<512x128xf32>
    %mul3A_222 = arith.mulf %concatenate3A_221, %add3A_214 : vector<512x128xf32>
    %slice3A_223 = vector.extract_strided_slice %mul3A_222 {offsets = [0, 0], sizes = [512, 64], strides = [1, 1]} : vector<512x128xf32> to vector<512x64xf32>
    %slice3A_224 = vector.extract_strided_slice %mul3A_222 {offsets = [0, 64], sizes = [512, 64], strides = [1, 1]} : vector<512x128xf32> to vector<512x64xf32>
    %add3A_225 = arith.addf %slice3A_223, %slice3A_224 : vector<512x64xf32>
    %add3A_226 = arith.addf %add3A_207, %add3A_225 : vector<512x64xf32>
    %slice3A_227 = vector.extract_strided_slice %get3A_19 {offsets = [0, 1408], sizes = [128, 128], strides = [1, 1]} : vector<128x2048xf32> to vector<128x128xf32>
    %convert_element_type3A_228 = arith.truncf %slice3A_227 : vector<128x128xf32> to vector<128x128xbf16>
    %dot_general3A_229 = arith.constant dense<0.000000e+00> : vector<512x128xf32>
    %dot_general3A_230 = tpu.matmul %convert_element_type3A_13, %convert_element_type3A_228, %dot_general3A_229 {dimension_numbers = #tpu.dot_dimension_numbers<[1], [0], [0], [1], [0, 0, 1, 1], [], []>, transpose_lhs_hint = false} : vector<512x128xbf16>, vector<128x128xbf16>, vector<512x128xf32> -> vector<512x128xf32>
    %slice3A_231 = vector.extract_strided_slice %get3A_22 {offsets = [0, 1408], sizes = [1, 128], strides = [1, 1]} : vector<1x2048xf32> to vector<1x128xf32>
    %add3A_232 = vector.broadcast %slice3A_231 : vector<1x128xf32> to vector<512x128xf32>
    %add3A_233 = arith.addf %dot_general3A_230, %add3A_232 : vector<512x128xf32>
    %slice3A_234 = vector.extract_strided_slice %get3A_16 {offsets = [0, 22], sizes = [512, 1], strides = [1, 1]} : vector<512x32xf32> to vector<512x1xf32>
    %broadcast_in_dim3A_235 = vector.shape_cast %slice3A_234 : vector<512x1xf32> to vector<512x1xf32>
    %broadcast_in_dim3A_236 = vector.broadcast %broadcast_in_dim3A_235 : vector<512x1xf32> to vector<512x64xf32>
    %slice3A_237 = vector.extract_strided_slice %get3A_16 {offsets = [0, 23], sizes = [512, 1], strides = [1, 1]} : vector<512x32xf32> to vector<512x1xf32>
    %broadcast_in_dim3A_238 = vector.shape_cast %slice3A_237 : vector<512x1xf32> to vector<512x1xf32>
    %broadcast_in_dim3A_239 = vector.broadcast %broadcast_in_dim3A_238 : vector<512x1xf32> to vector<512x64xf32>
    %concatenate3A_240 = tpu.concatenate %broadcast_in_dim3A_236, %broadcast_in_dim3A_239 in 1 : vector<512x64xf32>, vector<512x64xf32> -> vector<512x128xf32>
    %mul3A_241 = arith.mulf %concatenate3A_240, %add3A_233 : vector<512x128xf32>
    %slice3A_242 = vector.extract_strided_slice %mul3A_241 {offsets = [0, 0], sizes = [512, 64], strides = [1, 1]} : vector<512x128xf32> to vector<512x64xf32>
    %slice3A_243 = vector.extract_strided_slice %mul3A_241 {offsets = [0, 64], sizes = [512, 64], strides = [1, 1]} : vector<512x128xf32> to vector<512x64xf32>
    %add3A_244 = arith.addf %slice3A_242, %slice3A_243 : vector<512x64xf32>
    %add3A_245 = arith.addf %add3A_226, %add3A_244 : vector<512x64xf32>
    %slice3A_246 = vector.extract_strided_slice %get3A_19 {offsets = [0, 1536], sizes = [128, 128], strides = [1, 1]} : vector<128x2048xf32> to vector<128x128xf32>
    %convert_element_type3A_247 = arith.truncf %slice3A_246 : vector<128x128xf32> to vector<128x128xbf16>
    %dot_general3A_248 = arith.constant dense<0.000000e+00> : vector<512x128xf32>
    %dot_general3A_249 = tpu.matmul %convert_element_type3A_13, %convert_element_type3A_247, %dot_general3A_248 {dimension_numbers = #tpu.dot_dimension_numbers<[1], [0], [0], [1], [0, 0, 1, 1], [], []>, transpose_lhs_hint = false} : vector<512x128xbf16>, vector<128x128xbf16>, vector<512x128xf32> -> vector<512x128xf32>
    %slice3A_250 = vector.extract_strided_slice %get3A_22 {offsets = [0, 1536], sizes = [1, 128], strides = [1, 1]} : vector<1x2048xf32> to vector<1x128xf32>
    %add3A_251 = vector.broadcast %slice3A_250 : vector<1x128xf32> to vector<512x128xf32>
    %add3A_252 = arith.addf %dot_general3A_249, %add3A_251 : vector<512x128xf32>
    %slice3A_253 = vector.extract_strided_slice %get3A_16 {offsets = [0, 24], sizes = [512, 1], strides = [1, 1]} : vector<512x32xf32> to vector<512x1xf32>
    %broadcast_in_dim3A_254 = vector.shape_cast %slice3A_253 : vector<512x1xf32> to vector<512x1xf32>
    %broadcast_in_dim3A_255 = vector.broadcast %broadcast_in_dim3A_254 : vector<512x1xf32> to vector<512x64xf32>
    %slice3A_256 = vector.extract_strided_slice %get3A_16 {offsets = [0, 25], sizes = [512, 1], strides = [1, 1]} : vector<512x32xf32> to vector<512x1xf32>
    %broadcast_in_dim3A_257 = vector.shape_cast %slice3A_256 : vector<512x1xf32> to vector<512x1xf32>
    %broadcast_in_dim3A_258 = vector.broadcast %broadcast_in_dim3A_257 : vector<512x1xf32> to vector<512x64xf32>
    %concatenate3A_259 = tpu.concatenate %broadcast_in_dim3A_255, %broadcast_in_dim3A_258 in 1 : vector<512x64xf32>, vector<512x64xf32> -> vector<512x128xf32>
    %mul3A_260 = arith.mulf %concatenate3A_259, %add3A_252 : vector<512x128xf32>
    %slice3A_261 = vector.extract_strided_slice %mul3A_260 {offsets = [0, 0], sizes = [512, 64], strides = [1, 1]} : vector<512x128xf32> to vector<512x64xf32>
    %slice3A_262 = vector.extract_strided_slice %mul3A_260 {offsets = [0, 64], sizes = [512, 64], strides = [1, 1]} : vector<512x128xf32> to vector<512x64xf32>
    %add3A_263 = arith.addf %slice3A_261, %slice3A_262 : vector<512x64xf32>
    %add3A_264 = arith.addf %add3A_245, %add3A_263 : vector<512x64xf32>
    %slice3A_265 = vector.extract_strided_slice %get3A_19 {offsets = [0, 1664], sizes = [128, 128], strides = [1, 1]} : vector<128x2048xf32> to vector<128x128xf32>
    %convert_element_type3A_266 = arith.truncf %slice3A_265 : vector<128x128xf32> to vector<128x128xbf16>
    %dot_general3A_267 = arith.constant dense<0.000000e+00> : vector<512x128xf32>
    %dot_general3A_268 = tpu.matmul %convert_element_type3A_13, %convert_element_type3A_266, %dot_general3A_267 {dimension_numbers = #tpu.dot_dimension_numbers<[1], [0], [0], [1], [0, 0, 1, 1], [], []>, transpose_lhs_hint = false} : vector<512x128xbf16>, vector<128x128xbf16>, vector<512x128xf32> -> vector<512x128xf32>
    %slice3A_269 = vector.extract_strided_slice %get3A_22 {offsets = [0, 1664], sizes = [1, 128], strides = [1, 1]} : vector<1x2048xf32> to vector<1x128xf32>
    %add3A_270 = vector.broadcast %slice3A_269 : vector<1x128xf32> to vector<512x128xf32>
    %add3A_271 = arith.addf %dot_general3A_268, %add3A_270 : vector<512x128xf32>
    %slice3A_272 = vector.extract_strided_slice %get3A_16 {offsets = [0, 26], sizes = [512, 1], strides = [1, 1]} : vector<512x32xf32> to vector<512x1xf32>
    %broadcast_in_dim3A_273 = vector.shape_cast %slice3A_272 : vector<512x1xf32> to vector<512x1xf32>
    %broadcast_in_dim3A_274 = vector.broadcast %broadcast_in_dim3A_273 : vector<512x1xf32> to vector<512x64xf32>
    %slice3A_275 = vector.extract_strided_slice %get3A_16 {offsets = [0, 27], sizes = [512, 1], strides = [1, 1]} : vector<512x32xf32> to vector<512x1xf32>
    %broadcast_in_dim3A_276 = vector.shape_cast %slice3A_275 : vector<512x1xf32> to vector<512x1xf32>
    %broadcast_in_dim3A_277 = vector.broadcast %broadcast_in_dim3A_276 : vector<512x1xf32> to vector<512x64xf32>
    %concatenate3A_278 = tpu.concatenate %broadcast_in_dim3A_274, %broadcast_in_dim3A_277 in 1 : vector<512x64xf32>, vector<512x64xf32> -> vector<512x128xf32>
    %mul3A_279 = arith.mulf %concatenate3A_278, %add3A_271 : vector<512x128xf32>
    %slice3A_280 = vector.extract_strided_slice %mul3A_279 {offsets = [0, 0], sizes = [512, 64], strides = [1, 1]} : vector<512x128xf32> to vector<512x64xf32>
    %slice3A_281 = vector.extract_strided_slice %mul3A_279 {offsets = [0, 64], sizes = [512, 64], strides = [1, 1]} : vector<512x128xf32> to vector<512x64xf32>
    %add3A_282 = arith.addf %slice3A_280, %slice3A_281 : vector<512x64xf32>
    %add3A_283 = arith.addf %add3A_264, %add3A_282 : vector<512x64xf32>
    %slice3A_284 = vector.extract_strided_slice %get3A_19 {offsets = [0, 1792], sizes = [128, 128], strides = [1, 1]} : vector<128x2048xf32> to vector<128x128xf32>
    %convert_element_type3A_285 = arith.truncf %slice3A_284 : vector<128x128xf32> to vector<128x128xbf16>
    %dot_general3A_286 = arith.constant dense<0.000000e+00> : vector<512x128xf32>
    %dot_general3A_287 = tpu.matmul %convert_element_type3A_13, %convert_element_type3A_285, %dot_general3A_286 {dimension_numbers = #tpu.dot_dimension_numbers<[1], [0], [0], [1], [0, 0, 1, 1], [], []>, transpose_lhs_hint = false} : vector<512x128xbf16>, vector<128x128xbf16>, vector<512x128xf32> -> vector<512x128xf32>
    %slice3A_288 = vector.extract_strided_slice %get3A_22 {offsets = [0, 1792], sizes = [1, 128], strides = [1, 1]} : vector<1x2048xf32> to vector<1x128xf32>
    %add3A_289 = vector.broadcast %slice3A_288 : vector<1x128xf32> to vector<512x128xf32>
    %add3A_290 = arith.addf %dot_general3A_287, %add3A_289 : vector<512x128xf32>
    %slice3A_291 = vector.extract_strided_slice %get3A_16 {offsets = [0, 28], sizes = [512, 1], strides = [1, 1]} : vector<512x32xf32> to vector<512x1xf32>
    %broadcast_in_dim3A_292 = vector.shape_cast %slice3A_291 : vector<512x1xf32> to vector<512x1xf32>
    %broadcast_in_dim3A_293 = vector.broadcast %broadcast_in_dim3A_292 : vector<512x1xf32> to vector<512x64xf32>
    %slice3A_294 = vector.extract_strided_slice %get3A_16 {offsets = [0, 29], sizes = [512, 1], strides = [1, 1]} : vector<512x32xf32> to vector<512x1xf32>
    %broadcast_in_dim3A_295 = vector.shape_cast %slice3A_294 : vector<512x1xf32> to vector<512x1xf32>
    %broadcast_in_dim3A_296 = vector.broadcast %broadcast_in_dim3A_295 : vector<512x1xf32> to vector<512x64xf32>
    %concatenate3A_297 = tpu.concatenate %broadcast_in_dim3A_293, %broadcast_in_dim3A_296 in 1 : vector<512x64xf32>, vector<512x64xf32> -> vector<512x128xf32>
    %mul3A_298 = arith.mulf %concatenate3A_297, %add3A_290 : vector<512x128xf32>
    %slice3A_299 = vector.extract_strided_slice %mul3A_298 {offsets = [0, 0], sizes = [512, 64], strides = [1, 1]} : vector<512x128xf32> to vector<512x64xf32>
    %slice3A_300 = vector.extract_strided_slice %mul3A_298 {offsets = [0, 64], sizes = [512, 64], strides = [1, 1]} : vector<512x128xf32> to vector<512x64xf32>
    %add3A_301 = arith.addf %slice3A_299, %slice3A_300 : vector<512x64xf32>
    %add3A_302 = arith.addf %add3A_283, %add3A_301 : vector<512x64xf32>
    %slice3A_303 = vector.extract_strided_slice %get3A_19 {offsets = [0, 1920], sizes = [128, 128], strides = [1, 1]} : vector<128x2048xf32> to vector<128x128xf32>
    %convert_element_type3A_304 = arith.truncf %slice3A_303 : vector<128x128xf32> to vector<128x128xbf16>
    %dot_general3A_305 = arith.constant dense<0.000000e+00> : vector<512x128xf32>
    %dot_general3A_306 = tpu.matmul %convert_element_type3A_13, %convert_element_type3A_304, %dot_general3A_305 {dimension_numbers = #tpu.dot_dimension_numbers<[1], [0], [0], [1], [0, 0, 1, 1], [], []>, transpose_lhs_hint = false} : vector<512x128xbf16>, vector<128x128xbf16>, vector<512x128xf32> -> vector<512x128xf32>
    %slice3A_307 = vector.extract_strided_slice %get3A_22 {offsets = [0, 1920], sizes = [1, 128], strides = [1, 1]} : vector<1x2048xf32> to vector<1x128xf32>
    %add3A_308 = vector.broadcast %slice3A_307 : vector<1x128xf32> to vector<512x128xf32>
    %add3A_309 = arith.addf %dot_general3A_306, %add3A_308 : vector<512x128xf32>
    %slice3A_310 = vector.extract_strided_slice %get3A_16 {offsets = [0, 30], sizes = [512, 1], strides = [1, 1]} : vector<512x32xf32> to vector<512x1xf32>
    %broadcast_in_dim3A_311 = vector.shape_cast %slice3A_310 : vector<512x1xf32> to vector<512x1xf32>
    %broadcast_in_dim3A_312 = vector.broadcast %broadcast_in_dim3A_311 : vector<512x1xf32> to vector<512x64xf32>
    %slice3A_313 = vector.extract_strided_slice %get3A_16 {offsets = [0, 31], sizes = [512, 1], strides = [1, 1]} : vector<512x32xf32> to vector<512x1xf32>
    %broadcast_in_dim3A_314 = vector.shape_cast %slice3A_313 : vector<512x1xf32> to vector<512x1xf32>
    %broadcast_in_dim3A_315 = vector.broadcast %broadcast_in_dim3A_314 : vector<512x1xf32> to vector<512x64xf32>
    %concatenate3A_316 = tpu.concatenate %broadcast_in_dim3A_312, %broadcast_in_dim3A_315 in 1 : vector<512x64xf32>, vector<512x64xf32> -> vector<512x128xf32>
    %mul3A_317 = arith.mulf %concatenate3A_316, %add3A_309 : vector<512x128xf32>
    %slice3A_318 = vector.extract_strided_slice %mul3A_317 {offsets = [0, 0], sizes = [512, 64], strides = [1, 1]} : vector<512x128xf32> to vector<512x64xf32>
    %slice3A_319 = vector.extract_strided_slice %mul3A_317 {offsets = [0, 64], sizes = [512, 64], strides = [1, 1]} : vector<512x128xf32> to vector<512x64xf32>
    %add3A_320 = arith.addf %slice3A_318, %slice3A_319 : vector<512x64xf32>
    %add3A_321 = arith.addf %add3A_302, %add3A_320 : vector<512x64xf32>
    %swap3A = arith.constant 0 : index
    %swap3A_322 = arith.constant 0 : index
    %swap3A_323 = vector.load %arg7[%swap3A, %swap3A_322] : memref<512x64xf32, #tpu.memory_space<vmem>>, vector<512x64xf32>
    tpu.vector_store %arg7[%swap3A, %swap3A_322], %add3A_321 {strides = array<i32>} : memref<512x64xf32, #tpu.memory_space<vmem>>, vector<512x64xf32>,
    return
  }
  func.func @transform_0(%arg0: i32) -> (i32, i32) {
    %c0_i32 = arith.constant 0 : i32
    %c0_i32_0 = arith.constant 0 : i32
    return %arg0, %c0_i32 : i32, i32
  }
  func.func @transform_1(%arg0: i32) -> (i32, i32) {
    %c0_i32 = arith.constant 0 : i32
    %c0_i32_0 = arith.constant 0 : i32
    return %arg0, %c0_i32 : i32, i32
  }
  func.func @transform_2(%arg0: i32) -> (i32, i32) {
    %c0_i32 = arith.constant 0 : i32
    %c0_i32_0 = arith.constant 0 : i32
    %c0_i32_1 = arith.constant 0 : i32
    return %c0_i32, %c0_i32_0 : i32, i32
  }
  func.func @transform_3(%arg0: i32) -> (i32, i32) {
    %c0_i32 = arith.constant 0 : i32
    %c0_i32_0 = arith.constant 0 : i32
    %c0_i32_1 = arith.constant 0 : i32
    return %c0_i32, %c0_i32_0 : i32, i32
  }
  func.func @transform_4(%arg0: i32) -> (i32, i32) {
    %c0_i32 = arith.constant 0 : i32
    %c0_i32_0 = arith.constant 0 : i32
    %c0_i32_1 = arith.constant 0 : i32
    return %c0_i32, %c0_i32_0 : i32, i32
  }
  func.func @transform_5(%arg0: i32) -> (i32, i32) {
    %c0_i32 = arith.constant 0 : i32
    %c0_i32_0 = arith.constant 0 : i32
    %c0_i32_1 = arith.constant 0 : i32
    return %c0_i32, %c0_i32_0 : i32, i32
  }
  func.func @transform_6(%arg0: i32) -> (i32, i32) {
    %c0_i32 = arith.constant 0 : i32
    %c0_i32_0 = arith.constant 0 : i32
    return %arg0, %c0_i32 : i32, i32
  }
}

module attributes {stable_mosaic.version = 14 : i64} {
  func.func @body(%arg0: i32, %arg1: memref<512x32xf32, #tpu.memory_space<vmem>>, %arg2: memref<512x64xf32, #tpu.memory_space<vmem>>, %arg3: memref<512x64xf32, #tpu.memory_space<vmem>>, %arg4: memref<32x64xf32, #tpu.memory_space<vmem>>, %arg5: memref<1x64xf32, #tpu.memory_space<vmem>>, %arg6: memref<512x64xf32, #tpu.memory_space<vmem>>) attributes {dimension_semantics = [#tpu.dimension_semantics<arbitrary>], iteration_bounds = array<i64: 20>, scalar_prefetch = 0 : i64, scratch_operands = 0 : i64, tpu.core_type = #tpu.core_type<tc>, window_params = [{transform_indices = @transform_0, window_bounds = array<i64: 512, 32>}, {transform_indices = @transform_1, window_bounds = array<i64: 512, 64>}, {transform_indices = @transform_2, window_bounds = array<i64: 512, 64>}, {pipeline_mode = #tpu.pipeline_mode<synchronous>, transform_indices = @transform_3, window_bounds = array<i64: 32, 64>}, {pipeline_mode = #tpu.pipeline_mode<synchronous>, transform_indices = @transform_4, window_bounds = array<i64: 1, 64>}, {transform_indices = @transform_5, window_bounds = array<i64: 512, 64>}]} {
    %get3A = arith.constant 0 : index
    %get3A_0 = arith.constant 0 : index
    %get3A_1 = vector.load %arg1[%get3A, %get3A_0] : memref<512x32xf32, #tpu.memory_space<vmem>>, vector<512x32xf32>
    %convert_element_type3A = arith.truncf %get3A_1 : vector<512x32xf32> to vector<512x32xbf16>
    %get3A_2 = arith.constant 0 : index
    %get3A_3 = arith.constant 0 : index
    %get3A_4 = vector.load %arg4[%get3A_2, %get3A_3] : memref<32x64xf32, #tpu.memory_space<vmem>>, vector<32x64xf32>
    %convert_element_type3A_5 = arith.truncf %get3A_4 : vector<32x64xf32> to vector<32x64xbf16>
    %dot_general3A = arith.constant dense<0.000000e+00> : vector<512x64xf32>
    %dot_general3A_6 = tpu.matmul %convert_element_type3A, %convert_element_type3A_5, %dot_general3A {dimension_numbers = #tpu.dot_dimension_numbers<[1], [0], [0], [1], [0, 0, 1, 1], [], []>, transpose_lhs_hint = false} : vector<512x32xbf16>, vector<32x64xbf16>, vector<512x64xf32> -> vector<512x64xf32>
    %get3A_7 = arith.constant 0 : index
    %get3A_8 = arith.constant 0 : index
    %get3A_9 = vector.load %arg5[%get3A_7, %get3A_8] : memref<1x64xf32, #tpu.memory_space<vmem>>, vector<1x64xf32>
    %add3A = vector.broadcast %get3A_9 : vector<1x64xf32> to vector<512x64xf32>
    %add3A_10 = arith.addf %dot_general3A_6, %add3A : vector<512x64xf32>
    %get3A_11 = arith.constant 0 : index
    %get3A_12 = arith.constant 0 : index
    %get3A_13 = vector.load %arg2[%get3A_11, %get3A_12] : memref<512x64xf32, #tpu.memory_space<vmem>>, vector<512x64xf32>
    %add3A_14 = arith.addf %add3A_10, %get3A_13 : vector<512x64xf32>
    %get3A_15 = arith.constant 0 : index
    %get3A_16 = arith.constant 0 : index
    %get3A_17 = vector.load %arg3[%get3A_15, %get3A_16] : memref<512x64xf32, #tpu.memory_space<vmem>>, vector<512x64xf32>
    %add3A_18 = arith.addf %add3A_14, %get3A_17 : vector<512x64xf32>
    %gt3A = arith.constant 0.000000e+00 : f32
    %gt3A_19 = vector.broadcast %gt3A : f32 to vector<512x64xf32>
    %gt3A_20 = arith.cmpf ogt, %add3A_18, %gt3A_19 : vector<512x64xf32>
    %min3A = arith.constant 0.000000e+00 : f32
    %min3A_21 = vector.broadcast %min3A : f32 to vector<512x64xf32>
    %min3A_22 = arith.minimumf %add3A_18, %min3A_21 : vector<512x64xf32>
    %exp3A = math.exp %min3A_22 : vector<512x64xf32>
    %sub3A = arith.constant 1.000000e+00 : f32
    %sub3A_23 = vector.broadcast %sub3A : f32 to vector<512x64xf32>
    %sub3A_24 = arith.subf %exp3A, %sub3A_23 : vector<512x64xf32>
    %select_n3A = arith.select %gt3A_20, %add3A_18, %sub3A_24 : vector<512x64xi1>, vector<512x64xf32>
    %mul3A = arith.constant 512 : i32
    %mul3A_25 = arith.muli %arg0, %mul3A : i32
    %iota3A = tpu.iota {dimensions = array<i32: 0>} : vector<512x1xi32>
    %add3A_26 = vector.broadcast %mul3A_25 : i32 to vector<512x1xi32>
    %add3A_27 = arith.addi %add3A_26, %iota3A : vector<512x1xi32>
    %lt3A = arith.constant 10000 : i32
    %lt3A_28 = vector.broadcast %lt3A : i32 to vector<512x1xi32>
    %lt3A_29 = arith.cmpi slt, %add3A_27, %lt3A_28 : vector<512x1xi32>
    %jit3A = arith.constant 0.000000e+00 : f32
    %broadcast_in_dim3A = vector.shape_cast %lt3A_29 : vector<512x1xi1> to vector<512x1xi1>
    %broadcast_in_dim3A_30 = vector.broadcast %broadcast_in_dim3A : vector<512x1xi1> to vector<512x64xi1>
    %broadcast_in_dim3A_31 = vector.broadcast %jit3A : f32 to vector<512x64xf32>
    %select_n3A_32 = arith.select %broadcast_in_dim3A_30, %select_n3A, %broadcast_in_dim3A_31 : vector<512x64xi1>, vector<512x64xf32>
    %swap3A = arith.constant 0 : index
    %swap3A_33 = arith.constant 0 : index
    %swap3A_34 = vector.load %arg6[%swap3A, %swap3A_33] : memref<512x64xf32, #tpu.memory_space<vmem>>, vector<512x64xf32>
    tpu.vector_store %arg6[%swap3A, %swap3A_33], %select_n3A_32 {strides = array<i32>} : memref<512x64xf32, #tpu.memory_space<vmem>>, vector<512x64xf32>,
    return
  }
  func.func @transform_0(%arg0: i32) -> (i32, i32) {
    %c0_i32 = arith.constant 0 : i32
    %c0_i32_0 = arith.constant 0 : i32
    return %arg0, %c0_i32 : i32, i32
  }
  func.func @transform_1(%arg0: i32) -> (i32, i32) {
    %c0_i32 = arith.constant 0 : i32
    %c0_i32_0 = arith.constant 0 : i32
    return %arg0, %c0_i32 : i32, i32
  }
  func.func @transform_2(%arg0: i32) -> (i32, i32) {
    %add3A = arith.constant 20 : i32
    %add3A_0 = arith.addi %arg0, %add3A : i32
    %c0_i32 = arith.constant 0 : i32
    %c0_i32_1 = arith.constant 0 : i32
    return %add3A_0, %c0_i32 : i32, i32
  }
  func.func @transform_3(%arg0: i32) -> (i32, i32) {
    %c0_i32 = arith.constant 0 : i32
    %c0_i32_0 = arith.constant 0 : i32
    %c0_i32_1 = arith.constant 0 : i32
    return %c0_i32, %c0_i32_0 : i32, i32
  }
  func.func @transform_4(%arg0: i32) -> (i32, i32) {
    %c0_i32 = arith.constant 0 : i32
    %c0_i32_0 = arith.constant 0 : i32
    %c0_i32_1 = arith.constant 0 : i32
    return %c0_i32, %c0_i32_0 : i32, i32
  }
  func.func @transform_5(%arg0: i32) -> (i32, i32) {
    %c0_i32 = arith.constant 0 : i32
    %c0_i32_0 = arith.constant 0 : i32
    return %arg0, %c0_i32 : i32, i32
  }
}

module attributes {stable_mosaic.version = 14 : i64} {
  func.func @body(%arg0: i32, %arg1: memref<512x8xf32, #tpu.memory_space<vmem>>, %arg2: memref<512x64xf32, #tpu.memory_space<vmem>>, %arg3: memref<8x128xf32, #tpu.memory_space<vmem>>, %arg4: memref<1x128xf32, #tpu.memory_space<vmem>>, %arg5: memref<128x4096xf32, #tpu.memory_space<vmem>>, %arg6: memref<1x4096xf32, #tpu.memory_space<vmem>>, %arg7: memref<512x64xf32, #tpu.memory_space<vmem>>) attributes {dimension_semantics = [#tpu.dimension_semantics<arbitrary>], iteration_bounds = array<i64: 80>, scalar_prefetch = 0 : i64, scratch_operands = 0 : i64, tpu.core_type = #tpu.core_type<tc>, window_params = [{transform_indices = @transform_0, window_bounds = array<i64: 512, 8>}, {transform_indices = @transform_1, window_bounds = array<i64: 512, 64>}, {pipeline_mode = #tpu.pipeline_mode<synchronous>, transform_indices = @transform_2, window_bounds = array<i64: 8, 128>}, {pipeline_mode = #tpu.pipeline_mode<synchronous>, transform_indices = @transform_3, window_bounds = array<i64: 1, 128>}, {pipeline_mode = #tpu.pipeline_mode<synchronous>, transform_indices = @transform_4, window_bounds = array<i64: 128, 4096>}, {pipeline_mode = #tpu.pipeline_mode<synchronous>, transform_indices = @transform_5, window_bounds = array<i64: 1, 4096>}, {transform_indices = @transform_6, window_bounds = array<i64: 512, 64>}]} {
    %get3A = arith.constant 0 : index
    %get3A_0 = arith.constant 0 : index
    %get3A_1 = vector.load %arg1[%get3A, %get3A_0] : memref<512x8xf32, #tpu.memory_space<vmem>>, vector<512x8xf32>
    %convert_element_type3A = arith.truncf %get3A_1 : vector<512x8xf32> to vector<512x8xbf16>
    %get3A_2 = arith.constant 0 : index
    %get3A_3 = arith.constant 0 : index
    %get3A_4 = vector.load %arg3[%get3A_2, %get3A_3] : memref<8x128xf32, #tpu.memory_space<vmem>>, vector<8x128xf32>
    %convert_element_type3A_5 = arith.truncf %get3A_4 : vector<8x128xf32> to vector<8x128xbf16>
    %dot_general3A = arith.constant dense<0.000000e+00> : vector<512x128xf32>
    %dot_general3A_6 = tpu.matmul %convert_element_type3A, %convert_element_type3A_5, %dot_general3A {dimension_numbers = #tpu.dot_dimension_numbers<[1], [0], [0], [1], [0, 0, 1, 1], [], []>, transpose_lhs_hint = false} : vector<512x8xbf16>, vector<8x128xbf16>, vector<512x128xf32> -> vector<512x128xf32>
    %get3A_7 = arith.constant 0 : index
    %get3A_8 = arith.constant 0 : index
    %get3A_9 = vector.load %arg4[%get3A_7, %get3A_8] : memref<1x128xf32, #tpu.memory_space<vmem>>, vector<1x128xf32>
    %add3A = vector.broadcast %get3A_9 : vector<1x128xf32> to vector<512x128xf32>
    %add3A_10 = arith.addf %dot_general3A_6, %add3A : vector<512x128xf32>
    %max3A = arith.constant 0.000000e+00 : f32
    %max3A_11 = vector.broadcast %max3A : f32 to vector<512x128xf32>
    %max3A_12 = arith.maximumf %add3A_10, %max3A_11 : vector<512x128xf32>
    %convert_element_type3A_13 = arith.truncf %max3A_12 : vector<512x128xf32> to vector<512x128xbf16>
    %get3A_14 = arith.constant 0 : index
    %get3A_15 = arith.constant 0 : index
    %get3A_16 = vector.load %arg2[%get3A_14, %get3A_15] : memref<512x64xf32, #tpu.memory_space<vmem>>, vector<512x64xf32>
    %get3A_17 = arith.constant 0 : index
    %get3A_18 = arith.constant 0 : index
    %get3A_19 = vector.load %arg5[%get3A_17, %get3A_18] : memref<128x4096xf32, #tpu.memory_space<vmem>>, vector<128x4096xf32>
    %get3A_20 = arith.constant 0 : index
    %get3A_21 = arith.constant 0 : index
    %get3A_22 = vector.load %arg6[%get3A_20, %get3A_21] : memref<1x4096xf32, #tpu.memory_space<vmem>>, vector<1x4096xf32>
    %slice3A = vector.extract_strided_slice %get3A_19 {offsets = [0, 0], sizes = [128, 128], strides = [1, 1]} : vector<128x4096xf32> to vector<128x128xf32>
    %convert_element_type3A_23 = arith.truncf %slice3A : vector<128x128xf32> to vector<128x128xbf16>
    %dot_general3A_24 = arith.constant dense<0.000000e+00> : vector<512x128xf32>
    %dot_general3A_25 = tpu.matmul %convert_element_type3A_13, %convert_element_type3A_23, %dot_general3A_24 {dimension_numbers = #tpu.dot_dimension_numbers<[1], [0], [0], [1], [0, 0, 1, 1], [], []>, transpose_lhs_hint = false} : vector<512x128xbf16>, vector<128x128xbf16>, vector<512x128xf32> -> vector<512x128xf32>
    %slice3A_26 = vector.extract_strided_slice %get3A_22 {offsets = [0, 0], sizes = [1, 128], strides = [1, 1]} : vector<1x4096xf32> to vector<1x128xf32>
    %add3A_27 = vector.broadcast %slice3A_26 : vector<1x128xf32> to vector<512x128xf32>
    %add3A_28 = arith.addf %dot_general3A_25, %add3A_27 : vector<512x128xf32>
    %slice3A_29 = vector.extract_strided_slice %get3A_16 {offsets = [0, 0], sizes = [512, 1], strides = [1, 1]} : vector<512x64xf32> to vector<512x1xf32>
    %broadcast_in_dim3A = vector.shape_cast %slice3A_29 : vector<512x1xf32> to vector<512x1xf32>
    %broadcast_in_dim3A_30 = vector.broadcast %broadcast_in_dim3A : vector<512x1xf32> to vector<512x64xf32>
    %slice3A_31 = vector.extract_strided_slice %get3A_16 {offsets = [0, 1], sizes = [512, 1], strides = [1, 1]} : vector<512x64xf32> to vector<512x1xf32>
    %broadcast_in_dim3A_32 = vector.shape_cast %slice3A_31 : vector<512x1xf32> to vector<512x1xf32>
    %broadcast_in_dim3A_33 = vector.broadcast %broadcast_in_dim3A_32 : vector<512x1xf32> to vector<512x64xf32>
    %concatenate3A = tpu.concatenate %broadcast_in_dim3A_30, %broadcast_in_dim3A_33 in 1 : vector<512x64xf32>, vector<512x64xf32> -> vector<512x128xf32>
    %mul3A = arith.mulf %concatenate3A, %add3A_28 : vector<512x128xf32>
    %slice3A_34 = vector.extract_strided_slice %mul3A {offsets = [0, 0], sizes = [512, 64], strides = [1, 1]} : vector<512x128xf32> to vector<512x64xf32>
    %slice3A_35 = vector.extract_strided_slice %mul3A {offsets = [0, 64], sizes = [512, 64], strides = [1, 1]} : vector<512x128xf32> to vector<512x64xf32>
    %add3A_36 = arith.addf %slice3A_34, %slice3A_35 : vector<512x64xf32>
    %slice3A_37 = vector.extract_strided_slice %get3A_19 {offsets = [0, 128], sizes = [128, 128], strides = [1, 1]} : vector<128x4096xf32> to vector<128x128xf32>
    %convert_element_type3A_38 = arith.truncf %slice3A_37 : vector<128x128xf32> to vector<128x128xbf16>
    %dot_general3A_39 = arith.constant dense<0.000000e+00> : vector<512x128xf32>
    %dot_general3A_40 = tpu.matmul %convert_element_type3A_13, %convert_element_type3A_38, %dot_general3A_39 {dimension_numbers = #tpu.dot_dimension_numbers<[1], [0], [0], [1], [0, 0, 1, 1], [], []>, transpose_lhs_hint = false} : vector<512x128xbf16>, vector<128x128xbf16>, vector<512x128xf32> -> vector<512x128xf32>
    %slice3A_41 = vector.extract_strided_slice %get3A_22 {offsets = [0, 128], sizes = [1, 128], strides = [1, 1]} : vector<1x4096xf32> to vector<1x128xf32>
    %add3A_42 = vector.broadcast %slice3A_41 : vector<1x128xf32> to vector<512x128xf32>
    %add3A_43 = arith.addf %dot_general3A_40, %add3A_42 : vector<512x128xf32>
    %slice3A_44 = vector.extract_strided_slice %get3A_16 {offsets = [0, 2], sizes = [512, 1], strides = [1, 1]} : vector<512x64xf32> to vector<512x1xf32>
    %broadcast_in_dim3A_45 = vector.shape_cast %slice3A_44 : vector<512x1xf32> to vector<512x1xf32>
    %broadcast_in_dim3A_46 = vector.broadcast %broadcast_in_dim3A_45 : vector<512x1xf32> to vector<512x64xf32>
    %slice3A_47 = vector.extract_strided_slice %get3A_16 {offsets = [0, 3], sizes = [512, 1], strides = [1, 1]} : vector<512x64xf32> to vector<512x1xf32>
    %broadcast_in_dim3A_48 = vector.shape_cast %slice3A_47 : vector<512x1xf32> to vector<512x1xf32>
    %broadcast_in_dim3A_49 = vector.broadcast %broadcast_in_dim3A_48 : vector<512x1xf32> to vector<512x64xf32>
    %concatenate3A_50 = tpu.concatenate %broadcast_in_dim3A_46, %broadcast_in_dim3A_49 in 1 : vector<512x64xf32>, vector<512x64xf32> -> vector<512x128xf32>
    %mul3A_51 = arith.mulf %concatenate3A_50, %add3A_43 : vector<512x128xf32>
    %slice3A_52 = vector.extract_strided_slice %mul3A_51 {offsets = [0, 0], sizes = [512, 64], strides = [1, 1]} : vector<512x128xf32> to vector<512x64xf32>
    %slice3A_53 = vector.extract_strided_slice %mul3A_51 {offsets = [0, 64], sizes = [512, 64], strides = [1, 1]} : vector<512x128xf32> to vector<512x64xf32>
    %add3A_54 = arith.addf %slice3A_52, %slice3A_53 : vector<512x64xf32>
    %add3A_55 = arith.addf %add3A_36, %add3A_54 : vector<512x64xf32>
    %slice3A_56 = vector.extract_strided_slice %get3A_19 {offsets = [0, 256], sizes = [128, 128], strides = [1, 1]} : vector<128x4096xf32> to vector<128x128xf32>
    %convert_element_type3A_57 = arith.truncf %slice3A_56 : vector<128x128xf32> to vector<128x128xbf16>
    %dot_general3A_58 = arith.constant dense<0.000000e+00> : vector<512x128xf32>
    %dot_general3A_59 = tpu.matmul %convert_element_type3A_13, %convert_element_type3A_57, %dot_general3A_58 {dimension_numbers = #tpu.dot_dimension_numbers<[1], [0], [0], [1], [0, 0, 1, 1], [], []>, transpose_lhs_hint = false} : vector<512x128xbf16>, vector<128x128xbf16>, vector<512x128xf32> -> vector<512x128xf32>
    %slice3A_60 = vector.extract_strided_slice %get3A_22 {offsets = [0, 256], sizes = [1, 128], strides = [1, 1]} : vector<1x4096xf32> to vector<1x128xf32>
    %add3A_61 = vector.broadcast %slice3A_60 : vector<1x128xf32> to vector<512x128xf32>
    %add3A_62 = arith.addf %dot_general3A_59, %add3A_61 : vector<512x128xf32>
    %slice3A_63 = vector.extract_strided_slice %get3A_16 {offsets = [0, 4], sizes = [512, 1], strides = [1, 1]} : vector<512x64xf32> to vector<512x1xf32>
    %broadcast_in_dim3A_64 = vector.shape_cast %slice3A_63 : vector<512x1xf32> to vector<512x1xf32>
    %broadcast_in_dim3A_65 = vector.broadcast %broadcast_in_dim3A_64 : vector<512x1xf32> to vector<512x64xf32>
    %slice3A_66 = vector.extract_strided_slice %get3A_16 {offsets = [0, 5], sizes = [512, 1], strides = [1, 1]} : vector<512x64xf32> to vector<512x1xf32>
    %broadcast_in_dim3A_67 = vector.shape_cast %slice3A_66 : vector<512x1xf32> to vector<512x1xf32>
    %broadcast_in_dim3A_68 = vector.broadcast %broadcast_in_dim3A_67 : vector<512x1xf32> to vector<512x64xf32>
    %concatenate3A_69 = tpu.concatenate %broadcast_in_dim3A_65, %broadcast_in_dim3A_68 in 1 : vector<512x64xf32>, vector<512x64xf32> -> vector<512x128xf32>
    %mul3A_70 = arith.mulf %concatenate3A_69, %add3A_62 : vector<512x128xf32>
    %slice3A_71 = vector.extract_strided_slice %mul3A_70 {offsets = [0, 0], sizes = [512, 64], strides = [1, 1]} : vector<512x128xf32> to vector<512x64xf32>
    %slice3A_72 = vector.extract_strided_slice %mul3A_70 {offsets = [0, 64], sizes = [512, 64], strides = [1, 1]} : vector<512x128xf32> to vector<512x64xf32>
    %add3A_73 = arith.addf %slice3A_71, %slice3A_72 : vector<512x64xf32>
    %add3A_74 = arith.addf %add3A_55, %add3A_73 : vector<512x64xf32>
    %slice3A_75 = vector.extract_strided_slice %get3A_19 {offsets = [0, 384], sizes = [128, 128], strides = [1, 1]} : vector<128x4096xf32> to vector<128x128xf32>
    %convert_element_type3A_76 = arith.truncf %slice3A_75 : vector<128x128xf32> to vector<128x128xbf16>
    %dot_general3A_77 = arith.constant dense<0.000000e+00> : vector<512x128xf32>
    %dot_general3A_78 = tpu.matmul %convert_element_type3A_13, %convert_element_type3A_76, %dot_general3A_77 {dimension_numbers = #tpu.dot_dimension_numbers<[1], [0], [0], [1], [0, 0, 1, 1], [], []>, transpose_lhs_hint = false} : vector<512x128xbf16>, vector<128x128xbf16>, vector<512x128xf32> -> vector<512x128xf32>
    %slice3A_79 = vector.extract_strided_slice %get3A_22 {offsets = [0, 384], sizes = [1, 128], strides = [1, 1]} : vector<1x4096xf32> to vector<1x128xf32>
    %add3A_80 = vector.broadcast %slice3A_79 : vector<1x128xf32> to vector<512x128xf32>
    %add3A_81 = arith.addf %dot_general3A_78, %add3A_80 : vector<512x128xf32>
    %slice3A_82 = vector.extract_strided_slice %get3A_16 {offsets = [0, 6], sizes = [512, 1], strides = [1, 1]} : vector<512x64xf32> to vector<512x1xf32>
    %broadcast_in_dim3A_83 = vector.shape_cast %slice3A_82 : vector<512x1xf32> to vector<512x1xf32>
    %broadcast_in_dim3A_84 = vector.broadcast %broadcast_in_dim3A_83 : vector<512x1xf32> to vector<512x64xf32>
    %slice3A_85 = vector.extract_strided_slice %get3A_16 {offsets = [0, 7], sizes = [512, 1], strides = [1, 1]} : vector<512x64xf32> to vector<512x1xf32>
    %broadcast_in_dim3A_86 = vector.shape_cast %slice3A_85 : vector<512x1xf32> to vector<512x1xf32>
    %broadcast_in_dim3A_87 = vector.broadcast %broadcast_in_dim3A_86 : vector<512x1xf32> to vector<512x64xf32>
    %concatenate3A_88 = tpu.concatenate %broadcast_in_dim3A_84, %broadcast_in_dim3A_87 in 1 : vector<512x64xf32>, vector<512x64xf32> -> vector<512x128xf32>
    %mul3A_89 = arith.mulf %concatenate3A_88, %add3A_81 : vector<512x128xf32>
    %slice3A_90 = vector.extract_strided_slice %mul3A_89 {offsets = [0, 0], sizes = [512, 64], strides = [1, 1]} : vector<512x128xf32> to vector<512x64xf32>
    %slice3A_91 = vector.extract_strided_slice %mul3A_89 {offsets = [0, 64], sizes = [512, 64], strides = [1, 1]} : vector<512x128xf32> to vector<512x64xf32>
    %add3A_92 = arith.addf %slice3A_90, %slice3A_91 : vector<512x64xf32>
    %add3A_93 = arith.addf %add3A_74, %add3A_92 : vector<512x64xf32>
    %slice3A_94 = vector.extract_strided_slice %get3A_19 {offsets = [0, 512], sizes = [128, 128], strides = [1, 1]} : vector<128x4096xf32> to vector<128x128xf32>
    %convert_element_type3A_95 = arith.truncf %slice3A_94 : vector<128x128xf32> to vector<128x128xbf16>
    %dot_general3A_96 = arith.constant dense<0.000000e+00> : vector<512x128xf32>
    %dot_general3A_97 = tpu.matmul %convert_element_type3A_13, %convert_element_type3A_95, %dot_general3A_96 {dimension_numbers = #tpu.dot_dimension_numbers<[1], [0], [0], [1], [0, 0, 1, 1], [], []>, transpose_lhs_hint = false} : vector<512x128xbf16>, vector<128x128xbf16>, vector<512x128xf32> -> vector<512x128xf32>
    %slice3A_98 = vector.extract_strided_slice %get3A_22 {offsets = [0, 512], sizes = [1, 128], strides = [1, 1]} : vector<1x4096xf32> to vector<1x128xf32>
    %add3A_99 = vector.broadcast %slice3A_98 : vector<1x128xf32> to vector<512x128xf32>
    %add3A_100 = arith.addf %dot_general3A_97, %add3A_99 : vector<512x128xf32>
    %slice3A_101 = vector.extract_strided_slice %get3A_16 {offsets = [0, 8], sizes = [512, 1], strides = [1, 1]} : vector<512x64xf32> to vector<512x1xf32>
    %broadcast_in_dim3A_102 = vector.shape_cast %slice3A_101 : vector<512x1xf32> to vector<512x1xf32>
    %broadcast_in_dim3A_103 = vector.broadcast %broadcast_in_dim3A_102 : vector<512x1xf32> to vector<512x64xf32>
    %slice3A_104 = vector.extract_strided_slice %get3A_16 {offsets = [0, 9], sizes = [512, 1], strides = [1, 1]} : vector<512x64xf32> to vector<512x1xf32>
    %broadcast_in_dim3A_105 = vector.shape_cast %slice3A_104 : vector<512x1xf32> to vector<512x1xf32>
    %broadcast_in_dim3A_106 = vector.broadcast %broadcast_in_dim3A_105 : vector<512x1xf32> to vector<512x64xf32>
    %concatenate3A_107 = tpu.concatenate %broadcast_in_dim3A_103, %broadcast_in_dim3A_106 in 1 : vector<512x64xf32>, vector<512x64xf32> -> vector<512x128xf32>
    %mul3A_108 = arith.mulf %concatenate3A_107, %add3A_100 : vector<512x128xf32>
    %slice3A_109 = vector.extract_strided_slice %mul3A_108 {offsets = [0, 0], sizes = [512, 64], strides = [1, 1]} : vector<512x128xf32> to vector<512x64xf32>
    %slice3A_110 = vector.extract_strided_slice %mul3A_108 {offsets = [0, 64], sizes = [512, 64], strides = [1, 1]} : vector<512x128xf32> to vector<512x64xf32>
    %add3A_111 = arith.addf %slice3A_109, %slice3A_110 : vector<512x64xf32>
    %add3A_112 = arith.addf %add3A_93, %add3A_111 : vector<512x64xf32>
    %slice3A_113 = vector.extract_strided_slice %get3A_19 {offsets = [0, 640], sizes = [128, 128], strides = [1, 1]} : vector<128x4096xf32> to vector<128x128xf32>
    %convert_element_type3A_114 = arith.truncf %slice3A_113 : vector<128x128xf32> to vector<128x128xbf16>
    %dot_general3A_115 = arith.constant dense<0.000000e+00> : vector<512x128xf32>
    %dot_general3A_116 = tpu.matmul %convert_element_type3A_13, %convert_element_type3A_114, %dot_general3A_115 {dimension_numbers = #tpu.dot_dimension_numbers<[1], [0], [0], [1], [0, 0, 1, 1], [], []>, transpose_lhs_hint = false} : vector<512x128xbf16>, vector<128x128xbf16>, vector<512x128xf32> -> vector<512x128xf32>
    %slice3A_117 = vector.extract_strided_slice %get3A_22 {offsets = [0, 640], sizes = [1, 128], strides = [1, 1]} : vector<1x4096xf32> to vector<1x128xf32>
    %add3A_118 = vector.broadcast %slice3A_117 : vector<1x128xf32> to vector<512x128xf32>
    %add3A_119 = arith.addf %dot_general3A_116, %add3A_118 : vector<512x128xf32>
    %slice3A_120 = vector.extract_strided_slice %get3A_16 {offsets = [0, 10], sizes = [512, 1], strides = [1, 1]} : vector<512x64xf32> to vector<512x1xf32>
    %broadcast_in_dim3A_121 = vector.shape_cast %slice3A_120 : vector<512x1xf32> to vector<512x1xf32>
    %broadcast_in_dim3A_122 = vector.broadcast %broadcast_in_dim3A_121 : vector<512x1xf32> to vector<512x64xf32>
    %slice3A_123 = vector.extract_strided_slice %get3A_16 {offsets = [0, 11], sizes = [512, 1], strides = [1, 1]} : vector<512x64xf32> to vector<512x1xf32>
    %broadcast_in_dim3A_124 = vector.shape_cast %slice3A_123 : vector<512x1xf32> to vector<512x1xf32>
    %broadcast_in_dim3A_125 = vector.broadcast %broadcast_in_dim3A_124 : vector<512x1xf32> to vector<512x64xf32>
    %concatenate3A_126 = tpu.concatenate %broadcast_in_dim3A_122, %broadcast_in_dim3A_125 in 1 : vector<512x64xf32>, vector<512x64xf32> -> vector<512x128xf32>
    %mul3A_127 = arith.mulf %concatenate3A_126, %add3A_119 : vector<512x128xf32>
    %slice3A_128 = vector.extract_strided_slice %mul3A_127 {offsets = [0, 0], sizes = [512, 64], strides = [1, 1]} : vector<512x128xf32> to vector<512x64xf32>
    %slice3A_129 = vector.extract_strided_slice %mul3A_127 {offsets = [0, 64], sizes = [512, 64], strides = [1, 1]} : vector<512x128xf32> to vector<512x64xf32>
    %add3A_130 = arith.addf %slice3A_128, %slice3A_129 : vector<512x64xf32>
    %add3A_131 = arith.addf %add3A_112, %add3A_130 : vector<512x64xf32>
    %slice3A_132 = vector.extract_strided_slice %get3A_19 {offsets = [0, 768], sizes = [128, 128], strides = [1, 1]} : vector<128x4096xf32> to vector<128x128xf32>
    %convert_element_type3A_133 = arith.truncf %slice3A_132 : vector<128x128xf32> to vector<128x128xbf16>
    %dot_general3A_134 = arith.constant dense<0.000000e+00> : vector<512x128xf32>
    %dot_general3A_135 = tpu.matmul %convert_element_type3A_13, %convert_element_type3A_133, %dot_general3A_134 {dimension_numbers = #tpu.dot_dimension_numbers<[1], [0], [0], [1], [0, 0, 1, 1], [], []>, transpose_lhs_hint = false} : vector<512x128xbf16>, vector<128x128xbf16>, vector<512x128xf32> -> vector<512x128xf32>
    %slice3A_136 = vector.extract_strided_slice %get3A_22 {offsets = [0, 768], sizes = [1, 128], strides = [1, 1]} : vector<1x4096xf32> to vector<1x128xf32>
    %add3A_137 = vector.broadcast %slice3A_136 : vector<1x128xf32> to vector<512x128xf32>
    %add3A_138 = arith.addf %dot_general3A_135, %add3A_137 : vector<512x128xf32>
    %slice3A_139 = vector.extract_strided_slice %get3A_16 {offsets = [0, 12], sizes = [512, 1], strides = [1, 1]} : vector<512x64xf32> to vector<512x1xf32>
    %broadcast_in_dim3A_140 = vector.shape_cast %slice3A_139 : vector<512x1xf32> to vector<512x1xf32>
    %broadcast_in_dim3A_141 = vector.broadcast %broadcast_in_dim3A_140 : vector<512x1xf32> to vector<512x64xf32>
    %slice3A_142 = vector.extract_strided_slice %get3A_16 {offsets = [0, 13], sizes = [512, 1], strides = [1, 1]} : vector<512x64xf32> to vector<512x1xf32>
    %broadcast_in_dim3A_143 = vector.shape_cast %slice3A_142 : vector<512x1xf32> to vector<512x1xf32>
    %broadcast_in_dim3A_144 = vector.broadcast %broadcast_in_dim3A_143 : vector<512x1xf32> to vector<512x64xf32>
    %concatenate3A_145 = tpu.concatenate %broadcast_in_dim3A_141, %broadcast_in_dim3A_144 in 1 : vector<512x64xf32>, vector<512x64xf32> -> vector<512x128xf32>
    %mul3A_146 = arith.mulf %concatenate3A_145, %add3A_138 : vector<512x128xf32>
    %slice3A_147 = vector.extract_strided_slice %mul3A_146 {offsets = [0, 0], sizes = [512, 64], strides = [1, 1]} : vector<512x128xf32> to vector<512x64xf32>
    %slice3A_148 = vector.extract_strided_slice %mul3A_146 {offsets = [0, 64], sizes = [512, 64], strides = [1, 1]} : vector<512x128xf32> to vector<512x64xf32>
    %add3A_149 = arith.addf %slice3A_147, %slice3A_148 : vector<512x64xf32>
    %add3A_150 = arith.addf %add3A_131, %add3A_149 : vector<512x64xf32>
    %slice3A_151 = vector.extract_strided_slice %get3A_19 {offsets = [0, 896], sizes = [128, 128], strides = [1, 1]} : vector<128x4096xf32> to vector<128x128xf32>
    %convert_element_type3A_152 = arith.truncf %slice3A_151 : vector<128x128xf32> to vector<128x128xbf16>
    %dot_general3A_153 = arith.constant dense<0.000000e+00> : vector<512x128xf32>
    %dot_general3A_154 = tpu.matmul %convert_element_type3A_13, %convert_element_type3A_152, %dot_general3A_153 {dimension_numbers = #tpu.dot_dimension_numbers<[1], [0], [0], [1], [0, 0, 1, 1], [], []>, transpose_lhs_hint = false} : vector<512x128xbf16>, vector<128x128xbf16>, vector<512x128xf32> -> vector<512x128xf32>
    %slice3A_155 = vector.extract_strided_slice %get3A_22 {offsets = [0, 896], sizes = [1, 128], strides = [1, 1]} : vector<1x4096xf32> to vector<1x128xf32>
    %add3A_156 = vector.broadcast %slice3A_155 : vector<1x128xf32> to vector<512x128xf32>
    %add3A_157 = arith.addf %dot_general3A_154, %add3A_156 : vector<512x128xf32>
    %slice3A_158 = vector.extract_strided_slice %get3A_16 {offsets = [0, 14], sizes = [512, 1], strides = [1, 1]} : vector<512x64xf32> to vector<512x1xf32>
    %broadcast_in_dim3A_159 = vector.shape_cast %slice3A_158 : vector<512x1xf32> to vector<512x1xf32>
    %broadcast_in_dim3A_160 = vector.broadcast %broadcast_in_dim3A_159 : vector<512x1xf32> to vector<512x64xf32>
    %slice3A_161 = vector.extract_strided_slice %get3A_16 {offsets = [0, 15], sizes = [512, 1], strides = [1, 1]} : vector<512x64xf32> to vector<512x1xf32>
    %broadcast_in_dim3A_162 = vector.shape_cast %slice3A_161 : vector<512x1xf32> to vector<512x1xf32>
    %broadcast_in_dim3A_163 = vector.broadcast %broadcast_in_dim3A_162 : vector<512x1xf32> to vector<512x64xf32>
    %concatenate3A_164 = tpu.concatenate %broadcast_in_dim3A_160, %broadcast_in_dim3A_163 in 1 : vector<512x64xf32>, vector<512x64xf32> -> vector<512x128xf32>
    %mul3A_165 = arith.mulf %concatenate3A_164, %add3A_157 : vector<512x128xf32>
    %slice3A_166 = vector.extract_strided_slice %mul3A_165 {offsets = [0, 0], sizes = [512, 64], strides = [1, 1]} : vector<512x128xf32> to vector<512x64xf32>
    %slice3A_167 = vector.extract_strided_slice %mul3A_165 {offsets = [0, 64], sizes = [512, 64], strides = [1, 1]} : vector<512x128xf32> to vector<512x64xf32>
    %add3A_168 = arith.addf %slice3A_166, %slice3A_167 : vector<512x64xf32>
    %add3A_169 = arith.addf %add3A_150, %add3A_168 : vector<512x64xf32>
    %slice3A_170 = vector.extract_strided_slice %get3A_19 {offsets = [0, 1024], sizes = [128, 128], strides = [1, 1]} : vector<128x4096xf32> to vector<128x128xf32>
    %convert_element_type3A_171 = arith.truncf %slice3A_170 : vector<128x128xf32> to vector<128x128xbf16>
    %dot_general3A_172 = arith.constant dense<0.000000e+00> : vector<512x128xf32>
    %dot_general3A_173 = tpu.matmul %convert_element_type3A_13, %convert_element_type3A_171, %dot_general3A_172 {dimension_numbers = #tpu.dot_dimension_numbers<[1], [0], [0], [1], [0, 0, 1, 1], [], []>, transpose_lhs_hint = false} : vector<512x128xbf16>, vector<128x128xbf16>, vector<512x128xf32> -> vector<512x128xf32>
    %slice3A_174 = vector.extract_strided_slice %get3A_22 {offsets = [0, 1024], sizes = [1, 128], strides = [1, 1]} : vector<1x4096xf32> to vector<1x128xf32>
    %add3A_175 = vector.broadcast %slice3A_174 : vector<1x128xf32> to vector<512x128xf32>
    %add3A_176 = arith.addf %dot_general3A_173, %add3A_175 : vector<512x128xf32>
    %slice3A_177 = vector.extract_strided_slice %get3A_16 {offsets = [0, 16], sizes = [512, 1], strides = [1, 1]} : vector<512x64xf32> to vector<512x1xf32>
    %broadcast_in_dim3A_178 = vector.shape_cast %slice3A_177 : vector<512x1xf32> to vector<512x1xf32>
    %broadcast_in_dim3A_179 = vector.broadcast %broadcast_in_dim3A_178 : vector<512x1xf32> to vector<512x64xf32>
    %slice3A_180 = vector.extract_strided_slice %get3A_16 {offsets = [0, 17], sizes = [512, 1], strides = [1, 1]} : vector<512x64xf32> to vector<512x1xf32>
    %broadcast_in_dim3A_181 = vector.shape_cast %slice3A_180 : vector<512x1xf32> to vector<512x1xf32>
    %broadcast_in_dim3A_182 = vector.broadcast %broadcast_in_dim3A_181 : vector<512x1xf32> to vector<512x64xf32>
    %concatenate3A_183 = tpu.concatenate %broadcast_in_dim3A_179, %broadcast_in_dim3A_182 in 1 : vector<512x64xf32>, vector<512x64xf32> -> vector<512x128xf32>
    %mul3A_184 = arith.mulf %concatenate3A_183, %add3A_176 : vector<512x128xf32>
    %slice3A_185 = vector.extract_strided_slice %mul3A_184 {offsets = [0, 0], sizes = [512, 64], strides = [1, 1]} : vector<512x128xf32> to vector<512x64xf32>
    %slice3A_186 = vector.extract_strided_slice %mul3A_184 {offsets = [0, 64], sizes = [512, 64], strides = [1, 1]} : vector<512x128xf32> to vector<512x64xf32>
    %add3A_187 = arith.addf %slice3A_185, %slice3A_186 : vector<512x64xf32>
    %add3A_188 = arith.addf %add3A_169, %add3A_187 : vector<512x64xf32>
    %slice3A_189 = vector.extract_strided_slice %get3A_19 {offsets = [0, 1152], sizes = [128, 128], strides = [1, 1]} : vector<128x4096xf32> to vector<128x128xf32>
    %convert_element_type3A_190 = arith.truncf %slice3A_189 : vector<128x128xf32> to vector<128x128xbf16>
    %dot_general3A_191 = arith.constant dense<0.000000e+00> : vector<512x128xf32>
    %dot_general3A_192 = tpu.matmul %convert_element_type3A_13, %convert_element_type3A_190, %dot_general3A_191 {dimension_numbers = #tpu.dot_dimension_numbers<[1], [0], [0], [1], [0, 0, 1, 1], [], []>, transpose_lhs_hint = false} : vector<512x128xbf16>, vector<128x128xbf16>, vector<512x128xf32> -> vector<512x128xf32>
    %slice3A_193 = vector.extract_strided_slice %get3A_22 {offsets = [0, 1152], sizes = [1, 128], strides = [1, 1]} : vector<1x4096xf32> to vector<1x128xf32>
    %add3A_194 = vector.broadcast %slice3A_193 : vector<1x128xf32> to vector<512x128xf32>
    %add3A_195 = arith.addf %dot_general3A_192, %add3A_194 : vector<512x128xf32>
    %slice3A_196 = vector.extract_strided_slice %get3A_16 {offsets = [0, 18], sizes = [512, 1], strides = [1, 1]} : vector<512x64xf32> to vector<512x1xf32>
    %broadcast_in_dim3A_197 = vector.shape_cast %slice3A_196 : vector<512x1xf32> to vector<512x1xf32>
    %broadcast_in_dim3A_198 = vector.broadcast %broadcast_in_dim3A_197 : vector<512x1xf32> to vector<512x64xf32>
    %slice3A_199 = vector.extract_strided_slice %get3A_16 {offsets = [0, 19], sizes = [512, 1], strides = [1, 1]} : vector<512x64xf32> to vector<512x1xf32>
    %broadcast_in_dim3A_200 = vector.shape_cast %slice3A_199 : vector<512x1xf32> to vector<512x1xf32>
    %broadcast_in_dim3A_201 = vector.broadcast %broadcast_in_dim3A_200 : vector<512x1xf32> to vector<512x64xf32>
    %concatenate3A_202 = tpu.concatenate %broadcast_in_dim3A_198, %broadcast_in_dim3A_201 in 1 : vector<512x64xf32>, vector<512x64xf32> -> vector<512x128xf32>
    %mul3A_203 = arith.mulf %concatenate3A_202, %add3A_195 : vector<512x128xf32>
    %slice3A_204 = vector.extract_strided_slice %mul3A_203 {offsets = [0, 0], sizes = [512, 64], strides = [1, 1]} : vector<512x128xf32> to vector<512x64xf32>
    %slice3A_205 = vector.extract_strided_slice %mul3A_203 {offsets = [0, 64], sizes = [512, 64], strides = [1, 1]} : vector<512x128xf32> to vector<512x64xf32>
    %add3A_206 = arith.addf %slice3A_204, %slice3A_205 : vector<512x64xf32>
    %add3A_207 = arith.addf %add3A_188, %add3A_206 : vector<512x64xf32>
    %slice3A_208 = vector.extract_strided_slice %get3A_19 {offsets = [0, 1280], sizes = [128, 128], strides = [1, 1]} : vector<128x4096xf32> to vector<128x128xf32>
    %convert_element_type3A_209 = arith.truncf %slice3A_208 : vector<128x128xf32> to vector<128x128xbf16>
    %dot_general3A_210 = arith.constant dense<0.000000e+00> : vector<512x128xf32>
    %dot_general3A_211 = tpu.matmul %convert_element_type3A_13, %convert_element_type3A_209, %dot_general3A_210 {dimension_numbers = #tpu.dot_dimension_numbers<[1], [0], [0], [1], [0, 0, 1, 1], [], []>, transpose_lhs_hint = false} : vector<512x128xbf16>, vector<128x128xbf16>, vector<512x128xf32> -> vector<512x128xf32>
    %slice3A_212 = vector.extract_strided_slice %get3A_22 {offsets = [0, 1280], sizes = [1, 128], strides = [1, 1]} : vector<1x4096xf32> to vector<1x128xf32>
    %add3A_213 = vector.broadcast %slice3A_212 : vector<1x128xf32> to vector<512x128xf32>
    %add3A_214 = arith.addf %dot_general3A_211, %add3A_213 : vector<512x128xf32>
    %slice3A_215 = vector.extract_strided_slice %get3A_16 {offsets = [0, 20], sizes = [512, 1], strides = [1, 1]} : vector<512x64xf32> to vector<512x1xf32>
    %broadcast_in_dim3A_216 = vector.shape_cast %slice3A_215 : vector<512x1xf32> to vector<512x1xf32>
    %broadcast_in_dim3A_217 = vector.broadcast %broadcast_in_dim3A_216 : vector<512x1xf32> to vector<512x64xf32>
    %slice3A_218 = vector.extract_strided_slice %get3A_16 {offsets = [0, 21], sizes = [512, 1], strides = [1, 1]} : vector<512x64xf32> to vector<512x1xf32>
    %broadcast_in_dim3A_219 = vector.shape_cast %slice3A_218 : vector<512x1xf32> to vector<512x1xf32>
    %broadcast_in_dim3A_220 = vector.broadcast %broadcast_in_dim3A_219 : vector<512x1xf32> to vector<512x64xf32>
    %concatenate3A_221 = tpu.concatenate %broadcast_in_dim3A_217, %broadcast_in_dim3A_220 in 1 : vector<512x64xf32>, vector<512x64xf32> -> vector<512x128xf32>
    %mul3A_222 = arith.mulf %concatenate3A_221, %add3A_214 : vector<512x128xf32>
    %slice3A_223 = vector.extract_strided_slice %mul3A_222 {offsets = [0, 0], sizes = [512, 64], strides = [1, 1]} : vector<512x128xf32> to vector<512x64xf32>
    %slice3A_224 = vector.extract_strided_slice %mul3A_222 {offsets = [0, 64], sizes = [512, 64], strides = [1, 1]} : vector<512x128xf32> to vector<512x64xf32>
    %add3A_225 = arith.addf %slice3A_223, %slice3A_224 : vector<512x64xf32>
    %add3A_226 = arith.addf %add3A_207, %add3A_225 : vector<512x64xf32>
    %slice3A_227 = vector.extract_strided_slice %get3A_19 {offsets = [0, 1408], sizes = [128, 128], strides = [1, 1]} : vector<128x4096xf32> to vector<128x128xf32>
    %convert_element_type3A_228 = arith.truncf %slice3A_227 : vector<128x128xf32> to vector<128x128xbf16>
    %dot_general3A_229 = arith.constant dense<0.000000e+00> : vector<512x128xf32>
    %dot_general3A_230 = tpu.matmul %convert_element_type3A_13, %convert_element_type3A_228, %dot_general3A_229 {dimension_numbers = #tpu.dot_dimension_numbers<[1], [0], [0], [1], [0, 0, 1, 1], [], []>, transpose_lhs_hint = false} : vector<512x128xbf16>, vector<128x128xbf16>, vector<512x128xf32> -> vector<512x128xf32>
    %slice3A_231 = vector.extract_strided_slice %get3A_22 {offsets = [0, 1408], sizes = [1, 128], strides = [1, 1]} : vector<1x4096xf32> to vector<1x128xf32>
    %add3A_232 = vector.broadcast %slice3A_231 : vector<1x128xf32> to vector<512x128xf32>
    %add3A_233 = arith.addf %dot_general3A_230, %add3A_232 : vector<512x128xf32>
    %slice3A_234 = vector.extract_strided_slice %get3A_16 {offsets = [0, 22], sizes = [512, 1], strides = [1, 1]} : vector<512x64xf32> to vector<512x1xf32>
    %broadcast_in_dim3A_235 = vector.shape_cast %slice3A_234 : vector<512x1xf32> to vector<512x1xf32>
    %broadcast_in_dim3A_236 = vector.broadcast %broadcast_in_dim3A_235 : vector<512x1xf32> to vector<512x64xf32>
    %slice3A_237 = vector.extract_strided_slice %get3A_16 {offsets = [0, 23], sizes = [512, 1], strides = [1, 1]} : vector<512x64xf32> to vector<512x1xf32>
    %broadcast_in_dim3A_238 = vector.shape_cast %slice3A_237 : vector<512x1xf32> to vector<512x1xf32>
    %broadcast_in_dim3A_239 = vector.broadcast %broadcast_in_dim3A_238 : vector<512x1xf32> to vector<512x64xf32>
    %concatenate3A_240 = tpu.concatenate %broadcast_in_dim3A_236, %broadcast_in_dim3A_239 in 1 : vector<512x64xf32>, vector<512x64xf32> -> vector<512x128xf32>
    %mul3A_241 = arith.mulf %concatenate3A_240, %add3A_233 : vector<512x128xf32>
    %slice3A_242 = vector.extract_strided_slice %mul3A_241 {offsets = [0, 0], sizes = [512, 64], strides = [1, 1]} : vector<512x128xf32> to vector<512x64xf32>
    %slice3A_243 = vector.extract_strided_slice %mul3A_241 {offsets = [0, 64], sizes = [512, 64], strides = [1, 1]} : vector<512x128xf32> to vector<512x64xf32>
    %add3A_244 = arith.addf %slice3A_242, %slice3A_243 : vector<512x64xf32>
    %add3A_245 = arith.addf %add3A_226, %add3A_244 : vector<512x64xf32>
    %slice3A_246 = vector.extract_strided_slice %get3A_19 {offsets = [0, 1536], sizes = [128, 128], strides = [1, 1]} : vector<128x4096xf32> to vector<128x128xf32>
    %convert_element_type3A_247 = arith.truncf %slice3A_246 : vector<128x128xf32> to vector<128x128xbf16>
    %dot_general3A_248 = arith.constant dense<0.000000e+00> : vector<512x128xf32>
    %dot_general3A_249 = tpu.matmul %convert_element_type3A_13, %convert_element_type3A_247, %dot_general3A_248 {dimension_numbers = #tpu.dot_dimension_numbers<[1], [0], [0], [1], [0, 0, 1, 1], [], []>, transpose_lhs_hint = false} : vector<512x128xbf16>, vector<128x128xbf16>, vector<512x128xf32> -> vector<512x128xf32>
    %slice3A_250 = vector.extract_strided_slice %get3A_22 {offsets = [0, 1536], sizes = [1, 128], strides = [1, 1]} : vector<1x4096xf32> to vector<1x128xf32>
    %add3A_251 = vector.broadcast %slice3A_250 : vector<1x128xf32> to vector<512x128xf32>
    %add3A_252 = arith.addf %dot_general3A_249, %add3A_251 : vector<512x128xf32>
    %slice3A_253 = vector.extract_strided_slice %get3A_16 {offsets = [0, 24], sizes = [512, 1], strides = [1, 1]} : vector<512x64xf32> to vector<512x1xf32>
    %broadcast_in_dim3A_254 = vector.shape_cast %slice3A_253 : vector<512x1xf32> to vector<512x1xf32>
    %broadcast_in_dim3A_255 = vector.broadcast %broadcast_in_dim3A_254 : vector<512x1xf32> to vector<512x64xf32>
    %slice3A_256 = vector.extract_strided_slice %get3A_16 {offsets = [0, 25], sizes = [512, 1], strides = [1, 1]} : vector<512x64xf32> to vector<512x1xf32>
    %broadcast_in_dim3A_257 = vector.shape_cast %slice3A_256 : vector<512x1xf32> to vector<512x1xf32>
    %broadcast_in_dim3A_258 = vector.broadcast %broadcast_in_dim3A_257 : vector<512x1xf32> to vector<512x64xf32>
    %concatenate3A_259 = tpu.concatenate %broadcast_in_dim3A_255, %broadcast_in_dim3A_258 in 1 : vector<512x64xf32>, vector<512x64xf32> -> vector<512x128xf32>
    %mul3A_260 = arith.mulf %concatenate3A_259, %add3A_252 : vector<512x128xf32>
    %slice3A_261 = vector.extract_strided_slice %mul3A_260 {offsets = [0, 0], sizes = [512, 64], strides = [1, 1]} : vector<512x128xf32> to vector<512x64xf32>
    %slice3A_262 = vector.extract_strided_slice %mul3A_260 {offsets = [0, 64], sizes = [512, 64], strides = [1, 1]} : vector<512x128xf32> to vector<512x64xf32>
    %add3A_263 = arith.addf %slice3A_261, %slice3A_262 : vector<512x64xf32>
    %add3A_264 = arith.addf %add3A_245, %add3A_263 : vector<512x64xf32>
    %slice3A_265 = vector.extract_strided_slice %get3A_19 {offsets = [0, 1664], sizes = [128, 128], strides = [1, 1]} : vector<128x4096xf32> to vector<128x128xf32>
    %convert_element_type3A_266 = arith.truncf %slice3A_265 : vector<128x128xf32> to vector<128x128xbf16>
    %dot_general3A_267 = arith.constant dense<0.000000e+00> : vector<512x128xf32>
    %dot_general3A_268 = tpu.matmul %convert_element_type3A_13, %convert_element_type3A_266, %dot_general3A_267 {dimension_numbers = #tpu.dot_dimension_numbers<[1], [0], [0], [1], [0, 0, 1, 1], [], []>, transpose_lhs_hint = false} : vector<512x128xbf16>, vector<128x128xbf16>, vector<512x128xf32> -> vector<512x128xf32>
    %slice3A_269 = vector.extract_strided_slice %get3A_22 {offsets = [0, 1664], sizes = [1, 128], strides = [1, 1]} : vector<1x4096xf32> to vector<1x128xf32>
    %add3A_270 = vector.broadcast %slice3A_269 : vector<1x128xf32> to vector<512x128xf32>
    %add3A_271 = arith.addf %dot_general3A_268, %add3A_270 : vector<512x128xf32>
    %slice3A_272 = vector.extract_strided_slice %get3A_16 {offsets = [0, 26], sizes = [512, 1], strides = [1, 1]} : vector<512x64xf32> to vector<512x1xf32>
    %broadcast_in_dim3A_273 = vector.shape_cast %slice3A_272 : vector<512x1xf32> to vector<512x1xf32>
    %broadcast_in_dim3A_274 = vector.broadcast %broadcast_in_dim3A_273 : vector<512x1xf32> to vector<512x64xf32>
    %slice3A_275 = vector.extract_strided_slice %get3A_16 {offsets = [0, 27], sizes = [512, 1], strides = [1, 1]} : vector<512x64xf32> to vector<512x1xf32>
    %broadcast_in_dim3A_276 = vector.shape_cast %slice3A_275 : vector<512x1xf32> to vector<512x1xf32>
    %broadcast_in_dim3A_277 = vector.broadcast %broadcast_in_dim3A_276 : vector<512x1xf32> to vector<512x64xf32>
    %concatenate3A_278 = tpu.concatenate %broadcast_in_dim3A_274, %broadcast_in_dim3A_277 in 1 : vector<512x64xf32>, vector<512x64xf32> -> vector<512x128xf32>
    %mul3A_279 = arith.mulf %concatenate3A_278, %add3A_271 : vector<512x128xf32>
    %slice3A_280 = vector.extract_strided_slice %mul3A_279 {offsets = [0, 0], sizes = [512, 64], strides = [1, 1]} : vector<512x128xf32> to vector<512x64xf32>
    %slice3A_281 = vector.extract_strided_slice %mul3A_279 {offsets = [0, 64], sizes = [512, 64], strides = [1, 1]} : vector<512x128xf32> to vector<512x64xf32>
    %add3A_282 = arith.addf %slice3A_280, %slice3A_281 : vector<512x64xf32>
    %add3A_283 = arith.addf %add3A_264, %add3A_282 : vector<512x64xf32>
    %slice3A_284 = vector.extract_strided_slice %get3A_19 {offsets = [0, 1792], sizes = [128, 128], strides = [1, 1]} : vector<128x4096xf32> to vector<128x128xf32>
    %convert_element_type3A_285 = arith.truncf %slice3A_284 : vector<128x128xf32> to vector<128x128xbf16>
    %dot_general3A_286 = arith.constant dense<0.000000e+00> : vector<512x128xf32>
    %dot_general3A_287 = tpu.matmul %convert_element_type3A_13, %convert_element_type3A_285, %dot_general3A_286 {dimension_numbers = #tpu.dot_dimension_numbers<[1], [0], [0], [1], [0, 0, 1, 1], [], []>, transpose_lhs_hint = false} : vector<512x128xbf16>, vector<128x128xbf16>, vector<512x128xf32> -> vector<512x128xf32>
    %slice3A_288 = vector.extract_strided_slice %get3A_22 {offsets = [0, 1792], sizes = [1, 128], strides = [1, 1]} : vector<1x4096xf32> to vector<1x128xf32>
    %add3A_289 = vector.broadcast %slice3A_288 : vector<1x128xf32> to vector<512x128xf32>
    %add3A_290 = arith.addf %dot_general3A_287, %add3A_289 : vector<512x128xf32>
    %slice3A_291 = vector.extract_strided_slice %get3A_16 {offsets = [0, 28], sizes = [512, 1], strides = [1, 1]} : vector<512x64xf32> to vector<512x1xf32>
    %broadcast_in_dim3A_292 = vector.shape_cast %slice3A_291 : vector<512x1xf32> to vector<512x1xf32>
    %broadcast_in_dim3A_293 = vector.broadcast %broadcast_in_dim3A_292 : vector<512x1xf32> to vector<512x64xf32>
    %slice3A_294 = vector.extract_strided_slice %get3A_16 {offsets = [0, 29], sizes = [512, 1], strides = [1, 1]} : vector<512x64xf32> to vector<512x1xf32>
    %broadcast_in_dim3A_295 = vector.shape_cast %slice3A_294 : vector<512x1xf32> to vector<512x1xf32>
    %broadcast_in_dim3A_296 = vector.broadcast %broadcast_in_dim3A_295 : vector<512x1xf32> to vector<512x64xf32>
    %concatenate3A_297 = tpu.concatenate %broadcast_in_dim3A_293, %broadcast_in_dim3A_296 in 1 : vector<512x64xf32>, vector<512x64xf32> -> vector<512x128xf32>
    %mul3A_298 = arith.mulf %concatenate3A_297, %add3A_290 : vector<512x128xf32>
    %slice3A_299 = vector.extract_strided_slice %mul3A_298 {offsets = [0, 0], sizes = [512, 64], strides = [1, 1]} : vector<512x128xf32> to vector<512x64xf32>
    %slice3A_300 = vector.extract_strided_slice %mul3A_298 {offsets = [0, 64], sizes = [512, 64], strides = [1, 1]} : vector<512x128xf32> to vector<512x64xf32>
    %add3A_301 = arith.addf %slice3A_299, %slice3A_300 : vector<512x64xf32>
    %add3A_302 = arith.addf %add3A_283, %add3A_301 : vector<512x64xf32>
    %slice3A_303 = vector.extract_strided_slice %get3A_19 {offsets = [0, 1920], sizes = [128, 128], strides = [1, 1]} : vector<128x4096xf32> to vector<128x128xf32>
    %convert_element_type3A_304 = arith.truncf %slice3A_303 : vector<128x128xf32> to vector<128x128xbf16>
    %dot_general3A_305 = arith.constant dense<0.000000e+00> : vector<512x128xf32>
    %dot_general3A_306 = tpu.matmul %convert_element_type3A_13, %convert_element_type3A_304, %dot_general3A_305 {dimension_numbers = #tpu.dot_dimension_numbers<[1], [0], [0], [1], [0, 0, 1, 1], [], []>, transpose_lhs_hint = false} : vector<512x128xbf16>, vector<128x128xbf16>, vector<512x128xf32> -> vector<512x128xf32>
    %slice3A_307 = vector.extract_strided_slice %get3A_22 {offsets = [0, 1920], sizes = [1, 128], strides = [1, 1]} : vector<1x4096xf32> to vector<1x128xf32>
    %add3A_308 = vector.broadcast %slice3A_307 : vector<1x128xf32> to vector<512x128xf32>
    %add3A_309 = arith.addf %dot_general3A_306, %add3A_308 : vector<512x128xf32>
    %slice3A_310 = vector.extract_strided_slice %get3A_16 {offsets = [0, 30], sizes = [512, 1], strides = [1, 1]} : vector<512x64xf32> to vector<512x1xf32>
    %broadcast_in_dim3A_311 = vector.shape_cast %slice3A_310 : vector<512x1xf32> to vector<512x1xf32>
    %broadcast_in_dim3A_312 = vector.broadcast %broadcast_in_dim3A_311 : vector<512x1xf32> to vector<512x64xf32>
    %slice3A_313 = vector.extract_strided_slice %get3A_16 {offsets = [0, 31], sizes = [512, 1], strides = [1, 1]} : vector<512x64xf32> to vector<512x1xf32>
    %broadcast_in_dim3A_314 = vector.shape_cast %slice3A_313 : vector<512x1xf32> to vector<512x1xf32>
    %broadcast_in_dim3A_315 = vector.broadcast %broadcast_in_dim3A_314 : vector<512x1xf32> to vector<512x64xf32>
    %concatenate3A_316 = tpu.concatenate %broadcast_in_dim3A_312, %broadcast_in_dim3A_315 in 1 : vector<512x64xf32>, vector<512x64xf32> -> vector<512x128xf32>
    %mul3A_317 = arith.mulf %concatenate3A_316, %add3A_309 : vector<512x128xf32>
    %slice3A_318 = vector.extract_strided_slice %mul3A_317 {offsets = [0, 0], sizes = [512, 64], strides = [1, 1]} : vector<512x128xf32> to vector<512x64xf32>
    %slice3A_319 = vector.extract_strided_slice %mul3A_317 {offsets = [0, 64], sizes = [512, 64], strides = [1, 1]} : vector<512x128xf32> to vector<512x64xf32>
    %add3A_320 = arith.addf %slice3A_318, %slice3A_319 : vector<512x64xf32>
    %add3A_321 = arith.addf %add3A_302, %add3A_320 : vector<512x64xf32>
    %slice3A_322 = vector.extract_strided_slice %get3A_19 {offsets = [0, 2048], sizes = [128, 128], strides = [1, 1]} : vector<128x4096xf32> to vector<128x128xf32>
    %convert_element_type3A_323 = arith.truncf %slice3A_322 : vector<128x128xf32> to vector<128x128xbf16>
    %dot_general3A_324 = arith.constant dense<0.000000e+00> : vector<512x128xf32>
    %dot_general3A_325 = tpu.matmul %convert_element_type3A_13, %convert_element_type3A_323, %dot_general3A_324 {dimension_numbers = #tpu.dot_dimension_numbers<[1], [0], [0], [1], [0, 0, 1, 1], [], []>, transpose_lhs_hint = false} : vector<512x128xbf16>, vector<128x128xbf16>, vector<512x128xf32> -> vector<512x128xf32>
    %slice3A_326 = vector.extract_strided_slice %get3A_22 {offsets = [0, 2048], sizes = [1, 128], strides = [1, 1]} : vector<1x4096xf32> to vector<1x128xf32>
    %add3A_327 = vector.broadcast %slice3A_326 : vector<1x128xf32> to vector<512x128xf32>
    %add3A_328 = arith.addf %dot_general3A_325, %add3A_327 : vector<512x128xf32>
    %slice3A_329 = vector.extract_strided_slice %get3A_16 {offsets = [0, 32], sizes = [512, 1], strides = [1, 1]} : vector<512x64xf32> to vector<512x1xf32>
    %broadcast_in_dim3A_330 = vector.shape_cast %slice3A_329 : vector<512x1xf32> to vector<512x1xf32>
    %broadcast_in_dim3A_331 = vector.broadcast %broadcast_in_dim3A_330 : vector<512x1xf32> to vector<512x64xf32>
    %slice3A_332 = vector.extract_strided_slice %get3A_16 {offsets = [0, 33], sizes = [512, 1], strides = [1, 1]} : vector<512x64xf32> to vector<512x1xf32>
    %broadcast_in_dim3A_333 = vector.shape_cast %slice3A_332 : vector<512x1xf32> to vector<512x1xf32>
    %broadcast_in_dim3A_334 = vector.broadcast %broadcast_in_dim3A_333 : vector<512x1xf32> to vector<512x64xf32>
    %concatenate3A_335 = tpu.concatenate %broadcast_in_dim3A_331, %broadcast_in_dim3A_334 in 1 : vector<512x64xf32>, vector<512x64xf32> -> vector<512x128xf32>
    %mul3A_336 = arith.mulf %concatenate3A_335, %add3A_328 : vector<512x128xf32>
    %slice3A_337 = vector.extract_strided_slice %mul3A_336 {offsets = [0, 0], sizes = [512, 64], strides = [1, 1]} : vector<512x128xf32> to vector<512x64xf32>
    %slice3A_338 = vector.extract_strided_slice %mul3A_336 {offsets = [0, 64], sizes = [512, 64], strides = [1, 1]} : vector<512x128xf32> to vector<512x64xf32>
    %add3A_339 = arith.addf %slice3A_337, %slice3A_338 : vector<512x64xf32>
    %add3A_340 = arith.addf %add3A_321, %add3A_339 : vector<512x64xf32>
    %slice3A_341 = vector.extract_strided_slice %get3A_19 {offsets = [0, 2176], sizes = [128, 128], strides = [1, 1]} : vector<128x4096xf32> to vector<128x128xf32>
    %convert_element_type3A_342 = arith.truncf %slice3A_341 : vector<128x128xf32> to vector<128x128xbf16>
    %dot_general3A_343 = arith.constant dense<0.000000e+00> : vector<512x128xf32>
    %dot_general3A_344 = tpu.matmul %convert_element_type3A_13, %convert_element_type3A_342, %dot_general3A_343 {dimension_numbers = #tpu.dot_dimension_numbers<[1], [0], [0], [1], [0, 0, 1, 1], [], []>, transpose_lhs_hint = false} : vector<512x128xbf16>, vector<128x128xbf16>, vector<512x128xf32> -> vector<512x128xf32>
    %slice3A_345 = vector.extract_strided_slice %get3A_22 {offsets = [0, 2176], sizes = [1, 128], strides = [1, 1]} : vector<1x4096xf32> to vector<1x128xf32>
    %add3A_346 = vector.broadcast %slice3A_345 : vector<1x128xf32> to vector<512x128xf32>
    %add3A_347 = arith.addf %dot_general3A_344, %add3A_346 : vector<512x128xf32>
    %slice3A_348 = vector.extract_strided_slice %get3A_16 {offsets = [0, 34], sizes = [512, 1], strides = [1, 1]} : vector<512x64xf32> to vector<512x1xf32>
    %broadcast_in_dim3A_349 = vector.shape_cast %slice3A_348 : vector<512x1xf32> to vector<512x1xf32>
    %broadcast_in_dim3A_350 = vector.broadcast %broadcast_in_dim3A_349 : vector<512x1xf32> to vector<512x64xf32>
    %slice3A_351 = vector.extract_strided_slice %get3A_16 {offsets = [0, 35], sizes = [512, 1], strides = [1, 1]} : vector<512x64xf32> to vector<512x1xf32>
    %broadcast_in_dim3A_352 = vector.shape_cast %slice3A_351 : vector<512x1xf32> to vector<512x1xf32>
    %broadcast_in_dim3A_353 = vector.broadcast %broadcast_in_dim3A_352 : vector<512x1xf32> to vector<512x64xf32>
    %concatenate3A_354 = tpu.concatenate %broadcast_in_dim3A_350, %broadcast_in_dim3A_353 in 1 : vector<512x64xf32>, vector<512x64xf32> -> vector<512x128xf32>
    %mul3A_355 = arith.mulf %concatenate3A_354, %add3A_347 : vector<512x128xf32>
    %slice3A_356 = vector.extract_strided_slice %mul3A_355 {offsets = [0, 0], sizes = [512, 64], strides = [1, 1]} : vector<512x128xf32> to vector<512x64xf32>
    %slice3A_357 = vector.extract_strided_slice %mul3A_355 {offsets = [0, 64], sizes = [512, 64], strides = [1, 1]} : vector<512x128xf32> to vector<512x64xf32>
    %add3A_358 = arith.addf %slice3A_356, %slice3A_357 : vector<512x64xf32>
    %add3A_359 = arith.addf %add3A_340, %add3A_358 : vector<512x64xf32>
    %slice3A_360 = vector.extract_strided_slice %get3A_19 {offsets = [0, 2304], sizes = [128, 128], strides = [1, 1]} : vector<128x4096xf32> to vector<128x128xf32>
    %convert_element_type3A_361 = arith.truncf %slice3A_360 : vector<128x128xf32> to vector<128x128xbf16>
    %dot_general3A_362 = arith.constant dense<0.000000e+00> : vector<512x128xf32>
    %dot_general3A_363 = tpu.matmul %convert_element_type3A_13, %convert_element_type3A_361, %dot_general3A_362 {dimension_numbers = #tpu.dot_dimension_numbers<[1], [0], [0], [1], [0, 0, 1, 1], [], []>, transpose_lhs_hint = false} : vector<512x128xbf16>, vector<128x128xbf16>, vector<512x128xf32> -> vector<512x128xf32>
    %slice3A_364 = vector.extract_strided_slice %get3A_22 {offsets = [0, 2304], sizes = [1, 128], strides = [1, 1]} : vector<1x4096xf32> to vector<1x128xf32>
    %add3A_365 = vector.broadcast %slice3A_364 : vector<1x128xf32> to vector<512x128xf32>
    %add3A_366 = arith.addf %dot_general3A_363, %add3A_365 : vector<512x128xf32>
    %slice3A_367 = vector.extract_strided_slice %get3A_16 {offsets = [0, 36], sizes = [512, 1], strides = [1, 1]} : vector<512x64xf32> to vector<512x1xf32>
    %broadcast_in_dim3A_368 = vector.shape_cast %slice3A_367 : vector<512x1xf32> to vector<512x1xf32>
    %broadcast_in_dim3A_369 = vector.broadcast %broadcast_in_dim3A_368 : vector<512x1xf32> to vector<512x64xf32>
    %slice3A_370 = vector.extract_strided_slice %get3A_16 {offsets = [0, 37], sizes = [512, 1], strides = [1, 1]} : vector<512x64xf32> to vector<512x1xf32>
    %broadcast_in_dim3A_371 = vector.shape_cast %slice3A_370 : vector<512x1xf32> to vector<512x1xf32>
    %broadcast_in_dim3A_372 = vector.broadcast %broadcast_in_dim3A_371 : vector<512x1xf32> to vector<512x64xf32>
    %concatenate3A_373 = tpu.concatenate %broadcast_in_dim3A_369, %broadcast_in_dim3A_372 in 1 : vector<512x64xf32>, vector<512x64xf32> -> vector<512x128xf32>
    %mul3A_374 = arith.mulf %concatenate3A_373, %add3A_366 : vector<512x128xf32>
    %slice3A_375 = vector.extract_strided_slice %mul3A_374 {offsets = [0, 0], sizes = [512, 64], strides = [1, 1]} : vector<512x128xf32> to vector<512x64xf32>
    %slice3A_376 = vector.extract_strided_slice %mul3A_374 {offsets = [0, 64], sizes = [512, 64], strides = [1, 1]} : vector<512x128xf32> to vector<512x64xf32>
    %add3A_377 = arith.addf %slice3A_375, %slice3A_376 : vector<512x64xf32>
    %add3A_378 = arith.addf %add3A_359, %add3A_377 : vector<512x64xf32>
    %slice3A_379 = vector.extract_strided_slice %get3A_19 {offsets = [0, 2432], sizes = [128, 128], strides = [1, 1]} : vector<128x4096xf32> to vector<128x128xf32>
    %convert_element_type3A_380 = arith.truncf %slice3A_379 : vector<128x128xf32> to vector<128x128xbf16>
    %dot_general3A_381 = arith.constant dense<0.000000e+00> : vector<512x128xf32>
    %dot_general3A_382 = tpu.matmul %convert_element_type3A_13, %convert_element_type3A_380, %dot_general3A_381 {dimension_numbers = #tpu.dot_dimension_numbers<[1], [0], [0], [1], [0, 0, 1, 1], [], []>, transpose_lhs_hint = false} : vector<512x128xbf16>, vector<128x128xbf16>, vector<512x128xf32> -> vector<512x128xf32>
    %slice3A_383 = vector.extract_strided_slice %get3A_22 {offsets = [0, 2432], sizes = [1, 128], strides = [1, 1]} : vector<1x4096xf32> to vector<1x128xf32>
    %add3A_384 = vector.broadcast %slice3A_383 : vector<1x128xf32> to vector<512x128xf32>
    %add3A_385 = arith.addf %dot_general3A_382, %add3A_384 : vector<512x128xf32>
    %slice3A_386 = vector.extract_strided_slice %get3A_16 {offsets = [0, 38], sizes = [512, 1], strides = [1, 1]} : vector<512x64xf32> to vector<512x1xf32>
    %broadcast_in_dim3A_387 = vector.shape_cast %slice3A_386 : vector<512x1xf32> to vector<512x1xf32>
    %broadcast_in_dim3A_388 = vector.broadcast %broadcast_in_dim3A_387 : vector<512x1xf32> to vector<512x64xf32>
    %slice3A_389 = vector.extract_strided_slice %get3A_16 {offsets = [0, 39], sizes = [512, 1], strides = [1, 1]} : vector<512x64xf32> to vector<512x1xf32>
    %broadcast_in_dim3A_390 = vector.shape_cast %slice3A_389 : vector<512x1xf32> to vector<512x1xf32>
    %broadcast_in_dim3A_391 = vector.broadcast %broadcast_in_dim3A_390 : vector<512x1xf32> to vector<512x64xf32>
    %concatenate3A_392 = tpu.concatenate %broadcast_in_dim3A_388, %broadcast_in_dim3A_391 in 1 : vector<512x64xf32>, vector<512x64xf32> -> vector<512x128xf32>
    %mul3A_393 = arith.mulf %concatenate3A_392, %add3A_385 : vector<512x128xf32>
    %slice3A_394 = vector.extract_strided_slice %mul3A_393 {offsets = [0, 0], sizes = [512, 64], strides = [1, 1]} : vector<512x128xf32> to vector<512x64xf32>
    %slice3A_395 = vector.extract_strided_slice %mul3A_393 {offsets = [0, 64], sizes = [512, 64], strides = [1, 1]} : vector<512x128xf32> to vector<512x64xf32>
    %add3A_396 = arith.addf %slice3A_394, %slice3A_395 : vector<512x64xf32>
    %add3A_397 = arith.addf %add3A_378, %add3A_396 : vector<512x64xf32>
    %slice3A_398 = vector.extract_strided_slice %get3A_19 {offsets = [0, 2560], sizes = [128, 128], strides = [1, 1]} : vector<128x4096xf32> to vector<128x128xf32>
    %convert_element_type3A_399 = arith.truncf %slice3A_398 : vector<128x128xf32> to vector<128x128xbf16>
    %dot_general3A_400 = arith.constant dense<0.000000e+00> : vector<512x128xf32>
    %dot_general3A_401 = tpu.matmul %convert_element_type3A_13, %convert_element_type3A_399, %dot_general3A_400 {dimension_numbers = #tpu.dot_dimension_numbers<[1], [0], [0], [1], [0, 0, 1, 1], [], []>, transpose_lhs_hint = false} : vector<512x128xbf16>, vector<128x128xbf16>, vector<512x128xf32> -> vector<512x128xf32>
    %slice3A_402 = vector.extract_strided_slice %get3A_22 {offsets = [0, 2560], sizes = [1, 128], strides = [1, 1]} : vector<1x4096xf32> to vector<1x128xf32>
    %add3A_403 = vector.broadcast %slice3A_402 : vector<1x128xf32> to vector<512x128xf32>
    %add3A_404 = arith.addf %dot_general3A_401, %add3A_403 : vector<512x128xf32>
    %slice3A_405 = vector.extract_strided_slice %get3A_16 {offsets = [0, 40], sizes = [512, 1], strides = [1, 1]} : vector<512x64xf32> to vector<512x1xf32>
    %broadcast_in_dim3A_406 = vector.shape_cast %slice3A_405 : vector<512x1xf32> to vector<512x1xf32>
    %broadcast_in_dim3A_407 = vector.broadcast %broadcast_in_dim3A_406 : vector<512x1xf32> to vector<512x64xf32>
    %slice3A_408 = vector.extract_strided_slice %get3A_16 {offsets = [0, 41], sizes = [512, 1], strides = [1, 1]} : vector<512x64xf32> to vector<512x1xf32>
    %broadcast_in_dim3A_409 = vector.shape_cast %slice3A_408 : vector<512x1xf32> to vector<512x1xf32>
    %broadcast_in_dim3A_410 = vector.broadcast %broadcast_in_dim3A_409 : vector<512x1xf32> to vector<512x64xf32>
    %concatenate3A_411 = tpu.concatenate %broadcast_in_dim3A_407, %broadcast_in_dim3A_410 in 1 : vector<512x64xf32>, vector<512x64xf32> -> vector<512x128xf32>
    %mul3A_412 = arith.mulf %concatenate3A_411, %add3A_404 : vector<512x128xf32>
    %slice3A_413 = vector.extract_strided_slice %mul3A_412 {offsets = [0, 0], sizes = [512, 64], strides = [1, 1]} : vector<512x128xf32> to vector<512x64xf32>
    %slice3A_414 = vector.extract_strided_slice %mul3A_412 {offsets = [0, 64], sizes = [512, 64], strides = [1, 1]} : vector<512x128xf32> to vector<512x64xf32>
    %add3A_415 = arith.addf %slice3A_413, %slice3A_414 : vector<512x64xf32>
    %add3A_416 = arith.addf %add3A_397, %add3A_415 : vector<512x64xf32>
    %slice3A_417 = vector.extract_strided_slice %get3A_19 {offsets = [0, 2688], sizes = [128, 128], strides = [1, 1]} : vector<128x4096xf32> to vector<128x128xf32>
    %convert_element_type3A_418 = arith.truncf %slice3A_417 : vector<128x128xf32> to vector<128x128xbf16>
    %dot_general3A_419 = arith.constant dense<0.000000e+00> : vector<512x128xf32>
    %dot_general3A_420 = tpu.matmul %convert_element_type3A_13, %convert_element_type3A_418, %dot_general3A_419 {dimension_numbers = #tpu.dot_dimension_numbers<[1], [0], [0], [1], [0, 0, 1, 1], [], []>, transpose_lhs_hint = false} : vector<512x128xbf16>, vector<128x128xbf16>, vector<512x128xf32> -> vector<512x128xf32>
    %slice3A_421 = vector.extract_strided_slice %get3A_22 {offsets = [0, 2688], sizes = [1, 128], strides = [1, 1]} : vector<1x4096xf32> to vector<1x128xf32>
    %add3A_422 = vector.broadcast %slice3A_421 : vector<1x128xf32> to vector<512x128xf32>
    %add3A_423 = arith.addf %dot_general3A_420, %add3A_422 : vector<512x128xf32>
    %slice3A_424 = vector.extract_strided_slice %get3A_16 {offsets = [0, 42], sizes = [512, 1], strides = [1, 1]} : vector<512x64xf32> to vector<512x1xf32>
    %broadcast_in_dim3A_425 = vector.shape_cast %slice3A_424 : vector<512x1xf32> to vector<512x1xf32>
    %broadcast_in_dim3A_426 = vector.broadcast %broadcast_in_dim3A_425 : vector<512x1xf32> to vector<512x64xf32>
    %slice3A_427 = vector.extract_strided_slice %get3A_16 {offsets = [0, 43], sizes = [512, 1], strides = [1, 1]} : vector<512x64xf32> to vector<512x1xf32>
    %broadcast_in_dim3A_428 = vector.shape_cast %slice3A_427 : vector<512x1xf32> to vector<512x1xf32>
    %broadcast_in_dim3A_429 = vector.broadcast %broadcast_in_dim3A_428 : vector<512x1xf32> to vector<512x64xf32>
    %concatenate3A_430 = tpu.concatenate %broadcast_in_dim3A_426, %broadcast_in_dim3A_429 in 1 : vector<512x64xf32>, vector<512x64xf32> -> vector<512x128xf32>
    %mul3A_431 = arith.mulf %concatenate3A_430, %add3A_423 : vector<512x128xf32>
    %slice3A_432 = vector.extract_strided_slice %mul3A_431 {offsets = [0, 0], sizes = [512, 64], strides = [1, 1]} : vector<512x128xf32> to vector<512x64xf32>
    %slice3A_433 = vector.extract_strided_slice %mul3A_431 {offsets = [0, 64], sizes = [512, 64], strides = [1, 1]} : vector<512x128xf32> to vector<512x64xf32>
    %add3A_434 = arith.addf %slice3A_432, %slice3A_433 : vector<512x64xf32>
    %add3A_435 = arith.addf %add3A_416, %add3A_434 : vector<512x64xf32>
    %slice3A_436 = vector.extract_strided_slice %get3A_19 {offsets = [0, 2816], sizes = [128, 128], strides = [1, 1]} : vector<128x4096xf32> to vector<128x128xf32>
    %convert_element_type3A_437 = arith.truncf %slice3A_436 : vector<128x128xf32> to vector<128x128xbf16>
    %dot_general3A_438 = arith.constant dense<0.000000e+00> : vector<512x128xf32>
    %dot_general3A_439 = tpu.matmul %convert_element_type3A_13, %convert_element_type3A_437, %dot_general3A_438 {dimension_numbers = #tpu.dot_dimension_numbers<[1], [0], [0], [1], [0, 0, 1, 1], [], []>, transpose_lhs_hint = false} : vector<512x128xbf16>, vector<128x128xbf16>, vector<512x128xf32> -> vector<512x128xf32>
    %slice3A_440 = vector.extract_strided_slice %get3A_22 {offsets = [0, 2816], sizes = [1, 128], strides = [1, 1]} : vector<1x4096xf32> to vector<1x128xf32>
    %add3A_441 = vector.broadcast %slice3A_440 : vector<1x128xf32> to vector<512x128xf32>
    %add3A_442 = arith.addf %dot_general3A_439, %add3A_441 : vector<512x128xf32>
    %slice3A_443 = vector.extract_strided_slice %get3A_16 {offsets = [0, 44], sizes = [512, 1], strides = [1, 1]} : vector<512x64xf32> to vector<512x1xf32>
    %broadcast_in_dim3A_444 = vector.shape_cast %slice3A_443 : vector<512x1xf32> to vector<512x1xf32>
    %broadcast_in_dim3A_445 = vector.broadcast %broadcast_in_dim3A_444 : vector<512x1xf32> to vector<512x64xf32>
    %slice3A_446 = vector.extract_strided_slice %get3A_16 {offsets = [0, 45], sizes = [512, 1], strides = [1, 1]} : vector<512x64xf32> to vector<512x1xf32>
    %broadcast_in_dim3A_447 = vector.shape_cast %slice3A_446 : vector<512x1xf32> to vector<512x1xf32>
    %broadcast_in_dim3A_448 = vector.broadcast %broadcast_in_dim3A_447 : vector<512x1xf32> to vector<512x64xf32>
    %concatenate3A_449 = tpu.concatenate %broadcast_in_dim3A_445, %broadcast_in_dim3A_448 in 1 : vector<512x64xf32>, vector<512x64xf32> -> vector<512x128xf32>
    %mul3A_450 = arith.mulf %concatenate3A_449, %add3A_442 : vector<512x128xf32>
    %slice3A_451 = vector.extract_strided_slice %mul3A_450 {offsets = [0, 0], sizes = [512, 64], strides = [1, 1]} : vector<512x128xf32> to vector<512x64xf32>
    %slice3A_452 = vector.extract_strided_slice %mul3A_450 {offsets = [0, 64], sizes = [512, 64], strides = [1, 1]} : vector<512x128xf32> to vector<512x64xf32>
    %add3A_453 = arith.addf %slice3A_451, %slice3A_452 : vector<512x64xf32>
    %add3A_454 = arith.addf %add3A_435, %add3A_453 : vector<512x64xf32>
    %slice3A_455 = vector.extract_strided_slice %get3A_19 {offsets = [0, 2944], sizes = [128, 128], strides = [1, 1]} : vector<128x4096xf32> to vector<128x128xf32>
    %convert_element_type3A_456 = arith.truncf %slice3A_455 : vector<128x128xf32> to vector<128x128xbf16>
    %dot_general3A_457 = arith.constant dense<0.000000e+00> : vector<512x128xf32>
    %dot_general3A_458 = tpu.matmul %convert_element_type3A_13, %convert_element_type3A_456, %dot_general3A_457 {dimension_numbers = #tpu.dot_dimension_numbers<[1], [0], [0], [1], [0, 0, 1, 1], [], []>, transpose_lhs_hint = false} : vector<512x128xbf16>, vector<128x128xbf16>, vector<512x128xf32> -> vector<512x128xf32>
    %slice3A_459 = vector.extract_strided_slice %get3A_22 {offsets = [0, 2944], sizes = [1, 128], strides = [1, 1]} : vector<1x4096xf32> to vector<1x128xf32>
    %add3A_460 = vector.broadcast %slice3A_459 : vector<1x128xf32> to vector<512x128xf32>
    %add3A_461 = arith.addf %dot_general3A_458, %add3A_460 : vector<512x128xf32>
    %slice3A_462 = vector.extract_strided_slice %get3A_16 {offsets = [0, 46], sizes = [512, 1], strides = [1, 1]} : vector<512x64xf32> to vector<512x1xf32>
    %broadcast_in_dim3A_463 = vector.shape_cast %slice3A_462 : vector<512x1xf32> to vector<512x1xf32>
    %broadcast_in_dim3A_464 = vector.broadcast %broadcast_in_dim3A_463 : vector<512x1xf32> to vector<512x64xf32>
    %slice3A_465 = vector.extract_strided_slice %get3A_16 {offsets = [0, 47], sizes = [512, 1], strides = [1, 1]} : vector<512x64xf32> to vector<512x1xf32>
    %broadcast_in_dim3A_466 = vector.shape_cast %slice3A_465 : vector<512x1xf32> to vector<512x1xf32>
    %broadcast_in_dim3A_467 = vector.broadcast %broadcast_in_dim3A_466 : vector<512x1xf32> to vector<512x64xf32>
    %concatenate3A_468 = tpu.concatenate %broadcast_in_dim3A_464, %broadcast_in_dim3A_467 in 1 : vector<512x64xf32>, vector<512x64xf32> -> vector<512x128xf32>
    %mul3A_469 = arith.mulf %concatenate3A_468, %add3A_461 : vector<512x128xf32>
    %slice3A_470 = vector.extract_strided_slice %mul3A_469 {offsets = [0, 0], sizes = [512, 64], strides = [1, 1]} : vector<512x128xf32> to vector<512x64xf32>
    %slice3A_471 = vector.extract_strided_slice %mul3A_469 {offsets = [0, 64], sizes = [512, 64], strides = [1, 1]} : vector<512x128xf32> to vector<512x64xf32>
    %add3A_472 = arith.addf %slice3A_470, %slice3A_471 : vector<512x64xf32>
    %add3A_473 = arith.addf %add3A_454, %add3A_472 : vector<512x64xf32>
    %slice3A_474 = vector.extract_strided_slice %get3A_19 {offsets = [0, 3072], sizes = [128, 128], strides = [1, 1]} : vector<128x4096xf32> to vector<128x128xf32>
    %convert_element_type3A_475 = arith.truncf %slice3A_474 : vector<128x128xf32> to vector<128x128xbf16>
    %dot_general3A_476 = arith.constant dense<0.000000e+00> : vector<512x128xf32>
    %dot_general3A_477 = tpu.matmul %convert_element_type3A_13, %convert_element_type3A_475, %dot_general3A_476 {dimension_numbers = #tpu.dot_dimension_numbers<[1], [0], [0], [1], [0, 0, 1, 1], [], []>, transpose_lhs_hint = false} : vector<512x128xbf16>, vector<128x128xbf16>, vector<512x128xf32> -> vector<512x128xf32>
    %slice3A_478 = vector.extract_strided_slice %get3A_22 {offsets = [0, 3072], sizes = [1, 128], strides = [1, 1]} : vector<1x4096xf32> to vector<1x128xf32>
    %add3A_479 = vector.broadcast %slice3A_478 : vector<1x128xf32> to vector<512x128xf32>
    %add3A_480 = arith.addf %dot_general3A_477, %add3A_479 : vector<512x128xf32>
    %slice3A_481 = vector.extract_strided_slice %get3A_16 {offsets = [0, 48], sizes = [512, 1], strides = [1, 1]} : vector<512x64xf32> to vector<512x1xf32>
    %broadcast_in_dim3A_482 = vector.shape_cast %slice3A_481 : vector<512x1xf32> to vector<512x1xf32>
    %broadcast_in_dim3A_483 = vector.broadcast %broadcast_in_dim3A_482 : vector<512x1xf32> to vector<512x64xf32>
    %slice3A_484 = vector.extract_strided_slice %get3A_16 {offsets = [0, 49], sizes = [512, 1], strides = [1, 1]} : vector<512x64xf32> to vector<512x1xf32>
    %broadcast_in_dim3A_485 = vector.shape_cast %slice3A_484 : vector<512x1xf32> to vector<512x1xf32>
    %broadcast_in_dim3A_486 = vector.broadcast %broadcast_in_dim3A_485 : vector<512x1xf32> to vector<512x64xf32>
    %concatenate3A_487 = tpu.concatenate %broadcast_in_dim3A_483, %broadcast_in_dim3A_486 in 1 : vector<512x64xf32>, vector<512x64xf32> -> vector<512x128xf32>
    %mul3A_488 = arith.mulf %concatenate3A_487, %add3A_480 : vector<512x128xf32>
    %slice3A_489 = vector.extract_strided_slice %mul3A_488 {offsets = [0, 0], sizes = [512, 64], strides = [1, 1]} : vector<512x128xf32> to vector<512x64xf32>
    %slice3A_490 = vector.extract_strided_slice %mul3A_488 {offsets = [0, 64], sizes = [512, 64], strides = [1, 1]} : vector<512x128xf32> to vector<512x64xf32>
    %add3A_491 = arith.addf %slice3A_489, %slice3A_490 : vector<512x64xf32>
    %add3A_492 = arith.addf %add3A_473, %add3A_491 : vector<512x64xf32>
    %slice3A_493 = vector.extract_strided_slice %get3A_19 {offsets = [0, 3200], sizes = [128, 128], strides = [1, 1]} : vector<128x4096xf32> to vector<128x128xf32>
    %convert_element_type3A_494 = arith.truncf %slice3A_493 : vector<128x128xf32> to vector<128x128xbf16>
    %dot_general3A_495 = arith.constant dense<0.000000e+00> : vector<512x128xf32>
    %dot_general3A_496 = tpu.matmul %convert_element_type3A_13, %convert_element_type3A_494, %dot_general3A_495 {dimension_numbers = #tpu.dot_dimension_numbers<[1], [0], [0], [1], [0, 0, 1, 1], [], []>, transpose_lhs_hint = false} : vector<512x128xbf16>, vector<128x128xbf16>, vector<512x128xf32> -> vector<512x128xf32>
    %slice3A_497 = vector.extract_strided_slice %get3A_22 {offsets = [0, 3200], sizes = [1, 128], strides = [1, 1]} : vector<1x4096xf32> to vector<1x128xf32>
    %add3A_498 = vector.broadcast %slice3A_497 : vector<1x128xf32> to vector<512x128xf32>
    %add3A_499 = arith.addf %dot_general3A_496, %add3A_498 : vector<512x128xf32>
    %slice3A_500 = vector.extract_strided_slice %get3A_16 {offsets = [0, 50], sizes = [512, 1], strides = [1, 1]} : vector<512x64xf32> to vector<512x1xf32>
    %broadcast_in_dim3A_501 = vector.shape_cast %slice3A_500 : vector<512x1xf32> to vector<512x1xf32>
    %broadcast_in_dim3A_502 = vector.broadcast %broadcast_in_dim3A_501 : vector<512x1xf32> to vector<512x64xf32>
    %slice3A_503 = vector.extract_strided_slice %get3A_16 {offsets = [0, 51], sizes = [512, 1], strides = [1, 1]} : vector<512x64xf32> to vector<512x1xf32>
    %broadcast_in_dim3A_504 = vector.shape_cast %slice3A_503 : vector<512x1xf32> to vector<512x1xf32>
    %broadcast_in_dim3A_505 = vector.broadcast %broadcast_in_dim3A_504 : vector<512x1xf32> to vector<512x64xf32>
    %concatenate3A_506 = tpu.concatenate %broadcast_in_dim3A_502, %broadcast_in_dim3A_505 in 1 : vector<512x64xf32>, vector<512x64xf32> -> vector<512x128xf32>
    %mul3A_507 = arith.mulf %concatenate3A_506, %add3A_499 : vector<512x128xf32>
    %slice3A_508 = vector.extract_strided_slice %mul3A_507 {offsets = [0, 0], sizes = [512, 64], strides = [1, 1]} : vector<512x128xf32> to vector<512x64xf32>
    %slice3A_509 = vector.extract_strided_slice %mul3A_507 {offsets = [0, 64], sizes = [512, 64], strides = [1, 1]} : vector<512x128xf32> to vector<512x64xf32>
    %add3A_510 = arith.addf %slice3A_508, %slice3A_509 : vector<512x64xf32>
    %add3A_511 = arith.addf %add3A_492, %add3A_510 : vector<512x64xf32>
    %slice3A_512 = vector.extract_strided_slice %get3A_19 {offsets = [0, 3328], sizes = [128, 128], strides = [1, 1]} : vector<128x4096xf32> to vector<128x128xf32>
    %convert_element_type3A_513 = arith.truncf %slice3A_512 : vector<128x128xf32> to vector<128x128xbf16>
    %dot_general3A_514 = arith.constant dense<0.000000e+00> : vector<512x128xf32>
    %dot_general3A_515 = tpu.matmul %convert_element_type3A_13, %convert_element_type3A_513, %dot_general3A_514 {dimension_numbers = #tpu.dot_dimension_numbers<[1], [0], [0], [1], [0, 0, 1, 1], [], []>, transpose_lhs_hint = false} : vector<512x128xbf16>, vector<128x128xbf16>, vector<512x128xf32> -> vector<512x128xf32>
    %slice3A_516 = vector.extract_strided_slice %get3A_22 {offsets = [0, 3328], sizes = [1, 128], strides = [1, 1]} : vector<1x4096xf32> to vector<1x128xf32>
    %add3A_517 = vector.broadcast %slice3A_516 : vector<1x128xf32> to vector<512x128xf32>
    %add3A_518 = arith.addf %dot_general3A_515, %add3A_517 : vector<512x128xf32>
    %slice3A_519 = vector.extract_strided_slice %get3A_16 {offsets = [0, 52], sizes = [512, 1], strides = [1, 1]} : vector<512x64xf32> to vector<512x1xf32>
    %broadcast_in_dim3A_520 = vector.shape_cast %slice3A_519 : vector<512x1xf32> to vector<512x1xf32>
    %broadcast_in_dim3A_521 = vector.broadcast %broadcast_in_dim3A_520 : vector<512x1xf32> to vector<512x64xf32>
    %slice3A_522 = vector.extract_strided_slice %get3A_16 {offsets = [0, 53], sizes = [512, 1], strides = [1, 1]} : vector<512x64xf32> to vector<512x1xf32>
    %broadcast_in_dim3A_523 = vector.shape_cast %slice3A_522 : vector<512x1xf32> to vector<512x1xf32>
    %broadcast_in_dim3A_524 = vector.broadcast %broadcast_in_dim3A_523 : vector<512x1xf32> to vector<512x64xf32>
    %concatenate3A_525 = tpu.concatenate %broadcast_in_dim3A_521, %broadcast_in_dim3A_524 in 1 : vector<512x64xf32>, vector<512x64xf32> -> vector<512x128xf32>
    %mul3A_526 = arith.mulf %concatenate3A_525, %add3A_518 : vector<512x128xf32>
    %slice3A_527 = vector.extract_strided_slice %mul3A_526 {offsets = [0, 0], sizes = [512, 64], strides = [1, 1]} : vector<512x128xf32> to vector<512x64xf32>
    %slice3A_528 = vector.extract_strided_slice %mul3A_526 {offsets = [0, 64], sizes = [512, 64], strides = [1, 1]} : vector<512x128xf32> to vector<512x64xf32>
    %add3A_529 = arith.addf %slice3A_527, %slice3A_528 : vector<512x64xf32>
    %add3A_530 = arith.addf %add3A_511, %add3A_529 : vector<512x64xf32>
    %slice3A_531 = vector.extract_strided_slice %get3A_19 {offsets = [0, 3456], sizes = [128, 128], strides = [1, 1]} : vector<128x4096xf32> to vector<128x128xf32>
    %convert_element_type3A_532 = arith.truncf %slice3A_531 : vector<128x128xf32> to vector<128x128xbf16>
    %dot_general3A_533 = arith.constant dense<0.000000e+00> : vector<512x128xf32>
    %dot_general3A_534 = tpu.matmul %convert_element_type3A_13, %convert_element_type3A_532, %dot_general3A_533 {dimension_numbers = #tpu.dot_dimension_numbers<[1], [0], [0], [1], [0, 0, 1, 1], [], []>, transpose_lhs_hint = false} : vector<512x128xbf16>, vector<128x128xbf16>, vector<512x128xf32> -> vector<512x128xf32>
    %slice3A_535 = vector.extract_strided_slice %get3A_22 {offsets = [0, 3456], sizes = [1, 128], strides = [1, 1]} : vector<1x4096xf32> to vector<1x128xf32>
    %add3A_536 = vector.broadcast %slice3A_535 : vector<1x128xf32> to vector<512x128xf32>
    %add3A_537 = arith.addf %dot_general3A_534, %add3A_536 : vector<512x128xf32>
    %slice3A_538 = vector.extract_strided_slice %get3A_16 {offsets = [0, 54], sizes = [512, 1], strides = [1, 1]} : vector<512x64xf32> to vector<512x1xf32>
    %broadcast_in_dim3A_539 = vector.shape_cast %slice3A_538 : vector<512x1xf32> to vector<512x1xf32>
    %broadcast_in_dim3A_540 = vector.broadcast %broadcast_in_dim3A_539 : vector<512x1xf32> to vector<512x64xf32>
    %slice3A_541 = vector.extract_strided_slice %get3A_16 {offsets = [0, 55], sizes = [512, 1], strides = [1, 1]} : vector<512x64xf32> to vector<512x1xf32>
    %broadcast_in_dim3A_542 = vector.shape_cast %slice3A_541 : vector<512x1xf32> to vector<512x1xf32>
    %broadcast_in_dim3A_543 = vector.broadcast %broadcast_in_dim3A_542 : vector<512x1xf32> to vector<512x64xf32>
    %concatenate3A_544 = tpu.concatenate %broadcast_in_dim3A_540, %broadcast_in_dim3A_543 in 1 : vector<512x64xf32>, vector<512x64xf32> -> vector<512x128xf32>
    %mul3A_545 = arith.mulf %concatenate3A_544, %add3A_537 : vector<512x128xf32>
    %slice3A_546 = vector.extract_strided_slice %mul3A_545 {offsets = [0, 0], sizes = [512, 64], strides = [1, 1]} : vector<512x128xf32> to vector<512x64xf32>
    %slice3A_547 = vector.extract_strided_slice %mul3A_545 {offsets = [0, 64], sizes = [512, 64], strides = [1, 1]} : vector<512x128xf32> to vector<512x64xf32>
    %add3A_548 = arith.addf %slice3A_546, %slice3A_547 : vector<512x64xf32>
    %add3A_549 = arith.addf %add3A_530, %add3A_548 : vector<512x64xf32>
    %slice3A_550 = vector.extract_strided_slice %get3A_19 {offsets = [0, 3584], sizes = [128, 128], strides = [1, 1]} : vector<128x4096xf32> to vector<128x128xf32>
    %convert_element_type3A_551 = arith.truncf %slice3A_550 : vector<128x128xf32> to vector<128x128xbf16>
    %dot_general3A_552 = arith.constant dense<0.000000e+00> : vector<512x128xf32>
    %dot_general3A_553 = tpu.matmul %convert_element_type3A_13, %convert_element_type3A_551, %dot_general3A_552 {dimension_numbers = #tpu.dot_dimension_numbers<[1], [0], [0], [1], [0, 0, 1, 1], [], []>, transpose_lhs_hint = false} : vector<512x128xbf16>, vector<128x128xbf16>, vector<512x128xf32> -> vector<512x128xf32>
    %slice3A_554 = vector.extract_strided_slice %get3A_22 {offsets = [0, 3584], sizes = [1, 128], strides = [1, 1]} : vector<1x4096xf32> to vector<1x128xf32>
    %add3A_555 = vector.broadcast %slice3A_554 : vector<1x128xf32> to vector<512x128xf32>
    %add3A_556 = arith.addf %dot_general3A_553, %add3A_555 : vector<512x128xf32>
    %slice3A_557 = vector.extract_strided_slice %get3A_16 {offsets = [0, 56], sizes = [512, 1], strides = [1, 1]} : vector<512x64xf32> to vector<512x1xf32>
    %broadcast_in_dim3A_558 = vector.shape_cast %slice3A_557 : vector<512x1xf32> to vector<512x1xf32>
    %broadcast_in_dim3A_559 = vector.broadcast %broadcast_in_dim3A_558 : vector<512x1xf32> to vector<512x64xf32>
    %slice3A_560 = vector.extract_strided_slice %get3A_16 {offsets = [0, 57], sizes = [512, 1], strides = [1, 1]} : vector<512x64xf32> to vector<512x1xf32>
    %broadcast_in_dim3A_561 = vector.shape_cast %slice3A_560 : vector<512x1xf32> to vector<512x1xf32>
    %broadcast_in_dim3A_562 = vector.broadcast %broadcast_in_dim3A_561 : vector<512x1xf32> to vector<512x64xf32>
    %concatenate3A_563 = tpu.concatenate %broadcast_in_dim3A_559, %broadcast_in_dim3A_562 in 1 : vector<512x64xf32>, vector<512x64xf32> -> vector<512x128xf32>
    %mul3A_564 = arith.mulf %concatenate3A_563, %add3A_556 : vector<512x128xf32>
    %slice3A_565 = vector.extract_strided_slice %mul3A_564 {offsets = [0, 0], sizes = [512, 64], strides = [1, 1]} : vector<512x128xf32> to vector<512x64xf32>
    %slice3A_566 = vector.extract_strided_slice %mul3A_564 {offsets = [0, 64], sizes = [512, 64], strides = [1, 1]} : vector<512x128xf32> to vector<512x64xf32>
    %add3A_567 = arith.addf %slice3A_565, %slice3A_566 : vector<512x64xf32>
    %add3A_568 = arith.addf %add3A_549, %add3A_567 : vector<512x64xf32>
    %slice3A_569 = vector.extract_strided_slice %get3A_19 {offsets = [0, 3712], sizes = [128, 128], strides = [1, 1]} : vector<128x4096xf32> to vector<128x128xf32>
    %convert_element_type3A_570 = arith.truncf %slice3A_569 : vector<128x128xf32> to vector<128x128xbf16>
    %dot_general3A_571 = arith.constant dense<0.000000e+00> : vector<512x128xf32>
    %dot_general3A_572 = tpu.matmul %convert_element_type3A_13, %convert_element_type3A_570, %dot_general3A_571 {dimension_numbers = #tpu.dot_dimension_numbers<[1], [0], [0], [1], [0, 0, 1, 1], [], []>, transpose_lhs_hint = false} : vector<512x128xbf16>, vector<128x128xbf16>, vector<512x128xf32> -> vector<512x128xf32>
    %slice3A_573 = vector.extract_strided_slice %get3A_22 {offsets = [0, 3712], sizes = [1, 128], strides = [1, 1]} : vector<1x4096xf32> to vector<1x128xf32>
    %add3A_574 = vector.broadcast %slice3A_573 : vector<1x128xf32> to vector<512x128xf32>
    %add3A_575 = arith.addf %dot_general3A_572, %add3A_574 : vector<512x128xf32>
    %slice3A_576 = vector.extract_strided_slice %get3A_16 {offsets = [0, 58], sizes = [512, 1], strides = [1, 1]} : vector<512x64xf32> to vector<512x1xf32>
    %broadcast_in_dim3A_577 = vector.shape_cast %slice3A_576 : vector<512x1xf32> to vector<512x1xf32>
    %broadcast_in_dim3A_578 = vector.broadcast %broadcast_in_dim3A_577 : vector<512x1xf32> to vector<512x64xf32>
    %slice3A_579 = vector.extract_strided_slice %get3A_16 {offsets = [0, 59], sizes = [512, 1], strides = [1, 1]} : vector<512x64xf32> to vector<512x1xf32>
    %broadcast_in_dim3A_580 = vector.shape_cast %slice3A_579 : vector<512x1xf32> to vector<512x1xf32>
    %broadcast_in_dim3A_581 = vector.broadcast %broadcast_in_dim3A_580 : vector<512x1xf32> to vector<512x64xf32>
    %concatenate3A_582 = tpu.concatenate %broadcast_in_dim3A_578, %broadcast_in_dim3A_581 in 1 : vector<512x64xf32>, vector<512x64xf32> -> vector<512x128xf32>
    %mul3A_583 = arith.mulf %concatenate3A_582, %add3A_575 : vector<512x128xf32>
    %slice3A_584 = vector.extract_strided_slice %mul3A_583 {offsets = [0, 0], sizes = [512, 64], strides = [1, 1]} : vector<512x128xf32> to vector<512x64xf32>
    %slice3A_585 = vector.extract_strided_slice %mul3A_583 {offsets = [0, 64], sizes = [512, 64], strides = [1, 1]} : vector<512x128xf32> to vector<512x64xf32>
    %add3A_586 = arith.addf %slice3A_584, %slice3A_585 : vector<512x64xf32>
    %add3A_587 = arith.addf %add3A_568, %add3A_586 : vector<512x64xf32>
    %slice3A_588 = vector.extract_strided_slice %get3A_19 {offsets = [0, 3840], sizes = [128, 128], strides = [1, 1]} : vector<128x4096xf32> to vector<128x128xf32>
    %convert_element_type3A_589 = arith.truncf %slice3A_588 : vector<128x128xf32> to vector<128x128xbf16>
    %dot_general3A_590 = arith.constant dense<0.000000e+00> : vector<512x128xf32>
    %dot_general3A_591 = tpu.matmul %convert_element_type3A_13, %convert_element_type3A_589, %dot_general3A_590 {dimension_numbers = #tpu.dot_dimension_numbers<[1], [0], [0], [1], [0, 0, 1, 1], [], []>, transpose_lhs_hint = false} : vector<512x128xbf16>, vector<128x128xbf16>, vector<512x128xf32> -> vector<512x128xf32>
    %slice3A_592 = vector.extract_strided_slice %get3A_22 {offsets = [0, 3840], sizes = [1, 128], strides = [1, 1]} : vector<1x4096xf32> to vector<1x128xf32>
    %add3A_593 = vector.broadcast %slice3A_592 : vector<1x128xf32> to vector<512x128xf32>
    %add3A_594 = arith.addf %dot_general3A_591, %add3A_593 : vector<512x128xf32>
    %slice3A_595 = vector.extract_strided_slice %get3A_16 {offsets = [0, 60], sizes = [512, 1], strides = [1, 1]} : vector<512x64xf32> to vector<512x1xf32>
    %broadcast_in_dim3A_596 = vector.shape_cast %slice3A_595 : vector<512x1xf32> to vector<512x1xf32>
    %broadcast_in_dim3A_597 = vector.broadcast %broadcast_in_dim3A_596 : vector<512x1xf32> to vector<512x64xf32>
    %slice3A_598 = vector.extract_strided_slice %get3A_16 {offsets = [0, 61], sizes = [512, 1], strides = [1, 1]} : vector<512x64xf32> to vector<512x1xf32>
    %broadcast_in_dim3A_599 = vector.shape_cast %slice3A_598 : vector<512x1xf32> to vector<512x1xf32>
    %broadcast_in_dim3A_600 = vector.broadcast %broadcast_in_dim3A_599 : vector<512x1xf32> to vector<512x64xf32>
    %concatenate3A_601 = tpu.concatenate %broadcast_in_dim3A_597, %broadcast_in_dim3A_600 in 1 : vector<512x64xf32>, vector<512x64xf32> -> vector<512x128xf32>
    %mul3A_602 = arith.mulf %concatenate3A_601, %add3A_594 : vector<512x128xf32>
    %slice3A_603 = vector.extract_strided_slice %mul3A_602 {offsets = [0, 0], sizes = [512, 64], strides = [1, 1]} : vector<512x128xf32> to vector<512x64xf32>
    %slice3A_604 = vector.extract_strided_slice %mul3A_602 {offsets = [0, 64], sizes = [512, 64], strides = [1, 1]} : vector<512x128xf32> to vector<512x64xf32>
    %add3A_605 = arith.addf %slice3A_603, %slice3A_604 : vector<512x64xf32>
    %add3A_606 = arith.addf %add3A_587, %add3A_605 : vector<512x64xf32>
    %slice3A_607 = vector.extract_strided_slice %get3A_19 {offsets = [0, 3968], sizes = [128, 128], strides = [1, 1]} : vector<128x4096xf32> to vector<128x128xf32>
    %convert_element_type3A_608 = arith.truncf %slice3A_607 : vector<128x128xf32> to vector<128x128xbf16>
    %dot_general3A_609 = arith.constant dense<0.000000e+00> : vector<512x128xf32>
    %dot_general3A_610 = tpu.matmul %convert_element_type3A_13, %convert_element_type3A_608, %dot_general3A_609 {dimension_numbers = #tpu.dot_dimension_numbers<[1], [0], [0], [1], [0, 0, 1, 1], [], []>, transpose_lhs_hint = false} : vector<512x128xbf16>, vector<128x128xbf16>, vector<512x128xf32> -> vector<512x128xf32>
    %slice3A_611 = vector.extract_strided_slice %get3A_22 {offsets = [0, 3968], sizes = [1, 128], strides = [1, 1]} : vector<1x4096xf32> to vector<1x128xf32>
    %add3A_612 = vector.broadcast %slice3A_611 : vector<1x128xf32> to vector<512x128xf32>
    %add3A_613 = arith.addf %dot_general3A_610, %add3A_612 : vector<512x128xf32>
    %slice3A_614 = vector.extract_strided_slice %get3A_16 {offsets = [0, 62], sizes = [512, 1], strides = [1, 1]} : vector<512x64xf32> to vector<512x1xf32>
    %broadcast_in_dim3A_615 = vector.shape_cast %slice3A_614 : vector<512x1xf32> to vector<512x1xf32>
    %broadcast_in_dim3A_616 = vector.broadcast %broadcast_in_dim3A_615 : vector<512x1xf32> to vector<512x64xf32>
    %slice3A_617 = vector.extract_strided_slice %get3A_16 {offsets = [0, 63], sizes = [512, 1], strides = [1, 1]} : vector<512x64xf32> to vector<512x1xf32>
    %broadcast_in_dim3A_618 = vector.shape_cast %slice3A_617 : vector<512x1xf32> to vector<512x1xf32>
    %broadcast_in_dim3A_619 = vector.broadcast %broadcast_in_dim3A_618 : vector<512x1xf32> to vector<512x64xf32>
    %concatenate3A_620 = tpu.concatenate %broadcast_in_dim3A_616, %broadcast_in_dim3A_619 in 1 : vector<512x64xf32>, vector<512x64xf32> -> vector<512x128xf32>
    %mul3A_621 = arith.mulf %concatenate3A_620, %add3A_613 : vector<512x128xf32>
    %slice3A_622 = vector.extract_strided_slice %mul3A_621 {offsets = [0, 0], sizes = [512, 64], strides = [1, 1]} : vector<512x128xf32> to vector<512x64xf32>
    %slice3A_623 = vector.extract_strided_slice %mul3A_621 {offsets = [0, 64], sizes = [512, 64], strides = [1, 1]} : vector<512x128xf32> to vector<512x64xf32>
    %add3A_624 = arith.addf %slice3A_622, %slice3A_623 : vector<512x64xf32>
    %add3A_625 = arith.addf %add3A_606, %add3A_624 : vector<512x64xf32>
    %swap3A = arith.constant 0 : index
    %swap3A_626 = arith.constant 0 : index
    %swap3A_627 = vector.load %arg7[%swap3A, %swap3A_626] : memref<512x64xf32, #tpu.memory_space<vmem>>, vector<512x64xf32>
    tpu.vector_store %arg7[%swap3A, %swap3A_626], %add3A_625 {strides = array<i32>} : memref<512x64xf32, #tpu.memory_space<vmem>>, vector<512x64xf32>,
    return
  }
  func.func @transform_0(%arg0: i32) -> (i32, i32) {
    %c0_i32 = arith.constant 0 : i32
    %c0_i32_0 = arith.constant 0 : i32
    return %arg0, %c0_i32 : i32, i32
  }
  func.func @transform_1(%arg0: i32) -> (i32, i32) {
    %c0_i32 = arith.constant 0 : i32
    %c0_i32_0 = arith.constant 0 : i32
    return %arg0, %c0_i32 : i32, i32
  }
  func.func @transform_2(%arg0: i32) -> (i32, i32) {
    %c0_i32 = arith.constant 0 : i32
    %c0_i32_0 = arith.constant 0 : i32
    %c0_i32_1 = arith.constant 0 : i32
    return %c0_i32, %c0_i32_0 : i32, i32
  }
  func.func @transform_3(%arg0: i32) -> (i32, i32) {
    %c0_i32 = arith.constant 0 : i32
    %c0_i32_0 = arith.constant 0 : i32
    %c0_i32_1 = arith.constant 0 : i32
    return %c0_i32, %c0_i32_0 : i32, i32
  }
  func.func @transform_4(%arg0: i32) -> (i32, i32) {
    %c0_i32 = arith.constant 0 : i32
    %c0_i32_0 = arith.constant 0 : i32
    %c0_i32_1 = arith.constant 0 : i32
    return %c0_i32, %c0_i32_0 : i32, i32
  }
  func.func @transform_5(%arg0: i32) -> (i32, i32) {
    %c0_i32 = arith.constant 0 : i32
    %c0_i32_0 = arith.constant 0 : i32
    %c0_i32_1 = arith.constant 0 : i32
    return %c0_i32, %c0_i32_0 : i32, i32
  }
  func.func @transform_6(%arg0: i32) -> (i32, i32) {
    %c0_i32 = arith.constant 0 : i32
    %c0_i32_0 = arith.constant 0 : i32
    return %arg0, %c0_i32 : i32, i32
  }
}

module attributes {stable_mosaic.version = 14 : i64} {
  func.func @body(%arg0: i32, %arg1: memref<512x64xf32, #tpu.memory_space<vmem>>, %arg2: memref<512x64xf32, #tpu.memory_space<vmem>>, %arg3: memref<512x64xf32, #tpu.memory_space<vmem>>, %arg4: memref<64x64xf32, #tpu.memory_space<vmem>>, %arg5: memref<1x64xf32, #tpu.memory_space<vmem>>, %arg6: memref<512x1xi32, #tpu.memory_space<vmem>>, %arg7: memref<64x32xf32, #tpu.memory_space<vmem>>, %arg8: memref<1x32xf32, #tpu.memory_space<vmem>>, %arg9: memref<32x16xf32, #tpu.memory_space<vmem>>, %arg10: memref<1x16xf32, #tpu.memory_space<vmem>>, %arg11: memref<16x1xf32, #tpu.memory_space<vmem>>, %arg12: memref<1x1xf32, #tpu.memory_space<vmem>>, %arg13: memref<256x1xf32, #tpu.memory_space<vmem>>, %arg14: memref<256x64xf32, #tpu.memory_space<vmem>>, %arg15: memref<256x1xf32, #tpu.memory_space<vmem>>) attributes {dimension_semantics = [#tpu.dimension_semantics<arbitrary>], iteration_bounds = array<i64: 20>, scalar_prefetch = 0 : i64, scratch_operands = 2 : i64, tpu.core_type = #tpu.core_type<tc>, window_params = [{transform_indices = @transform_0, window_bounds = array<i64: 512, 64>}, {transform_indices = @transform_1, window_bounds = array<i64: 512, 64>}, {transform_indices = @transform_2, window_bounds = array<i64: 512, 64>}, {pipeline_mode = #tpu.pipeline_mode<synchronous>, transform_indices = @transform_3, window_bounds = array<i64: 64, 64>}, {pipeline_mode = #tpu.pipeline_mode<synchronous>, transform_indices = @transform_4, window_bounds = array<i64: 1, 64>}, {transform_indices = @transform_5, window_bounds = array<i64: 512, 1>}, {pipeline_mode = #tpu.pipeline_mode<synchronous>, transform_indices = @transform_6, window_bounds = array<i64: 64, 32>}, {pipeline_mode = #tpu.pipeline_mode<synchronous>, transform_indices = @transform_7, window_bounds = array<i64: 1, 32>}, {pipeline_mode = #tpu.pipeline_mode<synchronous>, transform_indices = @transform_8, window_bounds = array<i64: 32, 16>}, {pipeline_mode = #tpu.pipeline_mode<synchronous>, transform_indices = @transform_9, window_bounds = array<i64: 1, 16>}, {pipeline_mode = #tpu.pipeline_mode<synchronous>, transform_indices = @transform_10, window_bounds = array<i64: 16, 1>}, {pipeline_mode = #tpu.pipeline_mode<synchronous>, transform_indices = @transform_11, window_bounds = array<i64: 1, 1>}, {pipeline_mode = #tpu.pipeline_mode<synchronous>, transform_indices = @transform_12, window_bounds = array<i64: 256, 1>}]} {
    %eq3A = arith.constant 0 : i32
    %eq3A_0 = arith.cmpi eq, %arg0, %eq3A : i32
    %convert_element_type3A = arith.extui %eq3A_0 : i1 to i32
    %cond3A = arith.constant 0 : i32
    %cond3A_1 = arith.cmpi ne, %convert_element_type3A, %cond3A : i32
    scf.if %cond3A_1 {
      %broadcast_in_dim3A_58 = arith.constant 0.000000e+00 : f32
      %broadcast_in_dim3A_59 = vector.broadcast %broadcast_in_dim3A_58 : f32 to vector<256x64xf32>
      %swap3A_60 = arith.constant 0 : index
      %swap3A_61 = arith.constant 0 : index
      %swap3A_62 = vector.load %arg14[%swap3A_60, %swap3A_61] : memref<256x64xf32, #tpu.memory_space<vmem>>, vector<256x64xf32>
      tpu.vector_store %arg14[%swap3A_60, %swap3A_61], %broadcast_in_dim3A_59 {strides = array<i32>} : memref<256x64xf32, #tpu.memory_space<vmem>>, vector<256x64xf32>,
      %broadcast_in_dim3A_63 = arith.constant 0.000000e+00 : f32
      %broadcast_in_dim3A_64 = vector.broadcast %broadcast_in_dim3A_63 : f32 to vector<256x1xf32>
      %swap3A_65 = arith.constant 0 : index
      %swap3A_66 = arith.constant 0 : index
      %swap3A_67 = vector.load %arg15[%swap3A_65, %swap3A_66] : memref<256x1xf32, #tpu.memory_space<vmem>>, vector<256x1xf32>
      tpu.vector_store %arg15[%swap3A_65, %swap3A_66], %broadcast_in_dim3A_64 {strides = array<i32>} : memref<256x1xf32, #tpu.memory_space<vmem>>, vector<256x1xf32>,
    } else {
    }
    %get3A = arith.constant 0 : index
    %get3A_2 = arith.constant 0 : index
    %get3A_3 = vector.load %arg1[%get3A, %get3A_2] : memref<512x64xf32, #tpu.memory_space<vmem>>, vector<512x64xf32>
    %convert_element_type3A_4 = arith.truncf %get3A_3 : vector<512x64xf32> to vector<512x64xbf16>
    %get3A_5 = arith.constant 0 : index
    %get3A_6 = arith.constant 0 : index
    %get3A_7 = vector.load %arg4[%get3A_5, %get3A_6] : memref<64x64xf32, #tpu.memory_space<vmem>>, vector<64x64xf32>
    %convert_element_type3A_8 = arith.truncf %get3A_7 : vector<64x64xf32> to vector<64x64xbf16>
    %dot_general3A = arith.constant dense<0.000000e+00> : vector<512x64xf32>
    %dot_general3A_9 = tpu.matmul %convert_element_type3A_4, %convert_element_type3A_8, %dot_general3A {dimension_numbers = #tpu.dot_dimension_numbers<[1], [0], [0], [1], [0, 0, 1, 1], [], []>, transpose_lhs_hint = false} : vector<512x64xbf16>, vector<64x64xbf16>, vector<512x64xf32> -> vector<512x64xf32>
    %get3A_10 = arith.constant 0 : index
    %get3A_11 = arith.constant 0 : index
    %get3A_12 = vector.load %arg5[%get3A_10, %get3A_11] : memref<1x64xf32, #tpu.memory_space<vmem>>, vector<1x64xf32>
    %add3A = vector.broadcast %get3A_12 : vector<1x64xf32> to vector<512x64xf32>
    %add3A_13 = arith.addf %dot_general3A_9, %add3A : vector<512x64xf32>
    %get3A_14 = arith.constant 0 : index
    %get3A_15 = arith.constant 0 : index
    %get3A_16 = vector.load %arg2[%get3A_14, %get3A_15] : memref<512x64xf32, #tpu.memory_space<vmem>>, vector<512x64xf32>
    %add3A_17 = arith.addf %add3A_13, %get3A_16 : vector<512x64xf32>
    %get3A_18 = arith.constant 0 : index
    %get3A_19 = arith.constant 0 : index
    %get3A_20 = vector.load %arg3[%get3A_18, %get3A_19] : memref<512x64xf32, #tpu.memory_space<vmem>>, vector<512x64xf32>
    %add3A_21 = arith.addf %add3A_17, %get3A_20 : vector<512x64xf32>
    %gt3A = arith.constant 0.000000e+00 : f32
    %gt3A_22 = vector.broadcast %gt3A : f32 to vector<512x64xf32>
    %gt3A_23 = arith.cmpf ogt, %add3A_21, %gt3A_22 : vector<512x64xf32>
    %min3A = arith.constant 0.000000e+00 : f32
    %min3A_24 = vector.broadcast %min3A : f32 to vector<512x64xf32>
    %min3A_25 = arith.minimumf %add3A_21, %min3A_24 : vector<512x64xf32>
    %exp3A = math.exp %min3A_25 : vector<512x64xf32>
    %sub3A = arith.constant 1.000000e+00 : f32
    %sub3A_26 = vector.broadcast %sub3A : f32 to vector<512x64xf32>
    %sub3A_27 = arith.subf %exp3A, %sub3A_26 : vector<512x64xf32>
    %select_n3A = arith.select %gt3A_23, %add3A_21, %sub3A_27 : vector<512x64xi1>, vector<512x64xf32>
    %get3A_28 = arith.constant 0 : index
    %get3A_29 = arith.constant 0 : index
    %get3A_30 = vector.load %arg6[%get3A_28, %get3A_29] : memref<512x1xi32, #tpu.memory_space<vmem>>, vector<512x1xi32>
    %iota3A = tpu.iota {dimensions = array<i32: 1>} : vector<512x256xi32>
    %eq3A_31 = vector.broadcast %get3A_30 : vector<512x1xi32> to vector<512x256xi32>
    %eq3A_32 = arith.cmpi eq, %eq3A_31, %iota3A : vector<512x256xi32>
    %convert_element_type3A_33 = arith.extui %eq3A_32 : vector<512x256xi1> to vector<512x256xi32>
    %convert_element_type3A_34 = arith.sitofp %convert_element_type3A_33 : vector<512x256xi32> to vector<512x256xf32>
    %get3A_35 = arith.constant 0 : index
    %get3A_36 = arith.constant 0 : index
    %get3A_37 = vector.load %arg14[%get3A_35, %get3A_36] : memref<256x64xf32, #tpu.memory_space<vmem>>, vector<256x64xf32>
    %dot_general3A_38 = arith.constant dense<0.000000e+00> : vector<256x64xf32>
    %dot_general3A_39 = tpu.matmul %convert_element_type3A_34, %select_n3A, %dot_general3A_38 {dimension_numbers = #tpu.dot_dimension_numbers<[0], [0], [1], [1], [0, 1, 1, 1], [], []>, precision = #tpu.contract_precision<fp32>, transpose_lhs_hint = false} : vector<512x256xf32>, vector<512x64xf32>, vector<256x64xf32> -> vector<256x64xf32>
    %add3A_40 = arith.addf %get3A_37, %dot_general3A_39 : vector<256x64xf32>
    %swap3A = arith.constant 0 : index
    %swap3A_41 = arith.constant 0 : index
    %swap3A_42 = vector.load %arg14[%swap3A, %swap3A_41] : memref<256x64xf32, #tpu.memory_space<vmem>>, vector<256x64xf32>
    tpu.vector_store %arg14[%swap3A, %swap3A_41], %add3A_40 {strides = array<i32>} : memref<256x64xf32, #tpu.memory_space<vmem>>, vector<256x64xf32>,
    %get3A_43 = arith.constant 0 : index
    %get3A_44 = arith.constant 0 : index
    %get3A_45 = vector.load %arg15[%get3A_43, %get3A_44] : memref<256x1xf32, #tpu.memory_space<vmem>>, vector<256x1xf32>
    %broadcast_in_dim3A = arith.constant 1.000000e+00 : f32
    %broadcast_in_dim3A_46 = vector.broadcast %broadcast_in_dim3A : f32 to vector<512x1xf32>
    %dot_general3A_47 = arith.constant dense<0.000000e+00> : vector<256x1xf32>
    %dot_general3A_48 = tpu.matmul %convert_element_type3A_34, %broadcast_in_dim3A_46, %dot_general3A_47 {dimension_numbers = #tpu.dot_dimension_numbers<[0], [0], [1], [1], [0, 1, 1, 1], [], []>, precision = #tpu.contract_precision<fp32>, transpose_lhs_hint = false} : vector<512x256xf32>, vector<512x1xf32>, vector<256x1xf32> -> vector<256x1xf32>
    %add3A_49 = arith.addf %get3A_45, %dot_general3A_48 : vector<256x1xf32>
    %swap3A_50 = arith.constant 0 : index
    %swap3A_51 = arith.constant 0 : index
    %swap3A_52 = vector.load %arg15[%swap3A_50, %swap3A_51] : memref<256x1xf32, #tpu.memory_space<vmem>>, vector<256x1xf32>
    tpu.vector_store %arg15[%swap3A_50, %swap3A_51], %add3A_49 {strides = array<i32>} : memref<256x1xf32, #tpu.memory_space<vmem>>, vector<256x1xf32>,
    %eq3A_53 = arith.constant 19 : i32
    %eq3A_54 = arith.cmpi eq, %arg0, %eq3A_53 : i32
    %convert_element_type3A_55 = arith.extui %eq3A_54 : i1 to i32
    %cond3A_56 = arith.constant 0 : i32
    %cond3A_57 = arith.cmpi ne, %convert_element_type3A_55, %cond3A_56 : i32
    scf.if %cond3A_57 {
      %get3A_58 = arith.constant 0 : index
      %get3A_59 = arith.constant 0 : index
      %get3A_60 = vector.load %arg14[%get3A_58, %get3A_59] : memref<256x64xf32, #tpu.memory_space<vmem>>, vector<256x64xf32>
      %get3A_61 = arith.constant 0 : index
      %get3A_62 = arith.constant 0 : index
      %get3A_63 = vector.load %arg15[%get3A_61, %get3A_62] : memref<256x1xf32, #tpu.memory_space<vmem>>, vector<256x1xf32>
      %max3A = arith.constant 1.000000e+00 : f32
      %max3A_64 = vector.broadcast %max3A : f32 to vector<256x1xf32>
      %max3A_65 = arith.maximumf %get3A_63, %max3A_64 : vector<256x1xf32>
      %div3A = vector.broadcast %max3A_65 : vector<256x1xf32> to vector<256x64xf32>
      %div3A_66 = arith.divf %get3A_60, %div3A : vector<256x64xf32>
      %convert_element_type3A_67 = arith.truncf %div3A_66 : vector<256x64xf32> to vector<256x64xbf16>
      %get3A_68 = arith.constant 0 : index
      %get3A_69 = arith.constant 0 : index
      %get3A_70 = vector.load %arg7[%get3A_68, %get3A_69] : memref<64x32xf32, #tpu.memory_space<vmem>>, vector<64x32xf32>
      %convert_element_type3A_71 = arith.truncf %get3A_70 : vector<64x32xf32> to vector<64x32xbf16>
      %dot_general3A_72 = arith.constant dense<0.000000e+00> : vector<256x32xf32>
      %dot_general3A_73 = tpu.matmul %convert_element_type3A_67, %convert_element_type3A_71, %dot_general3A_72 {dimension_numbers = #tpu.dot_dimension_numbers<[1], [0], [0], [1], [0, 0, 1, 1], [], []>, transpose_lhs_hint = false} : vector<256x64xbf16>, vector<64x32xbf16>, vector<256x32xf32> -> vector<256x32xf32>
      %get3A_74 = arith.constant 0 : index
      %get3A_75 = arith.constant 0 : index
      %get3A_76 = vector.load %arg8[%get3A_74, %get3A_75] : memref<1x32xf32, #tpu.memory_space<vmem>>, vector<1x32xf32>
      %add3A_77 = vector.broadcast %get3A_76 : vector<1x32xf32> to vector<256x32xf32>
      %add3A_78 = arith.addf %dot_general3A_73, %add3A_77 : vector<256x32xf32>
      %gt3A_79 = arith.constant 0.000000e+00 : f32
      %gt3A_80 = vector.broadcast %gt3A_79 : f32 to vector<256x32xf32>
      %gt3A_81 = arith.cmpf ogt, %add3A_78, %gt3A_80 : vector<256x32xf32>
      %min3A_82 = arith.constant 0.000000e+00 : f32
      %min3A_83 = vector.broadcast %min3A_82 : f32 to vector<256x32xf32>
      %min3A_84 = arith.minimumf %add3A_78, %min3A_83 : vector<256x32xf32>
      %exp3A_85 = math.exp %min3A_84 : vector<256x32xf32>
      %sub3A_86 = arith.constant 1.000000e+00 : f32
      %sub3A_87 = vector.broadcast %sub3A_86 : f32 to vector<256x32xf32>
      %sub3A_88 = arith.subf %exp3A_85, %sub3A_87 : vector<256x32xf32>
      %select_n3A_89 = arith.select %gt3A_81, %add3A_78, %sub3A_88 : vector<256x32xi1>, vector<256x32xf32>
      %convert_element_type3A_90 = arith.truncf %select_n3A_89 : vector<256x32xf32> to vector<256x32xbf16>
      %get3A_91 = arith.constant 0 : index
      %get3A_92 = arith.constant 0 : index
      %get3A_93 = vector.load %arg9[%get3A_91, %get3A_92] : memref<32x16xf32, #tpu.memory_space<vmem>>, vector<32x16xf32>
      %convert_element_type3A_94 = arith.truncf %get3A_93 : vector<32x16xf32> to vector<32x16xbf16>
      %dot_general3A_95 = arith.constant dense<0.000000e+00> : vector<256x16xf32>
      %dot_general3A_96 = tpu.matmul %convert_element_type3A_90, %convert_element_type3A_94, %dot_general3A_95 {dimension_numbers = #tpu.dot_dimension_numbers<[1], [0], [0], [1], [0, 0, 1, 1], [], []>, transpose_lhs_hint = false} : vector<256x32xbf16>, vector<32x16xbf16>, vector<256x16xf32> -> vector<256x16xf32>
      %get3A_97 = arith.constant 0 : index
      %get3A_98 = arith.constant 0 : index
      %get3A_99 = vector.load %arg10[%get3A_97, %get3A_98] : memref<1x16xf32, #tpu.memory_space<vmem>>, vector<1x16xf32>
      %add3A_100 = vector.broadcast %get3A_99 : vector<1x16xf32> to vector<256x16xf32>
      %add3A_101 = arith.addf %dot_general3A_96, %add3A_100 : vector<256x16xf32>
      %gt3A_102 = arith.constant 0.000000e+00 : f32
      %gt3A_103 = vector.broadcast %gt3A_102 : f32 to vector<256x16xf32>
      %gt3A_104 = arith.cmpf ogt, %add3A_101, %gt3A_103 : vector<256x16xf32>
      %min3A_105 = arith.constant 0.000000e+00 : f32
      %min3A_106 = vector.broadcast %min3A_105 : f32 to vector<256x16xf32>
      %min3A_107 = arith.minimumf %add3A_101, %min3A_106 : vector<256x16xf32>
      %exp3A_108 = math.exp %min3A_107 : vector<256x16xf32>
      %sub3A_109 = arith.constant 1.000000e+00 : f32
      %sub3A_110 = vector.broadcast %sub3A_109 : f32 to vector<256x16xf32>
      %sub3A_111 = arith.subf %exp3A_108, %sub3A_110 : vector<256x16xf32>
      %select_n3A_112 = arith.select %gt3A_104, %add3A_101, %sub3A_111 : vector<256x16xi1>, vector<256x16xf32>
      %convert_element_type3A_113 = arith.truncf %select_n3A_112 : vector<256x16xf32> to vector<256x16xbf16>
      %get3A_114 = arith.constant 0 : index
      %get3A_115 = arith.constant 0 : index
      %get3A_116 = vector.load %arg11[%get3A_114, %get3A_115] : memref<16x1xf32, #tpu.memory_space<vmem>>, vector<16x1xf32>
      %convert_element_type3A_117 = arith.truncf %get3A_116 : vector<16x1xf32> to vector<16x1xbf16>
      %dot_general3A_118 = arith.constant dense<0.000000e+00> : vector<256x1xf32>
      %dot_general3A_119 = tpu.matmul %convert_element_type3A_113, %convert_element_type3A_117, %dot_general3A_118 {dimension_numbers = #tpu.dot_dimension_numbers<[1], [0], [0], [1], [0, 0, 1, 1], [], []>, transpose_lhs_hint = false} : vector<256x16xbf16>, vector<16x1xbf16>, vector<256x1xf32> -> vector<256x1xf32>
      %get3A_120 = arith.constant 0 : index
      %get3A_121 = arith.constant 0 : index
      %get3A_122 = vector.load %arg12[%get3A_120, %get3A_121] : memref<1x1xf32, #tpu.memory_space<vmem>>, vector<1x1xf32>
      %add3A_123 = vector.broadcast %get3A_122 : vector<1x1xf32> to vector<256x1xf32>
      %add3A_124 = arith.addf %dot_general3A_119, %add3A_123 : vector<256x1xf32>
      %swap3A_125 = arith.constant 0 : index
      %swap3A_126 = arith.constant 0 : index
      %swap3A_127 = vector.load %arg13[%swap3A_125, %swap3A_126] : memref<256x1xf32, #tpu.memory_space<vmem>>, vector<256x1xf32>
      tpu.vector_store %arg13[%swap3A_125, %swap3A_126], %add3A_124 {strides = array<i32>} : memref<256x1xf32, #tpu.memory_space<vmem>>, vector<256x1xf32>,
    } else {
    }
    return
  }
  func.func @transform_0(%arg0: i32) -> (i32, i32) {
    %c0_i32 = arith.constant 0 : i32
    %c0_i32_0 = arith.constant 0 : i32
    return %arg0, %c0_i32 : i32, i32
  }
  func.func @transform_1(%arg0: i32) -> (i32, i32) {
    %c0_i32 = arith.constant 0 : i32
    %c0_i32_0 = arith.constant 0 : i32
    return %arg0, %c0_i32 : i32, i32
  }
  func.func @transform_2(%arg0: i32) -> (i32, i32) {
    %add3A = arith.constant 20 : i32
    %add3A_0 = arith.addi %arg0, %add3A : i32
    %c0_i32 = arith.constant 0 : i32
    %c0_i32_1 = arith.constant 0 : i32
    return %add3A_0, %c0_i32 : i32, i32
  }
  func.func @transform_3(%arg0: i32) -> (i32, i32) {
    %c0_i32 = arith.constant 0 : i32
    %c0_i32_0 = arith.constant 0 : i32
    %c0_i32_1 = arith.constant 0 : i32
    return %c0_i32, %c0_i32_0 : i32, i32
  }
  func.func @transform_4(%arg0: i32) -> (i32, i32) {
    %c0_i32 = arith.constant 0 : i32
    %c0_i32_0 = arith.constant 0 : i32
    %c0_i32_1 = arith.constant 0 : i32
    return %c0_i32, %c0_i32_0 : i32, i32
  }
  func.func @transform_5(%arg0: i32) -> (i32, i32) {
    %c0_i32 = arith.constant 0 : i32
    %c0_i32_0 = arith.constant 0 : i32
    return %arg0, %c0_i32 : i32, i32
  }
  func.func @transform_6(%arg0: i32) -> (i32, i32) {
    %c0_i32 = arith.constant 0 : i32
    %c0_i32_0 = arith.constant 0 : i32
    %c0_i32_1 = arith.constant 0 : i32
    return %c0_i32, %c0_i32_0 : i32, i32
  }
  func.func @transform_7(%arg0: i32) -> (i32, i32) {
    %c0_i32 = arith.constant 0 : i32
    %c0_i32_0 = arith.constant 0 : i32
    %c0_i32_1 = arith.constant 0 : i32
    return %c0_i32, %c0_i32_0 : i32, i32
  }
  func.func @transform_8(%arg0: i32) -> (i32, i32) {
    %c0_i32 = arith.constant 0 : i32
    %c0_i32_0 = arith.constant 0 : i32
    %c0_i32_1 = arith.constant 0 : i32
    return %c0_i32, %c0_i32_0 : i32, i32
  }
  func.func @transform_9(%arg0: i32) -> (i32, i32) {
    %c0_i32 = arith.constant 0 : i32
    %c0_i32_0 = arith.constant 0 : i32
    %c0_i32_1 = arith.constant 0 : i32
    return %c0_i32, %c0_i32_0 : i32, i32
  }
  func.func @transform_10(%arg0: i32) -> (i32, i32) {
    %c0_i32 = arith.constant 0 : i32
    %c0_i32_0 = arith.constant 0 : i32
    %c0_i32_1 = arith.constant 0 : i32
    return %c0_i32, %c0_i32_0 : i32, i32
  }
  func.func @transform_11(%arg0: i32) -> (i32, i32) {
    %c0_i32 = arith.constant 0 : i32
    %c0_i32_0 = arith.constant 0 : i32
    %c0_i32_1 = arith.constant 0 : i32
    return %c0_i32, %c0_i32_0 : i32, i32
  }
  func.func @transform_12(%arg0: i32) -> (i32, i32) {
    %c0_i32 = arith.constant 0 : i32
    %c0_i32_0 = arith.constant 0 : i32
    %c0_i32_1 = arith.constant 0 : i32
    return %c0_i32, %c0_i32_0 : i32, i32
  }
}

</mosaic_0001>

<sc_bundles>
// kernel: kernel.14.cloned.1.call-start
scs
__scs_entry_jumppad:
0x0: {  	(pc) =	sbr.rel $0x88, $3  }
0x1: {  	(tag) =	ssettag $0x0;
	lr =	simm.s32 $0x1  }
0x2: {  	[smem:$0x3F85] =	sst lr;
	_ =	strace $0xD0000000  }
0x3: {  	_ = 	snop  }
0x4: {  	_ = 	snop  }
0x5: {  	_ = 	snop  }
0x6: {  	_ = 	snop  }
0x7: {  	_ = 	snop  }
__scs_overlays_trampoline_lowered:
0x8: {  	[smem:$0x3F94] =	sst s0  }
0x9: {  	[smem:$0x3F95] =	sst s1  }
0xa: {  	[smem:$0x3F96] =	sst s2  }
0xb: {  	[smem:$0x3F97] =	sst s3  }
0xc: {  	[smem:$0x3F98] =	sst s4  }
0xd: {  	[smem:$0x3F99] =	sst s5  }
0xe: {  	[smem:$0x3F9A] =	sst s6  }
0xf: {  	[smem:$0x3F9B] =	sst s7  }
0x10: {  	[smem:$0x3F9C] =	sst s8  }
0x11: {  	[smem:$0x3F9D] =	sst s9;
	s0 =	simm.s32 @!p0 $0x0  }
0x12: {  	s1 =	sld [smem:$0x3F83];
	s0 =	simm.s32 @p0 $0x1  }
0x13: {  	[smem:$0x3F9E] =	sst s0;
	s0 =	simm.s32 @!p1 $0x0  }
0x14: {  	s2 =	sld [smem:$0x3F82];
	s0 =	simm.s32 @p1 $0x1  }
0x15: {  	[smem:$0x3F9F] =	sst s0;
	s0 =	simm.s32 @!p2 $0x0  }
0x16: {  	s3 =	sld [smem:$0x3FDB];
	s0 =	simm.s32 @p2 $0x1  }
0x17: {  	s4 =	simm.s32 $0x1BF5;
	[smem:$0x3FA1] =	sst s0  }
0x18: {  	s0 =	sld [smem:$0x3F84];
	_ =	swait.ge [sflag:s4], $0x0  }
0x19: {  	s7 =	sld [smem:$0x3F85]  }
0x1a: {  	s8 =	sadd.s32 $0xFFFFE003, lr  }
0x1b: {  	s9 =	sadd.s32 $0xFFFFFEF7, lr;
	s5 =	simm.s32 $0xFFFFFFFF;
	p2 =	slt.u32 s8, $0xFFFFF086  }
0x1c: {  	p1 =	slt.u32 s9, $0xF7A;
	s5 =	simm.s32 @!p2 $0x0  }
0x1d: {  	s5 =	simm.s32 @p1 $0x1;
	p0 =	seq.s32 s7, s2  }
0x1e: {  	s7 =	smul.u32 @!p0 $0xF7A, s2;
	p2 =	seq.s32 @!p0 s5, $0x0  }
0x1f: {  	s9 =	smul.u32 $0xF7A, s1;
	s8 =	simm.s32 @!p0 $0x1BF5;
	p2 =	por !p2, p0  }
0x20: {  	[sflag:s8] =	ssyncset.s32 @!p0 $0xFFFFF086;
	s6 =	sadd.s32 @!p0 s3, s7;
	s7 =	simm.s32 @!p0 $0x108  }
0x21: {  	s3 =	sadd.s32 s3, s9;
	s6 =	sadd.s32 @!p0 $0x88, s6;
	s7 =	simm.s32 @p2 $0x1082  }
0x22: {  	[simem:s7], [sflag:s8] =	dma.local @!p0 [hbm:s6], $0xF7A  }
0x23: {  	s9 =	sor.u32 $0xD0000000, s2;
	s6 =	simm.s32 $0x108;
	_ =	swait.ge @!p0 [sflag:s8], $0x0  }
0x24: {  	s3 =	sadd.s32 $0x88, s3;
	s6 =	simm.s32 @!p1 $0x1082;
	[sflag:s4] =	ssyncset.s32 $0xFFFFF086  }
0x25: {  	[simem:s6], [sflag:s4] =	dma.local [hbm:s3], $0xF7A  }
0x26: {  	[smem:$0x3F85] =	sst s1;
	(tag) =	ssettag s2;
	_ =	strace s9  }
0x27: {  	s1 =	sld [smem:$0x3F95]  }
0x28: {  	s2 =	sld [smem:$0x3F96]  }
0x29: {  	s4 =	sld [smem:$0x3F98]  }
0x2a: {  	p0 =	seq.s32 s5, $0x0;
	s5 =	sld [smem:$0x3F99]  }
0x2b: {  	s6 =	sld [smem:$0x3F9A]  }
0x2c: {  	s7 =	sld [smem:$0x3F9B]  }
0x2d: {  	s3 =	simm.s32 $0x108;
	s8 =	sld [smem:$0x3F9C]  }
0x2e: {  	s3 =	simm.s32 @!p0 $0x1082;
	s9 =	sld [smem:$0x3F9D]  }
0x2f: {  	lr =	sadd.s32 s0, s3;
	s0 =	sld [smem:$0x3F94]  }
0x30: {  	s3 =	sld [smem:$0x3F97]  }
0x31: {  	[smem:$0x3FA0] =	sst s10  }
0x32: {  	s10 =	sld [smem:$0x3F9E];
	_ =	sdelay $0x3  }
0x33: {  	p0 =	seq.s32 s10, $0x1;
	s10 =	sld [smem:$0x3FA0];
	_ =	sdelay $0x3  }
0x34: {  	[smem:$0x3FA0] =	sst s10  }
0x35: {  	s10 =	sld [smem:$0x3F9F];
	_ =	sdelay $0x3  }
0x36: {  	p1 =	seq.s32 s10, $0x1;
	s10 =	sld [smem:$0x3FA0];
	_ =	sdelay $0x3  }
0x37: {  	[smem:$0x3FA0] =	sst s10  }
0x38: {  	s10 =	sld [smem:$0x3FA1]  }
0x39: {  	_ = 	snop;
	(pc) =	sbr.ind lr, $3  }
0x3a: {  	_ = 	snop  }
0x3b: {  	_ = 	snop  }
0x3c: {  	p2 =	seq.s32 s10, $0x1;
	s10 =	sld [smem:$0x3FA0]  }
0x3d: {  	_ =	shalt  }
0x3e: {  	_ =	shalt  }
0x3f: {  	_ =	shalt  }
0x40: {  	_ =	shalt  }
0x41: {  	_ =	shalt  }
0x42: {  	_ =	shalt  }
0x43: {  	_ =	shalt  }
0x44: {  	_ =	shalt  }
0x45: {  	_ =	shalt  }
0x46: {  	_ =	shalt  }
0x47: {  	_ =	shalt  }
0x48: {  	_ =	shalt  }
0x49: {  	_ =	shalt  }
0x4a: {  	_ =	shalt  }
0x4b: {  	_ =	shalt  }
0x4c: {  	_ =	shalt  }
0x4d: {  	_ =	shalt  }
0x4e: {  	_ =	shalt  }
0x4f: {  	_ =	shalt  }
0x50: {  	_ =	shalt  }
0x51: {  	_ =	shalt  }
0x52: {  	_ =	shalt  }
0x53: {  	_ =	shalt  }
0x54: {  	_ =	shalt  }
0x55: {  	_ =	shalt  }
0x56: {  	_ =	shalt  }
0x57: {  	_ =	shalt  }
0x58: {  	_ =	shalt  }
0x59: {  	_ =	shalt  }
0x5a: {  	_ =	shalt  }
0x5b: {  	_ =	shalt  }
0x5c: {  	_ =	shalt  }
0x5d: {  	_ =	shalt  }
0x5e: {  	_ =	shalt  }
0x5f: {  	_ =	shalt  }
0x60: {  	_ =	shalt  }
0x61: {  	_ =	shalt  }
0x62: {  	_ =	shalt  }
0x63: {  	_ =	shalt  }
0x64: {  	_ =	shalt  }
0x65: {  	_ =	shalt  }
0x66: {  	_ =	shalt  }
0x67: {  	_ =	shalt  }
0x68: {  	_ =	shalt  }
0x69: {  	_ =	shalt  }
0x6a: {  	_ =	shalt  }
0x6b: {  	_ =	shalt  }
0x6c: {  	_ =	shalt  }
0x6d: {  	_ =	shalt  }
0x6e: {  	_ =	shalt  }
0x6f: {  	_ =	shalt  }
0x70: {  	_ =	shalt  }
0x71: {  	_ =	shalt  }
0x72: {  	_ =	shalt  }
0x73: {  	_ =	shalt  }
0x74: {  	_ =	shalt  }
0x75: {  	_ =	shalt  }
0x76: {  	_ =	shalt  }
0x77: {  	_ =	shalt  }
0x78: {  	_ =	shalt  }
0x79: {  	_ =	shalt  }
0x7a: {  	_ =	shalt  }
0x7b: {  	_ =	shalt  }
0x7c: {  	_ =	shalt  }
0x7d: {  	_ =	shalt  }
0x7e: {  	_ =	shalt  }
0x7f: {  	_ =	shalt  }
0x80: {  	_ =	shalt  }
0x81: {  	_ =	shalt  }
0x82: {  	_ =	shalt  }
0x83: {  	_ =	shalt  }
0x84: {  	_ =	shalt  }
0x85: {  	_ =	shalt  }
0x86: {  	_ =	shalt  }
0x87: {  	_ =	shalt  }
.Lfunc_end0:
.L_simem_size_0:
called_computation_lowered:
.L_overlay_start_0:
0x88: {  	s2 =	sld [smem:$0x3FD9]  }
0x89: {  	s3 =	sld [smem:$0x3FFE];
	_ =	sdelay $0x1  }
0x8a: {  	s1 =	srdreg.scid  }
0x8b: {  	s0 =	sand.u32 $0x1, s1  }
0x8c: {  	s16 =	sshll.u32 s0, $0xA;
	s2 =	sadd.s32 s3, s2  }
0x8d: {  	s2 =	sadd.s32 s2, s16  }
0x8e: {  	[smem:$0x3FAC] =	sst s2  }
0x8f: {  	_ = 	snop  }
0x90: {  	(tm) =	ssettm $0x1  }
0x91: {  	s17 =	sld [smem:$0x3FFB];
	_ =	sdelay $0x3  }
0x92: {  	_ =	strace s17  }
0x93: {  	s2 =	sld [smem:$0x3FFC];
	_ =	sdelay $0x3  }
0x94: {  	_ =	strace s2  }
0x95: {  	s2 =	sld [smem:$0x3FFD];
	_ =	sdelay $0x3  }
0x96: {  	_ =	strace s2  }
0x97: {  	_ =	strace $0x8FFFFFFF  }
0x98: {  	s18 =	sld [smem:$0x3FDB];
	_ =	sdelay $0x1  }
0x99: {  	s19 =	simm.s32 $_scs_section_size  }
0x9a: {  	s4 =	simm.s32 $_size__tile_overlayer_lowered;
	s5 =	simm.s32 $_tile_overlayer_lowered  }
0x9b: {  	s22 =	simm.s32 $0x1BFF;
	s21 =	sshll.u32 s5, $0x1;
	s2 =	sadd.s32 s19, s18  }
0x9c: {  	s6 =	simm.s32 $0x0;
	s20 =	sshll.u32 s4, $0x1;
	s4 =	sadd.s32 s21, s2  }
0x9d: {  	[timem:s6], [sflag:s22] =	dma.local [hbm:s4], s20  }
0x9e: {  	_ =	swait.ge [sflag:s22], s20  }
0x9f: {  	s3 =	ssub.s32 $0x0, s20;
	[sflag:s22] =	ssyncset.done $0x0  }
0xa0: {  	[sflag:s22] =	ssyncadd.s32 s3;
	_ =	sdelay $0x1  }
0xa1: {  	s23 =	simm.s32 $0x1B8B  }
0xa2: {  	_ =	swait.ge [sflag:s23], $0x1  }
0xa3: {  	[sflag:s23] =	ssyncset.done $0x0  }
0xa4: {  	s25 =	simm.s32 $0x1B8E;
	s24 =	sld [smem:$0x3FFE];
	[sflag:s23] =	ssyncadd.s32 $0xFFFFFFFF  }
0xa5: {  	s26 =	simm.s32 $execute0_lowered;
	[smem:$0x3FD2] =	sst s25  }
0xa6: {  	s4 =	sshll.u32 s26, $0x1;
	_ =	strace $0x80000046;
	[dreg:$0x1] =	wrdreg $0xFFFFFFFF  }
0xa7: {  	s28 =	simm.s32 $_size_execute0_lowered;
	s2 =	sadd.s32 s2, s4;
	[dreg:$0x0] =	wrdreg $0x0  }
0xa8: {  	s4 =	sshll.u32 s28, $0x1;
	[dreg:$0x2] =	wrdreg s2  }
0xa9: {  	[dreg:$0x3] =	wrdreg s4  }
0xaa: {  	[dreg:$0x4] =	wrdreg $0xC0  }
0xab: {  	_ =	task [dreg:s6], $0x5FFFF  }
0xac: {  	[dreg:$0x1] =	wrdreg $0xFFFFFFFF  }
0xad: {  	[dreg:$0x0] =	wrdreg $0x60  }
0xae: {  	[dreg:$0x2] =	wrdreg s24  }
0xaf: {  	[dreg:$0x3] =	wrdreg $0x9  }
0xb0: {  	_ =	task.clear_ibuf [dreg:s6], $0x4FFFF;
	_ =	strace $0x90000046  }
0xb1: {  	s29 =	simm.s32 $0x9;
	_ =	strace $0x80000048  }
0xb2: {  	_ =	swait.ge [sflag:s29], $0x1  }
0xb3: {  	[sflag:s29] =	ssyncadd.s32 $0xFFFFFFFF  }
0xb4: {  	_ =	strace $0x90000048  }
0xb5: {  	_ =	sfence  }
0xb6: {  	s30 =	sld [smem:$0x0];
	_ =	sdelay $0x2  }
0xb7: {  	s31 =	sshll.u32 s1, $0xD;
	s1 =	sshrl.u32 s1, $0x2  }
0xb8: {  	s3 =	sand.u32 $0x4000, s31;
	s1 =	sadd.s32 s1, s30  }
0xb9: {  	s0 =	sor.u32 s3, s0;
	s1 =	sshll.u32 s1, $0x11  }
0xba: {  	s0 =	sor.u32 s1, s0  }
0xbb: {  	s0 =	sadd.s32 $0x8F2B, s0  }
0xbc: {  	[sflag:s0] =	ssyncadd.remote.s32 $0x1  }
0xbd: {  	_ =	sfence.sel $0xFFFF  }
0xbe: {  	[dreg:$0x0] =	wrdreg $0xFFFFFFFF;
	(pc) =	sbr.abs _section_cstart, $3  }
0xbf: {  	[dreg:$0x1] =	wrdreg $0xFFFFFFFF  }
0xc0: {  	_ =	task.clear_ibuf [dreg:s6], $0x2FFFF;
	_ =	strace $0x9FFFFFFF  }
0xc1: {  	(tm) =	ssettm $0x7FFFFFFF  }
tec
execute0_lowered:
.L_overlay_start_1:
0x0: {  	(tag) =	ssettag $0x1  }
0x1: {  	s0 =	srdreg.scid  }
0x2: {  	s28 =	sand.u32 $0x1, s0  }
0x3: {  	s0 =	stileid.u32;
	s1 =	sshll.u32 s28, $0x4  }
0x4: {  	s29 =	sor.u32 s0, s1  }
0x5: {  	s26 =	rddreg [dreg:$0x0];
	s2 =	simm.s32 $0x0;
	s3 =	smul.u32 $0xA0, s29  }
0x6: {  	[smem:$0x7FF] =	sst s2  }
0x7: {  	s1 =	rddreg [dreg:$0x1];
	s3 =	sadd.s32 s3, s26  }
0x8: {  	_ =	strace $0x80000047;
	s4 =	sadd.s32 $0x8C00, s3;
	s3 =	simm.s32 $0x2  }
0x9: {  	[tilespmem:s2], [sflag:$0x2] =	stream.linear.gather [hbm4b:s4+s2], $0x500, $0x38;
	[tilespmem:$0x5500] =	vst v63  }
0xa: {  	_ =	swait.ge [sflag:s3], $0x500  }
0xb: {  	s6 =	simm.s32 $0x80;
	[sflag:s3] =	ssyncset.done $0x0  }
0xc: {  	s7 =	simm.s32 $0x500;
	s5 =	sadd.s32 $0x3C00, s26;
	[sflag:s3] =	ssyncadd.s32 $0xFFFFFB00  }
0xd: {  	[tilespmem:s7], [sflag:$0x1] =	stream.indirect.gather [hbm4b:s5+s6], $0x10, s2, s6, $0xb8;
	[tilespmem:$0x5500] =	vst v63  }
0xe: {  	s8 =	simm.s32 $0xD00  }
0xf: {  	[tilespmem:s8], [sflag:$0x1] =	stream.indirect.gather [hbm4b:s5+s6], $0x10, s6, s6, $0xb8;
	[tilespmem:$0x5500] =	vst v63  }
0x10: {  	s9 =	simm.s32 $0x100;
	s10 =	simm.s32 $0x1500  }
0x11: {  	[tilespmem:s10], [sflag:$0x1] =	stream.indirect.gather [hbm4b:s5+s6], $0x10, s9, s6, $0xb8;
	[tilespmem:$0x5500] =	vst v63  }
0x12: {  	s11 =	simm.s32 $0x180;
	s12 =	simm.s32 $0x1D00  }
0x13: {  	[tilespmem:s12], [sflag:$0x1] =	stream.indirect.gather [hbm4b:s5+s6], $0x10, s11, s6, $0xb8;
	[tilespmem:$0x5500] =	vst v63  }
0x14: {  	s13 =	simm.s32 $0x200;
	s14 =	simm.s32 $0x2500  }
0x15: {  	[tilespmem:s14], [sflag:$0x1] =	stream.indirect.gather [hbm4b:s5+s6], $0x10, s13, s6, $0xb8;
	[tilespmem:$0x5500] =	vst v63  }
0x16: {  	s15 =	simm.s32 $0x280;
	s16 =	simm.s32 $0x2D00  }
0x17: {  	[tilespmem:s16], [sflag:$0x1] =	stream.indirect.gather [hbm4b:s5+s6], $0x10, s15, s6, $0xb8;
	[tilespmem:$0x5500] =	vst v63  }
0x18: {  	s17 =	simm.s32 $0x300;
	s18 =	simm.s32 $0x3500  }
0x19: {  	[tilespmem:s18], [sflag:$0x1] =	stream.indirect.gather [hbm4b:s5+s6], $0x10, s17, s6, $0xb8;
	[tilespmem:$0x5500] =	vst v63  }
0x1a: {  	s19 =	simm.s32 $0x380;
	s20 =	simm.s32 $0x3D00  }
0x1b: {  	[tilespmem:s20], [sflag:$0x1] =	stream.indirect.gather [hbm4b:s5+s6], $0x10, s19, s6, $0xb8;
	[tilespmem:$0x5500] =	vst v63  }
0x1c: {  	s21 =	simm.s32 $0x400;
	s22 =	simm.s32 $0x4500  }
0x1d: {  	[tilespmem:s22], [sflag:$0x1] =	stream.indirect.gather [hbm4b:s5+s6], $0x10, s21, s6, $0xb8;
	[tilespmem:$0x5500] =	vst v63  }
0x1e: {  	s23 =	simm.s32 $0x480;
	s24 =	simm.s32 $0x4D00;
	s25 =	simm.s32 $0x1  }
0x1f: {  	[tilespmem:s24], [sflag:$0x1] =	stream.indirect.gather [hbm4b:s5+s6], $0x10, s23, s6, $0xb8;
	[tilespmem:$0x5500] =	vst v63  }
0x20: {  	_ =	swait.ge [sflag:s25], $0x800  }
0x21: {  	[sflag:s25] =	ssyncset.done $0x0  }
0x22: {  	[sflag:s25] =	ssyncadd.s32 $0xFFFFF800  }
0x23: {  	_ =	swait.ge [sflag:s25], $0x800  }
0x24: {  	[sflag:s25] =	ssyncset.done $0x0  }
0x25: {  	[sflag:s25] =	ssyncadd.s32 $0xFFFFF800  }
0x26: {  	_ =	swait.ge [sflag:s25], $0x800  }
0x27: {  	[sflag:s25] =	ssyncset.done $0x0  }
0x28: {  	[sflag:s25] =	ssyncadd.s32 $0xFFFFF800  }
0x29: {  	_ =	swait.ge [sflag:s25], $0x800  }
0x2a: {  	[sflag:s25] =	ssyncset.done $0x0  }
0x2b: {  	[sflag:s25] =	ssyncadd.s32 $0xFFFFF800  }
0x2c: {  	_ =	swait.ge [sflag:s25], $0x800  }
0x2d: {  	[sflag:s25] =	ssyncset.done $0x0  }
0x2e: {  	[sflag:s25] =	ssyncadd.s32 $0xFFFFF800  }
0x2f: {  	_ =	swait.ge [sflag:s25], $0x800  }
0x30: {  	[sflag:s25] =	ssyncset.done $0x0  }
0x31: {  	[sflag:s25] =	ssyncadd.s32 $0xFFFFF800  }
0x32: {  	_ =	swait.ge [sflag:s25], $0x800  }
0x33: {  	[sflag:s25] =	ssyncset.done $0x0  }
0x34: {  	[sflag:s25] =	ssyncadd.s32 $0xFFFFF800  }
0x35: {  	_ =	swait.ge [sflag:s25], $0x800  }
0x36: {  	[sflag:s25] =	ssyncset.done $0x0  }
0x37: {  	s28 =	ssub.s32 $0x2, s28;
	[sflag:s25] =	ssyncadd.s32 $0xFFFFF800  }
0x38: {  	s30 =	sshrl.u32 s28, $0x1;
	_ =	swait.ge [sflag:s25], $0x800  }
0x39: {  	s28 =	ssub.s32 s28, s30;
	[sflag:s25] =	ssyncset.done $0x0  }
0x3a: {  	s29 =	smul.u32 $0xA00, s29;
	s28 =	smax.u32 s28, $0x1;
	[sflag:s25] =	ssyncadd.s32 $0xFFFFF800  }
0x3b: {  	p0 =	sne.s32 s28, $0x1;
	_ =	swait.ge [sflag:s25], $0x800  }
.Ltmp0:
0x3c: {  	s26 =	sadd.s32 s29, s26;
	[sflag:s25] =	ssyncset.done $0x0;
	(pc) =	sbr.rel @!p0 .LBB2_2-.Ltmp0, $4  }
0x3d: {  	s26 =	sadd.s32 $0xA000, s26;
	[sflag:s25] =	ssyncadd.s32 $0xFFFFF800  }
0x3e: {  	[hbm4b:s26+s2] =	stream.linear.scatter [tilespmem:s7], [sflag:$0x2], $0x5000, $0x38;
	[tilespmem:$0x5500] =	vst v63  }
0x3f: {  	_ =	swait.ge [sflag:s3], $0x5000  }
0x40: {  	s28 =	sadd.s32 $0xFFFFFFFF, s28;
	[sflag:s3] =	ssyncset.done $0x0  }
.LBB2_1:
0x41: {  	p0 =	sne.s32 s28, $0x1;
	s28 =	sadd.s32 $0xFFFFFFFF, s28;
	[sflag:s3] =	ssyncadd.s32 $0xFFFFB000  }
0x42: {  	[tilespmem:s2], [sflag:$0x2] =	stream.linear.gather [hbm4b:s4+s2], $0x500, $0x38;
	[tilespmem:$0x5500] =	vst v63  }
0x43: {  	_ =	swait.ge [sflag:s3], $0x500  }
0x44: {  	[sflag:s3] =	ssyncset.done $0x0  }
0x45: {  	[sflag:s3] =	ssyncadd.s32 $0xFFFFFB00  }
0x46: {  	[tilespmem:s7], [sflag:$0x1] =	stream.indirect.gather [hbm4b:s5+s6], $0x10, s2, s6, $0xb8;
	[tilespmem:$0x5500] =	vst v63  }
0x47: {  	_ = 	snop  }
0x48: {  	[tilespmem:s8], [sflag:$0x1] =	stream.indirect.gather [hbm4b:s5+s6], $0x10, s6, s6, $0xb8;
	[tilespmem:$0x5500] =	vst v63  }
0x49: {  	_ = 	snop  }
0x4a: {  	[tilespmem:s10], [sflag:$0x1] =	stream.indirect.gather [hbm4b:s5+s6], $0x10, s9, s6, $0xb8;
	[tilespmem:$0x5500] =	vst v63  }
0x4b: {  	_ = 	snop  }
0x4c: {  	[tilespmem:s12], [sflag:$0x1] =	stream.indirect.gather [hbm4b:s5+s6], $0x10, s11, s6, $0xb8;
	[tilespmem:$0x5500] =	vst v63  }
0x4d: {  	_ = 	snop  }
0x4e: {  	[tilespmem:s14], [sflag:$0x1] =	stream.indirect.gather [hbm4b:s5+s6], $0x10, s13, s6, $0xb8;
	[tilespmem:$0x5500] =	vst v63  }
0x4f: {  	_ = 	snop  }
0x50: {  	[tilespmem:s16], [sflag:$0x1] =	stream.indirect.gather [hbm4b:s5+s6], $0x10, s15, s6, $0xb8;
	[tilespmem:$0x5500] =	vst v63  }
0x51: {  	_ = 	snop  }
0x52: {  	[tilespmem:s18], [sflag:$0x1] =	stream.indirect.gather [hbm4b:s5+s6], $0x10, s17, s6, $0xb8;
	[tilespmem:$0x5500] =	vst v63  }
0x53: {  	_ = 	snop  }
0x54: {  	[tilespmem:s20], [sflag:$0x1] =	stream.indirect.gather [hbm4b:s5+s6], $0x10, s19, s6, $0xb8;
	[tilespmem:$0x5500] =	vst v63  }
0x55: {  	_ = 	snop  }
0x56: {  	[tilespmem:s22], [sflag:$0x1] =	stream.indirect.gather [hbm4b:s5+s6], $0x10, s21, s6, $0xb8;
	[tilespmem:$0x5500] =	vst v63  }
0x57: {  	_ = 	snop  }
0x58: {  	[tilespmem:s24], [sflag:$0x1] =	stream.indirect.gather [hbm4b:s5+s6], $0x10, s23, s6, $0xb8;
	[tilespmem:$0x5500] =	vst v63  }
0x59: {  	_ =	swait.ge [sflag:s25], $0x800  }
0x5a: {  	[sflag:s25] =	ssyncset.done $0x0  }
0x5b: {  	[sflag:s25] =	ssyncadd.s32 $0xFFFFF800  }
0x5c: {  	_ =	swait.ge [sflag:s25], $0x800  }
0x5d: {  	[sflag:s25] =	ssyncset.done $0x0  }
0x5e: {  	[sflag:s25] =	ssyncadd.s32 $0xFFFFF800  }
0x5f: {  	_ =	swait.ge [sflag:s25], $0x800  }
0x60: {  	[sflag:s25] =	ssyncset.done $0x0  }
0x61: {  	[sflag:s25] =	ssyncadd.s32 $0xFFFFF800  }
0x62: {  	_ =	swait.ge [sflag:s25], $0x800  }
0x63: {  	[sflag:s25] =	ssyncset.done $0x0  }
0x64: {  	[sflag:s25] =	ssyncadd.s32 $0xFFFFF800  }
0x65: {  	_ =	swait.ge [sflag:s25], $0x800  }
0x66: {  	[sflag:s25] =	ssyncset.done $0x0  }
0x67: {  	[sflag:s25] =	ssyncadd.s32 $0xFFFFF800  }
0x68: {  	_ =	swait.ge [sflag:s25], $0x800  }
0x69: {  	[sflag:s25] =	ssyncset.done $0x0  }
0x6a: {  	[sflag:s25] =	ssyncadd.s32 $0xFFFFF800  }
0x6b: {  	_ =	swait.ge [sflag:s25], $0x800  }
0x6c: {  	[sflag:s25] =	ssyncset.done $0x0  }
0x6d: {  	[sflag:s25] =	ssyncadd.s32 $0xFFFFF800  }
0x6e: {  	_ =	swait.ge [sflag:s25], $0x800  }
0x6f: {  	[sflag:s25] =	ssyncset.done $0x0  }
0x70: {  	[sflag:s25] =	ssyncadd.s32 $0xFFFFF800  }
0x71: {  	_ =	swait.ge [sflag:s25], $0x800  }
0x72: {  	[sflag:s25] =	ssyncset.done $0x0  }
0x73: {  	[sflag:s25] =	ssyncadd.s32 $0xFFFFF800  }
0x74: {  	_ =	swait.ge [sflag:s25], $0x800  }
.Ltmp1:
0x75: {  	[sflag:s25] =	ssyncset.done $0x0;
	(pc) =	sbr.rel @p0 .LBB2_1-.Ltmp1, $4  }
0x76: {  	[sflag:s25] =	ssyncadd.s32 $0xFFFFF800  }
0x77: {  	[hbm4b:s26+s2] =	stream.linear.scatter [tilespmem:s7], [sflag:$0x2], $0x5000, $0x38;
	[tilespmem:$0x5500] =	vst v63  }
0x78: {  	_ =	swait.ge [sflag:s3], $0x5000  }
0x79: {  	[sflag:s3] =	ssyncset.done $0x0  }
.LBB2_2:
0x7a: {  	[sflag:s3] =	ssyncadd.s32 $0xFFFFB000  }
0x7b: {  	_ =	sfence.sel $0x180000  }
0x7c: {  	[bflag:$0x0] =	sbarrier.arrive $0xFFFF  }
0x7d: {  	p0 =	sne.s32 s0, $0x0;
	_ =	strace $0x90000047  }
0x7e: {  	s0 =	sadd.s32 @!p0 $0x100000, s1;
	[bflag:$0x2] =	sbarrier.arrive $0xFFFF  }
0x7f: {  	[sflag:s0] =	ssyncadd.tile.s32 @!p0 $0x1;
	_ =	shalt  }
.Lfunc_end2:
_tile_overlayer_lowered:
.L_overlay_start_2:
0x80: {  	(tag) =	ssettag $0x2  }
0x81: {  	s0 =	rddreg [dreg:$0x0];
	s2 =	stileid.u32  }
0x82: {  	s1 =	rddreg [dreg:$0x1];
	p0 =	sne.s32 s2, $0x0  }
0x83: {  	s3 =	rddreg [dreg:$0x2];
	[bflag:$0x3] =	sbarrier.arrive $0xFFFF;
	s2 =	simm.s32 @!p0 $0x1C02  }
0x84: {  	[timem:s3], [sflag:s2] =	dma.local @!p0 [hbm:s0], s1  }
0x85: {  	s0 =	simm.s32 @!p0 $0x2  }
0x86: {  	_ =	swait.ge @!p0 [sflag:s0], s1  }
0x87: {  	s1 =	ssub.s32 @!p0 $0x0, s1;
	[sflag:s0] =	ssyncset.done @!p0 $0x0  }
0x88: {  	[sflag:s0] =	ssyncadd.s32 @!p0 s1  }
0x89: {  	[bflag:$0x3] =	sbarrier.arrive $0xFFFF  }
0x8a: {  	_ =	shalt  }

// kernel: kernel.17.cloned.1.call-start
scs
__scs_entry_jumppad:
0x0: {  	(pc) =	sbr.rel $0x88, $3  }
0x1: {  	(tag) =	ssettag $0x0;
	lr =	simm.s32 $0x1  }
0x2: {  	[smem:$0x3F85] =	sst lr;
	_ =	strace $0xD0000000  }
0x3: {  	_ = 	snop  }
0x4: {  	_ = 	snop  }
0x5: {  	_ = 	snop  }
0x6: {  	_ = 	snop  }
0x7: {  	_ = 	snop  }
__scs_overlays_trampoline_lowered:
0x8: {  	[smem:$0x3F94] =	sst s0  }
0x9: {  	[smem:$0x3F95] =	sst s1  }
0xa: {  	[smem:$0x3F96] =	sst s2  }
0xb: {  	[smem:$0x3F97] =	sst s3  }
0xc: {  	[smem:$0x3F98] =	sst s4  }
0xd: {  	[smem:$0x3F99] =	sst s5  }
0xe: {  	[smem:$0x3F9A] =	sst s6  }
0xf: {  	[smem:$0x3F9B] =	sst s7  }
0x10: {  	[smem:$0x3F9C] =	sst s8  }
0x11: {  	[smem:$0x3F9D] =	sst s9;
	s0 =	simm.s32 @!p0 $0x0  }
0x12: {  	s1 =	sld [smem:$0x3F83];
	s0 =	simm.s32 @p0 $0x1  }
0x13: {  	[smem:$0x3F9E] =	sst s0;
	s0 =	simm.s32 @!p1 $0x0  }
0x14: {  	s2 =	sld [smem:$0x3F82];
	s0 =	simm.s32 @p1 $0x1  }
0x15: {  	[smem:$0x3F9F] =	sst s0;
	s0 =	simm.s32 @!p2 $0x0  }
0x16: {  	s3 =	sld [smem:$0x3FDB];
	s0 =	simm.s32 @p2 $0x1  }
0x17: {  	s4 =	simm.s32 $0x1BF5;
	[smem:$0x3FA1] =	sst s0  }
0x18: {  	s0 =	sld [smem:$0x3F84];
	_ =	swait.ge [sflag:s4], $0x0  }
0x19: {  	s7 =	sld [smem:$0x3F85]  }
0x1a: {  	s8 =	sadd.s32 $0xFFFFE003, lr  }
0x1b: {  	s9 =	sadd.s32 $0xFFFFFEF7, lr;
	s5 =	simm.s32 $0xFFFFFFFF;
	p2 =	slt.u32 s8, $0xFFFFF086  }
0x1c: {  	p1 =	slt.u32 s9, $0xF7A;
	s5 =	simm.s32 @!p2 $0x0  }
0x1d: {  	s5 =	simm.s32 @p1 $0x1;
	p0 =	seq.s32 s7, s2  }
0x1e: {  	s7 =	smul.u32 @!p0 $0xF7A, s2;
	p2 =	seq.s32 @!p0 s5, $0x0  }
0x1f: {  	s9 =	smul.u32 $0xF7A, s1;
	s8 =	simm.s32 @!p0 $0x1BF5;
	p2 =	por !p2, p0  }
0x20: {  	[sflag:s8] =	ssyncset.s32 @!p0 $0xFFFFF086;
	s6 =	sadd.s32 @!p0 s3, s7;
	s7 =	simm.s32 @!p0 $0x108  }
0x21: {  	s3 =	sadd.s32 s3, s9;
	s6 =	sadd.s32 @!p0 $0x88, s6;
	s7 =	simm.s32 @p2 $0x1082  }
0x22: {  	[simem:s7], [sflag:s8] =	dma.local @!p0 [hbm:s6], $0xF7A  }
0x23: {  	s9 =	sor.u32 $0xD0000000, s2;
	s6 =	simm.s32 $0x108;
	_ =	swait.ge @!p0 [sflag:s8], $0x0  }
0x24: {  	s3 =	sadd.s32 $0x88, s3;
	s6 =	simm.s32 @!p1 $0x1082;
	[sflag:s4] =	ssyncset.s32 $0xFFFFF086  }
0x25: {  	[simem:s6], [sflag:s4] =	dma.local [hbm:s3], $0xF7A  }
0x26: {  	[smem:$0x3F85] =	sst s1;
	(tag) =	ssettag s2;
	_ =	strace s9  }
0x27: {  	s1 =	sld [smem:$0x3F95]  }
0x28: {  	s2 =	sld [smem:$0x3F96]  }
0x29: {  	s4 =	sld [smem:$0x3F98]  }
0x2a: {  	p0 =	seq.s32 s5, $0x0;
	s5 =	sld [smem:$0x3F99]  }
0x2b: {  	s6 =	sld [smem:$0x3F9A]  }
0x2c: {  	s7 =	sld [smem:$0x3F9B]  }
0x2d: {  	s3 =	simm.s32 $0x108;
	s8 =	sld [smem:$0x3F9C]  }
0x2e: {  	s3 =	simm.s32 @!p0 $0x1082;
	s9 =	sld [smem:$0x3F9D]  }
0x2f: {  	lr =	sadd.s32 s0, s3;
	s0 =	sld [smem:$0x3F94]  }
0x30: {  	s3 =	sld [smem:$0x3F97]  }
0x31: {  	[smem:$0x3FA0] =	sst s10  }
0x32: {  	s10 =	sld [smem:$0x3F9E];
	_ =	sdelay $0x3  }
0x33: {  	p0 =	seq.s32 s10, $0x1;
	s10 =	sld [smem:$0x3FA0];
	_ =	sdelay $0x3  }
0x34: {  	[smem:$0x3FA0] =	sst s10  }
0x35: {  	s10 =	sld [smem:$0x3F9F];
	_ =	sdelay $0x3  }
0x36: {  	p1 =	seq.s32 s10, $0x1;
	s10 =	sld [smem:$0x3FA0];
	_ =	sdelay $0x3  }
0x37: {  	[smem:$0x3FA0] =	sst s10  }
0x38: {  	s10 =	sld [smem:$0x3FA1]  }
0x39: {  	_ = 	snop;
	(pc) =	sbr.ind lr, $3  }
0x3a: {  	_ = 	snop  }
0x3b: {  	_ = 	snop  }
0x3c: {  	p2 =	seq.s32 s10, $0x1;
	s10 =	sld [smem:$0x3FA0]  }
0x3d: {  	_ =	shalt  }
0x3e: {  	_ =	shalt  }
0x3f: {  	_ =	shalt  }
0x40: {  	_ =	shalt  }
0x41: {  	_ =	shalt  }
0x42: {  	_ =	shalt  }
0x43: {  	_ =	shalt  }
0x44: {  	_ =	shalt  }
0x45: {  	_ =	shalt  }
0x46: {  	_ =	shalt  }
0x47: {  	_ =	shalt  }
0x48: {  	_ =	shalt  }
0x49: {  	_ =	shalt  }
0x4a: {  	_ =	shalt  }
0x4b: {  	_ =	shalt  }
0x4c: {  	_ =	shalt  }
0x4d: {  	_ =	shalt  }
0x4e: {  	_ =	shalt  }
0x4f: {  	_ =	shalt  }
0x50: {  	_ =	shalt  }
0x51: {  	_ =	shalt  }
0x52: {  	_ =	shalt  }
0x53: {  	_ =	shalt  }
0x54: {  	_ =	shalt  }
0x55: {  	_ =	shalt  }
0x56: {  	_ =	shalt  }
0x57: {  	_ =	shalt  }
0x58: {  	_ =	shalt  }
0x59: {  	_ =	shalt  }
0x5a: {  	_ =	shalt  }
0x5b: {  	_ =	shalt  }
0x5c: {  	_ =	shalt  }
0x5d: {  	_ =	shalt  }
0x5e: {  	_ =	shalt  }
0x5f: {  	_ =	shalt  }
0x60: {  	_ =	shalt  }
0x61: {  	_ =	shalt  }
0x62: {  	_ =	shalt  }
0x63: {  	_ =	shalt  }
0x64: {  	_ =	shalt  }
0x65: {  	_ =	shalt  }
0x66: {  	_ =	shalt  }
0x67: {  	_ =	shalt  }
0x68: {  	_ =	shalt  }
0x69: {  	_ =	shalt  }
0x6a: {  	_ =	shalt  }
0x6b: {  	_ =	shalt  }
0x6c: {  	_ =	shalt  }
0x6d: {  	_ =	shalt  }
0x6e: {  	_ =	shalt  }
0x6f: {  	_ =	shalt  }
0x70: {  	_ =	shalt  }
0x71: {  	_ =	shalt  }
0x72: {  	_ =	shalt  }
0x73: {  	_ =	shalt  }
0x74: {  	_ =	shalt  }
0x75: {  	_ =	shalt  }
0x76: {  	_ =	shalt  }
0x77: {  	_ =	shalt  }
0x78: {  	_ =	shalt  }
0x79: {  	_ =	shalt  }
0x7a: {  	_ =	shalt  }
0x7b: {  	_ =	shalt  }
0x7c: {  	_ =	shalt  }
0x7d: {  	_ =	shalt  }
0x7e: {  	_ =	shalt  }
0x7f: {  	_ =	shalt  }
0x80: {  	_ =	shalt  }
0x81: {  	_ =	shalt  }
0x82: {  	_ =	shalt  }
0x83: {  	_ =	shalt  }
0x84: {  	_ =	shalt  }
0x85: {  	_ =	shalt  }
0x86: {  	_ =	shalt  }
0x87: {  	_ =	shalt  }
.Lfunc_end0:
.L_simem_size_0:
called_computation.1_lowered:
.L_overlay_start_0:
0x88: {  	s2 =	sld [smem:$0x3FD9]  }
0x89: {  	s3 =	sld [smem:$0x3FFE];
	_ =	sdelay $0x1  }
0x8a: {  	s1 =	srdreg.scid  }
0x8b: {  	s0 =	sand.u32 $0x1, s1  }
0x8c: {  	s16 =	sshll.u32 s0, $0xA;
	s2 =	sadd.s32 s3, s2  }
0x8d: {  	s2 =	sadd.s32 s2, s16  }
0x8e: {  	[smem:$0x3FAC] =	sst s2  }
0x8f: {  	_ = 	snop  }
0x90: {  	(tm) =	ssettm $0x1  }
0x91: {  	s17 =	sld [smem:$0x3FFB];
	_ =	sdelay $0x3  }
0x92: {  	_ =	strace s17  }
0x93: {  	s2 =	sld [smem:$0x3FFC];
	_ =	sdelay $0x3  }
0x94: {  	_ =	strace s2  }
0x95: {  	s2 =	sld [smem:$0x3FFD];
	_ =	sdelay $0x3  }
0x96: {  	_ =	strace s2  }
0x97: {  	_ =	strace $0x8FFFFFFF  }
0x98: {  	s18 =	sld [smem:$0x3FDB];
	_ =	sdelay $0x1  }
0x99: {  	s19 =	simm.s32 $_scs_section_size  }
0x9a: {  	s4 =	simm.s32 $_size__tile_overlayer_lowered;
	s5 =	simm.s32 $_tile_overlayer_lowered  }
0x9b: {  	s22 =	simm.s32 $0x1BFF;
	s21 =	sshll.u32 s5, $0x1;
	s2 =	sadd.s32 s19, s18  }
0x9c: {  	s6 =	simm.s32 $0x0;
	s20 =	sshll.u32 s4, $0x1;
	s4 =	sadd.s32 s21, s2  }
0x9d: {  	[timem:s6], [sflag:s22] =	dma.local [hbm:s4], s20  }
0x9e: {  	_ =	swait.ge [sflag:s22], s20  }
0x9f: {  	s3 =	ssub.s32 $0x0, s20;
	[sflag:s22] =	ssyncset.done $0x0  }
0xa0: {  	[sflag:s22] =	ssyncadd.s32 s3;
	_ =	sdelay $0x1  }
0xa1: {  	s23 =	simm.s32 $0x1B8B  }
0xa2: {  	_ =	swait.ge [sflag:s23], $0x1  }
0xa3: {  	[sflag:s23] =	ssyncset.done $0x0  }
0xa4: {  	s25 =	simm.s32 $0x1B8E;
	s24 =	sld [smem:$0x3FFE];
	[sflag:s23] =	ssyncadd.s32 $0xFFFFFFFF  }
0xa5: {  	s26 =	simm.s32 $execute0_lowered;
	[smem:$0x3FD2] =	sst s25  }
0xa6: {  	s4 =	sshll.u32 s26, $0x1;
	_ =	strace $0x80000049;
	[dreg:$0x1] =	wrdreg $0xFFFFFFFF  }
0xa7: {  	s28 =	simm.s32 $_size_execute0_lowered;
	s2 =	sadd.s32 s2, s4;
	[dreg:$0x0] =	wrdreg $0x0  }
0xa8: {  	s4 =	sshll.u32 s28, $0x1;
	[dreg:$0x2] =	wrdreg s2  }
0xa9: {  	[dreg:$0x3] =	wrdreg s4  }
0xaa: {  	[dreg:$0x4] =	wrdreg $0xC0  }
0xab: {  	_ =	task [dreg:s6], $0x5FFFF  }
0xac: {  	[dreg:$0x1] =	wrdreg $0xFFFFFFFF  }
0xad: {  	[dreg:$0x0] =	wrdreg $0x60  }
0xae: {  	[dreg:$0x2] =	wrdreg s24  }
0xaf: {  	[dreg:$0x3] =	wrdreg $0xA5000  }
0xb0: {  	[dreg:$0x4] =	wrdreg $0x9  }
0xb1: {  	_ =	task.clear_ibuf [dreg:s6], $0x5FFFF;
	_ =	strace $0x90000049  }
0xb2: {  	s29 =	simm.s32 $0x9;
	_ =	strace $0x8000004B  }
0xb3: {  	_ =	swait.ge [sflag:s29], $0x1  }
0xb4: {  	[sflag:s29] =	ssyncadd.s32 $0xFFFFFFFF  }
0xb5: {  	_ =	strace $0x9000004B  }
0xb6: {  	_ =	sfence  }
0xb7: {  	s30 =	sld [smem:$0x0];
	_ =	sdelay $0x2  }
0xb8: {  	s31 =	sshll.u32 s1, $0xD;
	s1 =	sshrl.u32 s1, $0x2  }
0xb9: {  	s3 =	sand.u32 $0x4000, s31;
	s1 =	sadd.s32 s1, s30  }
0xba: {  	s0 =	sor.u32 s3, s0;
	s1 =	sshll.u32 s1, $0x11  }
0xbb: {  	s0 =	sor.u32 s1, s0  }
0xbc: {  	s0 =	sadd.s32 $0x8F2B, s0  }
0xbd: {  	[sflag:s0] =	ssyncadd.remote.s32 $0x1  }
0xbe: {  	_ =	sfence.sel $0xFFFF  }
0xbf: {  	[dreg:$0x0] =	wrdreg $0xFFFFFFFF;
	(pc) =	sbr.abs _section_cstart, $3  }
0xc0: {  	[dreg:$0x1] =	wrdreg $0xFFFFFFFF  }
0xc1: {  	_ =	task.clear_ibuf [dreg:s6], $0x2FFFF;
	_ =	strace $0x9FFFFFFF  }
0xc2: {  	(tm) =	ssettm $0x7FFFFFFF  }
0xc3: {  	_ =	shalt  }
tec
execute0_lowered:
.L_overlay_start_1:
0x0: {  	(tag) =	ssettag $0x1  }
0x1: {  	s30 =	rddreg [dreg:$0x0]  }
0x2: {  	s2 =	rddreg [dreg:$0x1]  }
0x3: {  	s0 =	stileid.u32;
	s4 =	srdreg.scid  }
0x4: {  	s3 =	simm.s32 $0x0;
	s5 =	smul.u32 $0x5000, s0;
	s31 =	sand.u32 $0x1, s4  }
0x5: {  	[smem:$0x7FF] =	sst s3;
	s25 =	sshll.u32 s0, $0x6;
	s4 =	sshll.u32 s31, $0x4  }
0x6: {  	_ =	strace $0x8000004A;
	s6 =	sshrl.u32 s5, $0x3;
	s8 =	sor.u32 s0, s4  }
0x7: {  	s24 =	sadd.s32 s5, s2;
	s5 =	sor.u32 $0x1C01, s25;
	s23 =	sadd.s32 s6, s30  }
0x8: {  	s7 =	sshrl.u32 s24, $0x3;
	s6 =	simm.s32 $0x1;
	s4 =	sadd.s32 $0xA000, s23  }
0x9: {  	[spmem:s7], [sflag:s5] =	dma.local [hbm:s4], $0xA00  }
0xa: {  	s9 =	smul.u32 $0xA0, s8;
	_ =	swait.ge [sflag:s6], $0xA00  }
0xb: {  	[sflag:s6] =	ssyncset.done $0x0  }
0xc: {  	s9 =	sadd.s32 s9, s30;
	[sflag:s6] =	ssyncadd.s32 $0xFFFFF600  }
0xd: {  	s10 =	smul.u32 $0x1400, s8;
	s8 =	sadd.s32 $0xBE000, s9;
	[bflag:$0x0] =	sbarrier.arrive $0xFFFF  }
0xe: {  	[tilespmem:s3], [sflag:$0x1] =	stream.linear.gather [hbm4b:s8+s3], $0x500, $0x38;
	[tilespmem:$0xF500] =	vst v63  }
0xf: {  	_ =	swait.ge [sflag:s6], $0x500  }
0x10: {  	s26 =	sadd.s32 s10, s30;
	[sflag:s6] =	ssyncset.done $0x0  }
0x11: {  	s10 =	simm.s32 $0x500;
	s9 =	sadd.s32 $0xBF400, s26;
	[sflag:s6] =	ssyncadd.s32 $0xFFFFFB00  }
0x12: {  	[tilespmem:s10], [sflag:$0x1] =	stream.linear.gather [hbm4b:s9+s3], $0xA000, $0x38;
	[tilespmem:$0xF500] =	vst v63  }
0x13: {  	_ =	swait.ge [sflag:s6], $0xA000  }
0x14: {  	[sflag:s6] =	ssyncset.done $0x0  }
0x15: {  	s11 =	simm.s32 $0x80;
	[sflag:s6] =	ssyncadd.s32 $0xFFFF6000  }
0x16: {  	[spmem:s2] =	stream.indirect.scatter.add.f32 [tilespmem:s10], [sflag:$0x1], $0x20, s3, s11, $0xb8;
	[tilespmem:$0xF500] =	vst v63  }
0x17: {  	_ =	swait.ge [sflag:s6], $0x1000  }
0x18: {  	[sflag:s6] =	ssyncset.done $0x0  }
0x19: {  	s12 =	simm.s32 $0x1500;
	[sflag:s6] =	ssyncadd.s32 $0xFFFFF000  }
0x1a: {  	[spmem:s2] =	stream.indirect.scatter.add.f32 [tilespmem:s12], [sflag:$0x1], $0x20, s11, s11, $0xb8;
	[tilespmem:$0xF500] =	vst v63  }
0x1b: {  	_ =	swait.ge [sflag:s6], $0x1000  }
0x1c: {  	[sflag:s6] =	ssyncset.done $0x0  }
0x1d: {  	s13 =	simm.s32 $0x100;
	s14 =	simm.s32 $0x2500;
	[sflag:s6] =	ssyncadd.s32 $0xFFFFF000  }
0x1e: {  	[spmem:s2] =	stream.indirect.scatter.add.f32 [tilespmem:s14], [sflag:$0x1], $0x20, s13, s11, $0xb8;
	[tilespmem:$0xF500] =	vst v63  }
0x1f: {  	_ =	swait.ge [sflag:s6], $0x1000  }
0x20: {  	[sflag:s6] =	ssyncset.done $0x0  }
0x21: {  	s15 =	simm.s32 $0x180;
	s16 =	simm.s32 $0x3500;
	[sflag:s6] =	ssyncadd.s32 $0xFFFFF000  }
0x22: {  	[spmem:s2] =	stream.indirect.scatter.add.f32 [tilespmem:s16], [sflag:$0x1], $0x20, s15, s11, $0xb8;
	[tilespmem:$0xF500] =	vst v63  }
0x23: {  	_ =	swait.ge [sflag:s6], $0x1000  }
0x24: {  	[sflag:s6] =	ssyncset.done $0x0  }
0x25: {  	s17 =	simm.s32 $0x200;
	s18 =	simm.s32 $0x4500;
	[sflag:s6] =	ssyncadd.s32 $0xFFFFF000  }
0x26: {  	[spmem:s2] =	stream.indirect.scatter.add.f32 [tilespmem:s18], [sflag:$0x1], $0x20, s17, s11, $0xb8;
	[tilespmem:$0xF500] =	vst v63  }
0x27: {  	_ =	swait.ge [sflag:s6], $0x1000  }
0x28: {  	[sflag:s6] =	ssyncset.done $0x0  }
0x29: {  	s19 =	simm.s32 $0x280;
	s20 =	simm.s32 $0x5500;
	[sflag:s6] =	ssyncadd.s32 $0xFFFFF000  }
0x2a: {  	[spmem:s2] =	stream.indirect.scatter.add.f32 [tilespmem:s20], [sflag:$0x1], $0x20, s19, s11, $0xb8;
	[tilespmem:$0xF500] =	vst v63  }
0x2b: {  	_ =	swait.ge [sflag:s6], $0x1000  }
0x2c: {  	[sflag:s6] =	ssyncset.done $0x0  }
0x2d: {  	s21 =	simm.s32 $0x300;
	s22 =	simm.s32 $0x6500;
	[sflag:s6] =	ssyncadd.s32 $0xFFFFF000  }
0x2e: {  	[spmem:s2] =	stream.indirect.scatter.add.f32 [tilespmem:s22], [sflag:$0x1], $0x20, s21, s11, $0xb8;
	[tilespmem:$0xF500] =	vst v63  }
0x2f: {  	_ =	swait.ge [sflag:s6], $0x1000  }
0x30: {  	[sflag:s6] =	ssyncset.done $0x0  }
0x31: {  	s24 =	simm.s32 $0x7500;
	s23 =	simm.s32 $0x380;
	[sflag:s6] =	ssyncadd.s32 $0xFFFFF000  }
0x32: {  	[spmem:s2] =	stream.indirect.scatter.add.f32 [tilespmem:s24], [sflag:$0x1], $0x20, s23, s11, $0xb8;
	[tilespmem:$0xF500] =	vst v63  }
0x33: {  	_ =	swait.ge [sflag:s6], $0x1000  }
0x34: {  	s1 =	smul.u32 $0xA00, s0;
	s25 =	simm.s32 $0x400;
	[sflag:s6] =	ssyncset.done $0x0  }
0x35: {  	s0 =	smul.u32 $0xA000, s31;
	s26 =	simm.s32 $0x8500;
	[sflag:s6] =	ssyncadd.s32 $0xFFFFF000  }
0x36: {  	[spmem:s2] =	stream.indirect.scatter.add.f32 [tilespmem:s26], [sflag:$0x1], $0x20, s25, s11, $0xb8;
	[tilespmem:$0xF500] =	vst v63  }
0x37: {  	s28 =	simm.s32 $0x480;
	s31 =	ssub.s32 $0x2, s31;
	_ =	swait.ge [sflag:s6], $0x1000  }
0x38: {  	s0 =	sadd.s32 s1, s0;
	s1 =	sshrl.u32 s31, $0x1;
	[sflag:s6] =	ssyncset.done $0x0  }
0x39: {  	s29 =	simm.s32 $0x9500;
	s1 =	ssub.s32 s31, s1;
	[sflag:s6] =	ssyncadd.s32 $0xFFFFF000  }
0x3a: {  	[spmem:s2] =	stream.indirect.scatter.add.f32 [tilespmem:s29], [sflag:$0x1], $0x20, s28, s11, $0xb8;
	[tilespmem:$0xF500] =	vst v63  }
0x3b: {  	s1 =	smax.u32 s1, $0x1;
	_ =	swait.ge [sflag:s6], $0x1000  }
0x3c: {  	p0 =	sne.s32 s1, $0x1;
	[sflag:s6] =	ssyncset.done $0x0  }
.Ltmp0:
0x3d: {  	s0 =	sadd.s32 s0, s30;
	[sflag:s6] =	ssyncadd.s32 $0xFFFFF000;
	(pc) =	sbr.rel @!p0 .LBB2_2-.Ltmp0, $4  }
0x3e: {  	s30 =	sadd.s32 $0xE7400, s0;
	[bflag:$0x0] =	sbarrier.arrive $0xFFFF  }
0x3f: {  	[hbm:s30], [sflag:s5] =	dma.local [spmem:s7], $0xA00  }
0x40: {  	_ =	swait.ge [sflag:s6], $0xA00  }
0x41: {  	s31 =	sadd.s32 $0xFFFFFFFF, s1;
	[sflag:s6] =	ssyncset.done $0x0  }
.LBB2_1:
0x42: {  	p0 =	sne.s32 s31, $0x1;
	s31 =	sadd.s32 $0xFFFFFFFF, s31;
	[sflag:s6] =	ssyncadd.s32 $0xFFFFF600  }
0x43: {  	[spmem:s7], [sflag:s5] =	dma.local [hbm:s4], $0xA00  }
0x44: {  	_ =	swait.ge [sflag:s6], $0xA00  }
0x45: {  	[sflag:s6] =	ssyncset.done $0x0  }
0x46: {  	[sflag:s6] =	ssyncadd.s32 $0xFFFFF600  }
0x47: {  	[bflag:$0x0] =	sbarrier.arrive $0xFFFF  }
0x48: {  	[tilespmem:s3], [sflag:$0x1] =	stream.linear.gather [hbm4b:s8+s3], $0x500, $0x38;
	[tilespmem:$0xF500] =	vst v63  }
0x49: {  	_ =	swait.ge [sflag:s6], $0x500  }
0x4a: {  	[sflag:s6] =	ssyncset.done $0x0  }
0x4b: {  	[sflag:s6] =	ssyncadd.s32 $0xFFFFFB00  }
0x4c: {  	[tilespmem:s10], [sflag:$0x1] =	stream.linear.gather [hbm4b:s9+s3], $0xA000, $0x38;
	[tilespmem:$0xF500] =	vst v63  }
0x4d: {  	_ =	swait.ge [sflag:s6], $0xA000  }
0x4e: {  	[sflag:s6] =	ssyncset.done $0x0  }
0x4f: {  	[sflag:s6] =	ssyncadd.s32 $0xFFFF6000  }
0x50: {  	[spmem:s2] =	stream.indirect.scatter.add.f32 [tilespmem:s10], [sflag:$0x1], $0x20, s3, s11, $0xb8;
	[tilespmem:$0xF500] =	vst v63  }
0x51: {  	_ =	swait.ge [sflag:s6], $0x1000  }
0x52: {  	[sflag:s6] =	ssyncset.done $0x0  }
0x53: {  	[sflag:s6] =	ssyncadd.s32 $0xFFFFF000  }
0x54: {  	[spmem:s2] =	stream.indirect.scatter.add.f32 [tilespmem:s12], [sflag:$0x1], $0x20, s11, s11, $0xb8;
	[tilespmem:$0xF500] =	vst v63  }
0x55: {  	_ =	swait.ge [sflag:s6], $0x1000  }
0x56: {  	[sflag:s6] =	ssyncset.done $0x0  }
0x57: {  	[sflag:s6] =	ssyncadd.s32 $0xFFFFF000  }
0x58: {  	[spmem:s2] =	stream.indirect.scatter.add.f32 [tilespmem:s14], [sflag:$0x1], $0x20, s13, s11, $0xb8;
	[tilespmem:$0xF500] =	vst v63  }
0x59: {  	_ =	swait.ge [sflag:s6], $0x1000  }
0x5a: {  	[sflag:s6] =	ssyncset.done $0x0  }
0x5b: {  	[sflag:s6] =	ssyncadd.s32 $0xFFFFF000  }
0x5c: {  	[spmem:s2] =	stream.indirect.scatter.add.f32 [tilespmem:s16], [sflag:$0x1], $0x20, s15, s11, $0xb8;
	[tilespmem:$0xF500] =	vst v63  }
0x5d: {  	_ =	swait.ge [sflag:s6], $0x1000  }
0x5e: {  	[sflag:s6] =	ssyncset.done $0x0  }
0x5f: {  	[sflag:s6] =	ssyncadd.s32 $0xFFFFF000  }
0x60: {  	[spmem:s2] =	stream.indirect.scatter.add.f32 [tilespmem:s18], [sflag:$0x1], $0x20, s17, s11, $0xb8;
	[tilespmem:$0xF500] =	vst v63  }
0x61: {  	_ =	swait.ge [sflag:s6], $0x1000  }
0x62: {  	[sflag:s6] =	ssyncset.done $0x0  }
0x63: {  	[sflag:s6] =	ssyncadd.s32 $0xFFFFF000  }
0x64: {  	[spmem:s2] =	stream.indirect.scatter.add.f32 [tilespmem:s20], [sflag:$0x1], $0x20, s19, s11, $0xb8;
	[tilespmem:$0xF500] =	vst v63  }
0x65: {  	_ =	swait.ge [sflag:s6], $0x1000  }
0x66: {  	[sflag:s6] =	ssyncset.done $0x0  }
0x67: {  	[sflag:s6] =	ssyncadd.s32 $0xFFFFF000  }
0x68: {  	[spmem:s2] =	stream.indirect.scatter.add.f32 [tilespmem:s22], [sflag:$0x1], $0x20, s21, s11, $0xb8;
	[tilespmem:$0xF500] =	vst v63  }
0x69: {  	_ =	swait.ge [sflag:s6], $0x1000  }
0x6a: {  	[sflag:s6] =	ssyncset.done $0x0  }
0x6b: {  	[sflag:s6] =	ssyncadd.s32 $0xFFFFF000  }
0x6c: {  	[spmem:s2] =	stream.indirect.scatter.add.f32 [tilespmem:s24], [sflag:$0x1], $0x20, s23, s11, $0xb8;
	[tilespmem:$0xF500] =	vst v63  }
0x6d: {  	_ =	swait.ge [sflag:s6], $0x1000  }
0x6e: {  	[sflag:s6] =	ssyncset.done $0x0  }
0x6f: {  	[sflag:s6] =	ssyncadd.s32 $0xFFFFF000  }
0x70: {  	[spmem:s2] =	stream.indirect.scatter.add.f32 [tilespmem:s26], [sflag:$0x1], $0x20, s25, s11, $0xb8;
	[tilespmem:$0xF500] =	vst v63  }
0x71: {  	_ =	swait.ge [sflag:s6], $0x1000  }
0x72: {  	[sflag:s6] =	ssyncset.done $0x0  }
0x73: {  	[sflag:s6] =	ssyncadd.s32 $0xFFFFF000  }
0x74: {  	[spmem:s2] =	stream.indirect.scatter.add.f32 [tilespmem:s29], [sflag:$0x1], $0x20, s28, s11, $0xb8;
	[tilespmem:$0xF500] =	vst v63  }
0x75: {  	_ =	swait.ge [sflag:s6], $0x1000  }
0x76: {  	[sflag:s6] =	ssyncset.done $0x0  }
.Ltmp1:
0x77: {  	[sflag:s6] =	ssyncadd.s32 $0xFFFFF000;
	(pc) =	sbr.rel @p0 .LBB2_1-.Ltmp1, $4  }
0x78: {  	[bflag:$0x0] =	sbarrier.arrive $0xFFFF  }
0x79: {  	[hbm:s30], [sflag:s5] =	dma.local [spmem:s7], $0xA00  }
0x7a: {  	_ =	swait.ge [sflag:s6], $0xA00  }
0x7b: {  	[sflag:s6] =	ssyncset.done $0x0  }
.LBB2_2:
0x7c: {  	[sflag:s6] =	ssyncadd.s32 $0xFFFFF600  }
0x7d: {  	_ =	sfence.sel $0x180000  }
0x7e: {  	[bflag:$0x0] =	sbarrier.arrive $0xFFFF  }
0x7f: {  	_ =	strace $0x9000004A  }
0x80: {  	s0 =	stileid.u32;
	[bflag:$0x2] =	sbarrier.arrive $0xFFFF  }
0x81: {  	p0 =	sne.s32 s0, $0x0;
	s0 =	rddreg [dreg:$0x2]  }
0x82: {  	s0 =	sadd.s32 @!p0 $0x100000, s0  }
0x83: {  	[sflag:s0] =	ssyncadd.tile.s32 @!p0 $0x1;
	_ =	shalt  }
.Lfunc_end2:
_tile_overlayer_lowered:
.L_overlay_start_2:
0x84: {  	(tag) =	ssettag $0x2  }
0x85: {  	s0 =	rddreg [dreg:$0x0];
	s2 =	stileid.u32  }
0x86: {  	s1 =	rddreg [dreg:$0x1];
	p0 =	sne.s32 s2, $0x0  }
0x87: {  	s3 =	rddreg [dreg:$0x2];
	[bflag:$0x3] =	sbarrier.arrive $0xFFFF;
	s2 =	simm.s32 @!p0 $0x1C01  }
0x88: {  	[timem:s3], [sflag:s2] =	dma.local @!p0 [hbm:s0], s1  }
0x89: {  	s0 =	simm.s32 @!p0 $0x1  }
0x8a: {  	_ =	swait.ge @!p0 [sflag:s0], s1  }
0x8b: {  	s1 =	ssub.s32 @!p0 $0x0, s1;
	[sflag:s0] =	ssyncset.done @!p0 $0x0  }
0x8c: {  	[sflag:s0] =	ssyncadd.s32 @!p0 s1  }
0x8d: {  	[bflag:$0x3] =	sbarrier.arrive $0xFFFF  }
0x8e: {  	_ =	shalt  }

// kernel: kernel.20.cloned.1.call-start
scs
__scs_entry_jumppad:
0x0: {  	(pc) =	sbr.rel $0x88, $3  }
0x1: {  	(tag) =	ssettag $0x0;
	lr =	simm.s32 $0x1  }
0x2: {  	[smem:$0x3F85] =	sst lr;
	_ =	strace $0xD0000000  }
0x3: {  	_ = 	snop  }
0x4: {  	_ = 	snop  }
0x5: {  	_ = 	snop  }
0x6: {  	_ = 	snop  }
0x7: {  	_ = 	snop  }
__scs_overlays_trampoline_lowered:
0x8: {  	[smem:$0x3F94] =	sst s0  }
0x9: {  	[smem:$0x3F95] =	sst s1  }
0xa: {  	[smem:$0x3F96] =	sst s2  }
0xb: {  	[smem:$0x3F97] =	sst s3  }
0xc: {  	[smem:$0x3F98] =	sst s4  }
0xd: {  	[smem:$0x3F99] =	sst s5  }
0xe: {  	[smem:$0x3F9A] =	sst s6  }
0xf: {  	[smem:$0x3F9B] =	sst s7  }
0x10: {  	[smem:$0x3F9C] =	sst s8  }
0x11: {  	[smem:$0x3F9D] =	sst s9;
	s0 =	simm.s32 @!p0 $0x0  }
0x12: {  	s1 =	sld [smem:$0x3F83];
	s0 =	simm.s32 @p0 $0x1  }
0x13: {  	[smem:$0x3F9E] =	sst s0;
	s0 =	simm.s32 @!p1 $0x0  }
0x14: {  	s2 =	sld [smem:$0x3F82];
	s0 =	simm.s32 @p1 $0x1  }
0x15: {  	[smem:$0x3F9F] =	sst s0;
	s0 =	simm.s32 @!p2 $0x0  }
0x16: {  	s3 =	sld [smem:$0x3FDB];
	s0 =	simm.s32 @p2 $0x1  }
0x17: {  	s4 =	simm.s32 $0x1BF5;
	[smem:$0x3FA1] =	sst s0  }
0x18: {  	s0 =	sld [smem:$0x3F84];
	_ =	swait.ge [sflag:s4], $0x0  }
0x19: {  	s7 =	sld [smem:$0x3F85]  }
0x1a: {  	s8 =	sadd.s32 $0xFFFFE003, lr  }
0x1b: {  	s9 =	sadd.s32 $0xFFFFFEF7, lr;
	s5 =	simm.s32 $0xFFFFFFFF;
	p2 =	slt.u32 s8, $0xFFFFF086  }
0x1c: {  	p1 =	slt.u32 s9, $0xF7A;
	s5 =	simm.s32 @!p2 $0x0  }
0x1d: {  	s5 =	simm.s32 @p1 $0x1;
	p0 =	seq.s32 s7, s2  }
0x1e: {  	s7 =	smul.u32 @!p0 $0xF7A, s2;
	p2 =	seq.s32 @!p0 s5, $0x0  }
0x1f: {  	s9 =	smul.u32 $0xF7A, s1;
	s8 =	simm.s32 @!p0 $0x1BF5;
	p2 =	por !p2, p0  }
0x20: {  	[sflag:s8] =	ssyncset.s32 @!p0 $0xFFFFF086;
	s6 =	sadd.s32 @!p0 s3, s7;
	s7 =	simm.s32 @!p0 $0x108  }
0x21: {  	s3 =	sadd.s32 s3, s9;
	s6 =	sadd.s32 @!p0 $0x88, s6;
	s7 =	simm.s32 @p2 $0x1082  }
0x22: {  	[simem:s7], [sflag:s8] =	dma.local @!p0 [hbm:s6], $0xF7A  }
0x23: {  	s9 =	sor.u32 $0xD0000000, s2;
	s6 =	simm.s32 $0x108;
	_ =	swait.ge @!p0 [sflag:s8], $0x0  }
0x24: {  	s3 =	sadd.s32 $0x88, s3;
	s6 =	simm.s32 @!p1 $0x1082;
	[sflag:s4] =	ssyncset.s32 $0xFFFFF086  }
0x25: {  	[simem:s6], [sflag:s4] =	dma.local [hbm:s3], $0xF7A  }
0x26: {  	[smem:$0x3F85] =	sst s1;
	(tag) =	ssettag s2;
	_ =	strace s9  }
0x27: {  	s1 =	sld [smem:$0x3F95]  }
0x28: {  	s2 =	sld [smem:$0x3F96]  }
0x29: {  	s4 =	sld [smem:$0x3F98]  }
0x2a: {  	p0 =	seq.s32 s5, $0x0;
	s5 =	sld [smem:$0x3F99]  }
0x2b: {  	s6 =	sld [smem:$0x3F9A]  }
0x2c: {  	s7 =	sld [smem:$0x3F9B]  }
0x2d: {  	s3 =	simm.s32 $0x108;
	s8 =	sld [smem:$0x3F9C]  }
0x2e: {  	s3 =	simm.s32 @!p0 $0x1082;
	s9 =	sld [smem:$0x3F9D]  }
0x2f: {  	lr =	sadd.s32 s0, s3;
	s0 =	sld [smem:$0x3F94]  }
0x30: {  	s3 =	sld [smem:$0x3F97]  }
0x31: {  	[smem:$0x3FA0] =	sst s10  }
0x32: {  	s10 =	sld [smem:$0x3F9E];
	_ =	sdelay $0x3  }
0x33: {  	p0 =	seq.s32 s10, $0x1;
	s10 =	sld [smem:$0x3FA0];
	_ =	sdelay $0x3  }
0x34: {  	[smem:$0x3FA0] =	sst s10  }
0x35: {  	s10 =	sld [smem:$0x3F9F];
	_ =	sdelay $0x3  }
0x36: {  	p1 =	seq.s32 s10, $0x1;
	s10 =	sld [smem:$0x3FA0];
	_ =	sdelay $0x3  }
0x37: {  	[smem:$0x3FA0] =	sst s10  }
0x38: {  	s10 =	sld [smem:$0x3FA1]  }
0x39: {  	_ = 	snop;
	(pc) =	sbr.ind lr, $3  }
0x3a: {  	_ = 	snop  }
0x3b: {  	_ = 	snop  }
0x3c: {  	p2 =	seq.s32 s10, $0x1;
	s10 =	sld [smem:$0x3FA0]  }
0x3d: {  	_ =	shalt  }
0x3e: {  	_ =	shalt  }
0x3f: {  	_ =	shalt  }
0x40: {  	_ =	shalt  }
0x41: {  	_ =	shalt  }
0x42: {  	_ =	shalt  }
0x43: {  	_ =	shalt  }
0x44: {  	_ =	shalt  }
0x45: {  	_ =	shalt  }
0x46: {  	_ =	shalt  }
0x47: {  	_ =	shalt  }
0x48: {  	_ =	shalt  }
0x49: {  	_ =	shalt  }
0x4a: {  	_ =	shalt  }
0x4b: {  	_ =	shalt  }
0x4c: {  	_ =	shalt  }
0x4d: {  	_ =	shalt  }
0x4e: {  	_ =	shalt  }
0x4f: {  	_ =	shalt  }
0x50: {  	_ =	shalt  }
0x51: {  	_ =	shalt  }
0x52: {  	_ =	shalt  }
0x53: {  	_ =	shalt  }
0x54: {  	_ =	shalt  }
0x55: {  	_ =	shalt  }
0x56: {  	_ =	shalt  }
0x57: {  	_ =	shalt  }
0x58: {  	_ =	shalt  }
0x59: {  	_ =	shalt  }
0x5a: {  	_ =	shalt  }
0x5b: {  	_ =	shalt  }
0x5c: {  	_ =	shalt  }
0x5d: {  	_ =	shalt  }
0x5e: {  	_ =	shalt  }
0x5f: {  	_ =	shalt  }
0x60: {  	_ =	shalt  }
0x61: {  	_ =	shalt  }
0x62: {  	_ =	shalt  }
0x63: {  	_ =	shalt  }
0x64: {  	_ =	shalt  }
0x65: {  	_ =	shalt  }
0x66: {  	_ =	shalt  }
0x67: {  	_ =	shalt  }
0x68: {  	_ =	shalt  }
0x69: {  	_ =	shalt  }
0x6a: {  	_ =	shalt  }
0x6b: {  	_ =	shalt  }
0x6c: {  	_ =	shalt  }
0x6d: {  	_ =	shalt  }
0x6e: {  	_ =	shalt  }
0x6f: {  	_ =	shalt  }
0x70: {  	_ =	shalt  }
0x71: {  	_ =	shalt  }
0x72: {  	_ =	shalt  }
0x73: {  	_ =	shalt  }
0x74: {  	_ =	shalt  }
0x75: {  	_ =	shalt  }
0x76: {  	_ =	shalt  }
0x77: {  	_ =	shalt  }
0x78: {  	_ =	shalt  }
0x79: {  	_ =	shalt  }
0x7a: {  	_ =	shalt  }
0x7b: {  	_ =	shalt  }
0x7c: {  	_ =	shalt  }
0x7d: {  	_ =	shalt  }
0x7e: {  	_ =	shalt  }
0x7f: {  	_ =	shalt  }
0x80: {  	_ =	shalt  }
0x81: {  	_ =	shalt  }
0x82: {  	_ =	shalt  }
0x83: {  	_ =	shalt  }
0x84: {  	_ =	shalt  }
0x85: {  	_ =	shalt  }
0x86: {  	_ =	shalt  }
0x87: {  	_ =	shalt  }
.Lfunc_end0:
.L_simem_size_0:
called_computation.2_lowered:
.L_overlay_start_0:
0x88: {  	s2 =	sld [smem:$0x3FD9]  }
0x89: {  	s3 =	sld [smem:$0x3FFE];
	_ =	sdelay $0x1  }
0x8a: {  	s1 =	srdreg.scid  }
0x8b: {  	s0 =	sand.u32 $0x1, s1  }
0x8c: {  	s16 =	sshll.u32 s0, $0xA;
	s2 =	sadd.s32 s3, s2  }
0x8d: {  	s2 =	sadd.s32 s2, s16  }
0x8e: {  	[smem:$0x3FAC] =	sst s2  }
0x8f: {  	_ = 	snop  }
0x90: {  	(tm) =	ssettm $0x1  }
0x91: {  	s17 =	sld [smem:$0x3FFB];
	_ =	sdelay $0x3  }
0x92: {  	_ =	strace s17  }
0x93: {  	s2 =	sld [smem:$0x3FFC];
	_ =	sdelay $0x3  }
0x94: {  	_ =	strace s2  }
0x95: {  	s2 =	sld [smem:$0x3FFD];
	_ =	sdelay $0x3  }
0x96: {  	_ =	strace s2  }
0x97: {  	_ =	strace $0x8FFFFFFF  }
0x98: {  	s18 =	sld [smem:$0x3FDB];
	_ =	sdelay $0x1  }
0x99: {  	s19 =	simm.s32 $_scs_section_size  }
0x9a: {  	s4 =	simm.s32 $_size__tile_overlayer_lowered;
	s5 =	simm.s32 $_tile_overlayer_lowered  }
0x9b: {  	s22 =	simm.s32 $0x1BFF;
	s21 =	sshll.u32 s5, $0x1;
	s2 =	sadd.s32 s19, s18  }
0x9c: {  	s6 =	simm.s32 $0x0;
	s20 =	sshll.u32 s4, $0x1;
	s4 =	sadd.s32 s21, s2  }
0x9d: {  	[timem:s6], [sflag:s22] =	dma.local [hbm:s4], s20  }
0x9e: {  	_ =	swait.ge [sflag:s22], s20  }
0x9f: {  	s3 =	ssub.s32 $0x0, s20;
	[sflag:s22] =	ssyncset.done $0x0  }
0xa0: {  	[sflag:s22] =	ssyncadd.s32 s3;
	_ =	sdelay $0x1  }
0xa1: {  	s23 =	simm.s32 $0x1B8B  }
0xa2: {  	_ =	swait.ge [sflag:s23], $0x1  }
0xa3: {  	[sflag:s23] =	ssyncset.done $0x0  }
0xa4: {  	s25 =	simm.s32 $0x1B8E;
	s24 =	sld [smem:$0x3FFE];
	[sflag:s23] =	ssyncadd.s32 $0xFFFFFFFF  }
0xa5: {  	s26 =	simm.s32 $execute0_lowered;
	[smem:$0x3FD2] =	sst s25  }
0xa6: {  	s4 =	sshll.u32 s26, $0x1;
	_ =	strace $0x8000004C;
	[dreg:$0x1] =	wrdreg $0xFFFFFFFF  }
0xa7: {  	s28 =	simm.s32 $_size_execute0_lowered;
	s2 =	sadd.s32 s2, s4;
	[dreg:$0x0] =	wrdreg $0x0  }
0xa8: {  	s4 =	sshll.u32 s28, $0x1;
	[dreg:$0x2] =	wrdreg s2  }
0xa9: {  	[dreg:$0x3] =	wrdreg s4  }
0xaa: {  	[dreg:$0x4] =	wrdreg $0xC0  }
0xab: {  	_ =	task [dreg:s6], $0x5FFFF  }
0xac: {  	[dreg:$0x1] =	wrdreg $0xFFFFFFFF  }
0xad: {  	[dreg:$0x0] =	wrdreg $0x60  }
0xae: {  	[dreg:$0x2] =	wrdreg s24  }
0xaf: {  	[dreg:$0x3] =	wrdreg $0x9  }
0xb0: {  	_ =	task.clear_ibuf [dreg:s6], $0x4FFFF;
	_ =	strace $0x9000004C  }
0xb1: {  	s29 =	simm.s32 $0x9;
	_ =	strace $0x8000004E  }
0xb2: {  	_ =	swait.ge [sflag:s29], $0x1  }
0xb3: {  	[sflag:s29] =	ssyncadd.s32 $0xFFFFFFFF  }
0xb4: {  	_ =	strace $0x9000004E  }
0xb5: {  	_ =	sfence  }
0xb6: {  	s30 =	sld [smem:$0x0];
	_ =	sdelay $0x2  }
0xb7: {  	s31 =	sshll.u32 s1, $0xD;
	s1 =	sshrl.u32 s1, $0x2  }
0xb8: {  	s3 =	sand.u32 $0x4000, s31;
	s1 =	sadd.s32 s1, s30  }
0xb9: {  	s0 =	sor.u32 s3, s0;
	s1 =	sshll.u32 s1, $0x11  }
0xba: {  	s0 =	sor.u32 s1, s0  }
0xbb: {  	s0 =	sadd.s32 $0x8F2B, s0  }
0xbc: {  	[sflag:s0] =	ssyncadd.remote.s32 $0x1  }
0xbd: {  	_ =	sfence.sel $0xFFFF  }
0xbe: {  	[dreg:$0x0] =	wrdreg $0xFFFFFFFF;
	(pc) =	sbr.abs _section_cstart, $3  }
0xbf: {  	[dreg:$0x1] =	wrdreg $0xFFFFFFFF  }
0xc0: {  	_ =	task.clear_ibuf [dreg:s6], $0x2FFFF;
	_ =	strace $0x9FFFFFFF  }
0xc1: {  	(tm) =	ssettm $0x7FFFFFFF  }
tec
execute0_lowered:
.L_overlay_start_1:
0x0: {  	(tag) =	ssettag $0x1  }
0x1: {  	s0 =	srdreg.scid  }
0x2: {  	s28 =	sand.u32 $0x1, s0  }
0x3: {  	s0 =	stileid.u32;
	s1 =	sshll.u32 s28, $0x4  }
0x4: {  	s29 =	sor.u32 s0, s1  }
0x5: {  	s26 =	rddreg [dreg:$0x0];
	s2 =	simm.s32 $0x0;
	s3 =	smul.u32 $0xA0, s29  }
0x6: {  	[smem:$0x7FF] =	sst s2  }
0x7: {  	s1 =	rddreg [dreg:$0x1];
	s3 =	sadd.s32 s3, s26  }
0x8: {  	_ =	strace $0x8000004D;
	s4 =	sadd.s32 $0x8C00, s3;
	s3 =	simm.s32 $0x2  }
0x9: {  	[tilespmem:s2], [sflag:$0x2] =	stream.linear.gather [hbm4b:s4+s2], $0x500, $0x38;
	[tilespmem:$0xA500] =	vst v63  }
0xa: {  	_ =	swait.ge [sflag:s3], $0x500  }
0xb: {  	s6 =	simm.s32 $0x80;
	[sflag:s3] =	ssyncset.done $0x0  }
0xc: {  	s7 =	simm.s32 $0x500;
	s5 =	sadd.s32 $0xA000, s26;
	[sflag:s3] =	ssyncadd.s32 $0xFFFFFB00  }
0xd: {  	[tilespmem:s7], [sflag:$0x1] =	stream.indirect.gather [hbm4b:s5+s6], $0x20, s2, s6, $0xb8;
	[tilespmem:$0xA500] =	vst v63  }
0xe: {  	s8 =	simm.s32 $0x1500  }
0xf: {  	[tilespmem:s8], [sflag:$0x1] =	stream.indirect.gather [hbm4b:s5+s6], $0x20, s6, s6, $0xb8;
	[tilespmem:$0xA500] =	vst v63  }
0x10: {  	s9 =	simm.s32 $0x100;
	s10 =	simm.s32 $0x2500  }
0x11: {  	[tilespmem:s10], [sflag:$0x1] =	stream.indirect.gather [hbm4b:s5+s6], $0x20, s9, s6, $0xb8;
	[tilespmem:$0xA500] =	vst v63  }
0x12: {  	s11 =	simm.s32 $0x180;
	s12 =	simm.s32 $0x3500  }
0x13: {  	[tilespmem:s12], [sflag:$0x1] =	stream.indirect.gather [hbm4b:s5+s6], $0x20, s11, s6, $0xb8;
	[tilespmem:$0xA500] =	vst v63  }
0x14: {  	s13 =	simm.s32 $0x200;
	s14 =	simm.s32 $0x4500  }
0x15: {  	[tilespmem:s14], [sflag:$0x1] =	stream.indirect.gather [hbm4b:s5+s6], $0x20, s13, s6, $0xb8;
	[tilespmem:$0xA500] =	vst v63  }
0x16: {  	s15 =	simm.s32 $0x280;
	s16 =	simm.s32 $0x5500  }
0x17: {  	[tilespmem:s16], [sflag:$0x1] =	stream.indirect.gather [hbm4b:s5+s6], $0x20, s15, s6, $0xb8;
	[tilespmem:$0xA500] =	vst v63  }
0x18: {  	s17 =	simm.s32 $0x300;
	s18 =	simm.s32 $0x6500  }
0x19: {  	[tilespmem:s18], [sflag:$0x1] =	stream.indirect.gather [hbm4b:s5+s6], $0x20, s17, s6, $0xb8;
	[tilespmem:$0xA500] =	vst v63  }
0x1a: {  	s19 =	simm.s32 $0x380;
	s20 =	simm.s32 $0x7500  }
0x1b: {  	[tilespmem:s20], [sflag:$0x1] =	stream.indirect.gather [hbm4b:s5+s6], $0x20, s19, s6, $0xb8;
	[tilespmem:$0xA500] =	vst v63  }
0x1c: {  	s21 =	simm.s32 $0x400;
	s22 =	simm.s32 $0x8500  }
0x1d: {  	[tilespmem:s22], [sflag:$0x1] =	stream.indirect.gather [hbm4b:s5+s6], $0x20, s21, s6, $0xb8;
	[tilespmem:$0xA500] =	vst v63  }
0x1e: {  	s23 =	simm.s32 $0x480;
	s24 =	simm.s32 $0x9500;
	s25 =	simm.s32 $0x1  }
0x1f: {  	[tilespmem:s24], [sflag:$0x1] =	stream.indirect.gather [hbm4b:s5+s6], $0x20, s23, s6, $0xb8;
	[tilespmem:$0xA500] =	vst v63  }
0x20: {  	_ =	swait.ge [sflag:s25], $0x1000  }
0x21: {  	[sflag:s25] =	ssyncset.done $0x0  }
0x22: {  	[sflag:s25] =	ssyncadd.s32 $0xFFFFF000  }
0x23: {  	_ =	swait.ge [sflag:s25], $0x1000  }
0x24: {  	[sflag:s25] =	ssyncset.done $0x0  }
0x25: {  	[sflag:s25] =	ssyncadd.s32 $0xFFFFF000  }
0x26: {  	_ =	swait.ge [sflag:s25], $0x1000  }
0x27: {  	[sflag:s25] =	ssyncset.done $0x0  }
0x28: {  	[sflag:s25] =	ssyncadd.s32 $0xFFFFF000  }
0x29: {  	_ =	swait.ge [sflag:s25], $0x1000  }
0x2a: {  	[sflag:s25] =	ssyncset.done $0x0  }
0x2b: {  	[sflag:s25] =	ssyncadd.s32 $0xFFFFF000  }
0x2c: {  	_ =	swait.ge [sflag:s25], $0x1000  }
0x2d: {  	[sflag:s25] =	ssyncset.done $0x0  }
0x2e: {  	[sflag:s25] =	ssyncadd.s32 $0xFFFFF000  }
0x2f: {  	_ =	swait.ge [sflag:s25], $0x1000  }
0x30: {  	[sflag:s25] =	ssyncset.done $0x0  }
0x31: {  	[sflag:s25] =	ssyncadd.s32 $0xFFFFF000  }
0x32: {  	_ =	swait.ge [sflag:s25], $0x1000  }
0x33: {  	[sflag:s25] =	ssyncset.done $0x0  }
0x34: {  	[sflag:s25] =	ssyncadd.s32 $0xFFFFF000  }
0x35: {  	_ =	swait.ge [sflag:s25], $0x1000  }
0x36: {  	[sflag:s25] =	ssyncset.done $0x0  }
0x37: {  	s28 =	ssub.s32 $0x2, s28;
	[sflag:s25] =	ssyncadd.s32 $0xFFFFF000  }
0x38: {  	s30 =	sshrl.u32 s28, $0x1;
	_ =	swait.ge [sflag:s25], $0x1000  }
0x39: {  	s28 =	ssub.s32 s28, s30;
	[sflag:s25] =	ssyncset.done $0x0  }
0x3a: {  	s29 =	smul.u32 $0x1400, s29;
	s28 =	smax.u32 s28, $0x1;
	[sflag:s25] =	ssyncadd.s32 $0xFFFFF000  }
0x3b: {  	p0 =	sne.s32 s28, $0x1;
	_ =	swait.ge [sflag:s25], $0x1000  }
.Ltmp0:
0x3c: {  	s26 =	sadd.s32 s29, s26;
	[sflag:s25] =	ssyncset.done $0x0;
	(pc) =	sbr.rel @!p0 .LBB2_2-.Ltmp0, $4  }
0x3d: {  	s26 =	sadd.s32 $0xBF400, s26;
	[sflag:s25] =	ssyncadd.s32 $0xFFFFF000  }
0x3e: {  	[hbm4b:s26+s2] =	stream.linear.scatter [tilespmem:s7], [sflag:$0x2], $0xA000, $0x38;
	[tilespmem:$0xA500] =	vst v63  }
0x3f: {  	_ =	swait.ge [sflag:s3], $0xA000  }
0x40: {  	s28 =	sadd.s32 $0xFFFFFFFF, s28;
	[sflag:s3] =	ssyncset.done $0x0  }
.LBB2_1:
0x41: {  	p0 =	sne.s32 s28, $0x1;
	s28 =	sadd.s32 $0xFFFFFFFF, s28;
	[sflag:s3] =	ssyncadd.s32 $0xFFFF6000  }
0x42: {  	[tilespmem:s2], [sflag:$0x2] =	stream.linear.gather [hbm4b:s4+s2], $0x500, $0x38;
	[tilespmem:$0xA500] =	vst v63  }
0x43: {  	_ =	swait.ge [sflag:s3], $0x500  }
0x44: {  	[sflag:s3] =	ssyncset.done $0x0  }
0x45: {  	[sflag:s3] =	ssyncadd.s32 $0xFFFFFB00  }
0x46: {  	[tilespmem:s7], [sflag:$0x1] =	stream.indirect.gather [hbm4b:s5+s6], $0x20, s2, s6, $0xb8;
	[tilespmem:$0xA500] =	vst v63  }
0x47: {  	_ = 	snop  }
0x48: {  	[tilespmem:s8], [sflag:$0x1] =	stream.indirect.gather [hbm4b:s5+s6], $0x20, s6, s6, $0xb8;
	[tilespmem:$0xA500] =	vst v63  }
0x49: {  	_ = 	snop  }
0x4a: {  	[tilespmem:s10], [sflag:$0x1] =	stream.indirect.gather [hbm4b:s5+s6], $0x20, s9, s6, $0xb8;
	[tilespmem:$0xA500] =	vst v63  }
0x4b: {  	_ = 	snop  }
0x4c: {  	[tilespmem:s12], [sflag:$0x1] =	stream.indirect.gather [hbm4b:s5+s6], $0x20, s11, s6, $0xb8;
	[tilespmem:$0xA500] =	vst v63  }
0x4d: {  	_ = 	snop  }
0x4e: {  	[tilespmem:s14], [sflag:$0x1] =	stream.indirect.gather [hbm4b:s5+s6], $0x20, s13, s6, $0xb8;
	[tilespmem:$0xA500] =	vst v63  }
0x4f: {  	_ = 	snop  }
0x50: {  	[tilespmem:s16], [sflag:$0x1] =	stream.indirect.gather [hbm4b:s5+s6], $0x20, s15, s6, $0xb8;
	[tilespmem:$0xA500] =	vst v63  }
0x51: {  	_ = 	snop  }
0x52: {  	[tilespmem:s18], [sflag:$0x1] =	stream.indirect.gather [hbm4b:s5+s6], $0x20, s17, s6, $0xb8;
	[tilespmem:$0xA500] =	vst v63  }
0x53: {  	_ = 	snop  }
0x54: {  	[tilespmem:s20], [sflag:$0x1] =	stream.indirect.gather [hbm4b:s5+s6], $0x20, s19, s6, $0xb8;
	[tilespmem:$0xA500] =	vst v63  }
0x55: {  	_ = 	snop  }
0x56: {  	[tilespmem:s22], [sflag:$0x1] =	stream.indirect.gather [hbm4b:s5+s6], $0x20, s21, s6, $0xb8;
	[tilespmem:$0xA500] =	vst v63  }
0x57: {  	_ = 	snop  }
0x58: {  	[tilespmem:s24], [sflag:$0x1] =	stream.indirect.gather [hbm4b:s5+s6], $0x20, s23, s6, $0xb8;
	[tilespmem:$0xA500] =	vst v63  }
0x59: {  	_ =	swait.ge [sflag:s25], $0x1000  }
0x5a: {  	[sflag:s25] =	ssyncset.done $0x0  }
0x5b: {  	[sflag:s25] =	ssyncadd.s32 $0xFFFFF000  }
0x5c: {  	_ =	swait.ge [sflag:s25], $0x1000  }
0x5d: {  	[sflag:s25] =	ssyncset.done $0x0  }
0x5e: {  	[sflag:s25] =	ssyncadd.s32 $0xFFFFF000  }
0x5f: {  	_ =	swait.ge [sflag:s25], $0x1000  }
0x60: {  	[sflag:s25] =	ssyncset.done $0x0  }
0x61: {  	[sflag:s25] =	ssyncadd.s32 $0xFFFFF000  }
0x62: {  	_ =	swait.ge [sflag:s25], $0x1000  }
0x63: {  	[sflag:s25] =	ssyncset.done $0x0  }
0x64: {  	[sflag:s25] =	ssyncadd.s32 $0xFFFFF000  }
0x65: {  	_ =	swait.ge [sflag:s25], $0x1000  }
0x66: {  	[sflag:s25] =	ssyncset.done $0x0  }
0x67: {  	[sflag:s25] =	ssyncadd.s32 $0xFFFFF000  }
0x68: {  	_ =	swait.ge [sflag:s25], $0x1000  }
0x69: {  	[sflag:s25] =	ssyncset.done $0x0  }
0x6a: {  	[sflag:s25] =	ssyncadd.s32 $0xFFFFF000  }
0x6b: {  	_ =	swait.ge [sflag:s25], $0x1000  }
0x6c: {  	[sflag:s25] =	ssyncset.done $0x0  }
0x6d: {  	[sflag:s25] =	ssyncadd.s32 $0xFFFFF000  }
0x6e: {  	_ =	swait.ge [sflag:s25], $0x1000  }
0x6f: {  	[sflag:s25] =	ssyncset.done $0x0  }
0x70: {  	[sflag:s25] =	ssyncadd.s32 $0xFFFFF000  }
0x71: {  	_ =	swait.ge [sflag:s25], $0x1000  }
0x72: {  	[sflag:s25] =	ssyncset.done $0x0  }
0x73: {  	[sflag:s25] =	ssyncadd.s32 $0xFFFFF000  }
0x74: {  	_ =	swait.ge [sflag:s25], $0x1000  }
.Ltmp1:
0x75: {  	[sflag:s25] =	ssyncset.done $0x0;
	(pc) =	sbr.rel @p0 .LBB2_1-.Ltmp1, $4  }
0x76: {  	[sflag:s25] =	ssyncadd.s32 $0xFFFFF000  }
0x77: {  	[hbm4b:s26+s2] =	stream.linear.scatter [tilespmem:s7], [sflag:$0x2], $0xA000, $0x38;
	[tilespmem:$0xA500] =	vst v63  }
0x78: {  	_ =	swait.ge [sflag:s3], $0xA000  }
0x79: {  	[sflag:s3] =	ssyncset.done $0x0  }
.LBB2_2:
0x7a: {  	[sflag:s3] =	ssyncadd.s32 $0xFFFF6000  }
0x7b: {  	_ =	sfence.sel $0x180000  }
0x7c: {  	[bflag:$0x0] =	sbarrier.arrive $0xFFFF  }
0x7d: {  	p0 =	sne.s32 s0, $0x0;
	_ =	strace $0x9000004D  }
0x7e: {  	s0 =	sadd.s32 @!p0 $0x100000, s1;
	[bflag:$0x2] =	sbarrier.arrive $0xFFFF  }
0x7f: {  	[sflag:s0] =	ssyncadd.tile.s32 @!p0 $0x1;
	_ =	shalt  }
.Lfunc_end2:
_tile_overlayer_lowered:
.L_overlay_start_2:
0x80: {  	(tag) =	ssettag $0x2  }
0x81: {  	s0 =	rddreg [dreg:$0x0];
	s2 =	stileid.u32  }
0x82: {  	s1 =	rddreg [dreg:$0x1];
	p0 =	sne.s32 s2, $0x0  }
0x83: {  	s3 =	rddreg [dreg:$0x2];
	[bflag:$0x3] =	sbarrier.arrive $0xFFFF;
	s2 =	simm.s32 @!p0 $0x1C02  }
0x84: {  	[timem:s3], [sflag:s2] =	dma.local @!p0 [hbm:s0], s1  }
0x85: {  	s0 =	simm.s32 @!p0 $0x2  }
0x86: {  	_ =	swait.ge @!p0 [sflag:s0], s1  }
0x87: {  	s1 =	ssub.s32 @!p0 $0x0, s1;
	[sflag:s0] =	ssyncset.done @!p0 $0x0  }
0x88: {  	[sflag:s0] =	ssyncadd.s32 @!p0 s1  }
0x89: {  	[bflag:$0x3] =	sbarrier.arrive $0xFFFF  }
0x8a: {  	_ =	shalt  }

// kernel: kernel.23.cloned.1.call-start
scs
__scs_entry_jumppad:
0x0: {  	(pc) =	sbr.rel $0x88, $3  }
0x1: {  	(tag) =	ssettag $0x0;
	lr =	simm.s32 $0x1  }
0x2: {  	[smem:$0x3F85] =	sst lr;
	_ =	strace $0xD0000000  }
0x3: {  	_ = 	snop  }
0x4: {  	_ = 	snop  }
0x5: {  	_ = 	snop  }
0x6: {  	_ = 	snop  }
0x7: {  	_ = 	snop  }
__scs_overlays_trampoline_lowered:
0x8: {  	[smem:$0x3F94] =	sst s0  }
0x9: {  	[smem:$0x3F95] =	sst s1  }
0xa: {  	[smem:$0x3F96] =	sst s2  }
0xb: {  	[smem:$0x3F97] =	sst s3  }
0xc: {  	[smem:$0x3F98] =	sst s4  }
0xd: {  	[smem:$0x3F99] =	sst s5  }
0xe: {  	[smem:$0x3F9A] =	sst s6  }
0xf: {  	[smem:$0x3F9B] =	sst s7  }
0x10: {  	[smem:$0x3F9C] =	sst s8  }
0x11: {  	[smem:$0x3F9D] =	sst s9;
	s0 =	simm.s32 @!p0 $0x0  }
0x12: {  	s1 =	sld [smem:$0x3F83];
	s0 =	simm.s32 @p0 $0x1  }
0x13: {  	[smem:$0x3F9E] =	sst s0;
	s0 =	simm.s32 @!p1 $0x0  }
0x14: {  	s2 =	sld [smem:$0x3F82];
	s0 =	simm.s32 @p1 $0x1  }
0x15: {  	[smem:$0x3F9F] =	sst s0;
	s0 =	simm.s32 @!p2 $0x0  }
0x16: {  	s3 =	sld [smem:$0x3FDB];
	s0 =	simm.s32 @p2 $0x1  }
0x17: {  	s4 =	simm.s32 $0x1BF5;
	[smem:$0x3FA1] =	sst s0  }
0x18: {  	s0 =	sld [smem:$0x3F84];
	_ =	swait.ge [sflag:s4], $0x0  }
0x19: {  	s7 =	sld [smem:$0x3F85]  }
0x1a: {  	s8 =	sadd.s32 $0xFFFFE003, lr  }
0x1b: {  	s9 =	sadd.s32 $0xFFFFFEF7, lr;
	s5 =	simm.s32 $0xFFFFFFFF;
	p2 =	slt.u32 s8, $0xFFFFF086  }
0x1c: {  	p1 =	slt.u32 s9, $0xF7A;
	s5 =	simm.s32 @!p2 $0x0  }
0x1d: {  	s5 =	simm.s32 @p1 $0x1;
	p0 =	seq.s32 s7, s2  }
0x1e: {  	s7 =	smul.u32 @!p0 $0xF7A, s2;
	p2 =	seq.s32 @!p0 s5, $0x0  }
0x1f: {  	s9 =	smul.u32 $0xF7A, s1;
	s8 =	simm.s32 @!p0 $0x1BF5;
	p2 =	por !p2, p0  }
0x20: {  	[sflag:s8] =	ssyncset.s32 @!p0 $0xFFFFF086;
	s6 =	sadd.s32 @!p0 s3, s7;
	s7 =	simm.s32 @!p0 $0x108  }
0x21: {  	s3 =	sadd.s32 s3, s9;
	s6 =	sadd.s32 @!p0 $0x88, s6;
	s7 =	simm.s32 @p2 $0x1082  }
0x22: {  	[simem:s7], [sflag:s8] =	dma.local @!p0 [hbm:s6], $0xF7A  }
0x23: {  	s9 =	sor.u32 $0xD0000000, s2;
	s6 =	simm.s32 $0x108;
	_ =	swait.ge @!p0 [sflag:s8], $0x0  }
0x24: {  	s3 =	sadd.s32 $0x88, s3;
	s6 =	simm.s32 @!p1 $0x1082;
	[sflag:s4] =	ssyncset.s32 $0xFFFFF086  }
0x25: {  	[simem:s6], [sflag:s4] =	dma.local [hbm:s3], $0xF7A  }
0x26: {  	[smem:$0x3F85] =	sst s1;
	(tag) =	ssettag s2;
	_ =	strace s9  }
0x27: {  	s1 =	sld [smem:$0x3F95]  }
0x28: {  	s2 =	sld [smem:$0x3F96]  }
0x29: {  	s4 =	sld [smem:$0x3F98]  }
0x2a: {  	p0 =	seq.s32 s5, $0x0;
	s5 =	sld [smem:$0x3F99]  }
0x2b: {  	s6 =	sld [smem:$0x3F9A]  }
0x2c: {  	s7 =	sld [smem:$0x3F9B]  }
0x2d: {  	s3 =	simm.s32 $0x108;
	s8 =	sld [smem:$0x3F9C]  }
0x2e: {  	s3 =	simm.s32 @!p0 $0x1082;
	s9 =	sld [smem:$0x3F9D]  }
0x2f: {  	lr =	sadd.s32 s0, s3;
	s0 =	sld [smem:$0x3F94]  }
0x30: {  	s3 =	sld [smem:$0x3F97]  }
0x31: {  	[smem:$0x3FA0] =	sst s10  }
0x32: {  	s10 =	sld [smem:$0x3F9E];
	_ =	sdelay $0x3  }
0x33: {  	p0 =	seq.s32 s10, $0x1;
	s10 =	sld [smem:$0x3FA0];
	_ =	sdelay $0x3  }
0x34: {  	[smem:$0x3FA0] =	sst s10  }
0x35: {  	s10 =	sld [smem:$0x3F9F];
	_ =	sdelay $0x3  }
0x36: {  	p1 =	seq.s32 s10, $0x1;
	s10 =	sld [smem:$0x3FA0];
	_ =	sdelay $0x3  }
0x37: {  	[smem:$0x3FA0] =	sst s10  }
0x38: {  	s10 =	sld [smem:$0x3FA1]  }
0x39: {  	_ = 	snop;
	(pc) =	sbr.ind lr, $3  }
0x3a: {  	_ = 	snop  }
0x3b: {  	_ = 	snop  }
0x3c: {  	p2 =	seq.s32 s10, $0x1;
	s10 =	sld [smem:$0x3FA0]  }
0x3d: {  	_ =	shalt  }
0x3e: {  	_ =	shalt  }
0x3f: {  	_ =	shalt  }
0x40: {  	_ =	shalt  }
0x41: {  	_ =	shalt  }
0x42: {  	_ =	shalt  }
0x43: {  	_ =	shalt  }
0x44: {  	_ =	shalt  }
0x45: {  	_ =	shalt  }
0x46: {  	_ =	shalt  }
0x47: {  	_ =	shalt  }
0x48: {  	_ =	shalt  }
0x49: {  	_ =	shalt  }
0x4a: {  	_ =	shalt  }
0x4b: {  	_ =	shalt  }
0x4c: {  	_ =	shalt  }
0x4d: {  	_ =	shalt  }
0x4e: {  	_ =	shalt  }
0x4f: {  	_ =	shalt  }
0x50: {  	_ =	shalt  }
0x51: {  	_ =	shalt  }
0x52: {  	_ =	shalt  }
0x53: {  	_ =	shalt  }
0x54: {  	_ =	shalt  }
0x55: {  	_ =	shalt  }
0x56: {  	_ =	shalt  }
0x57: {  	_ =	shalt  }
0x58: {  	_ =	shalt  }
0x59: {  	_ =	shalt  }
0x5a: {  	_ =	shalt  }
0x5b: {  	_ =	shalt  }
0x5c: {  	_ =	shalt  }
0x5d: {  	_ =	shalt  }
0x5e: {  	_ =	shalt  }
0x5f: {  	_ =	shalt  }
0x60: {  	_ =	shalt  }
0x61: {  	_ =	shalt  }
0x62: {  	_ =	shalt  }
0x63: {  	_ =	shalt  }
0x64: {  	_ =	shalt  }
0x65: {  	_ =	shalt  }
0x66: {  	_ =	shalt  }
0x67: {  	_ =	shalt  }
0x68: {  	_ =	shalt  }
0x69: {  	_ =	shalt  }
0x6a: {  	_ =	shalt  }
0x6b: {  	_ =	shalt  }
0x6c: {  	_ =	shalt  }
0x6d: {  	_ =	shalt  }
0x6e: {  	_ =	shalt  }
0x6f: {  	_ =	shalt  }
0x70: {  	_ =	shalt  }
0x71: {  	_ =	shalt  }
0x72: {  	_ =	shalt  }
0x73: {  	_ =	shalt  }
0x74: {  	_ =	shalt  }
0x75: {  	_ =	shalt  }
0x76: {  	_ =	shalt  }
0x77: {  	_ =	shalt  }
0x78: {  	_ =	shalt  }
0x79: {  	_ =	shalt  }
0x7a: {  	_ =	shalt  }
0x7b: {  	_ =	shalt  }
0x7c: {  	_ =	shalt  }
0x7d: {  	_ =	shalt  }
0x7e: {  	_ =	shalt  }
0x7f: {  	_ =	shalt  }
0x80: {  	_ =	shalt  }
0x81: {  	_ =	shalt  }
0x82: {  	_ =	shalt  }
0x83: {  	_ =	shalt  }
0x84: {  	_ =	shalt  }
0x85: {  	_ =	shalt  }
0x86: {  	_ =	shalt  }
0x87: {  	_ =	shalt  }
.Lfunc_end0:
.L_simem_size_0:
called_computation.3_lowered:
.L_overlay_start_0:
0x88: {  	s2 =	sld [smem:$0x3FD9]  }
0x89: {  	s3 =	sld [smem:$0x3FFE];
	_ =	sdelay $0x1  }
0x8a: {  	s1 =	srdreg.scid  }
0x8b: {  	s0 =	sand.u32 $0x1, s1  }
0x8c: {  	s16 =	sshll.u32 s0, $0xA;
	s2 =	sadd.s32 s3, s2  }
0x8d: {  	s2 =	sadd.s32 s2, s16  }
0x8e: {  	[smem:$0x3FAC] =	sst s2  }
0x8f: {  	_ = 	snop  }
0x90: {  	(tm) =	ssettm $0x1  }
0x91: {  	s17 =	sld [smem:$0x3FFB];
	_ =	sdelay $0x3  }
0x92: {  	_ =	strace s17  }
0x93: {  	s2 =	sld [smem:$0x3FFC];
	_ =	sdelay $0x3  }
0x94: {  	_ =	strace s2  }
0x95: {  	s2 =	sld [smem:$0x3FFD];
	_ =	sdelay $0x3  }
0x96: {  	_ =	strace s2  }
0x97: {  	_ =	strace $0x8FFFFFFF  }
0x98: {  	s18 =	sld [smem:$0x3FDB];
	_ =	sdelay $0x1  }
0x99: {  	s19 =	simm.s32 $_scs_section_size  }
0x9a: {  	s4 =	simm.s32 $_size__tile_overlayer_lowered;
	s5 =	simm.s32 $_tile_overlayer_lowered  }
0x9b: {  	s22 =	simm.s32 $0x1BFF;
	s21 =	sshll.u32 s5, $0x1;
	s2 =	sadd.s32 s19, s18  }
0x9c: {  	s6 =	simm.s32 $0x0;
	s20 =	sshll.u32 s4, $0x1;
	s4 =	sadd.s32 s21, s2  }
0x9d: {  	[timem:s6], [sflag:s22] =	dma.local [hbm:s4], s20  }
0x9e: {  	_ =	swait.ge [sflag:s22], s20  }
0x9f: {  	s3 =	ssub.s32 $0x0, s20;
	[sflag:s22] =	ssyncset.done $0x0  }
0xa0: {  	[sflag:s22] =	ssyncadd.s32 s3;
	_ =	sdelay $0x1  }
0xa1: {  	s23 =	simm.s32 $0x1B8B  }
0xa2: {  	_ =	swait.ge [sflag:s23], $0x1  }
0xa3: {  	[sflag:s23] =	ssyncset.done $0x0  }
0xa4: {  	s25 =	simm.s32 $0x1B8E;
	s24 =	sld [smem:$0x3FFE];
	[sflag:s23] =	ssyncadd.s32 $0xFFFFFFFF  }
0xa5: {  	s26 =	simm.s32 $execute0_lowered;
	[smem:$0x3FD2] =	sst s25  }
0xa6: {  	s4 =	sshll.u32 s26, $0x1;
	_ =	strace $0x8000004F;
	[dreg:$0x1] =	wrdreg $0xFFFFFFFF  }
0xa7: {  	s28 =	simm.s32 $_size_execute0_lowered;
	s2 =	sadd.s32 s2, s4;
	[dreg:$0x0] =	wrdreg $0x0  }
0xa8: {  	s4 =	sshll.u32 s28, $0x1;
	[dreg:$0x2] =	wrdreg s2  }
0xa9: {  	[dreg:$0x3] =	wrdreg s4  }
0xaa: {  	[dreg:$0x4] =	wrdreg $0xC0  }
0xab: {  	_ =	task [dreg:s6], $0x5FFFF  }
0xac: {  	[dreg:$0x1] =	wrdreg $0xFFFFFFFF  }
0xad: {  	[dreg:$0x0] =	wrdreg $0x60  }
0xae: {  	[dreg:$0x2] =	wrdreg s24  }
0xaf: {  	[dreg:$0x3] =	wrdreg $0x145000  }
0xb0: {  	[dreg:$0x4] =	wrdreg $0x9  }
0xb1: {  	_ =	task.clear_ibuf [dreg:s6], $0x5FFFF;
	_ =	strace $0x9000004F  }
0xb2: {  	s29 =	simm.s32 $0x9;
	_ =	strace $0x80000051  }
0xb3: {  	_ =	swait.ge [sflag:s29], $0x1  }
0xb4: {  	[sflag:s29] =	ssyncadd.s32 $0xFFFFFFFF  }
0xb5: {  	_ =	strace $0x90000051  }
0xb6: {  	_ =	sfence  }
0xb7: {  	s30 =	sld [smem:$0x0];
	_ =	sdelay $0x2  }
0xb8: {  	s31 =	sshll.u32 s1, $0xD;
	s1 =	sshrl.u32 s1, $0x2  }
0xb9: {  	s3 =	sand.u32 $0x4000, s31;
	s1 =	sadd.s32 s1, s30  }
0xba: {  	s0 =	sor.u32 s3, s0;
	s1 =	sshll.u32 s1, $0x11  }
0xbb: {  	s0 =	sor.u32 s1, s0  }
0xbc: {  	s0 =	sadd.s32 $0x8F2B, s0  }
0xbd: {  	[sflag:s0] =	ssyncadd.remote.s32 $0x1  }
0xbe: {  	_ =	sfence.sel $0xFFFF  }
0xbf: {  	[dreg:$0x0] =	wrdreg $0xFFFFFFFF;
	(pc) =	sbr.abs _section_cstart, $3  }
0xc0: {  	[dreg:$0x1] =	wrdreg $0xFFFFFFFF  }
0xc1: {  	_ =	task.clear_ibuf [dreg:s6], $0x2FFFF;
	_ =	strace $0x9FFFFFFF  }
0xc2: {  	(tm) =	ssettm $0x7FFFFFFF  }
0xc3: {  	_ =	shalt  }
tec
execute0_lowered:
.L_overlay_start_1:
0x0: {  	(tag) =	ssettag $0x1  }
0x1: {  	s30 =	rddreg [dreg:$0x0]  }
0x2: {  	s2 =	rddreg [dreg:$0x1]  }
0x3: {  	s0 =	stileid.u32;
	s4 =	srdreg.scid  }
0x4: {  	s3 =	simm.s32 $0x0;
	s5 =	smul.u32 $0xA000, s0;
	s31 =	sand.u32 $0x1, s4  }
0x5: {  	[smem:$0x7FF] =	sst s3;
	s25 =	sshll.u32 s0, $0x6;
	s4 =	sshll.u32 s31, $0x4  }
0x6: {  	_ =	strace $0x80000050;
	s6 =	sshrl.u32 s5, $0x3;
	s8 =	sor.u32 s0, s4  }
0x7: {  	s24 =	sadd.s32 s5, s2;
	s5 =	sor.u32 $0x1C01, s25;
	s23 =	sadd.s32 s6, s30  }
0x8: {  	s7 =	sshrl.u32 s24, $0x3;
	s6 =	simm.s32 $0x1;
	s4 =	sadd.s32 $0xA000, s23  }
0x9: {  	[spmem:s7], [sflag:s5] =	dma.local [hbm:s4], $0x1400  }
0xa: {  	s9 =	smul.u32 $0xA0, s8;
	_ =	swait.ge [sflag:s6], $0x1400  }
0xb: {  	[sflag:s6] =	ssyncset.done $0x0  }
0xc: {  	s9 =	sadd.s32 s9, s30;
	[sflag:s6] =	ssyncadd.s32 $0xFFFFEC00  }
0xd: {  	s10 =	smul.u32 $0x2800, s8;
	s8 =	sadd.s32 $0xBE000, s9;
	[bflag:$0x0] =	sbarrier.arrive $0xFFFF  }
0xe: {  	[tilespmem:s3], [sflag:$0x1] =	stream.linear.gather [hbm4b:s8+s3], $0x500, $0x38;
	[tilespmem:$0x1E500] =	vst v63  }
0xf: {  	_ =	swait.ge [sflag:s6], $0x500  }
0x10: {  	s26 =	sadd.s32 s10, s30;
	[sflag:s6] =	ssyncset.done $0x0  }
0x11: {  	s10 =	simm.s32 $0x500;
	s9 =	sadd.s32 $0xBF400, s26;
	[sflag:s6] =	ssyncadd.s32 $0xFFFFFB00  }
0x12: {  	[tilespmem:s10], [sflag:$0x1] =	stream.linear.gather [hbm4b:s9+s3], $0x14000, $0x38;
	[tilespmem:$0x1E500] =	vst v63  }
0x13: {  	_ =	swait.ge [sflag:s6], $0x14000  }
0x14: {  	[sflag:s6] =	ssyncset.done $0x0  }
0x15: {  	s11 =	simm.s32 $0x80;
	[sflag:s6] =	ssyncadd.s32 $0xFFFEC000  }
0x16: {  	[spmem:s2] =	stream.indirect.scatter.add.f32 [tilespmem:s10], [sflag:$0x1], $0x40, s3, s11, $0xb8;
	[tilespmem:$0x1E500] =	vst v63  }
0x17: {  	_ =	swait.ge [sflag:s6], $0x2000  }
0x18: {  	[sflag:s6] =	ssyncset.done $0x0  }
0x19: {  	s12 =	simm.s32 $0x2500;
	[sflag:s6] =	ssyncadd.s32 $0xFFFFE000  }
0x1a: {  	[spmem:s2] =	stream.indirect.scatter.add.f32 [tilespmem:s12], [sflag:$0x1], $0x40, s11, s11, $0xb8;
	[tilespmem:$0x1E500] =	vst v63  }
0x1b: {  	_ =	swait.ge [sflag:s6], $0x2000  }
0x1c: {  	[sflag:s6] =	ssyncset.done $0x0  }
0x1d: {  	s13 =	simm.s32 $0x100;
	s14 =	simm.s32 $0x4500;
	[sflag:s6] =	ssyncadd.s32 $0xFFFFE000  }
0x1e: {  	[spmem:s2] =	stream.indirect.scatter.add.f32 [tilespmem:s14], [sflag:$0x1], $0x40, s13, s11, $0xb8;
	[tilespmem:$0x1E500] =	vst v63  }
0x1f: {  	_ =	swait.ge [sflag:s6], $0x2000  }
0x20: {  	[sflag:s6] =	ssyncset.done $0x0  }
0x21: {  	s15 =	simm.s32 $0x180;
	s16 =	simm.s32 $0x6500;
	[sflag:s6] =	ssyncadd.s32 $0xFFFFE000  }
0x22: {  	[spmem:s2] =	stream.indirect.scatter.add.f32 [tilespmem:s16], [sflag:$0x1], $0x40, s15, s11, $0xb8;
	[tilespmem:$0x1E500] =	vst v63  }
0x23: {  	_ =	swait.ge [sflag:s6], $0x2000  }
0x24: {  	[sflag:s6] =	ssyncset.done $0x0  }
0x25: {  	s17 =	simm.s32 $0x200;
	s18 =	simm.s32 $0x8500;
	[sflag:s6] =	ssyncadd.s32 $0xFFFFE000  }
0x26: {  	[spmem:s2] =	stream.indirect.scatter.add.f32 [tilespmem:s18], [sflag:$0x1], $0x40, s17, s11, $0xb8;
	[tilespmem:$0x1E500] =	vst v63  }
0x27: {  	_ =	swait.ge [sflag:s6], $0x2000  }
0x28: {  	[sflag:s6] =	ssyncset.done $0x0  }
0x29: {  	s19 =	simm.s32 $0x280;
	s20 =	simm.s32 $0xA500;
	[sflag:s6] =	ssyncadd.s32 $0xFFFFE000  }
0x2a: {  	[spmem:s2] =	stream.indirect.scatter.add.f32 [tilespmem:s20], [sflag:$0x1], $0x40, s19, s11, $0xb8;
	[tilespmem:$0x1E500] =	vst v63  }
0x2b: {  	_ =	swait.ge [sflag:s6], $0x2000  }
0x2c: {  	[sflag:s6] =	ssyncset.done $0x0  }
0x2d: {  	s21 =	simm.s32 $0x300;
	s22 =	simm.s32 $0xC500;
	[sflag:s6] =	ssyncadd.s32 $0xFFFFE000  }
0x2e: {  	[spmem:s2] =	stream.indirect.scatter.add.f32 [tilespmem:s22], [sflag:$0x1], $0x40, s21, s11, $0xb8;
	[tilespmem:$0x1E500] =	vst v63  }
0x2f: {  	_ =	swait.ge [sflag:s6], $0x2000  }
0x30: {  	[sflag:s6] =	ssyncset.done $0x0  }
0x31: {  	s24 =	simm.s32 $0xE500;
	s23 =	simm.s32 $0x380;
	[sflag:s6] =	ssyncadd.s32 $0xFFFFE000  }
0x32: {  	[spmem:s2] =	stream.indirect.scatter.add.f32 [tilespmem:s24], [sflag:$0x1], $0x40, s23, s11, $0xb8;
	[tilespmem:$0x1E500] =	vst v63  }
0x33: {  	_ =	swait.ge [sflag:s6], $0x2000  }
0x34: {  	s1 =	smul.u32 $0x1400, s0;
	s25 =	simm.s32 $0x400;
	[sflag:s6] =	ssyncset.done $0x0  }
0x35: {  	s0 =	smul.u32 $0x14000, s31;
	s26 =	simm.s32 $0x10500;
	[sflag:s6] =	ssyncadd.s32 $0xFFFFE000  }
0x36: {  	[spmem:s2] =	stream.indirect.scatter.add.f32 [tilespmem:s26], [sflag:$0x1], $0x40, s25, s11, $0xb8;
	[tilespmem:$0x1E500] =	vst v63  }
0x37: {  	s28 =	simm.s32 $0x480;
	s31 =	ssub.s32 $0x2, s31;
	_ =	swait.ge [sflag:s6], $0x2000  }
0x38: {  	s0 =	sadd.s32 s1, s0;
	s1 =	sshrl.u32 s31, $0x1;
	[sflag:s6] =	ssyncset.done $0x0  }
0x39: {  	s29 =	simm.s32 $0x12500;
	s1 =	ssub.s32 s31, s1;
	[sflag:s6] =	ssyncadd.s32 $0xFFFFE000  }
0x3a: {  	[spmem:s2] =	stream.indirect.scatter.add.f32 [tilespmem:s29], [sflag:$0x1], $0x40, s28, s11, $0xb8;
	[tilespmem:$0x1E500] =	vst v63  }
0x3b: {  	s1 =	smax.u32 s1, $0x1;
	_ =	swait.ge [sflag:s6], $0x2000  }
0x3c: {  	p0 =	sne.s32 s1, $0x1;
	[sflag:s6] =	ssyncset.done $0x0  }
.Ltmp0:
0x3d: {  	s0 =	sadd.s32 s0, s30;
	[sflag:s6] =	ssyncadd.s32 $0xFFFFE000;
	(pc) =	sbr.rel @!p0 .LBB2_2-.Ltmp0, $4  }
0x3e: {  	s30 =	sadd.s32 $0x10F400, s0;
	[bflag:$0x0] =	sbarrier.arrive $0xFFFF  }
0x3f: {  	[hbm:s30], [sflag:s5] =	dma.local [spmem:s7], $0x1400  }
0x40: {  	_ =	swait.ge [sflag:s6], $0x1400  }
0x41: {  	s31 =	sadd.s32 $0xFFFFFFFF, s1;
	[sflag:s6] =	ssyncset.done $0x0  }
.LBB2_1:
0x42: {  	p0 =	sne.s32 s31, $0x1;
	s31 =	sadd.s32 $0xFFFFFFFF, s31;
	[sflag:s6] =	ssyncadd.s32 $0xFFFFEC00  }
0x43: {  	[spmem:s7], [sflag:s5] =	dma.local [hbm:s4], $0x1400  }
0x44: {  	_ =	swait.ge [sflag:s6], $0x1400  }
0x45: {  	[sflag:s6] =	ssyncset.done $0x0  }
0x46: {  	[sflag:s6] =	ssyncadd.s32 $0xFFFFEC00  }
0x47: {  	[bflag:$0x0] =	sbarrier.arrive $0xFFFF  }
0x48: {  	[tilespmem:s3], [sflag:$0x1] =	stream.linear.gather [hbm4b:s8+s3], $0x500, $0x38;
	[tilespmem:$0x1E500] =	vst v63  }
0x49: {  	_ =	swait.ge [sflag:s6], $0x500  }
0x4a: {  	[sflag:s6] =	ssyncset.done $0x0  }
0x4b: {  	[sflag:s6] =	ssyncadd.s32 $0xFFFFFB00  }
0x4c: {  	[tilespmem:s10], [sflag:$0x1] =	stream.linear.gather [hbm4b:s9+s3], $0x14000, $0x38;
	[tilespmem:$0x1E500] =	vst v63  }
0x4d: {  	_ =	swait.ge [sflag:s6], $0x14000  }
0x4e: {  	[sflag:s6] =	ssyncset.done $0x0  }
0x4f: {  	[sflag:s6] =	ssyncadd.s32 $0xFFFEC000  }
0x50: {  	[spmem:s2] =	stream.indirect.scatter.add.f32 [tilespmem:s10], [sflag:$0x1], $0x40, s3, s11, $0xb8;
	[tilespmem:$0x1E500] =	vst v63  }
0x51: {  	_ =	swait.ge [sflag:s6], $0x2000  }
0x52: {  	[sflag:s6] =	ssyncset.done $0x0  }
0x53: {  	[sflag:s6] =	ssyncadd.s32 $0xFFFFE000  }
0x54: {  	[spmem:s2] =	stream.indirect.scatter.add.f32 [tilespmem:s12], [sflag:$0x1], $0x40, s11, s11, $0xb8;
	[tilespmem:$0x1E500] =	vst v63  }
0x55: {  	_ =	swait.ge [sflag:s6], $0x2000  }
0x56: {  	[sflag:s6] =	ssyncset.done $0x0  }
0x57: {  	[sflag:s6] =	ssyncadd.s32 $0xFFFFE000  }
0x58: {  	[spmem:s2] =	stream.indirect.scatter.add.f32 [tilespmem:s14], [sflag:$0x1], $0x40, s13, s11, $0xb8;
	[tilespmem:$0x1E500] =	vst v63  }
0x59: {  	_ =	swait.ge [sflag:s6], $0x2000  }
0x5a: {  	[sflag:s6] =	ssyncset.done $0x0  }
0x5b: {  	[sflag:s6] =	ssyncadd.s32 $0xFFFFE000  }
0x5c: {  	[spmem:s2] =	stream.indirect.scatter.add.f32 [tilespmem:s16], [sflag:$0x1], $0x40, s15, s11, $0xb8;
	[tilespmem:$0x1E500] =	vst v63  }
0x5d: {  	_ =	swait.ge [sflag:s6], $0x2000  }
0x5e: {  	[sflag:s6] =	ssyncset.done $0x0  }
0x5f: {  	[sflag:s6] =	ssyncadd.s32 $0xFFFFE000  }
0x60: {  	[spmem:s2] =	stream.indirect.scatter.add.f32 [tilespmem:s18], [sflag:$0x1], $0x40, s17, s11, $0xb8;
	[tilespmem:$0x1E500] =	vst v63  }
0x61: {  	_ =	swait.ge [sflag:s6], $0x2000  }
0x62: {  	[sflag:s6] =	ssyncset.done $0x0  }
0x63: {  	[sflag:s6] =	ssyncadd.s32 $0xFFFFE000  }
0x64: {  	[spmem:s2] =	stream.indirect.scatter.add.f32 [tilespmem:s20], [sflag:$0x1], $0x40, s19, s11, $0xb8;
	[tilespmem:$0x1E500] =	vst v63  }
0x65: {  	_ =	swait.ge [sflag:s6], $0x2000  }
0x66: {  	[sflag:s6] =	ssyncset.done $0x0  }
0x67: {  	[sflag:s6] =	ssyncadd.s32 $0xFFFFE000  }
0x68: {  	[spmem:s2] =	stream.indirect.scatter.add.f32 [tilespmem:s22], [sflag:$0x1], $0x40, s21, s11, $0xb8;
	[tilespmem:$0x1E500] =	vst v63  }
0x69: {  	_ =	swait.ge [sflag:s6], $0x2000  }
0x6a: {  	[sflag:s6] =	ssyncset.done $0x0  }
0x6b: {  	[sflag:s6] =	ssyncadd.s32 $0xFFFFE000  }
0x6c: {  	[spmem:s2] =	stream.indirect.scatter.add.f32 [tilespmem:s24], [sflag:$0x1], $0x40, s23, s11, $0xb8;
	[tilespmem:$0x1E500] =	vst v63  }
0x6d: {  	_ =	swait.ge [sflag:s6], $0x2000  }
0x6e: {  	[sflag:s6] =	ssyncset.done $0x0  }
0x6f: {  	[sflag:s6] =	ssyncadd.s32 $0xFFFFE000  }
0x70: {  	[spmem:s2] =	stream.indirect.scatter.add.f32 [tilespmem:s26], [sflag:$0x1], $0x40, s25, s11, $0xb8;
	[tilespmem:$0x1E500] =	vst v63  }
0x71: {  	_ =	swait.ge [sflag:s6], $0x2000  }
0x72: {  	[sflag:s6] =	ssyncset.done $0x0  }
0x73: {  	[sflag:s6] =	ssyncadd.s32 $0xFFFFE000  }
0x74: {  	[spmem:s2] =	stream.indirect.scatter.add.f32 [tilespmem:s29], [sflag:$0x1], $0x40, s28, s11, $0xb8;
	[tilespmem:$0x1E500] =	vst v63  }
0x75: {  	_ =	swait.ge [sflag:s6], $0x2000  }
0x76: {  	[sflag:s6] =	ssyncset.done $0x0  }
.Ltmp1:
0x77: {  	[sflag:s6] =	ssyncadd.s32 $0xFFFFE000;
	(pc) =	sbr.rel @p0 .LBB2_1-.Ltmp1, $4  }
0x78: {  	[bflag:$0x0] =	sbarrier.arrive $0xFFFF  }
0x79: {  	[hbm:s30], [sflag:s5] =	dma.local [spmem:s7], $0x1400  }
0x7a: {  	_ =	swait.ge [sflag:s6], $0x1400  }
0x7b: {  	[sflag:s6] =	ssyncset.done $0x0  }
.LBB2_2:
0x7c: {  	[sflag:s6] =	ssyncadd.s32 $0xFFFFEC00  }
0x7d: {  	_ =	sfence.sel $0x180000  }
0x7e: {  	[bflag:$0x0] =	sbarrier.arrive $0xFFFF  }
0x7f: {  	_ =	strace $0x90000050  }
0x80: {  	s0 =	stileid.u32;
	[bflag:$0x2] =	sbarrier.arrive $0xFFFF  }
0x81: {  	p0 =	sne.s32 s0, $0x0;
	s0 =	rddreg [dreg:$0x2]  }
0x82: {  	s0 =	sadd.s32 @!p0 $0x100000, s0  }
0x83: {  	[sflag:s0] =	ssyncadd.tile.s32 @!p0 $0x1;
	_ =	shalt  }
.Lfunc_end2:
_tile_overlayer_lowered:
.L_overlay_start_2:
0x84: {  	(tag) =	ssettag $0x2  }
0x85: {  	s0 =	rddreg [dreg:$0x0];
	s2 =	stileid.u32  }
0x86: {  	s1 =	rddreg [dreg:$0x1];
	p0 =	sne.s32 s2, $0x0  }
0x87: {  	s3 =	rddreg [dreg:$0x2];
	[bflag:$0x3] =	sbarrier.arrive $0xFFFF;
	s2 =	simm.s32 @!p0 $0x1C01  }
0x88: {  	[timem:s3], [sflag:s2] =	dma.local @!p0 [hbm:s0], s1  }
0x89: {  	s0 =	simm.s32 @!p0 $0x1  }
0x8a: {  	_ =	swait.ge @!p0 [sflag:s0], s1  }
0x8b: {  	s1 =	ssub.s32 @!p0 $0x0, s1;
	[sflag:s0] =	ssyncset.done @!p0 $0x0  }
0x8c: {  	[sflag:s0] =	ssyncadd.s32 @!p0 s1  }
0x8d: {  	[bflag:$0x3] =	sbarrier.arrive $0xFFFF  }
0x8e: {  	_ =	shalt  }

// kernel: kernel.26.cloned.1.call-start
scs
__scs_entry_jumppad:
0x0: {  	(pc) =	sbr.rel $0x88, $3  }
0x1: {  	(tag) =	ssettag $0x0;
	lr =	simm.s32 $0x1  }
0x2: {  	[smem:$0x3F85] =	sst lr;
	_ =	strace $0xD0000000  }
0x3: {  	_ = 	snop  }
0x4: {  	_ = 	snop  }
0x5: {  	_ = 	snop  }
0x6: {  	_ = 	snop  }
0x7: {  	_ = 	snop  }
__scs_overlays_trampoline_lowered:
0x8: {  	[smem:$0x3F94] =	sst s0  }
0x9: {  	[smem:$0x3F95] =	sst s1  }
0xa: {  	[smem:$0x3F96] =	sst s2  }
0xb: {  	[smem:$0x3F97] =	sst s3  }
0xc: {  	[smem:$0x3F98] =	sst s4  }
0xd: {  	[smem:$0x3F99] =	sst s5  }
0xe: {  	[smem:$0x3F9A] =	sst s6  }
0xf: {  	[smem:$0x3F9B] =	sst s7  }
0x10: {  	[smem:$0x3F9C] =	sst s8  }
0x11: {  	[smem:$0x3F9D] =	sst s9;
	s0 =	simm.s32 @!p0 $0x0  }
0x12: {  	s1 =	sld [smem:$0x3F83];
	s0 =	simm.s32 @p0 $0x1  }
0x13: {  	[smem:$0x3F9E] =	sst s0;
	s0 =	simm.s32 @!p1 $0x0  }
0x14: {  	s2 =	sld [smem:$0x3F82];
	s0 =	simm.s32 @p1 $0x1  }
0x15: {  	[smem:$0x3F9F] =	sst s0;
	s0 =	simm.s32 @!p2 $0x0  }
0x16: {  	s3 =	sld [smem:$0x3FDB];
	s0 =	simm.s32 @p2 $0x1  }
0x17: {  	s4 =	simm.s32 $0x1BF5;
	[smem:$0x3FA1] =	sst s0  }
0x18: {  	s0 =	sld [smem:$0x3F84];
	_ =	swait.ge [sflag:s4], $0x0  }
0x19: {  	s7 =	sld [smem:$0x3F85]  }
0x1a: {  	s8 =	sadd.s32 $0xFFFFE003, lr  }
0x1b: {  	s9 =	sadd.s32 $0xFFFFFEF7, lr;
	s5 =	simm.s32 $0xFFFFFFFF;
	p2 =	slt.u32 s8, $0xFFFFF086  }
0x1c: {  	p1 =	slt.u32 s9, $0xF7A;
	s5 =	simm.s32 @!p2 $0x0  }
0x1d: {  	s5 =	simm.s32 @p1 $0x1;
	p0 =	seq.s32 s7, s2  }
0x1e: {  	s7 =	smul.u32 @!p0 $0xF7A, s2;
	p2 =	seq.s32 @!p0 s5, $0x0  }
0x1f: {  	s9 =	smul.u32 $0xF7A, s1;
	s8 =	simm.s32 @!p0 $0x1BF5;
	p2 =	por !p2, p0  }
0x20: {  	[sflag:s8] =	ssyncset.s32 @!p0 $0xFFFFF086;
	s6 =	sadd.s32 @!p0 s3, s7;
	s7 =	simm.s32 @!p0 $0x108  }
0x21: {  	s3 =	sadd.s32 s3, s9;
	s6 =	sadd.s32 @!p0 $0x88, s6;
	s7 =	simm.s32 @p2 $0x1082  }
0x22: {  	[simem:s7], [sflag:s8] =	dma.local @!p0 [hbm:s6], $0xF7A  }
0x23: {  	s9 =	sor.u32 $0xD0000000, s2;
	s6 =	simm.s32 $0x108;
	_ =	swait.ge @!p0 [sflag:s8], $0x0  }
0x24: {  	s3 =	sadd.s32 $0x88, s3;
	s6 =	simm.s32 @!p1 $0x1082;
	[sflag:s4] =	ssyncset.s32 $0xFFFFF086  }
0x25: {  	[simem:s6], [sflag:s4] =	dma.local [hbm:s3], $0xF7A  }
0x26: {  	[smem:$0x3F85] =	sst s1;
	(tag) =	ssettag s2;
	_ =	strace s9  }
0x27: {  	s1 =	sld [smem:$0x3F95]  }
0x28: {  	s2 =	sld [smem:$0x3F96]  }
0x29: {  	s4 =	sld [smem:$0x3F98]  }
0x2a: {  	p0 =	seq.s32 s5, $0x0;
	s5 =	sld [smem:$0x3F99]  }
0x2b: {  	s6 =	sld [smem:$0x3F9A]  }
0x2c: {  	s7 =	sld [smem:$0x3F9B]  }
0x2d: {  	s3 =	simm.s32 $0x108;
	s8 =	sld [smem:$0x3F9C]  }
0x2e: {  	s3 =	simm.s32 @!p0 $0x1082;
	s9 =	sld [smem:$0x3F9D]  }
0x2f: {  	lr =	sadd.s32 s0, s3;
	s0 =	sld [smem:$0x3F94]  }
0x30: {  	s3 =	sld [smem:$0x3F97]  }
0x31: {  	[smem:$0x3FA0] =	sst s10  }
0x32: {  	s10 =	sld [smem:$0x3F9E];
	_ =	sdelay $0x3  }
0x33: {  	p0 =	seq.s32 s10, $0x1;
	s10 =	sld [smem:$0x3FA0];
	_ =	sdelay $0x3  }
0x34: {  	[smem:$0x3FA0] =	sst s10  }
0x35: {  	s10 =	sld [smem:$0x3F9F];
	_ =	sdelay $0x3  }
0x36: {  	p1 =	seq.s32 s10, $0x1;
	s10 =	sld [smem:$0x3FA0];
	_ =	sdelay $0x3  }
0x37: {  	[smem:$0x3FA0] =	sst s10  }
0x38: {  	s10 =	sld [smem:$0x3FA1]  }
0x39: {  	_ = 	snop;
	(pc) =	sbr.ind lr, $3  }
0x3a: {  	_ = 	snop  }
0x3b: {  	_ = 	snop  }
0x3c: {  	p2 =	seq.s32 s10, $0x1;
	s10 =	sld [smem:$0x3FA0]  }
0x3d: {  	_ =	shalt  }
0x3e: {  	_ =	shalt  }
0x3f: {  	_ =	shalt  }
0x40: {  	_ =	shalt  }
0x41: {  	_ =	shalt  }
0x42: {  	_ =	shalt  }
0x43: {  	_ =	shalt  }
0x44: {  	_ =	shalt  }
0x45: {  	_ =	shalt  }
0x46: {  	_ =	shalt  }
0x47: {  	_ =	shalt  }
0x48: {  	_ =	shalt  }
0x49: {  	_ =	shalt  }
0x4a: {  	_ =	shalt  }
0x4b: {  	_ =	shalt  }
0x4c: {  	_ =	shalt  }
0x4d: {  	_ =	shalt  }
0x4e: {  	_ =	shalt  }
0x4f: {  	_ =	shalt  }
0x50: {  	_ =	shalt  }
0x51: {  	_ =	shalt  }
0x52: {  	_ =	shalt  }
0x53: {  	_ =	shalt  }
0x54: {  	_ =	shalt  }
0x55: {  	_ =	shalt  }
0x56: {  	_ =	shalt  }
0x57: {  	_ =	shalt  }
0x58: {  	_ =	shalt  }
0x59: {  	_ =	shalt  }
0x5a: {  	_ =	shalt  }
0x5b: {  	_ =	shalt  }
0x5c: {  	_ =	shalt  }
0x5d: {  	_ =	shalt  }
0x5e: {  	_ =	shalt  }
0x5f: {  	_ =	shalt  }
0x60: {  	_ =	shalt  }
0x61: {  	_ =	shalt  }
0x62: {  	_ =	shalt  }
0x63: {  	_ =	shalt  }
0x64: {  	_ =	shalt  }
0x65: {  	_ =	shalt  }
0x66: {  	_ =	shalt  }
0x67: {  	_ =	shalt  }
0x68: {  	_ =	shalt  }
0x69: {  	_ =	shalt  }
0x6a: {  	_ =	shalt  }
0x6b: {  	_ =	shalt  }
0x6c: {  	_ =	shalt  }
0x6d: {  	_ =	shalt  }
0x6e: {  	_ =	shalt  }
0x6f: {  	_ =	shalt  }
0x70: {  	_ =	shalt  }
0x71: {  	_ =	shalt  }
0x72: {  	_ =	shalt  }
0x73: {  	_ =	shalt  }
0x74: {  	_ =	shalt  }
0x75: {  	_ =	shalt  }
0x76: {  	_ =	shalt  }
0x77: {  	_ =	shalt  }
0x78: {  	_ =	shalt  }
0x79: {  	_ =	shalt  }
0x7a: {  	_ =	shalt  }
0x7b: {  	_ =	shalt  }
0x7c: {  	_ =	shalt  }
0x7d: {  	_ =	shalt  }
0x7e: {  	_ =	shalt  }
0x7f: {  	_ =	shalt  }
0x80: {  	_ =	shalt  }
0x81: {  	_ =	shalt  }
0x82: {  	_ =	shalt  }
0x83: {  	_ =	shalt  }
0x84: {  	_ =	shalt  }
0x85: {  	_ =	shalt  }
0x86: {  	_ =	shalt  }
0x87: {  	_ =	shalt  }
.Lfunc_end0:
.L_simem_size_0:
called_computation.4_lowered:
.L_overlay_start_0:
0x88: {  	s2 =	sld [smem:$0x3FD9]  }
0x89: {  	s3 =	sld [smem:$0x3FFE];
	_ =	sdelay $0x1  }
0x8a: {  	s1 =	srdreg.scid  }
0x8b: {  	s0 =	sand.u32 $0x1, s1  }
0x8c: {  	s16 =	sshll.u32 s0, $0xA;
	s2 =	sadd.s32 s3, s2  }
0x8d: {  	s2 =	sadd.s32 s2, s16  }
0x8e: {  	[smem:$0x3FAC] =	sst s2  }
0x8f: {  	_ = 	snop  }
0x90: {  	(tm) =	ssettm $0x1  }
0x91: {  	s17 =	sld [smem:$0x3FFB];
	_ =	sdelay $0x3  }
0x92: {  	_ =	strace s17  }
0x93: {  	s2 =	sld [smem:$0x3FFC];
	_ =	sdelay $0x3  }
0x94: {  	_ =	strace s2  }
0x95: {  	s2 =	sld [smem:$0x3FFD];
	_ =	sdelay $0x3  }
0x96: {  	_ =	strace s2  }
0x97: {  	_ =	strace $0x8FFFFFFF  }
0x98: {  	s18 =	sld [smem:$0x3FDB];
	_ =	sdelay $0x1  }
0x99: {  	s19 =	simm.s32 $_scs_section_size  }
0x9a: {  	s4 =	simm.s32 $_size__tile_overlayer_lowered;
	s5 =	simm.s32 $_tile_overlayer_lowered  }
0x9b: {  	s22 =	simm.s32 $0x1BFF;
	s21 =	sshll.u32 s5, $0x1;
	s2 =	sadd.s32 s19, s18  }
0x9c: {  	s6 =	simm.s32 $0x0;
	s20 =	sshll.u32 s4, $0x1;
	s4 =	sadd.s32 s21, s2  }
0x9d: {  	[timem:s6], [sflag:s22] =	dma.local [hbm:s4], s20  }
0x9e: {  	_ =	swait.ge [sflag:s22], s20  }
0x9f: {  	s3 =	ssub.s32 $0x0, s20;
	[sflag:s22] =	ssyncset.done $0x0  }
0xa0: {  	[sflag:s22] =	ssyncadd.s32 s3;
	_ =	sdelay $0x1  }
0xa1: {  	s23 =	simm.s32 $0x1B8B  }
0xa2: {  	_ =	swait.ge [sflag:s23], $0x1  }
0xa3: {  	[sflag:s23] =	ssyncset.done $0x0  }
0xa4: {  	s25 =	simm.s32 $0x1B8E;
	s24 =	sld [smem:$0x3FFE];
	[sflag:s23] =	ssyncadd.s32 $0xFFFFFFFF  }
0xa5: {  	s26 =	simm.s32 $execute0_lowered;
	[smem:$0x3FD2] =	sst s25  }
0xa6: {  	s4 =	sshll.u32 s26, $0x1;
	_ =	strace $0x80000052;
	[dreg:$0x1] =	wrdreg $0xFFFFFFFF  }
0xa7: {  	s28 =	simm.s32 $_size_execute0_lowered;
	s2 =	sadd.s32 s2, s4;
	[dreg:$0x0] =	wrdreg $0x0  }
0xa8: {  	s4 =	sshll.u32 s28, $0x1;
	[dreg:$0x2] =	wrdreg s2  }
0xa9: {  	[dreg:$0x3] =	wrdreg s4  }
0xaa: {  	[dreg:$0x4] =	wrdreg $0xC0  }
0xab: {  	_ =	task [dreg:s6], $0x5FFFF  }
0xac: {  	[dreg:$0x1] =	wrdreg $0xFFFFFFFF  }
0xad: {  	[dreg:$0x0] =	wrdreg $0x60  }
0xae: {  	[dreg:$0x2] =	wrdreg s24  }
0xaf: {  	[dreg:$0x3] =	wrdreg $0x9  }
0xb0: {  	_ =	task.clear_ibuf [dreg:s6], $0x4FFFF;
	_ =	strace $0x90000052  }
0xb1: {  	s29 =	simm.s32 $0x9;
	_ =	strace $0x80000054  }
0xb2: {  	_ =	swait.ge [sflag:s29], $0x1  }
0xb3: {  	[sflag:s29] =	ssyncadd.s32 $0xFFFFFFFF  }
0xb4: {  	_ =	strace $0x90000054  }
0xb5: {  	_ =	sfence  }
0xb6: {  	s30 =	sld [smem:$0x0];
	_ =	sdelay $0x2  }
0xb7: {  	s31 =	sshll.u32 s1, $0xD;
	s1 =	sshrl.u32 s1, $0x2  }
0xb8: {  	s3 =	sand.u32 $0x4000, s31;
	s1 =	sadd.s32 s1, s30  }
0xb9: {  	s0 =	sor.u32 s3, s0;
	s1 =	sshll.u32 s1, $0x11  }
0xba: {  	s0 =	sor.u32 s1, s0  }
0xbb: {  	s0 =	sadd.s32 $0x8F2B, s0  }
0xbc: {  	[sflag:s0] =	ssyncadd.remote.s32 $0x1  }
0xbd: {  	_ =	sfence.sel $0xFFFF  }
0xbe: {  	[dreg:$0x0] =	wrdreg $0xFFFFFFFF;
	(pc) =	sbr.abs _section_cstart, $3  }
0xbf: {  	[dreg:$0x1] =	wrdreg $0xFFFFFFFF  }
0xc0: {  	_ =	task.clear_ibuf [dreg:s6], $0x2FFFF;
	_ =	strace $0x9FFFFFFF  }
0xc1: {  	(tm) =	ssettm $0x7FFFFFFF  }
tec
execute0_lowered:
.L_overlay_start_1:
0x0: {  	(tag) =	ssettag $0x1  }
0x1: {  	s0 =	srdreg.scid  }
0x2: {  	s28 =	sand.u32 $0x1, s0  }
0x3: {  	s0 =	stileid.u32;
	s1 =	sshll.u32 s28, $0x4  }
0x4: {  	s29 =	sor.u32 s0, s1  }
0x5: {  	s26 =	rddreg [dreg:$0x0];
	s2 =	simm.s32 $0x0;
	s3 =	smul.u32 $0xA0, s29  }
0x6: {  	[smem:$0x7FF] =	sst s2  }
0x7: {  	s1 =	rddreg [dreg:$0x1];
	s3 =	sadd.s32 s3, s26  }
0x8: {  	_ =	strace $0x80000053;
	s4 =	sadd.s32 $0x8C00, s3;
	s3 =	simm.s32 $0x2  }
0x9: {  	[tilespmem:s2], [sflag:$0x2] =	stream.linear.gather [hbm4b:s4+s2], $0x500, $0x38;
	[tilespmem:$0x14500] =	vst v63  }
0xa: {  	_ =	swait.ge [sflag:s3], $0x500  }
0xb: {  	s6 =	simm.s32 $0x80;
	[sflag:s3] =	ssyncset.done $0x0  }
0xc: {  	s7 =	simm.s32 $0x500;
	s5 =	sadd.s32 $0xBF400, s26;
	[sflag:s3] =	ssyncadd.s32 $0xFFFFFB00  }
0xd: {  	[tilespmem:s7], [sflag:$0x1] =	stream.indirect.gather [hbm4b:s5+s6], $0x40, s2, s6, $0xb8;
	[tilespmem:$0x14500] =	vst v63  }
0xe: {  	s8 =	simm.s32 $0x2500  }
0xf: {  	[tilespmem:s8], [sflag:$0x1] =	stream.indirect.gather [hbm4b:s5+s6], $0x40, s6, s6, $0xb8;
	[tilespmem:$0x14500] =	vst v63  }
0x10: {  	s9 =	simm.s32 $0x100;
	s10 =	simm.s32 $0x4500  }
0x11: {  	[tilespmem:s10], [sflag:$0x1] =	stream.indirect.gather [hbm4b:s5+s6], $0x40, s9, s6, $0xb8;
	[tilespmem:$0x14500] =	vst v63  }
0x12: {  	s11 =	simm.s32 $0x180;
	s12 =	simm.s32 $0x6500  }
0x13: {  	[tilespmem:s12], [sflag:$0x1] =	stream.indirect.gather [hbm4b:s5+s6], $0x40, s11, s6, $0xb8;
	[tilespmem:$0x14500] =	vst v63  }
0x14: {  	s13 =	simm.s32 $0x200;
	s14 =	simm.s32 $0x8500  }
0x15: {  	[tilespmem:s14], [sflag:$0x1] =	stream.indirect.gather [hbm4b:s5+s6], $0x40, s13, s6, $0xb8;
	[tilespmem:$0x14500] =	vst v63  }
0x16: {  	s15 =	simm.s32 $0x280;
	s16 =	simm.s32 $0xA500  }
0x17: {  	[tilespmem:s16], [sflag:$0x1] =	stream.indirect.gather [hbm4b:s5+s6], $0x40, s15, s6, $0xb8;
	[tilespmem:$0x14500] =	vst v63  }
0x18: {  	s17 =	simm.s32 $0x300;
	s18 =	simm.s32 $0xC500  }
0x19: {  	[tilespmem:s18], [sflag:$0x1] =	stream.indirect.gather [hbm4b:s5+s6], $0x40, s17, s6, $0xb8;
	[tilespmem:$0x14500] =	vst v63  }
0x1a: {  	s19 =	simm.s32 $0x380;
	s20 =	simm.s32 $0xE500  }
0x1b: {  	[tilespmem:s20], [sflag:$0x1] =	stream.indirect.gather [hbm4b:s5+s6], $0x40, s19, s6, $0xb8;
	[tilespmem:$0x14500] =	vst v63  }
0x1c: {  	s21 =	simm.s32 $0x400;
	s22 =	simm.s32 $0x10500  }
0x1d: {  	[tilespmem:s22], [sflag:$0x1] =	stream.indirect.gather [hbm4b:s5+s6], $0x40, s21, s6, $0xb8;
	[tilespmem:$0x14500] =	vst v63  }
0x1e: {  	s23 =	simm.s32 $0x480;
	s24 =	simm.s32 $0x12500;
	s25 =	simm.s32 $0x1  }
0x1f: {  	[tilespmem:s24], [sflag:$0x1] =	stream.indirect.gather [hbm4b:s5+s6], $0x40, s23, s6, $0xb8;
	[tilespmem:$0x14500] =	vst v63  }
0x20: {  	_ =	swait.ge [sflag:s25], $0x2000  }
0x21: {  	[sflag:s25] =	ssyncset.done $0x0  }
0x22: {  	[sflag:s25] =	ssyncadd.s32 $0xFFFFE000  }
0x23: {  	_ =	swait.ge [sflag:s25], $0x2000  }
0x24: {  	[sflag:s25] =	ssyncset.done $0x0  }
0x25: {  	[sflag:s25] =	ssyncadd.s32 $0xFFFFE000  }
0x26: {  	_ =	swait.ge [sflag:s25], $0x2000  }
0x27: {  	[sflag:s25] =	ssyncset.done $0x0  }
0x28: {  	[sflag:s25] =	ssyncadd.s32 $0xFFFFE000  }
0x29: {  	_ =	swait.ge [sflag:s25], $0x2000  }
0x2a: {  	[sflag:s25] =	ssyncset.done $0x0  }
0x2b: {  	[sflag:s25] =	ssyncadd.s32 $0xFFFFE000  }
0x2c: {  	_ =	swait.ge [sflag:s25], $0x2000  }
0x2d: {  	[sflag:s25] =	ssyncset.done $0x0  }
0x2e: {  	[sflag:s25] =	ssyncadd.s32 $0xFFFFE000  }
0x2f: {  	_ =	swait.ge [sflag:s25], $0x2000  }
0x30: {  	[sflag:s25] =	ssyncset.done $0x0  }
0x31: {  	[sflag:s25] =	ssyncadd.s32 $0xFFFFE000  }
0x32: {  	_ =	swait.ge [sflag:s25], $0x2000  }
0x33: {  	[sflag:s25] =	ssyncset.done $0x0  }
0x34: {  	[sflag:s25] =	ssyncadd.s32 $0xFFFFE000  }
0x35: {  	_ =	swait.ge [sflag:s25], $0x2000  }
0x36: {  	[sflag:s25] =	ssyncset.done $0x0  }
0x37: {  	s28 =	ssub.s32 $0x2, s28;
	[sflag:s25] =	ssyncadd.s32 $0xFFFFE000  }
0x38: {  	s30 =	sshrl.u32 s28, $0x1;
	_ =	swait.ge [sflag:s25], $0x2000  }
0x39: {  	s28 =	ssub.s32 s28, s30;
	[sflag:s25] =	ssyncset.done $0x0  }
0x3a: {  	s29 =	smul.u32 $0x2800, s29;
	s28 =	smax.u32 s28, $0x1;
	[sflag:s25] =	ssyncadd.s32 $0xFFFFE000  }
0x3b: {  	p0 =	sne.s32 s28, $0x1;
	_ =	swait.ge [sflag:s25], $0x2000  }
.Ltmp0:
0x3c: {  	s26 =	sadd.s32 s29, s26;
	[sflag:s25] =	ssyncset.done $0x0;
	(pc) =	sbr.rel @!p0 .LBB2_2-.Ltmp0, $4  }
0x3d: {  	s26 =	sadd.s32 $0xD3400, s26;
	[sflag:s25] =	ssyncadd.s32 $0xFFFFE000  }
0x3e: {  	[hbm4b:s26+s2] =	stream.linear.scatter [tilespmem:s7], [sflag:$0x2], $0x14000, $0x38;
	[tilespmem:$0x14500] =	vst v63  }
0x3f: {  	_ =	swait.ge [sflag:s3], $0x14000  }
0x40: {  	s28 =	sadd.s32 $0xFFFFFFFF, s28;
	[sflag:s3] =	ssyncset.done $0x0  }
.LBB2_1:
0x41: {  	p0 =	sne.s32 s28, $0x1;
	s28 =	sadd.s32 $0xFFFFFFFF, s28;
	[sflag:s3] =	ssyncadd.s32 $0xFFFEC000  }
0x42: {  	[tilespmem:s2], [sflag:$0x2] =	stream.linear.gather [hbm4b:s4+s2], $0x500, $0x38;
	[tilespmem:$0x14500] =	vst v63  }
0x43: {  	_ =	swait.ge [sflag:s3], $0x500  }
0x44: {  	[sflag:s3] =	ssyncset.done $0x0  }
0x45: {  	[sflag:s3] =	ssyncadd.s32 $0xFFFFFB00  }
0x46: {  	[tilespmem:s7], [sflag:$0x1] =	stream.indirect.gather [hbm4b:s5+s6], $0x40, s2, s6, $0xb8;
	[tilespmem:$0x14500] =	vst v63  }
0x47: {  	_ = 	snop  }
0x48: {  	[tilespmem:s8], [sflag:$0x1] =	stream.indirect.gather [hbm4b:s5+s6], $0x40, s6, s6, $0xb8;
	[tilespmem:$0x14500] =	vst v63  }
0x49: {  	_ = 	snop  }
0x4a: {  	[tilespmem:s10], [sflag:$0x1] =	stream.indirect.gather [hbm4b:s5+s6], $0x40, s9, s6, $0xb8;
	[tilespmem:$0x14500] =	vst v63  }
0x4b: {  	_ = 	snop  }
0x4c: {  	[tilespmem:s12], [sflag:$0x1] =	stream.indirect.gather [hbm4b:s5+s6], $0x40, s11, s6, $0xb8;
	[tilespmem:$0x14500] =	vst v63  }
0x4d: {  	_ = 	snop  }
0x4e: {  	[tilespmem:s14], [sflag:$0x1] =	stream.indirect.gather [hbm4b:s5+s6], $0x40, s13, s6, $0xb8;
	[tilespmem:$0x14500] =	vst v63  }
0x4f: {  	_ = 	snop  }
0x50: {  	[tilespmem:s16], [sflag:$0x1] =	stream.indirect.gather [hbm4b:s5+s6], $0x40, s15, s6, $0xb8;
	[tilespmem:$0x14500] =	vst v63  }
0x51: {  	_ = 	snop  }
0x52: {  	[tilespmem:s18], [sflag:$0x1] =	stream.indirect.gather [hbm4b:s5+s6], $0x40, s17, s6, $0xb8;
	[tilespmem:$0x14500] =	vst v63  }
0x53: {  	_ = 	snop  }
0x54: {  	[tilespmem:s20], [sflag:$0x1] =	stream.indirect.gather [hbm4b:s5+s6], $0x40, s19, s6, $0xb8;
	[tilespmem:$0x14500] =	vst v63  }
0x55: {  	_ = 	snop  }
0x56: {  	[tilespmem:s22], [sflag:$0x1] =	stream.indirect.gather [hbm4b:s5+s6], $0x40, s21, s6, $0xb8;
	[tilespmem:$0x14500] =	vst v63  }
0x57: {  	_ = 	snop  }
0x58: {  	[tilespmem:s24], [sflag:$0x1] =	stream.indirect.gather [hbm4b:s5+s6], $0x40, s23, s6, $0xb8;
	[tilespmem:$0x14500] =	vst v63  }
0x59: {  	_ =	swait.ge [sflag:s25], $0x2000  }
0x5a: {  	[sflag:s25] =	ssyncset.done $0x0  }
0x5b: {  	[sflag:s25] =	ssyncadd.s32 $0xFFFFE000  }
0x5c: {  	_ =	swait.ge [sflag:s25], $0x2000  }
0x5d: {  	[sflag:s25] =	ssyncset.done $0x0  }
0x5e: {  	[sflag:s25] =	ssyncadd.s32 $0xFFFFE000  }
0x5f: {  	_ =	swait.ge [sflag:s25], $0x2000  }
0x60: {  	[sflag:s25] =	ssyncset.done $0x0  }
0x61: {  	[sflag:s25] =	ssyncadd.s32 $0xFFFFE000  }
0x62: {  	_ =	swait.ge [sflag:s25], $0x2000  }
0x63: {  	[sflag:s25] =	ssyncset.done $0x0  }
0x64: {  	[sflag:s25] =	ssyncadd.s32 $0xFFFFE000  }
0x65: {  	_ =	swait.ge [sflag:s25], $0x2000  }
0x66: {  	[sflag:s25] =	ssyncset.done $0x0  }
0x67: {  	[sflag:s25] =	ssyncadd.s32 $0xFFFFE000  }
0x68: {  	_ =	swait.ge [sflag:s25], $0x2000  }
0x69: {  	[sflag:s25] =	ssyncset.done $0x0  }
0x6a: {  	[sflag:s25] =	ssyncadd.s32 $0xFFFFE000  }
0x6b: {  	_ =	swait.ge [sflag:s25], $0x2000  }
0x6c: {  	[sflag:s25] =	ssyncset.done $0x0  }
0x6d: {  	[sflag:s25] =	ssyncadd.s32 $0xFFFFE000  }
0x6e: {  	_ =	swait.ge [sflag:s25], $0x2000  }
0x6f: {  	[sflag:s25] =	ssyncset.done $0x0  }
0x70: {  	[sflag:s25] =	ssyncadd.s32 $0xFFFFE000  }
0x71: {  	_ =	swait.ge [sflag:s25], $0x2000  }
0x72: {  	[sflag:s25] =	ssyncset.done $0x0  }
0x73: {  	[sflag:s25] =	ssyncadd.s32 $0xFFFFE000  }
0x74: {  	_ =	swait.ge [sflag:s25], $0x2000  }
.Ltmp1:
0x75: {  	[sflag:s25] =	ssyncset.done $0x0;
	(pc) =	sbr.rel @p0 .LBB2_1-.Ltmp1, $4  }
0x76: {  	[sflag:s25] =	ssyncadd.s32 $0xFFFFE000  }
0x77: {  	[hbm4b:s26+s2] =	stream.linear.scatter [tilespmem:s7], [sflag:$0x2], $0x14000, $0x38;
	[tilespmem:$0x14500] =	vst v63  }
0x78: {  	_ =	swait.ge [sflag:s3], $0x14000  }
0x79: {  	[sflag:s3] =	ssyncset.done $0x0  }
.LBB2_2:
0x7a: {  	[sflag:s3] =	ssyncadd.s32 $0xFFFEC000  }
0x7b: {  	_ =	sfence.sel $0x180000  }
0x7c: {  	[bflag:$0x0] =	sbarrier.arrive $0xFFFF  }
0x7d: {  	p0 =	sne.s32 s0, $0x0;
	_ =	strace $0x90000053  }
0x7e: {  	s0 =	sadd.s32 @!p0 $0x100000, s1;
	[bflag:$0x2] =	sbarrier.arrive $0xFFFF  }
0x7f: {  	[sflag:s0] =	ssyncadd.tile.s32 @!p0 $0x1;
	_ =	shalt  }
.Lfunc_end2:
_tile_overlayer_lowered:
.L_overlay_start_2:
0x80: {  	(tag) =	ssettag $0x2  }
0x81: {  	s0 =	rddreg [dreg:$0x0];
	s2 =	stileid.u32  }
0x82: {  	s1 =	rddreg [dreg:$0x1];
	p0 =	sne.s32 s2, $0x0  }
0x83: {  	s3 =	rddreg [dreg:$0x2];
	[bflag:$0x3] =	sbarrier.arrive $0xFFFF;
	s2 =	simm.s32 @!p0 $0x1C02  }
0x84: {  	[timem:s3], [sflag:s2] =	dma.local @!p0 [hbm:s0], s1  }
0x85: {  	s0 =	simm.s32 @!p0 $0x2  }
0x86: {  	_ =	swait.ge @!p0 [sflag:s0], s1  }
0x87: {  	s1 =	ssub.s32 @!p0 $0x0, s1;
	[sflag:s0] =	ssyncset.done @!p0 $0x0  }
0x88: {  	[sflag:s0] =	ssyncadd.s32 @!p0 s1  }
0x89: {  	[bflag:$0x3] =	sbarrier.arrive $0xFFFF  }
0x8a: {  	_ =	shalt  }

// kernel: kernel.29.cloned.1.call-start
scs
__scs_entry_jumppad:
0x0: {  	(pc) =	sbr.rel $0x88, $3  }
0x1: {  	(tag) =	ssettag $0x0;
	lr =	simm.s32 $0x1  }
0x2: {  	[smem:$0x3F85] =	sst lr;
	_ =	strace $0xD0000000  }
0x3: {  	_ = 	snop  }
0x4: {  	_ = 	snop  }
0x5: {  	_ = 	snop  }
0x6: {  	_ = 	snop  }
0x7: {  	_ = 	snop  }
__scs_overlays_trampoline_lowered:
0x8: {  	[smem:$0x3F94] =	sst s0  }
0x9: {  	[smem:$0x3F95] =	sst s1  }
0xa: {  	[smem:$0x3F96] =	sst s2  }
0xb: {  	[smem:$0x3F97] =	sst s3  }
0xc: {  	[smem:$0x3F98] =	sst s4  }
0xd: {  	[smem:$0x3F99] =	sst s5  }
0xe: {  	[smem:$0x3F9A] =	sst s6  }
0xf: {  	[smem:$0x3F9B] =	sst s7  }
0x10: {  	[smem:$0x3F9C] =	sst s8  }
0x11: {  	[smem:$0x3F9D] =	sst s9;
	s0 =	simm.s32 @!p0 $0x0  }
0x12: {  	s1 =	sld [smem:$0x3F83];
	s0 =	simm.s32 @p0 $0x1  }
0x13: {  	[smem:$0x3F9E] =	sst s0;
	s0 =	simm.s32 @!p1 $0x0  }
0x14: {  	s2 =	sld [smem:$0x3F82];
	s0 =	simm.s32 @p1 $0x1  }
0x15: {  	[smem:$0x3F9F] =	sst s0;
	s0 =	simm.s32 @!p2 $0x0  }
0x16: {  	s3 =	sld [smem:$0x3FDB];
	s0 =	simm.s32 @p2 $0x1  }
0x17: {  	s4 =	simm.s32 $0x1BF5;
	[smem:$0x3FA1] =	sst s0  }
0x18: {  	s0 =	sld [smem:$0x3F84];
	_ =	swait.ge [sflag:s4], $0x0  }
0x19: {  	s7 =	sld [smem:$0x3F85]  }
0x1a: {  	s8 =	sadd.s32 $0xFFFFE003, lr  }
0x1b: {  	s9 =	sadd.s32 $0xFFFFFEF7, lr;
	s5 =	simm.s32 $0xFFFFFFFF;
	p2 =	slt.u32 s8, $0xFFFFF086  }
0x1c: {  	p1 =	slt.u32 s9, $0xF7A;
	s5 =	simm.s32 @!p2 $0x0  }
0x1d: {  	s5 =	simm.s32 @p1 $0x1;
	p0 =	seq.s32 s7, s2  }
0x1e: {  	s7 =	smul.u32 @!p0 $0xF7A, s2;
	p2 =	seq.s32 @!p0 s5, $0x0  }
0x1f: {  	s9 =	smul.u32 $0xF7A, s1;
	s8 =	simm.s32 @!p0 $0x1BF5;
	p2 =	por !p2, p0  }
0x20: {  	[sflag:s8] =	ssyncset.s32 @!p0 $0xFFFFF086;
	s6 =	sadd.s32 @!p0 s3, s7;
	s7 =	simm.s32 @!p0 $0x108  }
0x21: {  	s3 =	sadd.s32 s3, s9;
	s6 =	sadd.s32 @!p0 $0x88, s6;
	s7 =	simm.s32 @p2 $0x1082  }
0x22: {  	[simem:s7], [sflag:s8] =	dma.local @!p0 [hbm:s6], $0xF7A  }
0x23: {  	s9 =	sor.u32 $0xD0000000, s2;
	s6 =	simm.s32 $0x108;
	_ =	swait.ge @!p0 [sflag:s8], $0x0  }
0x24: {  	s3 =	sadd.s32 $0x88, s3;
	s6 =	simm.s32 @!p1 $0x1082;
	[sflag:s4] =	ssyncset.s32 $0xFFFFF086  }
0x25: {  	[simem:s6], [sflag:s4] =	dma.local [hbm:s3], $0xF7A  }
0x26: {  	[smem:$0x3F85] =	sst s1;
	(tag) =	ssettag s2;
	_ =	strace s9  }
0x27: {  	s1 =	sld [smem:$0x3F95]  }
0x28: {  	s2 =	sld [smem:$0x3F96]  }
0x29: {  	s4 =	sld [smem:$0x3F98]  }
0x2a: {  	p0 =	seq.s32 s5, $0x0;
	s5 =	sld [smem:$0x3F99]  }
0x2b: {  	s6 =	sld [smem:$0x3F9A]  }
0x2c: {  	s7 =	sld [smem:$0x3F9B]  }
0x2d: {  	s3 =	simm.s32 $0x108;
	s8 =	sld [smem:$0x3F9C]  }
0x2e: {  	s3 =	simm.s32 @!p0 $0x1082;
	s9 =	sld [smem:$0x3F9D]  }
0x2f: {  	lr =	sadd.s32 s0, s3;
	s0 =	sld [smem:$0x3F94]  }
0x30: {  	s3 =	sld [smem:$0x3F97]  }
0x31: {  	[smem:$0x3FA0] =	sst s10  }
0x32: {  	s10 =	sld [smem:$0x3F9E];
	_ =	sdelay $0x3  }
0x33: {  	p0 =	seq.s32 s10, $0x1;
	s10 =	sld [smem:$0x3FA0];
	_ =	sdelay $0x3  }
0x34: {  	[smem:$0x3FA0] =	sst s10  }
0x35: {  	s10 =	sld [smem:$0x3F9F];
	_ =	sdelay $0x3  }
0x36: {  	p1 =	seq.s32 s10, $0x1;
	s10 =	sld [smem:$0x3FA0];
	_ =	sdelay $0x3  }
0x37: {  	[smem:$0x3FA0] =	sst s10  }
0x38: {  	s10 =	sld [smem:$0x3FA1]  }
0x39: {  	_ = 	snop;
	(pc) =	sbr.ind lr, $3  }
0x3a: {  	_ = 	snop  }
0x3b: {  	_ = 	snop  }
0x3c: {  	p2 =	seq.s32 s10, $0x1;
	s10 =	sld [smem:$0x3FA0]  }
0x3d: {  	_ =	shalt  }
0x3e: {  	_ =	shalt  }
0x3f: {  	_ =	shalt  }
0x40: {  	_ =	shalt  }
0x41: {  	_ =	shalt  }
0x42: {  	_ =	shalt  }
0x43: {  	_ =	shalt  }
0x44: {  	_ =	shalt  }
0x45: {  	_ =	shalt  }
0x46: {  	_ =	shalt  }
0x47: {  	_ =	shalt  }
0x48: {  	_ =	shalt  }
0x49: {  	_ =	shalt  }
0x4a: {  	_ =	shalt  }
0x4b: {  	_ =	shalt  }
0x4c: {  	_ =	shalt  }
0x4d: {  	_ =	shalt  }
0x4e: {  	_ =	shalt  }
0x4f: {  	_ =	shalt  }
0x50: {  	_ =	shalt  }
0x51: {  	_ =	shalt  }
0x52: {  	_ =	shalt  }
0x53: {  	_ =	shalt  }
0x54: {  	_ =	shalt  }
0x55: {  	_ =	shalt  }
0x56: {  	_ =	shalt  }
0x57: {  	_ =	shalt  }
0x58: {  	_ =	shalt  }
0x59: {  	_ =	shalt  }
0x5a: {  	_ =	shalt  }
0x5b: {  	_ =	shalt  }
0x5c: {  	_ =	shalt  }
0x5d: {  	_ =	shalt  }
0x5e: {  	_ =	shalt  }
0x5f: {  	_ =	shalt  }
0x60: {  	_ =	shalt  }
0x61: {  	_ =	shalt  }
0x62: {  	_ =	shalt  }
0x63: {  	_ =	shalt  }
0x64: {  	_ =	shalt  }
0x65: {  	_ =	shalt  }
0x66: {  	_ =	shalt  }
0x67: {  	_ =	shalt  }
0x68: {  	_ =	shalt  }
0x69: {  	_ =	shalt  }
0x6a: {  	_ =	shalt  }
0x6b: {  	_ =	shalt  }
0x6c: {  	_ =	shalt  }
0x6d: {  	_ =	shalt  }
0x6e: {  	_ =	shalt  }
0x6f: {  	_ =	shalt  }
0x70: {  	_ =	shalt  }
0x71: {  	_ =	shalt  }
0x72: {  	_ =	shalt  }
0x73: {  	_ =	shalt  }
0x74: {  	_ =	shalt  }
0x75: {  	_ =	shalt  }
0x76: {  	_ =	shalt  }
0x77: {  	_ =	shalt  }
0x78: {  	_ =	shalt  }
0x79: {  	_ =	shalt  }
0x7a: {  	_ =	shalt  }
0x7b: {  	_ =	shalt  }
0x7c: {  	_ =	shalt  }
0x7d: {  	_ =	shalt  }
0x7e: {  	_ =	shalt  }
0x7f: {  	_ =	shalt  }
0x80: {  	_ =	shalt  }
0x81: {  	_ =	shalt  }
0x82: {  	_ =	shalt  }
0x83: {  	_ =	shalt  }
0x84: {  	_ =	shalt  }
0x85: {  	_ =	shalt  }
0x86: {  	_ =	shalt  }
0x87: {  	_ =	shalt  }
.Lfunc_end0:
.L_simem_size_0:
called_computation.5_lowered:
.L_overlay_start_0:
0x88: {  	s2 =	sld [smem:$0x3FD9]  }
0x89: {  	s3 =	sld [smem:$0x3FFE];
	_ =	sdelay $0x1  }
0x8a: {  	s1 =	srdreg.scid  }
0x8b: {  	s0 =	sand.u32 $0x1, s1  }
0x8c: {  	s16 =	sshll.u32 s0, $0xA;
	s2 =	sadd.s32 s3, s2  }
0x8d: {  	s2 =	sadd.s32 s2, s16  }
0x8e: {  	[smem:$0x3FAC] =	sst s2  }
0x8f: {  	_ = 	snop  }
0x90: {  	(tm) =	ssettm $0x1  }
0x91: {  	s17 =	sld [smem:$0x3FFB];
	_ =	sdelay $0x3  }
0x92: {  	_ =	strace s17  }
0x93: {  	s2 =	sld [smem:$0x3FFC];
	_ =	sdelay $0x3  }
0x94: {  	_ =	strace s2  }
0x95: {  	s2 =	sld [smem:$0x3FFD];
	_ =	sdelay $0x3  }
0x96: {  	_ =	strace s2  }
0x97: {  	_ =	strace $0x8FFFFFFF  }
0x98: {  	s18 =	sld [smem:$0x3FDB];
	_ =	sdelay $0x1  }
0x99: {  	s19 =	simm.s32 $_scs_section_size  }
0x9a: {  	s4 =	simm.s32 $_size__tile_overlayer_lowered;
	s5 =	simm.s32 $_tile_overlayer_lowered  }
0x9b: {  	s22 =	simm.s32 $0x1BFF;
	s21 =	sshll.u32 s5, $0x1;
	s2 =	sadd.s32 s19, s18  }
0x9c: {  	s6 =	simm.s32 $0x0;
	s20 =	sshll.u32 s4, $0x1;
	s4 =	sadd.s32 s21, s2  }
0x9d: {  	[timem:s6], [sflag:s22] =	dma.local [hbm:s4], s20  }
0x9e: {  	_ =	swait.ge [sflag:s22], s20  }
0x9f: {  	s3 =	ssub.s32 $0x0, s20;
	[sflag:s22] =	ssyncset.done $0x0  }
0xa0: {  	[sflag:s22] =	ssyncadd.s32 s3;
	_ =	sdelay $0x1  }
0xa1: {  	s23 =	simm.s32 $0x1B8B  }
0xa2: {  	_ =	swait.ge [sflag:s23], $0x1  }
0xa3: {  	[sflag:s23] =	ssyncset.done $0x0  }
0xa4: {  	s25 =	simm.s32 $0x1B8E;
	s24 =	sld [smem:$0x3FFE];
	[sflag:s23] =	ssyncadd.s32 $0xFFFFFFFF  }
0xa5: {  	s26 =	simm.s32 $execute0_lowered;
	[smem:$0x3FD2] =	sst s25  }
0xa6: {  	s4 =	sshll.u32 s26, $0x1;
	_ =	strace $0x80000055;
	[dreg:$0x1] =	wrdreg $0xFFFFFFFF  }
0xa7: {  	s28 =	simm.s32 $_size_execute0_lowered;
	s2 =	sadd.s32 s2, s4;
	[dreg:$0x0] =	wrdreg $0x0  }
0xa8: {  	s4 =	sshll.u32 s28, $0x1;
	[dreg:$0x2] =	wrdreg s2  }
0xa9: {  	[dreg:$0x3] =	wrdreg s4  }
0xaa: {  	[dreg:$0x4] =	wrdreg $0xC0  }
0xab: {  	_ =	task [dreg:s6], $0x5FFFF  }
0xac: {  	[dreg:$0x1] =	wrdreg $0xFFFFFFFF  }
0xad: {  	[dreg:$0x0] =	wrdreg $0x60  }
0xae: {  	[dreg:$0x2] =	wrdreg s24  }
0xaf: {  	[dreg:$0x3] =	wrdreg $0x145000  }
0xb0: {  	[dreg:$0x4] =	wrdreg $0x9  }
0xb1: {  	_ =	task.clear_ibuf [dreg:s6], $0x5FFFF;
	_ =	strace $0x90000055  }
0xb2: {  	s29 =	simm.s32 $0x9;
	_ =	strace $0x80000057  }
0xb3: {  	_ =	swait.ge [sflag:s29], $0x1  }
0xb4: {  	[sflag:s29] =	ssyncadd.s32 $0xFFFFFFFF  }
0xb5: {  	_ =	strace $0x90000057  }
0xb6: {  	_ =	sfence  }
0xb7: {  	s30 =	sld [smem:$0x0];
	_ =	sdelay $0x2  }
0xb8: {  	s31 =	sshll.u32 s1, $0xD;
	s1 =	sshrl.u32 s1, $0x2  }
0xb9: {  	s3 =	sand.u32 $0x4000, s31;
	s1 =	sadd.s32 s1, s30  }
0xba: {  	s0 =	sor.u32 s3, s0;
	s1 =	sshll.u32 s1, $0x11  }
0xbb: {  	s0 =	sor.u32 s1, s0  }
0xbc: {  	s0 =	sadd.s32 $0x8F2B, s0  }
0xbd: {  	[sflag:s0] =	ssyncadd.remote.s32 $0x1  }
0xbe: {  	_ =	sfence.sel $0xFFFF  }
0xbf: {  	[dreg:$0x0] =	wrdreg $0xFFFFFFFF;
	(pc) =	sbr.abs _section_cstart, $3  }
0xc0: {  	[dreg:$0x1] =	wrdreg $0xFFFFFFFF  }
0xc1: {  	_ =	task.clear_ibuf [dreg:s6], $0x2FFFF;
	_ =	strace $0x9FFFFFFF  }
0xc2: {  	(tm) =	ssettm $0x7FFFFFFF  }
0xc3: {  	_ =	shalt  }
tec
execute0_lowered:
.L_overlay_start_1:
0x0: {  	(tag) =	ssettag $0x1  }
0x1: {  	s30 =	rddreg [dreg:$0x0]  }
0x2: {  	s2 =	rddreg [dreg:$0x1]  }
0x3: {  	s0 =	stileid.u32;
	s4 =	srdreg.scid  }
0x4: {  	s3 =	simm.s32 $0x0;
	s5 =	smul.u32 $0xA000, s0;
	s31 =	sand.u32 $0x1, s4  }
0x5: {  	[smem:$0x7FF] =	sst s3;
	s25 =	sshll.u32 s0, $0x6;
	s4 =	sshll.u32 s31, $0x4  }
0x6: {  	_ =	strace $0x80000056;
	s6 =	sshrl.u32 s5, $0x3;
	s8 =	sor.u32 s0, s4  }
0x7: {  	s24 =	sadd.s32 s5, s2;
	s5 =	sor.u32 $0x1C01, s25;
	s23 =	sadd.s32 s6, s30  }
0x8: {  	s7 =	sshrl.u32 s24, $0x3;
	s6 =	simm.s32 $0x1;
	s4 =	sadd.s32 $0xA000, s23  }
0x9: {  	[spmem:s7], [sflag:s5] =	dma.local [hbm:s4], $0x1400  }
0xa: {  	s9 =	smul.u32 $0xA0, s8;
	_ =	swait.ge [sflag:s6], $0x1400  }
0xb: {  	[sflag:s6] =	ssyncset.done $0x0  }
0xc: {  	s9 =	sadd.s32 s9, s30;
	[sflag:s6] =	ssyncadd.s32 $0xFFFFEC00  }
0xd: {  	s10 =	smul.u32 $0x2800, s8;
	s8 =	sadd.s32 $0xBE000, s9;
	[bflag:$0x0] =	sbarrier.arrive $0xFFFF  }
0xe: {  	[tilespmem:s3], [sflag:$0x1] =	stream.linear.gather [hbm4b:s8+s3], $0x500, $0x38;
	[tilespmem:$0x1E500] =	vst v63  }
0xf: {  	_ =	swait.ge [sflag:s6], $0x500  }
0x10: {  	s26 =	sadd.s32 s10, s30;
	[sflag:s6] =	ssyncset.done $0x0  }
0x11: {  	s10 =	simm.s32 $0x500;
	s9 =	sadd.s32 $0x1E000, s26;
	[sflag:s6] =	ssyncadd.s32 $0xFFFFFB00  }
0x12: {  	[tilespmem:s10], [sflag:$0x1] =	stream.linear.gather [hbm4b:s9+s3], $0x14000, $0x38;
	[tilespmem:$0x1E500] =	vst v63  }
0x13: {  	_ =	swait.ge [sflag:s6], $0x14000  }
0x14: {  	[sflag:s6] =	ssyncset.done $0x0  }
0x15: {  	s11 =	simm.s32 $0x80;
	[sflag:s6] =	ssyncadd.s32 $0xFFFEC000  }
0x16: {  	[spmem:s2] =	stream.indirect.scatter.add.f32 [tilespmem:s10], [sflag:$0x1], $0x40, s3, s11, $0xb8;
	[tilespmem:$0x1E500] =	vst v63  }
0x17: {  	_ =	swait.ge [sflag:s6], $0x2000  }
0x18: {  	[sflag:s6] =	ssyncset.done $0x0  }
0x19: {  	s12 =	simm.s32 $0x2500;
	[sflag:s6] =	ssyncadd.s32 $0xFFFFE000  }
0x1a: {  	[spmem:s2] =	stream.indirect.scatter.add.f32 [tilespmem:s12], [sflag:$0x1], $0x40, s11, s11, $0xb8;
	[tilespmem:$0x1E500] =	vst v63  }
0x1b: {  	_ =	swait.ge [sflag:s6], $0x2000  }
0x1c: {  	[sflag:s6] =	ssyncset.done $0x0  }
0x1d: {  	s13 =	simm.s32 $0x100;
	s14 =	simm.s32 $0x4500;
	[sflag:s6] =	ssyncadd.s32 $0xFFFFE000  }
0x1e: {  	[spmem:s2] =	stream.indirect.scatter.add.f32 [tilespmem:s14], [sflag:$0x1], $0x40, s13, s11, $0xb8;
	[tilespmem:$0x1E500] =	vst v63  }
0x1f: {  	_ =	swait.ge [sflag:s6], $0x2000  }
0x20: {  	[sflag:s6] =	ssyncset.done $0x0  }
0x21: {  	s15 =	simm.s32 $0x180;
	s16 =	simm.s32 $0x6500;
	[sflag:s6] =	ssyncadd.s32 $0xFFFFE000  }
0x22: {  	[spmem:s2] =	stream.indirect.scatter.add.f32 [tilespmem:s16], [sflag:$0x1], $0x40, s15, s11, $0xb8;
	[tilespmem:$0x1E500] =	vst v63  }
0x23: {  	_ =	swait.ge [sflag:s6], $0x2000  }
0x24: {  	[sflag:s6] =	ssyncset.done $0x0  }
0x25: {  	s17 =	simm.s32 $0x200;
	s18 =	simm.s32 $0x8500;
	[sflag:s6] =	ssyncadd.s32 $0xFFFFE000  }
0x26: {  	[spmem:s2] =	stream.indirect.scatter.add.f32 [tilespmem:s18], [sflag:$0x1], $0x40, s17, s11, $0xb8;
	[tilespmem:$0x1E500] =	vst v63  }
0x27: {  	_ =	swait.ge [sflag:s6], $0x2000  }
0x28: {  	[sflag:s6] =	ssyncset.done $0x0  }
0x29: {  	s19 =	simm.s32 $0x280;
	s20 =	simm.s32 $0xA500;
	[sflag:s6] =	ssyncadd.s32 $0xFFFFE000  }
0x2a: {  	[spmem:s2] =	stream.indirect.scatter.add.f32 [tilespmem:s20], [sflag:$0x1], $0x40, s19, s11, $0xb8;
	[tilespmem:$0x1E500] =	vst v63  }
0x2b: {  	_ =	swait.ge [sflag:s6], $0x2000  }
0x2c: {  	[sflag:s6] =	ssyncset.done $0x0  }
0x2d: {  	s21 =	simm.s32 $0x300;
	s22 =	simm.s32 $0xC500;
	[sflag:s6] =	ssyncadd.s32 $0xFFFFE000  }
0x2e: {  	[spmem:s2] =	stream.indirect.scatter.add.f32 [tilespmem:s22], [sflag:$0x1], $0x40, s21, s11, $0xb8;
	[tilespmem:$0x1E500] =	vst v63  }
0x2f: {  	_ =	swait.ge [sflag:s6], $0x2000  }
0x30: {  	[sflag:s6] =	ssyncset.done $0x0  }
0x31: {  	s24 =	simm.s32 $0xE500;
	s23 =	simm.s32 $0x380;
	[sflag:s6] =	ssyncadd.s32 $0xFFFFE000  }
0x32: {  	[spmem:s2] =	stream.indirect.scatter.add.f32 [tilespmem:s24], [sflag:$0x1], $0x40, s23, s11, $0xb8;
	[tilespmem:$0x1E500] =	vst v63  }
0x33: {  	_ =	swait.ge [sflag:s6], $0x2000  }
0x34: {  	s1 =	smul.u32 $0x1400, s0;
	s25 =	simm.s32 $0x400;
	[sflag:s6] =	ssyncset.done $0x0  }
0x35: {  	s0 =	smul.u32 $0x14000, s31;
	s26 =	simm.s32 $0x10500;
	[sflag:s6] =	ssyncadd.s32 $0xFFFFE000  }
0x36: {  	[spmem:s2] =	stream.indirect.scatter.add.f32 [tilespmem:s26], [sflag:$0x1], $0x40, s25, s11, $0xb8;
	[tilespmem:$0x1E500] =	vst v63  }
0x37: {  	s28 =	simm.s32 $0x480;
	s31 =	ssub.s32 $0x2, s31;
	_ =	swait.ge [sflag:s6], $0x2000  }
0x38: {  	s0 =	sadd.s32 s1, s0;
	s1 =	sshrl.u32 s31, $0x1;
	[sflag:s6] =	ssyncset.done $0x0  }
0x39: {  	s29 =	simm.s32 $0x12500;
	s1 =	ssub.s32 s31, s1;
	[sflag:s6] =	ssyncadd.s32 $0xFFFFE000  }
0x3a: {  	[spmem:s2] =	stream.indirect.scatter.add.f32 [tilespmem:s29], [sflag:$0x1], $0x40, s28, s11, $0xb8;
	[tilespmem:$0x1E500] =	vst v63  }
0x3b: {  	s1 =	smax.u32 s1, $0x1;
	_ =	swait.ge [sflag:s6], $0x2000  }
0x3c: {  	p0 =	sne.s32 s1, $0x1;
	[sflag:s6] =	ssyncset.done $0x0  }
.Ltmp0:
0x3d: {  	s0 =	sadd.s32 s0, s30;
	[sflag:s6] =	ssyncadd.s32 $0xFFFFE000;
	(pc) =	sbr.rel @!p0 .LBB2_2-.Ltmp0, $4  }
0x3e: {  	s30 =	sadd.s32 $0x6E000, s0;
	[bflag:$0x0] =	sbarrier.arrive $0xFFFF  }
0x3f: {  	[hbm:s30], [sflag:s5] =	dma.local [spmem:s7], $0x1400  }
0x40: {  	_ =	swait.ge [sflag:s6], $0x1400  }
0x41: {  	s31 =	sadd.s32 $0xFFFFFFFF, s1;
	[sflag:s6] =	ssyncset.done $0x0  }
.LBB2_1:
0x42: {  	p0 =	sne.s32 s31, $0x1;
	s31 =	sadd.s32 $0xFFFFFFFF, s31;
	[sflag:s6] =	ssyncadd.s32 $0xFFFFEC00  }
0x43: {  	[spmem:s7], [sflag:s5] =	dma.local [hbm:s4], $0x1400  }
0x44: {  	_ =	swait.ge [sflag:s6], $0x1400  }
0x45: {  	[sflag:s6] =	ssyncset.done $0x0  }
0x46: {  	[sflag:s6] =	ssyncadd.s32 $0xFFFFEC00  }
0x47: {  	[bflag:$0x0] =	sbarrier.arrive $0xFFFF  }
0x48: {  	[tilespmem:s3], [sflag:$0x1] =	stream.linear.gather [hbm4b:s8+s3], $0x500, $0x38;
	[tilespmem:$0x1E500] =	vst v63  }
0x49: {  	_ =	swait.ge [sflag:s6], $0x500  }
0x4a: {  	[sflag:s6] =	ssyncset.done $0x0  }
0x4b: {  	[sflag:s6] =	ssyncadd.s32 $0xFFFFFB00  }
0x4c: {  	[tilespmem:s10], [sflag:$0x1] =	stream.linear.gather [hbm4b:s9+s3], $0x14000, $0x38;
	[tilespmem:$0x1E500] =	vst v63  }
0x4d: {  	_ =	swait.ge [sflag:s6], $0x14000  }
0x4e: {  	[sflag:s6] =	ssyncset.done $0x0  }
0x4f: {  	[sflag:s6] =	ssyncadd.s32 $0xFFFEC000  }
0x50: {  	[spmem:s2] =	stream.indirect.scatter.add.f32 [tilespmem:s10], [sflag:$0x1], $0x40, s3, s11, $0xb8;
	[tilespmem:$0x1E500] =	vst v63  }
0x51: {  	_ =	swait.ge [sflag:s6], $0x2000  }
0x52: {  	[sflag:s6] =	ssyncset.done $0x0  }
0x53: {  	[sflag:s6] =	ssyncadd.s32 $0xFFFFE000  }
0x54: {  	[spmem:s2] =	stream.indirect.scatter.add.f32 [tilespmem:s12], [sflag:$0x1], $0x40, s11, s11, $0xb8;
	[tilespmem:$0x1E500] =	vst v63  }
0x55: {  	_ =	swait.ge [sflag:s6], $0x2000  }
0x56: {  	[sflag:s6] =	ssyncset.done $0x0  }
0x57: {  	[sflag:s6] =	ssyncadd.s32 $0xFFFFE000  }
0x58: {  	[spmem:s2] =	stream.indirect.scatter.add.f32 [tilespmem:s14], [sflag:$0x1], $0x40, s13, s11, $0xb8;
	[tilespmem:$0x1E500] =	vst v63  }
0x59: {  	_ =	swait.ge [sflag:s6], $0x2000  }
0x5a: {  	[sflag:s6] =	ssyncset.done $0x0  }
0x5b: {  	[sflag:s6] =	ssyncadd.s32 $0xFFFFE000  }
0x5c: {  	[spmem:s2] =	stream.indirect.scatter.add.f32 [tilespmem:s16], [sflag:$0x1], $0x40, s15, s11, $0xb8;
	[tilespmem:$0x1E500] =	vst v63  }
0x5d: {  	_ =	swait.ge [sflag:s6], $0x2000  }
0x5e: {  	[sflag:s6] =	ssyncset.done $0x0  }
0x5f: {  	[sflag:s6] =	ssyncadd.s32 $0xFFFFE000  }
0x60: {  	[spmem:s2] =	stream.indirect.scatter.add.f32 [tilespmem:s18], [sflag:$0x1], $0x40, s17, s11, $0xb8;
	[tilespmem:$0x1E500] =	vst v63  }
0x61: {  	_ =	swait.ge [sflag:s6], $0x2000  }
0x62: {  	[sflag:s6] =	ssyncset.done $0x0  }
0x63: {  	[sflag:s6] =	ssyncadd.s32 $0xFFFFE000  }
0x64: {  	[spmem:s2] =	stream.indirect.scatter.add.f32 [tilespmem:s20], [sflag:$0x1], $0x40, s19, s11, $0xb8;
	[tilespmem:$0x1E500] =	vst v63  }
0x65: {  	_ =	swait.ge [sflag:s6], $0x2000  }
0x66: {  	[sflag:s6] =	ssyncset.done $0x0  }
0x67: {  	[sflag:s6] =	ssyncadd.s32 $0xFFFFE000  }
0x68: {  	[spmem:s2] =	stream.indirect.scatter.add.f32 [tilespmem:s22], [sflag:$0x1], $0x40, s21, s11, $0xb8;
	[tilespmem:$0x1E500] =	vst v63  }
0x69: {  	_ =	swait.ge [sflag:s6], $0x2000  }
0x6a: {  	[sflag:s6] =	ssyncset.done $0x0  }
0x6b: {  	[sflag:s6] =	ssyncadd.s32 $0xFFFFE000  }
0x6c: {  	[spmem:s2] =	stream.indirect.scatter.add.f32 [tilespmem:s24], [sflag:$0x1], $0x40, s23, s11, $0xb8;
	[tilespmem:$0x1E500] =	vst v63  }
0x6d: {  	_ =	swait.ge [sflag:s6], $0x2000  }
0x6e: {  	[sflag:s6] =	ssyncset.done $0x0  }
0x6f: {  	[sflag:s6] =	ssyncadd.s32 $0xFFFFE000  }
0x70: {  	[spmem:s2] =	stream.indirect.scatter.add.f32 [tilespmem:s26], [sflag:$0x1], $0x40, s25, s11, $0xb8;
	[tilespmem:$0x1E500] =	vst v63  }
0x71: {  	_ =	swait.ge [sflag:s6], $0x2000  }
0x72: {  	[sflag:s6] =	ssyncset.done $0x0  }
0x73: {  	[sflag:s6] =	ssyncadd.s32 $0xFFFFE000  }
0x74: {  	[spmem:s2] =	stream.indirect.scatter.add.f32 [tilespmem:s29], [sflag:$0x1], $0x40, s28, s11, $0xb8;
	[tilespmem:$0x1E500] =	vst v63  }
0x75: {  	_ =	swait.ge [sflag:s6], $0x2000  }
0x76: {  	[sflag:s6] =	ssyncset.done $0x0  }
.Ltmp1:
0x77: {  	[sflag:s6] =	ssyncadd.s32 $0xFFFFE000;
	(pc) =	sbr.rel @p0 .LBB2_1-.Ltmp1, $4  }
0x78: {  	[bflag:$0x0] =	sbarrier.arrive $0xFFFF  }
0x79: {  	[hbm:s30], [sflag:s5] =	dma.local [spmem:s7], $0x1400  }
0x7a: {  	_ =	swait.ge [sflag:s6], $0x1400  }
0x7b: {  	[sflag:s6] =	ssyncset.done $0x0  }
.LBB2_2:
0x7c: {  	[sflag:s6] =	ssyncadd.s32 $0xFFFFEC00  }
0x7d: {  	_ =	sfence.sel $0x180000  }
0x7e: {  	[bflag:$0x0] =	sbarrier.arrive $0xFFFF  }
0x7f: {  	_ =	strace $0x90000056  }
0x80: {  	s0 =	stileid.u32;
	[bflag:$0x2] =	sbarrier.arrive $0xFFFF  }
0x81: {  	p0 =	sne.s32 s0, $0x0;
	s0 =	rddreg [dreg:$0x2]  }
0x82: {  	s0 =	sadd.s32 @!p0 $0x100000, s0  }
0x83: {  	[sflag:s0] =	ssyncadd.tile.s32 @!p0 $0x1;
	_ =	shalt  }
.Lfunc_end2:
_tile_overlayer_lowered:
.L_overlay_start_2:
0x84: {  	(tag) =	ssettag $0x2  }
0x85: {  	s0 =	rddreg [dreg:$0x0];
	s2 =	stileid.u32  }
0x86: {  	s1 =	rddreg [dreg:$0x1];
	p0 =	sne.s32 s2, $0x0  }
0x87: {  	s3 =	rddreg [dreg:$0x2];
	[bflag:$0x3] =	sbarrier.arrive $0xFFFF;
	s2 =	simm.s32 @!p0 $0x1C01  }
0x88: {  	[timem:s3], [sflag:s2] =	dma.local @!p0 [hbm:s0], s1  }
0x89: {  	s0 =	simm.s32 @!p0 $0x1  }
0x8a: {  	_ =	swait.ge @!p0 [sflag:s0], s1  }
0x8b: {  	s1 =	ssub.s32 @!p0 $0x0, s1;
	[sflag:s0] =	ssyncset.done @!p0 $0x0  }
0x8c: {  	[sflag:s0] =	ssyncadd.s32 @!p0 s1  }
0x8d: {  	[bflag:$0x3] =	sbarrier.arrive $0xFFFF  }
0x8e: {  	_ =	shalt  }

</sc_bundles>
